<compile_context>
chip_gen: v7x
topology: tpu7x:2x2x1
jax: 0.10.2.dev20260603
libtpu: 0.0.44.dev20260713+nightly
codegen_flags: <defaults>
</compile_context>

<pallas_src>
import functools
import jax
import jax.numpy as jnp
from jax import lax
from jax.experimental import pallas as pl
from jax.experimental.pallas import tpu as pltpu
from jax.experimental.pallas import tpu_sc as plsc

_N = 10000
_H = 128
_E = 320000
_R = 4
_NC = 2
_NS = 16
_NW = _NC * _NS
_EPW = _E // _NW
_C = 80
_EPWP = 10080
_NCHP = _EPWP // _C
_AGGR = 10016
_ZR = 624
_ZC = 80
_DSHIFT = 14


def _sc_agg_body(ycat, pk, zin, out,
                 pk_v, gi0, gi1, gi2, db0, db1, db2, rb0, rb1, rb2, agg,
                 semE, sem0, sem1, sem2):
    cid = lax.axis_index("c")
    sid = lax.axis_index("s")
    wid = sid * _NC + cid
    ebase = wid * _EPWP

    stg = pltpu.async_copy(pk.at[pl.ds(ebase, _EPWP)], pk_v, semE)

    pltpu.sync_copy(zin, rb0)
    zbase = sid * _ZR
    for t in range(7):
        pltpu.sync_copy(rb0.at[pl.ds(0, _ZC)], agg.at[pl.ds(zbase + t * _ZC, _ZC)])
    pltpu.sync_copy(rb0.at[pl.ds(0, 64)], agg.at[pl.ds(zbase + 560, 64)])

    @pl.when(sid == _NS - 1)
    def _():
        pltpu.sync_copy(rb0.at[pl.ds(0, 32)], agg.at[pl.ds(_NS * _ZR, 32)])

    plsc.subcore_barrier()
    stg.wait()

    def _prep(j, gi, db):
        base = j * _C
        for k in range(_C // 16):
            s = pl.ds(base + k * 16, 16)
            w = pk_v[s]
            gi[pl.ds(k * 16, 16)] = lax.shift_right_logical(w, _DSHIFT)
            db[pl.ds(k * 16, 16)] = lax.bitwise_and(w, (1 << _DSHIFT) - 1)

    def _fire(gi, rb, sem):
        pltpu.async_copy(ycat.at[gi], rb, sem)

    def _wait(gi, rb, sem):
        pltpu.make_async_copy(ycat.at[gi], rb, sem).wait()

    _prep(0, gi0, db0)
    _fire(gi0, rb0, sem0)
    _prep(1, gi1, db1)
    _fire(gi1, rb1, sem1)

    def _trip(jj, carry):
        j = jj * 3
        _prep(j + 2, gi2, db2)
        _fire(gi2, rb2, sem2)
        _wait(gi0, rb0, sem0)
        pltpu.sync_copy(rb0, agg.at[db0], add=True)

        @pl.when(j + 3 < _NCHP)
        def _():
            _prep(j + 3, gi0, db0)
            _fire(gi0, rb0, sem0)

        _wait(gi1, rb1, sem1)
        pltpu.sync_copy(rb1, agg.at[db1], add=True)

        @pl.when(j + 4 < _NCHP)
        def _():
            _prep(j + 4, gi1, db1)
            _fire(gi1, rb1, sem1)

        _wait(gi2, rb2, sem2)
        pltpu.sync_copy(rb2, agg.at[db2], add=True)
        return carry

    lax.fori_loop(0, _NCHP // 3, _trip, 0)

    plsc.subcore_barrier()

    RB = (rb0, rb1)
    SD = (sem0, sem1)
    descs = []
    for t in range(8):
        b = t % 2
        rows = _ZC if t < 7 else 64
        if t >= 2:
            descs[t - 2].wait()
        pltpu.sync_copy(agg.at[pl.ds(zbase + t * _ZC, rows)],
                        RB[b].at[pl.ds(0, rows)])
        descs.append(pltpu.async_copy(
            RB[b].at[pl.ds(0, rows)],
            out.at[cid, pl.ds(zbase + t * _ZC, rows)], SD[b]))
    descs[6].wait()
    descs[7].wait()

    @pl.when(sid == _NS - 1)
    def _():
        pltpu.sync_copy(agg.at[pl.ds(_NS * _ZR, 16)], rb0.at[pl.ds(0, 16)])
        pltpu.sync_copy(rb0.at[pl.ds(0, 16)], out.at[cid, pl.ds(_NS * _ZR, 16)])


_sc_agg = pl.kernel(
    _sc_agg_body,
    out_type=jax.ShapeDtypeStruct((_NC, _N, _H), jnp.float32),
    mesh=plsc.VectorSubcoreMesh(
        core_axis_name="c", subcore_axis_name="s",
        num_cores=_NC, num_subcores=_NS),
    scratch_types=[
        pltpu.VMEM((_EPWP,), jnp.int32),
        pltpu.VMEM((_C,), jnp.int32),
        pltpu.VMEM((_C,), jnp.int32),
        pltpu.VMEM((_C,), jnp.int32),
        pltpu.VMEM((_C,), jnp.int32),
        pltpu.VMEM((_C,), jnp.int32),
        pltpu.VMEM((_C,), jnp.int32),
        pltpu.VMEM((_C, _H), jnp.float32),
        pltpu.VMEM((_C, _H), jnp.float32),
        pltpu.VMEM((_C, _H), jnp.float32),
        pltpu.VMEM_SHARED((_AGGR, _H), jnp.float32),
        pltpu.SemaphoreType.DMA,
        pltpu.SemaphoreType.DMA,
        pltpu.SemaphoreType.DMA,
        pltpu.SemaphoreType.DMA,
    ],
)


def _leaky(x):
    return jnp.where(x > 0, x, 0.3 * x)


def _mlp2(x, W1, b1, W2, b2, bm):
    M, K = x.shape
    N1 = W1.shape[-1]
    N2 = W2.shape[-1]

    def body(xr, w1r, b1r, w2r, b2r, orf):
        h = jnp.dot(xr[...], w1r[...], preferred_element_type=jnp.float32)
        h = _leaky(h + b1r[...])
        orf[...] = jnp.dot(h, w2r[...], preferred_element_type=jnp.float32) + b2r[...]

    return pl.pallas_call(
        body,
        grid=(M // bm,),
        in_specs=[
            pl.BlockSpec((bm, K), lambda i: (i, 0)),
            pl.BlockSpec((K, N1), lambda i: (0, 0)),
            pl.BlockSpec((1, N1), lambda i: (0, 0)),
            pl.BlockSpec((N1, N2), lambda i: (0, 0)),
            pl.BlockSpec((1, N2), lambda i: (0, 0)),
        ],
        out_specs=pl.BlockSpec((bm, N2), lambda i: (i, 0)),
        out_shape=jax.ShapeDtypeStruct((M, N2), jnp.float32),
    )(x, W1, b1.reshape(1, N1), W2, b2.reshape(1, N2))


def _lin(x, W, bm):
    M, K = x.shape
    N = W.shape[-1]

    def body(xr, wr, orf):
        orf[...] = jnp.dot(xr[...], wr[...], preferred_element_type=jnp.float32)

    return pl.pallas_call(
        body,
        grid=(M // bm,),
        in_specs=[
            pl.BlockSpec((bm, K), lambda i: (i, 0)),
            pl.BlockSpec((K, N), lambda i: (0, 0)),
        ],
        out_specs=pl.BlockSpec((bm, N), lambda i: (i, 0)),
        out_shape=jax.ShapeDtypeStruct((M, N), jnp.float32),
    )(x, W)


def _edge_prep(src2d, et2d, dst2d):
    rows, cols = src2d.shape

    def body(sr, er, dr, orf):
        gi = sr[...] * _R + er[...]
        orf[...] = jnp.bitwise_or(jnp.left_shift(gi, _DSHIFT), dr[...])

    return pl.pallas_call(
        body,
        grid=(1,),
        in_specs=[
            pl.BlockSpec((rows, cols), lambda i: (0, 0)),
            pl.BlockSpec((rows, cols), lambda i: (0, 0)),
            pl.BlockSpec((rows, cols), lambda i: (0, 0)),
        ],
        out_specs=pl.BlockSpec((rows, cols), lambda i: (0, 0)),
        out_shape=jax.ShapeDtypeStruct((rows, cols), jnp.int32),
    )(src2d, et2d, dst2d)


def _linb(x, W, b, bm):
    M, K = x.shape
    N = W.shape[-1]

    def body(xr, wr, br, orf):
        orf[...] = jnp.dot(xr[...], wr[...], preferred_element_type=jnp.float32) + br[...]

    return pl.pallas_call(
        body,
        grid=(M // bm,),
        in_specs=[
            pl.BlockSpec((bm, K), lambda i: (i, 0)),
            pl.BlockSpec((K, N), lambda i: (0, 0)),
            pl.BlockSpec((1, N), lambda i: (0, 0)),
        ],
        out_specs=pl.BlockSpec((bm, N), lambda i: (i, 0)),
        out_shape=jax.ShapeDtypeStruct((M, N), jnp.float32),
    )(x, W, b.reshape(1, N))


def _combine_y(a0, a1, sl, wcat, bm):
    M, K = sl.shape
    NY = wcat.shape[-1]

    def body(a0r, a1r, slr, wr, f_ref, y_ref):
        f = a0r[...] + a1r[...] + slr[...]
        f_ref[...] = f
        y_ref[...] = jnp.dot(f, wr[...], preferred_element_type=jnp.float32)

    return pl.pallas_call(
        body,
        grid=(M // bm,),
        in_specs=[
            pl.BlockSpec((bm, K), lambda i: (i, 0)),
            pl.BlockSpec((bm, K), lambda i: (i, 0)),
            pl.BlockSpec((bm, K), lambda i: (i, 0)),
            pl.BlockSpec((K, NY), lambda i: (0, 0)),
        ],
        out_specs=[
            pl.BlockSpec((bm, K), lambda i: (i, 0)),
            pl.BlockSpec((bm, NY), lambda i: (i, 0)),
        ],
        out_shape=[
            jax.ShapeDtypeStruct((M, K), jnp.float32),
            jax.ShapeDtypeStruct((M, NY), jnp.float32),
        ],
    )(a0, a1, sl, wcat)


def _decode(a0, a1, sl, dW1, db1, dW2, db2, ceW1, ceb1, ceW2, ceb2,
            cdW1, cdb1, cdW2, cdb2, bm):
    half = a0.shape[0] // 2
    ng = half // bm
    nclass = dW2.shape[-1]

    def body(a0a, a1a, sla, a0b, a1b, slb, dw1, db1r, dw2, db2r,
             cw1, cb1, cw2, cb2, kw1, kb1, kw2, kb2, res_ref, loss_ref):
        def dec(x):
            h = _leaky(jnp.dot(x, dw1[...], preferred_element_type=jnp.float32) + db1r[...])
            return jnp.dot(h, dw2[...], preferred_element_type=jnp.float32) + db2r[...]

        def constr(f):
            h = _leaky(jnp.dot(f, cw1[...], preferred_element_type=jnp.float32) + cb1[...])
            c = jnp.dot(h, cw2[...], preferred_element_type=jnp.float32) + cb2[...]
            h2 = _leaky(jnp.dot(c, kw1[...], preferred_element_type=jnp.float32) + kb1[...])
            return jnp.dot(h2, kw2[...], preferred_element_type=jnp.float32) + kb2[...]

        fa = dec(a0a[...] + a1a[...] + sla[...])
        fb = dec(a0b[...] + a1b[...] + slb[...])
        ca = constr(fa)
        cb = constr(fb)
        res_ref[...] = 0.5 * (ca + cb)
        part = jnp.sum((ca - fa) ** 2) + jnp.sum((cb - fb) ** 2)
        i = pl.program_id(0)

        @pl.when(i == 0)
        def _():
            loss_ref[...] = jnp.zeros((1, 1), jnp.float32)

        loss_ref[...] += part.reshape(1, 1)

        @pl.when(i == ng - 1)
        def _():
            loss_ref[...] = loss_ref[...] / (2.0 * half * nclass)

    def full(shape):
        return [pl.BlockSpec(shape, lambda i: (0, 0))]

    res, loss = pl.pallas_call(
        body,
        grid=(ng,),
        in_specs=(
            [pl.BlockSpec((bm, a0.shape[1]), lambda i: (i, 0)),
             pl.BlockSpec((bm, a0.shape[1]), lambda i: (i, 0)),
             pl.BlockSpec((bm, a0.shape[1]), lambda i: (i, 0)),
             pl.BlockSpec((bm, a0.shape[1]), lambda i: (i + ng, 0)),
             pl.BlockSpec((bm, a0.shape[1]), lambda i: (i + ng, 0)),
             pl.BlockSpec((bm, a0.shape[1]), lambda i: (i + ng, 0))]
            + full(dW1.shape) + full((1, dW1.shape[1]))
            + full(dW2.shape) + full((1, dW2.shape[1]))
            + full(ceW1.shape) + full((1, ceW1.shape[1]))
            + full(ceW2.shape) + full((1, ceW2.shape[1]))
            + full(cdW1.shape) + full((1, cdW1.shape[1]))
            + full(cdW2.shape) + full((1, cdW2.shape[1]))
        ),
        out_specs=[
            pl.BlockSpec((bm, nclass), lambda i: (i, 0)),
            pl.BlockSpec((1, 1), lambda i: (0, 0)),
        ],
        out_shape=[
            jax.ShapeDtypeStruct((half, nclass), jnp.float32),
            jax.ShapeDtypeStruct((1, 1), jnp.float32),
        ],
    )(a0, a1, sl, a0, a1, sl, dW1, db1.reshape(1, -1), dW2, db2.reshape(1, -1),
      ceW1, ceb1.reshape(1, -1), ceW2, ceb2.reshape(1, -1),
      cdW1, cdb1.reshape(1, -1), cdW2, cdb2.reshape(1, -1))
    return res, loss[0, 0]


def kernel(feat0, feat1, edge_index, etypes,
           e0_W1, e0_b1, e0_W2, e0_b2,
           e1_W1, e1_b1, e1_W2, e1_b2,
           rel_W, self_W, rel_b,
           dec_W1, dec_b1, dec_W2, dec_b2,
           ce_W1, ce_b1, ce_W2, ce_b2,
           cd_W1, cd_b1, cd_W2, cd_b2):
    h0 = _mlp2(feat0, e0_W1, e0_b1, e0_W2, e0_b2, bm=1000)
    h1 = _mlp2(feat1, e1_W1, e1_b1, e1_W2, e1_b2, bm=1000)
    feat = jnp.concatenate([h0, h1], axis=0)

    src = edge_index[0].astype(jnp.int32)
    dst = edge_index[1].astype(jnp.int32)
    et = etypes.astype(jnp.int32)
    pk = _edge_prep(src.reshape(_E // _H, _H), et.reshape(_E // _H, _H),
                    dst.reshape(_E // _H, _H))
    pad = _EPWP - _EPW
    padk = jnp.arange(pad, dtype=jnp.int32) % 16
    padblk = jnp.broadcast_to(
        jnp.left_shift(padk * 2048, _DSHIFT) + _N + padk, (_NW, pad))
    pk = jnp.concatenate([pk.reshape(_NW, _EPW), padblk], axis=1).reshape(-1)
    zin = jnp.zeros((_C, _H), jnp.float32)

    wcat0 = jnp.transpose(rel_W[0], (1, 0, 2)).reshape(_H, _R * _H)
    wcat1 = jnp.transpose(rel_W[1], (1, 0, 2)).reshape(_H, _R * _H)

    y0 = _lin(feat, wcat0, bm=2000).reshape(_N * _R, _H)
    agg_0 = _sc_agg(y0, pk, zin)
    sl0 = _linb(feat, self_W[0], rel_b[0], bm=2000)

    feat1, y1 = _combine_y(agg_0[0], agg_0[1], sl0, wcat1, bm=2000)
    agg_1 = _sc_agg(y1.reshape(_N * _R, _H), pk, zin)
    sl1 = _linb(feat1, self_W[1], rel_b[1], bm=2000)

    res, loss = _decode(agg_1[0], agg_1[1], sl1,
                        dec_W1, dec_b1, dec_W2, dec_b2,
                        ce_W1, ce_b1, ce_W2, ce_b2,
                        cd_W1, cd_b1, cd_W2, cd_b2, bm=1000)
    return res, loss

# --- scband reference (transcript-rebuilt; emitter-appended) ---
"""Pipeline reference for scband-rgcn-7395933684254 (READ-ONLY COPY).

The authoritative reference and input builder live on the scoring server;
editing this copy changes nothing except your own understanding.
"""

import jax, jax.numpy as jnp
import numpy as np

N_NODES = 10000
N_PER = 5000
N_EDGES = 320000
N_HIDDEN = 128
N_CLASS = 16
N_RELS = 4
N_LAYERS = 2


def _leaky(x):
    return jnp.where(x > 0, x, 0.3 * x)


def setup_inputs(seed: int = 0):
    key = jax.random.key(seed)
    ks = jax.random.split(key, 32)
    s = 0.05
    inp = {}
    inp["feat0"] = jax.random.normal(ks[0], (N_PER, 128), dtype=jnp.float32)
    inp["feat1"] = jax.random.normal(ks[1], (N_PER, 256), dtype=jnp.float32)
    inp["edge_index"] = jax.random.randint(ks[2], (2, N_EDGES), 0, N_NODES)
    inp["etypes"] = jax.random.randint(ks[3], (N_EDGES,), 0, N_RELS)
    # encoder 0: in_feat=128 (<=128 branch): Linear(128,128) -> LeakyReLU -> Linear(128,128)
    inp["e0_W1"] = jax.random.normal(ks[4], (128, N_HIDDEN), dtype=jnp.float32) * s
    inp["e0_b1"] = jnp.zeros((N_HIDDEN,), dtype=jnp.float32)
    inp["e0_W2"] = jax.random.normal(ks[5], (N_HIDDEN, N_HIDDEN), dtype=jnp.float32) * s
    inp["e0_b2"] = jnp.zeros((N_HIDDEN,), dtype=jnp.float32)
    # encoder 1: in_feat=256 (<=512 branch): Linear(256,256) -> LeakyReLU -> Linear(256,128)
    inp["e1_W1"] = jax.random.normal(ks[6], (256, 256), dtype=jnp.float32) * s
    inp["e1_b1"] = jnp.zeros((256,), dtype=jnp.float32)
    inp["e1_W2"] = jax.random.normal(ks[7], (256, N_HIDDEN), dtype=jnp.float32) * s
    inp["e1_b2"] = jnp.zeros((N_HIDDEN,), dtype=jnp.float32)
    # RelGraphConv layers: per-relation weight, self-loop weight, bias
    inp["rel_W"] = jax.random.normal(ks[8], (N_LAYERS, N_RELS, N_HIDDEN, N_HIDDEN), dtype=jnp.float32) * s
    inp["self_W"] = jax.random.normal(ks[9], (N_LAYERS, N_HIDDEN, N_HIDDEN), dtype=jnp.float32) * s
    inp["rel_b"] = jnp.zeros((N_LAYERS, N_HIDDEN), dtype=jnp.float32)
    # decoder: Linear(128,256) -> LeakyReLU -> Linear(256,16)
    inp["dec_W1"] = jax.random.normal(ks[10], (N_HIDDEN, 256), dtype=jnp.float32) * s
    inp["dec_b1"] = jnp.zeros((256,), dtype=jnp.float32)
    inp["dec_W2"] = jax.random.normal(ks[11], (256, N_CLASS), dtype=jnp.float32) * s
    inp["dec_b2"] = jnp.zeros((N_CLASS,), dtype=jnp.float32)
    # constr_encoder: Linear(16,1024) -> LeakyReLU -> Linear(1024,128)
    inp["ce_W1"] = jax.random.normal(ks[12], (N_CLASS, 1024), dtype=jnp.float32) * s
    inp["ce_b1"] = jnp.zeros((1024,), dtype=jnp.float32)
    inp["ce_W2"] = jax.random.normal(ks[13], (1024, N_HIDDEN), dtype=jnp.float32) * s
    inp["ce_b2"] = jnp.zeros((N_HIDDEN,), dtype=jnp.float32)
    # constr_decoder: Linear(128,256) -> LeakyReLU -> Linear(256,16)
    inp["cd_W1"] = jax.random.normal(ks[14], (N_HIDDEN, 256), dtype=jnp.float32) * s
    inp["cd_b1"] = jnp.zeros((256,), dtype=jnp.float32)
    inp["cd_W2"] = jax.random.normal(ks[15], (256, N_CLASS), dtype=jnp.float32) * s
    inp["cd_b2"] = jnp.zeros((N_CLASS,), dtype=jnp.float32)
    return inp


def reference(feat0, feat1, edge_index, etypes,
              e0_W1, e0_b1, e0_W2, e0_b2,
              e1_W1, e1_b1, e1_W2, e1_b2,
              rel_W, self_W, rel_b,
              dec_W1, dec_b1, dec_W2, dec_b2,
              ce_W1, ce_b1, ce_W2, ce_b2,
              cd_W1, cd_b1, cd_W2, cd_b2):
    # per-type encoders (dropout = identity in eval)
    h0 = _leaky(feat0 @ e0_W1 + e0_b1) @ e0_W2 + e0_b2
    h1 = _leaky(feat1 @ e1_W1 + e1_b1) @ e1_W2 + e1_b2
    feat = jnp.concatenate([h0, h1], axis=0)  # [N_NODES, N_HIDDEN]
    src = edge_index[0]
    dst = edge_index[1]
    for l in range(N_LAYERS):
        xs = feat[src]  # gather [E, H]
        msg = jnp.zeros((N_EDGES, N_HIDDEN), dtype=feat.dtype)
        for r in range(N_RELS):
            msg = msg + jnp.where((etypes == r)[:, None], xs @ rel_W[l, r], 0.0)
        agg = jnp.zeros((N_NODES, N_HIDDEN), dtype=feat.dtype).at[dst].add(msg)  # scatter-add
        feat = agg + feat @ self_W[l] + rel_b[l]
    feat = _leaky(feat @ dec_W1 + dec_b1) @ dec_W2 + dec_b2  # [N, n_class]
    cf = _leaky(feat @ ce_W1 + ce_b1) @ ce_W2 + ce_b2
    cf = _leaky(cf @ cd_W1 + cd_b1) @ cd_W2 + cd_b2  # [N, n_class]
    con_loss = jnp.mean((cf - feat) ** 2)
    # res[i][j] = mean over k of cf[k * N_PER + i][j]  (vectorized)
    res = cf.reshape(2, N_PER, N_CLASS).mean(axis=0)
    return res, con_loss

if __name__ == "__main__":
    import jax
    _d = setup_inputs()
    print(jax.jit(kernel)(*tuple(_d.values())))

</pallas_src>

<mosaic_0001>
#map = affine_map<(d0, d1) -> (0, 0)>
#map1 = affine_map<(d0, d1) -> (0)>
#map2 = affine_map<(d0, d1) -> (0, 0, 0)>
module attributes {stable_mosaic.version = 14 : i64} {
  func.func @_sc_agg_body(%arg0: i32, %arg1: i32, %arg2: memref<40000x128xf32, #tpu.memory_space<hbm>>, %arg3: memref<322560xi32, #tpu.memory_space<hbm>>, %arg4: memref<80x128xf32, #tpu.memory_space<hbm>>, %arg5: memref<2x10000x128xf32, #tpu.memory_space<hbm>>, %arg6: memref<10080xi32, #tpu.memory_space<vmem>>, %arg7: memref<80xi32, #tpu.memory_space<vmem>>, %arg8: memref<80xi32, #tpu.memory_space<vmem>>, %arg9: memref<80xi32, #tpu.memory_space<vmem>>, %arg10: memref<80xi32, #tpu.memory_space<vmem>>, %arg11: memref<80xi32, #tpu.memory_space<vmem>>, %arg12: memref<80xi32, #tpu.memory_space<vmem>>, %arg13: memref<80x128xf32, #tpu.memory_space<vmem>>, %arg14: memref<80x128xf32, #tpu.memory_space<vmem>>, %arg15: memref<80x128xf32, #tpu.memory_space<vmem>>, %arg16: memref<10016x128xf32, #tpu.memory_space<vmem_shared>>, %arg17: memref<!tpu.dma_semaphore, #tpu.memory_space<semaphore_mem>>, %arg18: memref<!tpu.dma_semaphore, #tpu.memory_space<semaphore_mem>>, %arg19: memref<!tpu.dma_semaphore, #tpu.memory_space<semaphore_mem>>, %arg20: memref<!tpu.dma_semaphore, #tpu.memory_space<semaphore_mem>>) attributes {dimension_semantics = [#tpu.dimension_semantics<core_parallel>, #tpu.dimension_semantics<subcore_parallel>], iteration_bounds = array<i64: 2, 16>, scalar_prefetch = 0 : i64, scratch_operands = 15 : i64, tpu.core_type = #tpu.core_type<sc_vector_subcore>, window_params = [{transform_indices = #map}, {transform_indices = #map1}, {transform_indices = #map}, {transform_indices = #map2}]} {
    %mul3A = arith.constant 2 : i32
    %mul3A_0 = arith.muli %arg1, %mul3A : i32
    %add3A = arith.addi %mul3A_0, %arg0 : i32
    %mul3A_1 = arith.constant 10080 : i32
    %mul3A_2 = arith.muli %add3A, %mul3A_1 : i32
    %dma_start3A = tpu.memref_slice %arg3[%mul3A_2] : memref<322560xi32, #tpu.memory_space<hbm>> -> memref<10080xi32, #tpu.memory_space<hbm>>
    %dma_start3A_3 = tpu.memref_slice %arg3[%mul3A_2] : memref<322560xi32, #tpu.memory_space<hbm>> -> memref<10080xi32, #tpu.memory_space<hbm>>
    tpu.enqueue_dma source(%dma_start3A_3 : memref<10080xi32, #tpu.memory_space<hbm>>) target(%arg6 : memref<10080xi32, #tpu.memory_space<vmem>>) target_semaphore(%arg17 : memref<!tpu.dma_semaphore, #tpu.memory_space<semaphore_mem>>)
    "tpu.region"() ({
      %run_scoped3A = tpu.sem_alloc : memref<!tpu.dma_semaphore, #tpu.memory_space<semaphore_mem>>
      tpu.enqueue_dma source(%arg4 : memref<80x128xf32, #tpu.memory_space<hbm>>) target(%arg13 : memref<80x128xf32, #tpu.memory_space<vmem>>) target_semaphore(%run_scoped3A : memref<!tpu.dma_semaphore, #tpu.memory_space<semaphore_mem>>)
      tpu.wait_dma2 semaphore(%run_scoped3A : memref<!tpu.dma_semaphore, #tpu.memory_space<semaphore_mem>>) src(%arg4 : memref<80x128xf32, #tpu.memory_space<hbm>>) dst(%arg13 : memref<80x128xf32, #tpu.memory_space<vmem>>)
      tpu.yield
    }) : () -> ()
    %mul3A_4 = arith.constant 624 : i32
    %mul3A_5 = arith.muli %arg1, %mul3A_4 : i32
    %add3A_6 = arith.constant 0 : i32
    %add3A_7 = arith.addi %mul3A_5, %add3A_6 : i32
    "tpu.region"() ({
      %run_scoped3A = tpu.sem_alloc : memref<!tpu.dma_semaphore, #tpu.memory_space<semaphore_mem>>
      %dma_start3A_432 = arith.constant 0 : i32
      %dma_start3A_433 = arith.constant 0 : i32
      %dma_start3A_434 = tpu.memref_slice %arg13[%dma_start3A_432, %dma_start3A_433] : memref<80x128xf32, #tpu.memory_space<vmem>> -> memref<80x128xf32, #tpu.memory_space<vmem>>
      %dma_start3A_435 = arith.constant 0 : i32
      %dma_start3A_436 = tpu.memref_slice %arg16[%add3A_7, %dma_start3A_435] : memref<10016x128xf32, #tpu.memory_space<vmem_shared>> -> memref<80x128xf32, #tpu.memory_space<vmem_shared>>
      %dma_start3A_437 = arith.constant 0 : i32
      %dma_start3A_438 = tpu.memref_slice %arg16[%add3A_7, %dma_start3A_437] : memref<10016x128xf32, #tpu.memory_space<vmem_shared>> -> memref<80x128xf32, #tpu.memory_space<vmem_shared>>
      %dma_start3A_439 = arith.constant 0 : i32
      %dma_start3A_440 = arith.constant 0 : i32
      %dma_start3A_441 = tpu.memref_slice %arg13[%dma_start3A_439, %dma_start3A_440] : memref<80x128xf32, #tpu.memory_space<vmem>> -> memref<80x128xf32, #tpu.memory_space<vmem>>
      tpu.enqueue_dma source(%dma_start3A_441 : memref<80x128xf32, #tpu.memory_space<vmem>>) target(%dma_start3A_438 : memref<80x128xf32, #tpu.memory_space<vmem_shared>>) target_semaphore(%run_scoped3A : memref<!tpu.dma_semaphore, #tpu.memory_space<semaphore_mem>>)
      %dma_wait3A_442 = arith.constant 0 : i32
      %dma_wait3A_443 = arith.constant 0 : i32
      %dma_wait3A_444 = tpu.memref_slice %arg13[%dma_wait3A_442, %dma_wait3A_443] : memref<80x128xf32, #tpu.memory_space<vmem>> -> memref<80x128xf32, #tpu.memory_space<vmem>>
      %dma_wait3A_445 = arith.constant 0 : i32
      %dma_wait3A_446 = tpu.memref_slice %arg16[%add3A_7, %dma_wait3A_445] : memref<10016x128xf32, #tpu.memory_space<vmem_shared>> -> memref<80x128xf32, #tpu.memory_space<vmem_shared>>
      %dma_wait3A_447 = arith.constant 0 : i32
      %dma_wait3A_448 = tpu.memref_slice %arg16[%add3A_7, %dma_wait3A_447] : memref<10016x128xf32, #tpu.memory_space<vmem_shared>> -> memref<80x128xf32, #tpu.memory_space<vmem_shared>>
      %dma_wait3A_449 = arith.constant 0 : i32
      %dma_wait3A_450 = arith.constant 0 : i32
      %dma_wait3A_451 = tpu.memref_slice %arg13[%dma_wait3A_449, %dma_wait3A_450] : memref<80x128xf32, #tpu.memory_space<vmem>> -> memref<80x128xf32, #tpu.memory_space<vmem>>
      tpu.wait_dma2 semaphore(%run_scoped3A : memref<!tpu.dma_semaphore, #tpu.memory_space<semaphore_mem>>) src(%dma_wait3A_451 : memref<80x128xf32, #tpu.memory_space<vmem>>) dst(%dma_wait3A_448 : memref<80x128xf32, #tpu.memory_space<vmem_shared>>)
      tpu.yield
    }) : () -> ()
    %add3A_8 = arith.constant 80 : i32
    %add3A_9 = arith.addi %mul3A_5, %add3A_8 : i32
    "tpu.region"() ({
      %run_scoped3A = tpu.sem_alloc : memref<!tpu.dma_semaphore, #tpu.memory_space<semaphore_mem>>
      %dma_start3A_432 = arith.constant 0 : i32
      %dma_start3A_433 = arith.constant 0 : i32
      %dma_start3A_434 = tpu.memref_slice %arg13[%dma_start3A_432, %dma_start3A_433] : memref<80x128xf32, #tpu.memory_space<vmem>> -> memref<80x128xf32, #tpu.memory_space<vmem>>
      %dma_start3A_435 = arith.constant 0 : i32
      %dma_start3A_436 = tpu.memref_slice %arg16[%add3A_9, %dma_start3A_435] : memref<10016x128xf32, #tpu.memory_space<vmem_shared>> -> memref<80x128xf32, #tpu.memory_space<vmem_shared>>
      %dma_start3A_437 = arith.constant 0 : i32
      %dma_start3A_438 = tpu.memref_slice %arg16[%add3A_9, %dma_start3A_437] : memref<10016x128xf32, #tpu.memory_space<vmem_shared>> -> memref<80x128xf32, #tpu.memory_space<vmem_shared>>
      %dma_start3A_439 = arith.constant 0 : i32
      %dma_start3A_440 = arith.constant 0 : i32
      %dma_start3A_441 = tpu.memref_slice %arg13[%dma_start3A_439, %dma_start3A_440] : memref<80x128xf32, #tpu.memory_space<vmem>> -> memref<80x128xf32, #tpu.memory_space<vmem>>
      tpu.enqueue_dma source(%dma_start3A_441 : memref<80x128xf32, #tpu.memory_space<vmem>>) target(%dma_start3A_438 : memref<80x128xf32, #tpu.memory_space<vmem_shared>>) target_semaphore(%run_scoped3A : memref<!tpu.dma_semaphore, #tpu.memory_space<semaphore_mem>>)
      %dma_wait3A_442 = arith.constant 0 : i32
      %dma_wait3A_443 = arith.constant 0 : i32
      %dma_wait3A_444 = tpu.memref_slice %arg13[%dma_wait3A_442, %dma_wait3A_443] : memref<80x128xf32, #tpu.memory_space<vmem>> -> memref<80x128xf32, #tpu.memory_space<vmem>>
      %dma_wait3A_445 = arith.constant 0 : i32
      %dma_wait3A_446 = tpu.memref_slice %arg16[%add3A_9, %dma_wait3A_445] : memref<10016x128xf32, #tpu.memory_space<vmem_shared>> -> memref<80x128xf32, #tpu.memory_space<vmem_shared>>
      %dma_wait3A_447 = arith.constant 0 : i32
      %dma_wait3A_448 = tpu.memref_slice %arg16[%add3A_9, %dma_wait3A_447] : memref<10016x128xf32, #tpu.memory_space<vmem_shared>> -> memref<80x128xf32, #tpu.memory_space<vmem_shared>>
      %dma_wait3A_449 = arith.constant 0 : i32
      %dma_wait3A_450 = arith.constant 0 : i32
      %dma_wait3A_451 = tpu.memref_slice %arg13[%dma_wait3A_449, %dma_wait3A_450] : memref<80x128xf32, #tpu.memory_space<vmem>> -> memref<80x128xf32, #tpu.memory_space<vmem>>
      tpu.wait_dma2 semaphore(%run_scoped3A : memref<!tpu.dma_semaphore, #tpu.memory_space<semaphore_mem>>) src(%dma_wait3A_451 : memref<80x128xf32, #tpu.memory_space<vmem>>) dst(%dma_wait3A_448 : memref<80x128xf32, #tpu.memory_space<vmem_shared>>)
      tpu.yield
    }) : () -> ()
    %add3A_10 = arith.constant 160 : i32
    %add3A_11 = arith.addi %mul3A_5, %add3A_10 : i32
    "tpu.region"() ({
      %run_scoped3A = tpu.sem_alloc : memref<!tpu.dma_semaphore, #tpu.memory_space<semaphore_mem>>
      %dma_start3A_432 = arith.constant 0 : i32
      %dma_start3A_433 = arith.constant 0 : i32
      %dma_start3A_434 = tpu.memref_slice %arg13[%dma_start3A_432, %dma_start3A_433] : memref<80x128xf32, #tpu.memory_space<vmem>> -> memref<80x128xf32, #tpu.memory_space<vmem>>
      %dma_start3A_435 = arith.constant 0 : i32
      %dma_start3A_436 = tpu.memref_slice %arg16[%add3A_11, %dma_start3A_435] : memref<10016x128xf32, #tpu.memory_space<vmem_shared>> -> memref<80x128xf32, #tpu.memory_space<vmem_shared>>
      %dma_start3A_437 = arith.constant 0 : i32
      %dma_start3A_438 = tpu.memref_slice %arg16[%add3A_11, %dma_start3A_437] : memref<10016x128xf32, #tpu.memory_space<vmem_shared>> -> memref<80x128xf32, #tpu.memory_space<vmem_shared>>
      %dma_start3A_439 = arith.constant 0 : i32
      %dma_start3A_440 = arith.constant 0 : i32
      %dma_start3A_441 = tpu.memref_slice %arg13[%dma_start3A_439, %dma_start3A_440] : memref<80x128xf32, #tpu.memory_space<vmem>> -> memref<80x128xf32, #tpu.memory_space<vmem>>
      tpu.enqueue_dma source(%dma_start3A_441 : memref<80x128xf32, #tpu.memory_space<vmem>>) target(%dma_start3A_438 : memref<80x128xf32, #tpu.memory_space<vmem_shared>>) target_semaphore(%run_scoped3A : memref<!tpu.dma_semaphore, #tpu.memory_space<semaphore_mem>>)
      %dma_wait3A_442 = arith.constant 0 : i32
      %dma_wait3A_443 = arith.constant 0 : i32
      %dma_wait3A_444 = tpu.memref_slice %arg13[%dma_wait3A_442, %dma_wait3A_443] : memref<80x128xf32, #tpu.memory_space<vmem>> -> memref<80x128xf32, #tpu.memory_space<vmem>>
      %dma_wait3A_445 = arith.constant 0 : i32
      %dma_wait3A_446 = tpu.memref_slice %arg16[%add3A_11, %dma_wait3A_445] : memref<10016x128xf32, #tpu.memory_space<vmem_shared>> -> memref<80x128xf32, #tpu.memory_space<vmem_shared>>
      %dma_wait3A_447 = arith.constant 0 : i32
      %dma_wait3A_448 = tpu.memref_slice %arg16[%add3A_11, %dma_wait3A_447] : memref<10016x128xf32, #tpu.memory_space<vmem_shared>> -> memref<80x128xf32, #tpu.memory_space<vmem_shared>>
      %dma_wait3A_449 = arith.constant 0 : i32
      %dma_wait3A_450 = arith.constant 0 : i32
      %dma_wait3A_451 = tpu.memref_slice %arg13[%dma_wait3A_449, %dma_wait3A_450] : memref<80x128xf32, #tpu.memory_space<vmem>> -> memref<80x128xf32, #tpu.memory_space<vmem>>
      tpu.wait_dma2 semaphore(%run_scoped3A : memref<!tpu.dma_semaphore, #tpu.memory_space<semaphore_mem>>) src(%dma_wait3A_451 : memref<80x128xf32, #tpu.memory_space<vmem>>) dst(%dma_wait3A_448 : memref<80x128xf32, #tpu.memory_space<vmem_shared>>)
      tpu.yield
    }) : () -> ()
    %add3A_12 = arith.constant 240 : i32
    %add3A_13 = arith.addi %mul3A_5, %add3A_12 : i32
    "tpu.region"() ({
      %run_scoped3A = tpu.sem_alloc : memref<!tpu.dma_semaphore, #tpu.memory_space<semaphore_mem>>
      %dma_start3A_432 = arith.constant 0 : i32
      %dma_start3A_433 = arith.constant 0 : i32
      %dma_start3A_434 = tpu.memref_slice %arg13[%dma_start3A_432, %dma_start3A_433] : memref<80x128xf32, #tpu.memory_space<vmem>> -> memref<80x128xf32, #tpu.memory_space<vmem>>
      %dma_start3A_435 = arith.constant 0 : i32
      %dma_start3A_436 = tpu.memref_slice %arg16[%add3A_13, %dma_start3A_435] : memref<10016x128xf32, #tpu.memory_space<vmem_shared>> -> memref<80x128xf32, #tpu.memory_space<vmem_shared>>
      %dma_start3A_437 = arith.constant 0 : i32
      %dma_start3A_438 = tpu.memref_slice %arg16[%add3A_13, %dma_start3A_437] : memref<10016x128xf32, #tpu.memory_space<vmem_shared>> -> memref<80x128xf32, #tpu.memory_space<vmem_shared>>
      %dma_start3A_439 = arith.constant 0 : i32
      %dma_start3A_440 = arith.constant 0 : i32
      %dma_start3A_441 = tpu.memref_slice %arg13[%dma_start3A_439, %dma_start3A_440] : memref<80x128xf32, #tpu.memory_space<vmem>> -> memref<80x128xf32, #tpu.memory_space<vmem>>
      tpu.enqueue_dma source(%dma_start3A_441 : memref<80x128xf32, #tpu.memory_space<vmem>>) target(%dma_start3A_438 : memref<80x128xf32, #tpu.memory_space<vmem_shared>>) target_semaphore(%run_scoped3A : memref<!tpu.dma_semaphore, #tpu.memory_space<semaphore_mem>>)
      %dma_wait3A_442 = arith.constant 0 : i32
      %dma_wait3A_443 = arith.constant 0 : i32
      %dma_wait3A_444 = tpu.memref_slice %arg13[%dma_wait3A_442, %dma_wait3A_443] : memref<80x128xf32, #tpu.memory_space<vmem>> -> memref<80x128xf32, #tpu.memory_space<vmem>>
      %dma_wait3A_445 = arith.constant 0 : i32
      %dma_wait3A_446 = tpu.memref_slice %arg16[%add3A_13, %dma_wait3A_445] : memref<10016x128xf32, #tpu.memory_space<vmem_shared>> -> memref<80x128xf32, #tpu.memory_space<vmem_shared>>
      %dma_wait3A_447 = arith.constant 0 : i32
      %dma_wait3A_448 = tpu.memref_slice %arg16[%add3A_13, %dma_wait3A_447] : memref<10016x128xf32, #tpu.memory_space<vmem_shared>> -> memref<80x128xf32, #tpu.memory_space<vmem_shared>>
      %dma_wait3A_449 = arith.constant 0 : i32
      %dma_wait3A_450 = arith.constant 0 : i32
      %dma_wait3A_451 = tpu.memref_slice %arg13[%dma_wait3A_449, %dma_wait3A_450] : memref<80x128xf32, #tpu.memory_space<vmem>> -> memref<80x128xf32, #tpu.memory_space<vmem>>
      tpu.wait_dma2 semaphore(%run_scoped3A : memref<!tpu.dma_semaphore, #tpu.memory_space<semaphore_mem>>) src(%dma_wait3A_451 : memref<80x128xf32, #tpu.memory_space<vmem>>) dst(%dma_wait3A_448 : memref<80x128xf32, #tpu.memory_space<vmem_shared>>)
      tpu.yield
    }) : () -> ()
    %add3A_14 = arith.constant 320 : i32
    %add3A_15 = arith.addi %mul3A_5, %add3A_14 : i32
    "tpu.region"() ({
      %run_scoped3A = tpu.sem_alloc : memref<!tpu.dma_semaphore, #tpu.memory_space<semaphore_mem>>
      %dma_start3A_432 = arith.constant 0 : i32
      %dma_start3A_433 = arith.constant 0 : i32
      %dma_start3A_434 = tpu.memref_slice %arg13[%dma_start3A_432, %dma_start3A_433] : memref<80x128xf32, #tpu.memory_space<vmem>> -> memref<80x128xf32, #tpu.memory_space<vmem>>
      %dma_start3A_435 = arith.constant 0 : i32
      %dma_start3A_436 = tpu.memref_slice %arg16[%add3A_15, %dma_start3A_435] : memref<10016x128xf32, #tpu.memory_space<vmem_shared>> -> memref<80x128xf32, #tpu.memory_space<vmem_shared>>
      %dma_start3A_437 = arith.constant 0 : i32
      %dma_start3A_438 = tpu.memref_slice %arg16[%add3A_15, %dma_start3A_437] : memref<10016x128xf32, #tpu.memory_space<vmem_shared>> -> memref<80x128xf32, #tpu.memory_space<vmem_shared>>
      %dma_start3A_439 = arith.constant 0 : i32
      %dma_start3A_440 = arith.constant 0 : i32
      %dma_start3A_441 = tpu.memref_slice %arg13[%dma_start3A_439, %dma_start3A_440] : memref<80x128xf32, #tpu.memory_space<vmem>> -> memref<80x128xf32, #tpu.memory_space<vmem>>
      tpu.enqueue_dma source(%dma_start3A_441 : memref<80x128xf32, #tpu.memory_space<vmem>>) target(%dma_start3A_438 : memref<80x128xf32, #tpu.memory_space<vmem_shared>>) target_semaphore(%run_scoped3A : memref<!tpu.dma_semaphore, #tpu.memory_space<semaphore_mem>>)
      %dma_wait3A_442 = arith.constant 0 : i32
      %dma_wait3A_443 = arith.constant 0 : i32
      %dma_wait3A_444 = tpu.memref_slice %arg13[%dma_wait3A_442, %dma_wait3A_443] : memref<80x128xf32, #tpu.memory_space<vmem>> -> memref<80x128xf32, #tpu.memory_space<vmem>>
      %dma_wait3A_445 = arith.constant 0 : i32
      %dma_wait3A_446 = tpu.memref_slice %arg16[%add3A_15, %dma_wait3A_445] : memref<10016x128xf32, #tpu.memory_space<vmem_shared>> -> memref<80x128xf32, #tpu.memory_space<vmem_shared>>
      %dma_wait3A_447 = arith.constant 0 : i32
      %dma_wait3A_448 = tpu.memref_slice %arg16[%add3A_15, %dma_wait3A_447] : memref<10016x128xf32, #tpu.memory_space<vmem_shared>> -> memref<80x128xf32, #tpu.memory_space<vmem_shared>>
      %dma_wait3A_449 = arith.constant 0 : i32
      %dma_wait3A_450 = arith.constant 0 : i32
      %dma_wait3A_451 = tpu.memref_slice %arg13[%dma_wait3A_449, %dma_wait3A_450] : memref<80x128xf32, #tpu.memory_space<vmem>> -> memref<80x128xf32, #tpu.memory_space<vmem>>
      tpu.wait_dma2 semaphore(%run_scoped3A : memref<!tpu.dma_semaphore, #tpu.memory_space<semaphore_mem>>) src(%dma_wait3A_451 : memref<80x128xf32, #tpu.memory_space<vmem>>) dst(%dma_wait3A_448 : memref<80x128xf32, #tpu.memory_space<vmem_shared>>)
      tpu.yield
    }) : () -> ()
    %add3A_16 = arith.constant 400 : i32
    %add3A_17 = arith.addi %mul3A_5, %add3A_16 : i32
    "tpu.region"() ({
      %run_scoped3A = tpu.sem_alloc : memref<!tpu.dma_semaphore, #tpu.memory_space<semaphore_mem>>
      %dma_start3A_432 = arith.constant 0 : i32
      %dma_start3A_433 = arith.constant 0 : i32
      %dma_start3A_434 = tpu.memref_slice %arg13[%dma_start3A_432, %dma_start3A_433] : memref<80x128xf32, #tpu.memory_space<vmem>> -> memref<80x128xf32, #tpu.memory_space<vmem>>
      %dma_start3A_435 = arith.constant 0 : i32
      %dma_start3A_436 = tpu.memref_slice %arg16[%add3A_17, %dma_start3A_435] : memref<10016x128xf32, #tpu.memory_space<vmem_shared>> -> memref<80x128xf32, #tpu.memory_space<vmem_shared>>
      %dma_start3A_437 = arith.constant 0 : i32
      %dma_start3A_438 = tpu.memref_slice %arg16[%add3A_17, %dma_start3A_437] : memref<10016x128xf32, #tpu.memory_space<vmem_shared>> -> memref<80x128xf32, #tpu.memory_space<vmem_shared>>
      %dma_start3A_439 = arith.constant 0 : i32
      %dma_start3A_440 = arith.constant 0 : i32
      %dma_start3A_441 = tpu.memref_slice %arg13[%dma_start3A_439, %dma_start3A_440] : memref<80x128xf32, #tpu.memory_space<vmem>> -> memref<80x128xf32, #tpu.memory_space<vmem>>
      tpu.enqueue_dma source(%dma_start3A_441 : memref<80x128xf32, #tpu.memory_space<vmem>>) target(%dma_start3A_438 : memref<80x128xf32, #tpu.memory_space<vmem_shared>>) target_semaphore(%run_scoped3A : memref<!tpu.dma_semaphore, #tpu.memory_space<semaphore_mem>>)
      %dma_wait3A_442 = arith.constant 0 : i32
      %dma_wait3A_443 = arith.constant 0 : i32
      %dma_wait3A_444 = tpu.memref_slice %arg13[%dma_wait3A_442, %dma_wait3A_443] : memref<80x128xf32, #tpu.memory_space<vmem>> -> memref<80x128xf32, #tpu.memory_space<vmem>>
      %dma_wait3A_445 = arith.constant 0 : i32
      %dma_wait3A_446 = tpu.memref_slice %arg16[%add3A_17, %dma_wait3A_445] : memref<10016x128xf32, #tpu.memory_space<vmem_shared>> -> memref<80x128xf32, #tpu.memory_space<vmem_shared>>
      %dma_wait3A_447 = arith.constant 0 : i32
      %dma_wait3A_448 = tpu.memref_slice %arg16[%add3A_17, %dma_wait3A_447] : memref<10016x128xf32, #tpu.memory_space<vmem_shared>> -> memref<80x128xf32, #tpu.memory_space<vmem_shared>>
      %dma_wait3A_449 = arith.constant 0 : i32
      %dma_wait3A_450 = arith.constant 0 : i32
      %dma_wait3A_451 = tpu.memref_slice %arg13[%dma_wait3A_449, %dma_wait3A_450] : memref<80x128xf32, #tpu.memory_space<vmem>> -> memref<80x128xf32, #tpu.memory_space<vmem>>
      tpu.wait_dma2 semaphore(%run_scoped3A : memref<!tpu.dma_semaphore, #tpu.memory_space<semaphore_mem>>) src(%dma_wait3A_451 : memref<80x128xf32, #tpu.memory_space<vmem>>) dst(%dma_wait3A_448 : memref<80x128xf32, #tpu.memory_space<vmem_shared>>)
      tpu.yield
    }) : () -> ()
    %add3A_18 = arith.constant 480 : i32
    %add3A_19 = arith.addi %mul3A_5, %add3A_18 : i32
    "tpu.region"() ({
      %run_scoped3A = tpu.sem_alloc : memref<!tpu.dma_semaphore, #tpu.memory_space<semaphore_mem>>
      %dma_start3A_432 = arith.constant 0 : i32
      %dma_start3A_433 = arith.constant 0 : i32
      %dma_start3A_434 = tpu.memref_slice %arg13[%dma_start3A_432, %dma_start3A_433] : memref<80x128xf32, #tpu.memory_space<vmem>> -> memref<80x128xf32, #tpu.memory_space<vmem>>
      %dma_start3A_435 = arith.constant 0 : i32
      %dma_start3A_436 = tpu.memref_slice %arg16[%add3A_19, %dma_start3A_435] : memref<10016x128xf32, #tpu.memory_space<vmem_shared>> -> memref<80x128xf32, #tpu.memory_space<vmem_shared>>
      %dma_start3A_437 = arith.constant 0 : i32
      %dma_start3A_438 = tpu.memref_slice %arg16[%add3A_19, %dma_start3A_437] : memref<10016x128xf32, #tpu.memory_space<vmem_shared>> -> memref<80x128xf32, #tpu.memory_space<vmem_shared>>
      %dma_start3A_439 = arith.constant 0 : i32
      %dma_start3A_440 = arith.constant 0 : i32
      %dma_start3A_441 = tpu.memref_slice %arg13[%dma_start3A_439, %dma_start3A_440] : memref<80x128xf32, #tpu.memory_space<vmem>> -> memref<80x128xf32, #tpu.memory_space<vmem>>
      tpu.enqueue_dma source(%dma_start3A_441 : memref<80x128xf32, #tpu.memory_space<vmem>>) target(%dma_start3A_438 : memref<80x128xf32, #tpu.memory_space<vmem_shared>>) target_semaphore(%run_scoped3A : memref<!tpu.dma_semaphore, #tpu.memory_space<semaphore_mem>>)
      %dma_wait3A_442 = arith.constant 0 : i32
      %dma_wait3A_443 = arith.constant 0 : i32
      %dma_wait3A_444 = tpu.memref_slice %arg13[%dma_wait3A_442, %dma_wait3A_443] : memref<80x128xf32, #tpu.memory_space<vmem>> -> memref<80x128xf32, #tpu.memory_space<vmem>>
      %dma_wait3A_445 = arith.constant 0 : i32
      %dma_wait3A_446 = tpu.memref_slice %arg16[%add3A_19, %dma_wait3A_445] : memref<10016x128xf32, #tpu.memory_space<vmem_shared>> -> memref<80x128xf32, #tpu.memory_space<vmem_shared>>
      %dma_wait3A_447 = arith.constant 0 : i32
      %dma_wait3A_448 = tpu.memref_slice %arg16[%add3A_19, %dma_wait3A_447] : memref<10016x128xf32, #tpu.memory_space<vmem_shared>> -> memref<80x128xf32, #tpu.memory_space<vmem_shared>>
      %dma_wait3A_449 = arith.constant 0 : i32
      %dma_wait3A_450 = arith.constant 0 : i32
      %dma_wait3A_451 = tpu.memref_slice %arg13[%dma_wait3A_449, %dma_wait3A_450] : memref<80x128xf32, #tpu.memory_space<vmem>> -> memref<80x128xf32, #tpu.memory_space<vmem>>
      tpu.wait_dma2 semaphore(%run_scoped3A : memref<!tpu.dma_semaphore, #tpu.memory_space<semaphore_mem>>) src(%dma_wait3A_451 : memref<80x128xf32, #tpu.memory_space<vmem>>) dst(%dma_wait3A_448 : memref<80x128xf32, #tpu.memory_space<vmem_shared>>)
      tpu.yield
    }) : () -> ()
    %add3A_20 = arith.constant 560 : i32
    %add3A_21 = arith.addi %mul3A_5, %add3A_20 : i32
    "tpu.region"() ({
      %run_scoped3A = tpu.sem_alloc : memref<!tpu.dma_semaphore, #tpu.memory_space<semaphore_mem>>
      %dma_start3A_432 = arith.constant 0 : i32
      %dma_start3A_433 = arith.constant 0 : i32
      %dma_start3A_434 = tpu.memref_slice %arg13[%dma_start3A_432, %dma_start3A_433] : memref<80x128xf32, #tpu.memory_space<vmem>> -> memref<64x128xf32, #tpu.memory_space<vmem>>
      %dma_start3A_435 = arith.constant 0 : i32
      %dma_start3A_436 = tpu.memref_slice %arg16[%add3A_21, %dma_start3A_435] : memref<10016x128xf32, #tpu.memory_space<vmem_shared>> -> memref<64x128xf32, #tpu.memory_space<vmem_shared>>
      %dma_start3A_437 = arith.constant 0 : i32
      %dma_start3A_438 = tpu.memref_slice %arg16[%add3A_21, %dma_start3A_437] : memref<10016x128xf32, #tpu.memory_space<vmem_shared>> -> memref<64x128xf32, #tpu.memory_space<vmem_shared>>
      %dma_start3A_439 = arith.constant 0 : i32
      %dma_start3A_440 = arith.constant 0 : i32
      %dma_start3A_441 = tpu.memref_slice %arg13[%dma_start3A_439, %dma_start3A_440] : memref<80x128xf32, #tpu.memory_space<vmem>> -> memref<64x128xf32, #tpu.memory_space<vmem>>
      tpu.enqueue_dma source(%dma_start3A_441 : memref<64x128xf32, #tpu.memory_space<vmem>>) target(%dma_start3A_438 : memref<64x128xf32, #tpu.memory_space<vmem_shared>>) target_semaphore(%run_scoped3A : memref<!tpu.dma_semaphore, #tpu.memory_space<semaphore_mem>>)
      %dma_wait3A_442 = arith.constant 0 : i32
      %dma_wait3A_443 = arith.constant 0 : i32
      %dma_wait3A_444 = tpu.memref_slice %arg13[%dma_wait3A_442, %dma_wait3A_443] : memref<80x128xf32, #tpu.memory_space<vmem>> -> memref<64x128xf32, #tpu.memory_space<vmem>>
      %dma_wait3A_445 = arith.constant 0 : i32
      %dma_wait3A_446 = tpu.memref_slice %arg16[%add3A_21, %dma_wait3A_445] : memref<10016x128xf32, #tpu.memory_space<vmem_shared>> -> memref<64x128xf32, #tpu.memory_space<vmem_shared>>
      %dma_wait3A_447 = arith.constant 0 : i32
      %dma_wait3A_448 = tpu.memref_slice %arg16[%add3A_21, %dma_wait3A_447] : memref<10016x128xf32, #tpu.memory_space<vmem_shared>> -> memref<64x128xf32, #tpu.memory_space<vmem_shared>>
      %dma_wait3A_449 = arith.constant 0 : i32
      %dma_wait3A_450 = arith.constant 0 : i32
      %dma_wait3A_451 = tpu.memref_slice %arg13[%dma_wait3A_449, %dma_wait3A_450] : memref<80x128xf32, #tpu.memory_space<vmem>> -> memref<64x128xf32, #tpu.memory_space<vmem>>
      tpu.wait_dma2 semaphore(%run_scoped3A : memref<!tpu.dma_semaphore, #tpu.memory_space<semaphore_mem>>) src(%dma_wait3A_451 : memref<64x128xf32, #tpu.memory_space<vmem>>) dst(%dma_wait3A_448 : memref<64x128xf32, #tpu.memory_space<vmem_shared>>)
      tpu.yield
    }) : () -> ()
    %eq3A = arith.constant 15 : i32
    %eq3A_22 = arith.cmpi eq, %arg1, %eq3A : i32
    %convert_element_type3A = arith.extui %eq3A_22 : i1 to i32
    %cond3A = arith.constant 0 : i32
    %cond3A_23 = arith.cmpi ne, %convert_element_type3A, %cond3A : i32
    scf.if %cond3A_23 {
      "tpu.region"() ({
        %run_scoped3A = tpu.sem_alloc : memref<!tpu.dma_semaphore, #tpu.memory_space<semaphore_mem>>
        %dma_start3A_432 = arith.constant 0 : i32
        %dma_start3A_433 = arith.constant 0 : i32
        %dma_start3A_434 = tpu.memref_slice %arg13[%dma_start3A_432, %dma_start3A_433] : memref<80x128xf32, #tpu.memory_space<vmem>> -> memref<32x128xf32, #tpu.memory_space<vmem>>
        %dma_start3A_435 = arith.constant 9984 : i32
        %dma_start3A_436 = arith.constant 0 : i32
        %dma_start3A_437 = tpu.memref_slice %arg16[%dma_start3A_435, %dma_start3A_436] : memref<10016x128xf32, #tpu.memory_space<vmem_shared>> -> memref<32x128xf32, #tpu.memory_space<vmem_shared>>
        %dma_start3A_438 = arith.constant 9984 : i32
        %dma_start3A_439 = arith.constant 0 : i32
        %dma_start3A_440 = tpu.memref_slice %arg16[%dma_start3A_438, %dma_start3A_439] : memref<10016x128xf32, #tpu.memory_space<vmem_shared>> -> memref<32x128xf32, #tpu.memory_space<vmem_shared>>
        %dma_start3A_441 = arith.constant 0 : i32
        %dma_start3A_442 = arith.constant 0 : i32
        %dma_start3A_443 = tpu.memref_slice %arg13[%dma_start3A_441, %dma_start3A_442] : memref<80x128xf32, #tpu.memory_space<vmem>> -> memref<32x128xf32, #tpu.memory_space<vmem>>
        tpu.enqueue_dma source(%dma_start3A_443 : memref<32x128xf32, #tpu.memory_space<vmem>>) target(%dma_start3A_440 : memref<32x128xf32, #tpu.memory_space<vmem_shared>>) target_semaphore(%run_scoped3A : memref<!tpu.dma_semaphore, #tpu.memory_space<semaphore_mem>>)
        %dma_wait3A_444 = arith.constant 0 : i32
        %dma_wait3A_445 = arith.constant 0 : i32
        %dma_wait3A_446 = tpu.memref_slice %arg13[%dma_wait3A_444, %dma_wait3A_445] : memref<80x128xf32, #tpu.memory_space<vmem>> -> memref<32x128xf32, #tpu.memory_space<vmem>>
        %dma_wait3A_447 = arith.constant 9984 : i32
        %dma_wait3A_448 = arith.constant 0 : i32
        %dma_wait3A_449 = tpu.memref_slice %arg16[%dma_wait3A_447, %dma_wait3A_448] : memref<10016x128xf32, #tpu.memory_space<vmem_shared>> -> memref<32x128xf32, #tpu.memory_space<vmem_shared>>
        %dma_wait3A_450 = arith.constant 9984 : i32
        %dma_wait3A_451 = arith.constant 0 : i32
        %dma_wait3A_452 = tpu.memref_slice %arg16[%dma_wait3A_450, %dma_wait3A_451] : memref<10016x128xf32, #tpu.memory_space<vmem_shared>> -> memref<32x128xf32, #tpu.memory_space<vmem_shared>>
        %dma_wait3A_453 = arith.constant 0 : i32
        %dma_wait3A_454 = arith.constant 0 : i32
        %dma_wait3A_455 = tpu.memref_slice %arg13[%dma_wait3A_453, %dma_wait3A_454] : memref<80x128xf32, #tpu.memory_space<vmem>> -> memref<32x128xf32, #tpu.memory_space<vmem>>
        tpu.wait_dma2 semaphore(%run_scoped3A : memref<!tpu.dma_semaphore, #tpu.memory_space<semaphore_mem>>) src(%dma_wait3A_455 : memref<32x128xf32, #tpu.memory_space<vmem>>) dst(%dma_wait3A_452 : memref<32x128xf32, #tpu.memory_space<vmem_shared>>)
        tpu.yield
      }) : () -> ()
    } else {
    }
    %barrier3A = arith.constant 0 : index
    tpu.barrier barrier_id(%barrier3A)
    %dma_wait3A = tpu.memref_slice %arg3[%mul3A_2] : memref<322560xi32, #tpu.memory_space<hbm>> -> memref<10080xi32, #tpu.memory_space<hbm>>
    %dma_wait3A_24 = tpu.memref_slice %arg3[%mul3A_2] : memref<322560xi32, #tpu.memory_space<hbm>> -> memref<10080xi32, #tpu.memory_space<hbm>>
    tpu.wait_dma2 semaphore(%arg17 : memref<!tpu.dma_semaphore, #tpu.memory_space<semaphore_mem>>) src(%dma_wait3A_24 : memref<10080xi32, #tpu.memory_space<hbm>>) dst(%arg6 : memref<10080xi32, #tpu.memory_space<vmem>>)
    %get3A = arith.constant 0 : index
    %get3A_25 = tpu.vector_load %arg6[%get3A] {strides = array<i32>} : memref<10080xi32, #tpu.memory_space<vmem>>, vector<16xi32>,
    %get3A_26 = vector.shape_cast %get3A_25 : vector<16xi32> to vector<16xi32>
    %shift_right_logical3A = arith.constant 14 : i32
    %shift_right_logical3A_27 = vector.broadcast %shift_right_logical3A : i32 to vector<16xi32>
    %shift_right_logical3A_28 = arith.shrui %get3A_26, %shift_right_logical3A_27 : vector<16xi32>
    %swap3A = arith.constant 0 : index
    %swap3A_29 = tpu.vector_load %arg7[%swap3A] {strides = array<i32>} : memref<80xi32, #tpu.memory_space<vmem>>, vector<16xi32>,
    %swap3A_30 = vector.shape_cast %swap3A_29 : vector<16xi32> to vector<16xi32>
    %swap3A_31 = vector.shape_cast %shift_right_logical3A_28 : vector<16xi32> to vector<16xi32>
    tpu.vector_store %arg7[%swap3A], %swap3A_31 {strides = array<i32>} : memref<80xi32, #tpu.memory_space<vmem>>, vector<16xi32>,
    %and3A = arith.constant 16383 : i32
    %and3A_32 = vector.broadcast %and3A : i32 to vector<16xi32>
    %and3A_33 = arith.andi %get3A_26, %and3A_32 : vector<16xi32>
    %swap3A_34 = arith.constant 0 : index
    %swap3A_35 = tpu.vector_load %arg10[%swap3A_34] {strides = array<i32>} : memref<80xi32, #tpu.memory_space<vmem>>, vector<16xi32>,
    %swap3A_36 = vector.shape_cast %swap3A_35 : vector<16xi32> to vector<16xi32>
    %swap3A_37 = vector.shape_cast %and3A_33 : vector<16xi32> to vector<16xi32>
    tpu.vector_store %arg10[%swap3A_34], %swap3A_37 {strides = array<i32>} : memref<80xi32, #tpu.memory_space<vmem>>, vector<16xi32>,
    %get3A_38 = arith.constant 16 : index
    %get3A_39 = tpu.vector_load %arg6[%get3A_38] {strides = array<i32>} : memref<10080xi32, #tpu.memory_space<vmem>>, vector<16xi32>,
    %get3A_40 = vector.shape_cast %get3A_39 : vector<16xi32> to vector<16xi32>
    %shift_right_logical3A_41 = arith.constant 14 : i32
    %shift_right_logical3A_42 = vector.broadcast %shift_right_logical3A_41 : i32 to vector<16xi32>
    %shift_right_logical3A_43 = arith.shrui %get3A_40, %shift_right_logical3A_42 : vector<16xi32>
    %swap3A_44 = arith.constant 16 : index
    %swap3A_45 = tpu.vector_load %arg7[%swap3A_44] {strides = array<i32>} : memref<80xi32, #tpu.memory_space<vmem>>, vector<16xi32>,
    %swap3A_46 = vector.shape_cast %swap3A_45 : vector<16xi32> to vector<16xi32>
    %swap3A_47 = vector.shape_cast %shift_right_logical3A_43 : vector<16xi32> to vector<16xi32>
    tpu.vector_store %arg7[%swap3A_44], %swap3A_47 {strides = array<i32>} : memref<80xi32, #tpu.memory_space<vmem>>, vector<16xi32>,
    %and3A_48 = arith.constant 16383 : i32
    %and3A_49 = vector.broadcast %and3A_48 : i32 to vector<16xi32>
    %and3A_50 = arith.andi %get3A_40, %and3A_49 : vector<16xi32>
    %swap3A_51 = arith.constant 16 : index
    %swap3A_52 = tpu.vector_load %arg10[%swap3A_51] {strides = array<i32>} : memref<80xi32, #tpu.memory_space<vmem>>, vector<16xi32>,
    %swap3A_53 = vector.shape_cast %swap3A_52 : vector<16xi32> to vector<16xi32>
    %swap3A_54 = vector.shape_cast %and3A_50 : vector<16xi32> to vector<16xi32>
    tpu.vector_store %arg10[%swap3A_51], %swap3A_54 {strides = array<i32>} : memref<80xi32, #tpu.memory_space<vmem>>, vector<16xi32>,
    %get3A_55 = arith.constant 32 : index
    %get3A_56 = tpu.vector_load %arg6[%get3A_55] {strides = array<i32>} : memref<10080xi32, #tpu.memory_space<vmem>>, vector<16xi32>,
    %get3A_57 = vector.shape_cast %get3A_56 : vector<16xi32> to vector<16xi32>
    %shift_right_logical3A_58 = arith.constant 14 : i32
    %shift_right_logical3A_59 = vector.broadcast %shift_right_logical3A_58 : i32 to vector<16xi32>
    %shift_right_logical3A_60 = arith.shrui %get3A_57, %shift_right_logical3A_59 : vector<16xi32>
    %swap3A_61 = arith.constant 32 : index
    %swap3A_62 = tpu.vector_load %arg7[%swap3A_61] {strides = array<i32>} : memref<80xi32, #tpu.memory_space<vmem>>, vector<16xi32>,
    %swap3A_63 = vector.shape_cast %swap3A_62 : vector<16xi32> to vector<16xi32>
    %swap3A_64 = vector.shape_cast %shift_right_logical3A_60 : vector<16xi32> to vector<16xi32>
    tpu.vector_store %arg7[%swap3A_61], %swap3A_64 {strides = array<i32>} : memref<80xi32, #tpu.memory_space<vmem>>, vector<16xi32>,
    %and3A_65 = arith.constant 16383 : i32
    %and3A_66 = vector.broadcast %and3A_65 : i32 to vector<16xi32>
    %and3A_67 = arith.andi %get3A_57, %and3A_66 : vector<16xi32>
    %swap3A_68 = arith.constant 32 : index
    %swap3A_69 = tpu.vector_load %arg10[%swap3A_68] {strides = array<i32>} : memref<80xi32, #tpu.memory_space<vmem>>, vector<16xi32>,
    %swap3A_70 = vector.shape_cast %swap3A_69 : vector<16xi32> to vector<16xi32>
    %swap3A_71 = vector.shape_cast %and3A_67 : vector<16xi32> to vector<16xi32>
    tpu.vector_store %arg10[%swap3A_68], %swap3A_71 {strides = array<i32>} : memref<80xi32, #tpu.memory_space<vmem>>, vector<16xi32>,
    %get3A_72 = arith.constant 48 : index
    %get3A_73 = tpu.vector_load %arg6[%get3A_72] {strides = array<i32>} : memref<10080xi32, #tpu.memory_space<vmem>>, vector<16xi32>,
    %get3A_74 = vector.shape_cast %get3A_73 : vector<16xi32> to vector<16xi32>
    %shift_right_logical3A_75 = arith.constant 14 : i32
    %shift_right_logical3A_76 = vector.broadcast %shift_right_logical3A_75 : i32 to vector<16xi32>
    %shift_right_logical3A_77 = arith.shrui %get3A_74, %shift_right_logical3A_76 : vector<16xi32>
    %swap3A_78 = arith.constant 48 : index
    %swap3A_79 = tpu.vector_load %arg7[%swap3A_78] {strides = array<i32>} : memref<80xi32, #tpu.memory_space<vmem>>, vector<16xi32>,
    %swap3A_80 = vector.shape_cast %swap3A_79 : vector<16xi32> to vector<16xi32>
    %swap3A_81 = vector.shape_cast %shift_right_logical3A_77 : vector<16xi32> to vector<16xi32>
    tpu.vector_store %arg7[%swap3A_78], %swap3A_81 {strides = array<i32>} : memref<80xi32, #tpu.memory_space<vmem>>, vector<16xi32>,
    %and3A_82 = arith.constant 16383 : i32
    %and3A_83 = vector.broadcast %and3A_82 : i32 to vector<16xi32>
    %and3A_84 = arith.andi %get3A_74, %and3A_83 : vector<16xi32>
    %swap3A_85 = arith.constant 48 : index
    %swap3A_86 = tpu.vector_load %arg10[%swap3A_85] {strides = array<i32>} : memref<80xi32, #tpu.memory_space<vmem>>, vector<16xi32>,
    %swap3A_87 = vector.shape_cast %swap3A_86 : vector<16xi32> to vector<16xi32>
    %swap3A_88 = vector.shape_cast %and3A_84 : vector<16xi32> to vector<16xi32>
    tpu.vector_store %arg10[%swap3A_85], %swap3A_88 {strides = array<i32>} : memref<80xi32, #tpu.memory_space<vmem>>, vector<16xi32>,
    %get3A_89 = arith.constant 64 : index
    %get3A_90 = tpu.vector_load %arg6[%get3A_89] {strides = array<i32>} : memref<10080xi32, #tpu.memory_space<vmem>>, vector<16xi32>,
    %get3A_91 = vector.shape_cast %get3A_90 : vector<16xi32> to vector<16xi32>
    %shift_right_logical3A_92 = arith.constant 14 : i32
    %shift_right_logical3A_93 = vector.broadcast %shift_right_logical3A_92 : i32 to vector<16xi32>
    %shift_right_logical3A_94 = arith.shrui %get3A_91, %shift_right_logical3A_93 : vector<16xi32>
    %swap3A_95 = arith.constant 64 : index
    %swap3A_96 = tpu.vector_load %arg7[%swap3A_95] {strides = array<i32>} : memref<80xi32, #tpu.memory_space<vmem>>, vector<16xi32>,
    %swap3A_97 = vector.shape_cast %swap3A_96 : vector<16xi32> to vector<16xi32>
    %swap3A_98 = vector.shape_cast %shift_right_logical3A_94 : vector<16xi32> to vector<16xi32>
    tpu.vector_store %arg7[%swap3A_95], %swap3A_98 {strides = array<i32>} : memref<80xi32, #tpu.memory_space<vmem>>, vector<16xi32>,
    %and3A_99 = arith.constant 16383 : i32
    %and3A_100 = vector.broadcast %and3A_99 : i32 to vector<16xi32>
    %and3A_101 = arith.andi %get3A_91, %and3A_100 : vector<16xi32>
    %swap3A_102 = arith.constant 64 : index
    %swap3A_103 = tpu.vector_load %arg10[%swap3A_102] {strides = array<i32>} : memref<80xi32, #tpu.memory_space<vmem>>, vector<16xi32>,
    %swap3A_104 = vector.shape_cast %swap3A_103 : vector<16xi32> to vector<16xi32>
    %swap3A_105 = vector.shape_cast %and3A_101 : vector<16xi32> to vector<16xi32>
    tpu.vector_store %arg10[%swap3A_102], %swap3A_105 {strides = array<i32>} : memref<80xi32, #tpu.memory_space<vmem>>, vector<16xi32>,
    %dma_start3A_106 = arith.constant 0 : i32
    %dma_start3A_107 = arith.constant 0 : i32
    %dma_start3A_108 = tpu.memref_slice %arg2[%dma_start3A_106, %dma_start3A_107] : memref<40000x128xf32, #tpu.memory_space<hbm>> -> memref<40000x128xf32, #tpu.memory_space<hbm>>
    tpu.enqueue_indirect_dma source(%dma_start3A_108 : memref<40000x128xf32, #tpu.memory_space<hbm>>) target(%arg13 : memref<80x128xf32, #tpu.memory_space<vmem>>) offsets(%arg7 : memref<80xi32, #tpu.memory_space<vmem>>) semaphore(%arg18 : memref<!tpu.dma_semaphore, #tpu.memory_space<semaphore_mem>>)
    %get3A_109 = arith.constant 80 : index
    %get3A_110 = tpu.vector_load %arg6[%get3A_109] {strides = array<i32>} : memref<10080xi32, #tpu.memory_space<vmem>>, vector<16xi32>,
    %get3A_111 = vector.shape_cast %get3A_110 : vector<16xi32> to vector<16xi32>
    %shift_right_logical3A_112 = arith.constant 14 : i32
    %shift_right_logical3A_113 = vector.broadcast %shift_right_logical3A_112 : i32 to vector<16xi32>
    %shift_right_logical3A_114 = arith.shrui %get3A_111, %shift_right_logical3A_113 : vector<16xi32>
    %swap3A_115 = arith.constant 0 : index
    %swap3A_116 = tpu.vector_load %arg8[%swap3A_115] {strides = array<i32>} : memref<80xi32, #tpu.memory_space<vmem>>, vector<16xi32>,
    %swap3A_117 = vector.shape_cast %swap3A_116 : vector<16xi32> to vector<16xi32>
    %swap3A_118 = vector.shape_cast %shift_right_logical3A_114 : vector<16xi32> to vector<16xi32>
    tpu.vector_store %arg8[%swap3A_115], %swap3A_118 {strides = array<i32>} : memref<80xi32, #tpu.memory_space<vmem>>, vector<16xi32>,
    %and3A_119 = arith.constant 16383 : i32
    %and3A_120 = vector.broadcast %and3A_119 : i32 to vector<16xi32>
    %and3A_121 = arith.andi %get3A_111, %and3A_120 : vector<16xi32>
    %swap3A_122 = arith.constant 0 : index
    %swap3A_123 = tpu.vector_load %arg11[%swap3A_122] {strides = array<i32>} : memref<80xi32, #tpu.memory_space<vmem>>, vector<16xi32>,
    %swap3A_124 = vector.shape_cast %swap3A_123 : vector<16xi32> to vector<16xi32>
    %swap3A_125 = vector.shape_cast %and3A_121 : vector<16xi32> to vector<16xi32>
    tpu.vector_store %arg11[%swap3A_122], %swap3A_125 {strides = array<i32>} : memref<80xi32, #tpu.memory_space<vmem>>, vector<16xi32>,
    %get3A_126 = arith.constant 96 : index
    %get3A_127 = tpu.vector_load %arg6[%get3A_126] {strides = array<i32>} : memref<10080xi32, #tpu.memory_space<vmem>>, vector<16xi32>,
    %get3A_128 = vector.shape_cast %get3A_127 : vector<16xi32> to vector<16xi32>
    %shift_right_logical3A_129 = arith.constant 14 : i32
    %shift_right_logical3A_130 = vector.broadcast %shift_right_logical3A_129 : i32 to vector<16xi32>
    %shift_right_logical3A_131 = arith.shrui %get3A_128, %shift_right_logical3A_130 : vector<16xi32>
    %swap3A_132 = arith.constant 16 : index
    %swap3A_133 = tpu.vector_load %arg8[%swap3A_132] {strides = array<i32>} : memref<80xi32, #tpu.memory_space<vmem>>, vector<16xi32>,
    %swap3A_134 = vector.shape_cast %swap3A_133 : vector<16xi32> to vector<16xi32>
    %swap3A_135 = vector.shape_cast %shift_right_logical3A_131 : vector<16xi32> to vector<16xi32>
    tpu.vector_store %arg8[%swap3A_132], %swap3A_135 {strides = array<i32>} : memref<80xi32, #tpu.memory_space<vmem>>, vector<16xi32>,
    %and3A_136 = arith.constant 16383 : i32
    %and3A_137 = vector.broadcast %and3A_136 : i32 to vector<16xi32>
    %and3A_138 = arith.andi %get3A_128, %and3A_137 : vector<16xi32>
    %swap3A_139 = arith.constant 16 : index
    %swap3A_140 = tpu.vector_load %arg11[%swap3A_139] {strides = array<i32>} : memref<80xi32, #tpu.memory_space<vmem>>, vector<16xi32>,
    %swap3A_141 = vector.shape_cast %swap3A_140 : vector<16xi32> to vector<16xi32>
    %swap3A_142 = vector.shape_cast %and3A_138 : vector<16xi32> to vector<16xi32>
    tpu.vector_store %arg11[%swap3A_139], %swap3A_142 {strides = array<i32>} : memref<80xi32, #tpu.memory_space<vmem>>, vector<16xi32>,
    %get3A_143 = arith.constant 112 : index
    %get3A_144 = tpu.vector_load %arg6[%get3A_143] {strides = array<i32>} : memref<10080xi32, #tpu.memory_space<vmem>>, vector<16xi32>,
    %get3A_145 = vector.shape_cast %get3A_144 : vector<16xi32> to vector<16xi32>
    %shift_right_logical3A_146 = arith.constant 14 : i32
    %shift_right_logical3A_147 = vector.broadcast %shift_right_logical3A_146 : i32 to vector<16xi32>
    %shift_right_logical3A_148 = arith.shrui %get3A_145, %shift_right_logical3A_147 : vector<16xi32>
    %swap3A_149 = arith.constant 32 : index
    %swap3A_150 = tpu.vector_load %arg8[%swap3A_149] {strides = array<i32>} : memref<80xi32, #tpu.memory_space<vmem>>, vector<16xi32>,
    %swap3A_151 = vector.shape_cast %swap3A_150 : vector<16xi32> to vector<16xi32>
    %swap3A_152 = vector.shape_cast %shift_right_logical3A_148 : vector<16xi32> to vector<16xi32>
    tpu.vector_store %arg8[%swap3A_149], %swap3A_152 {strides = array<i32>} : memref<80xi32, #tpu.memory_space<vmem>>, vector<16xi32>,
    %and3A_153 = arith.constant 16383 : i32
    %and3A_154 = vector.broadcast %and3A_153 : i32 to vector<16xi32>
    %and3A_155 = arith.andi %get3A_145, %and3A_154 : vector<16xi32>
    %swap3A_156 = arith.constant 32 : index
    %swap3A_157 = tpu.vector_load %arg11[%swap3A_156] {strides = array<i32>} : memref<80xi32, #tpu.memory_space<vmem>>, vector<16xi32>,
    %swap3A_158 = vector.shape_cast %swap3A_157 : vector<16xi32> to vector<16xi32>
    %swap3A_159 = vector.shape_cast %and3A_155 : vector<16xi32> to vector<16xi32>
    tpu.vector_store %arg11[%swap3A_156], %swap3A_159 {strides = array<i32>} : memref<80xi32, #tpu.memory_space<vmem>>, vector<16xi32>,
    %get3A_160 = arith.constant 128 : index
    %get3A_161 = tpu.vector_load %arg6[%get3A_160] {strides = array<i32>} : memref<10080xi32, #tpu.memory_space<vmem>>, vector<16xi32>,
    %get3A_162 = vector.shape_cast %get3A_161 : vector<16xi32> to vector<16xi32>
    %shift_right_logical3A_163 = arith.constant 14 : i32
    %shift_right_logical3A_164 = vector.broadcast %shift_right_logical3A_163 : i32 to vector<16xi32>
    %shift_right_logical3A_165 = arith.shrui %get3A_162, %shift_right_logical3A_164 : vector<16xi32>
    %swap3A_166 = arith.constant 48 : index
    %swap3A_167 = tpu.vector_load %arg8[%swap3A_166] {strides = array<i32>} : memref<80xi32, #tpu.memory_space<vmem>>, vector<16xi32>,
    %swap3A_168 = vector.shape_cast %swap3A_167 : vector<16xi32> to vector<16xi32>
    %swap3A_169 = vector.shape_cast %shift_right_logical3A_165 : vector<16xi32> to vector<16xi32>
    tpu.vector_store %arg8[%swap3A_166], %swap3A_169 {strides = array<i32>} : memref<80xi32, #tpu.memory_space<vmem>>, vector<16xi32>,
    %and3A_170 = arith.constant 16383 : i32
    %and3A_171 = vector.broadcast %and3A_170 : i32 to vector<16xi32>
    %and3A_172 = arith.andi %get3A_162, %and3A_171 : vector<16xi32>
    %swap3A_173 = arith.constant 48 : index
    %swap3A_174 = tpu.vector_load %arg11[%swap3A_173] {strides = array<i32>} : memref<80xi32, #tpu.memory_space<vmem>>, vector<16xi32>,
    %swap3A_175 = vector.shape_cast %swap3A_174 : vector<16xi32> to vector<16xi32>
    %swap3A_176 = vector.shape_cast %and3A_172 : vector<16xi32> to vector<16xi32>
    tpu.vector_store %arg11[%swap3A_173], %swap3A_176 {strides = array<i32>} : memref<80xi32, #tpu.memory_space<vmem>>, vector<16xi32>,
    %get3A_177 = arith.constant 144 : index
    %get3A_178 = tpu.vector_load %arg6[%get3A_177] {strides = array<i32>} : memref<10080xi32, #tpu.memory_space<vmem>>, vector<16xi32>,
    %get3A_179 = vector.shape_cast %get3A_178 : vector<16xi32> to vector<16xi32>
    %shift_right_logical3A_180 = arith.constant 14 : i32
    %shift_right_logical3A_181 = vector.broadcast %shift_right_logical3A_180 : i32 to vector<16xi32>
    %shift_right_logical3A_182 = arith.shrui %get3A_179, %shift_right_logical3A_181 : vector<16xi32>
    %swap3A_183 = arith.constant 64 : index
    %swap3A_184 = tpu.vector_load %arg8[%swap3A_183] {strides = array<i32>} : memref<80xi32, #tpu.memory_space<vmem>>, vector<16xi32>,
    %swap3A_185 = vector.shape_cast %swap3A_184 : vector<16xi32> to vector<16xi32>
    %swap3A_186 = vector.shape_cast %shift_right_logical3A_182 : vector<16xi32> to vector<16xi32>
    tpu.vector_store %arg8[%swap3A_183], %swap3A_186 {strides = array<i32>} : memref<80xi32, #tpu.memory_space<vmem>>, vector<16xi32>,
    %and3A_187 = arith.constant 16383 : i32
    %and3A_188 = vector.broadcast %and3A_187 : i32 to vector<16xi32>
    %and3A_189 = arith.andi %get3A_179, %and3A_188 : vector<16xi32>
    %swap3A_190 = arith.constant 64 : index
    %swap3A_191 = tpu.vector_load %arg11[%swap3A_190] {strides = array<i32>} : memref<80xi32, #tpu.memory_space<vmem>>, vector<16xi32>,
    %swap3A_192 = vector.shape_cast %swap3A_191 : vector<16xi32> to vector<16xi32>
    %swap3A_193 = vector.shape_cast %and3A_189 : vector<16xi32> to vector<16xi32>
    tpu.vector_store %arg11[%swap3A_190], %swap3A_193 {strides = array<i32>} : memref<80xi32, #tpu.memory_space<vmem>>, vector<16xi32>,
    %dma_start3A_194 = arith.constant 0 : i32
    %dma_start3A_195 = arith.constant 0 : i32
    %dma_start3A_196 = tpu.memref_slice %arg2[%dma_start3A_194, %dma_start3A_195] : memref<40000x128xf32, #tpu.memory_space<hbm>> -> memref<40000x128xf32, #tpu.memory_space<hbm>>
    tpu.enqueue_indirect_dma source(%dma_start3A_196 : memref<40000x128xf32, #tpu.memory_space<hbm>>) target(%arg14 : memref<80x128xf32, #tpu.memory_space<vmem>>) offsets(%arg8 : memref<80xi32, #tpu.memory_space<vmem>>) semaphore(%arg19 : memref<!tpu.dma_semaphore, #tpu.memory_space<semaphore_mem>>)
    %scan3A = arith.constant 0 : i32
    %scan3A_197 = arith.constant 0 : i32
    %scan3A_198 = arith.constant 42 : i32
    %scan3A_199 = arith.addi %scan3A_197, %scan3A_198 : i32
    %scan3A_200 = arith.constant 1 : i32
    scf.for %scan3A_432 = %scan3A_197 to %scan3A_199 step %scan3A_200  : i32 {
      %mul3A_433 = arith.constant 3 : i32
      %mul3A_434 = arith.muli %scan3A_432, %mul3A_433 : i32
      %add3A_435 = arith.constant 2 : i32
      %add3A_436 = arith.addi %mul3A_434, %add3A_435 : i32
      %mul3A_437 = arith.constant 80 : i32
      %mul3A_438 = arith.muli %add3A_436, %mul3A_437 : i32
      %add3A_439 = arith.constant 0 : i32
      %add3A_440 = arith.addi %mul3A_438, %add3A_439 : i32
      %get3A_441 = arith.index_cast %add3A_440 : i32 to index
      %get3A_442 = tpu.vector_load %arg6[%get3A_441] {strides = array<i32>} : memref<10080xi32, #tpu.memory_space<vmem>>, vector<16xi32>,
      %get3A_443 = vector.shape_cast %get3A_442 : vector<16xi32> to vector<16xi32>
      %shift_right_logical3A_444 = arith.constant 14 : i32
      %shift_right_logical3A_445 = vector.broadcast %shift_right_logical3A_444 : i32 to vector<16xi32>
      %shift_right_logical3A_446 = arith.shrui %get3A_443, %shift_right_logical3A_445 : vector<16xi32>
      %swap3A_447 = arith.constant 0 : index
      %swap3A_448 = tpu.vector_load %arg9[%swap3A_447] {strides = array<i32>} : memref<80xi32, #tpu.memory_space<vmem>>, vector<16xi32>,
      %swap3A_449 = vector.shape_cast %swap3A_448 : vector<16xi32> to vector<16xi32>
      %swap3A_450 = vector.shape_cast %shift_right_logical3A_446 : vector<16xi32> to vector<16xi32>
      tpu.vector_store %arg9[%swap3A_447], %swap3A_450 {strides = array<i32>} : memref<80xi32, #tpu.memory_space<vmem>>, vector<16xi32>,
      %and3A_451 = arith.constant 16383 : i32
      %and3A_452 = vector.broadcast %and3A_451 : i32 to vector<16xi32>
      %and3A_453 = arith.andi %get3A_443, %and3A_452 : vector<16xi32>
      %swap3A_454 = arith.constant 0 : index
      %swap3A_455 = tpu.vector_load %arg12[%swap3A_454] {strides = array<i32>} : memref<80xi32, #tpu.memory_space<vmem>>, vector<16xi32>,
      %swap3A_456 = vector.shape_cast %swap3A_455 : vector<16xi32> to vector<16xi32>
      %swap3A_457 = vector.shape_cast %and3A_453 : vector<16xi32> to vector<16xi32>
      tpu.vector_store %arg12[%swap3A_454], %swap3A_457 {strides = array<i32>} : memref<80xi32, #tpu.memory_space<vmem>>, vector<16xi32>,
      %add3A_458 = arith.constant 16 : i32
      %add3A_459 = arith.addi %mul3A_438, %add3A_458 : i32
      %get3A_460 = arith.index_cast %add3A_459 : i32 to index
      %get3A_461 = tpu.vector_load %arg6[%get3A_460] {strides = array<i32>} : memref<10080xi32, #tpu.memory_space<vmem>>, vector<16xi32>,
      %get3A_462 = vector.shape_cast %get3A_461 : vector<16xi32> to vector<16xi32>
      %shift_right_logical3A_463 = arith.constant 14 : i32
      %shift_right_logical3A_464 = vector.broadcast %shift_right_logical3A_463 : i32 to vector<16xi32>
      %shift_right_logical3A_465 = arith.shrui %get3A_462, %shift_right_logical3A_464 : vector<16xi32>
      %swap3A_466 = arith.constant 16 : index
      %swap3A_467 = tpu.vector_load %arg9[%swap3A_466] {strides = array<i32>} : memref<80xi32, #tpu.memory_space<vmem>>, vector<16xi32>,
      %swap3A_468 = vector.shape_cast %swap3A_467 : vector<16xi32> to vector<16xi32>
      %swap3A_469 = vector.shape_cast %shift_right_logical3A_465 : vector<16xi32> to vector<16xi32>
      tpu.vector_store %arg9[%swap3A_466], %swap3A_469 {strides = array<i32>} : memref<80xi32, #tpu.memory_space<vmem>>, vector<16xi32>,
      %and3A_470 = arith.constant 16383 : i32
      %and3A_471 = vector.broadcast %and3A_470 : i32 to vector<16xi32>
      %and3A_472 = arith.andi %get3A_462, %and3A_471 : vector<16xi32>
      %swap3A_473 = arith.constant 16 : index
      %swap3A_474 = tpu.vector_load %arg12[%swap3A_473] {strides = array<i32>} : memref<80xi32, #tpu.memory_space<vmem>>, vector<16xi32>,
      %swap3A_475 = vector.shape_cast %swap3A_474 : vector<16xi32> to vector<16xi32>
      %swap3A_476 = vector.shape_cast %and3A_472 : vector<16xi32> to vector<16xi32>
      tpu.vector_store %arg12[%swap3A_473], %swap3A_476 {strides = array<i32>} : memref<80xi32, #tpu.memory_space<vmem>>, vector<16xi32>,
      %add3A_477 = arith.constant 32 : i32
      %add3A_478 = arith.addi %mul3A_438, %add3A_477 : i32
      %get3A_479 = arith.index_cast %add3A_478 : i32 to index
      %get3A_480 = tpu.vector_load %arg6[%get3A_479] {strides = array<i32>} : memref<10080xi32, #tpu.memory_space<vmem>>, vector<16xi32>,
      %get3A_481 = vector.shape_cast %get3A_480 : vector<16xi32> to vector<16xi32>
      %shift_right_logical3A_482 = arith.constant 14 : i32
      %shift_right_logical3A_483 = vector.broadcast %shift_right_logical3A_482 : i32 to vector<16xi32>
      %shift_right_logical3A_484 = arith.shrui %get3A_481, %shift_right_logical3A_483 : vector<16xi32>
      %swap3A_485 = arith.constant 32 : index
      %swap3A_486 = tpu.vector_load %arg9[%swap3A_485] {strides = array<i32>} : memref<80xi32, #tpu.memory_space<vmem>>, vector<16xi32>,
      %swap3A_487 = vector.shape_cast %swap3A_486 : vector<16xi32> to vector<16xi32>
      %swap3A_488 = vector.shape_cast %shift_right_logical3A_484 : vector<16xi32> to vector<16xi32>
      tpu.vector_store %arg9[%swap3A_485], %swap3A_488 {strides = array<i32>} : memref<80xi32, #tpu.memory_space<vmem>>, vector<16xi32>,
      %and3A_489 = arith.constant 16383 : i32
      %and3A_490 = vector.broadcast %and3A_489 : i32 to vector<16xi32>
      %and3A_491 = arith.andi %get3A_481, %and3A_490 : vector<16xi32>
      %swap3A_492 = arith.constant 32 : index
      %swap3A_493 = tpu.vector_load %arg12[%swap3A_492] {strides = array<i32>} : memref<80xi32, #tpu.memory_space<vmem>>, vector<16xi32>,
      %swap3A_494 = vector.shape_cast %swap3A_493 : vector<16xi32> to vector<16xi32>
      %swap3A_495 = vector.shape_cast %and3A_491 : vector<16xi32> to vector<16xi32>
      tpu.vector_store %arg12[%swap3A_492], %swap3A_495 {strides = array<i32>} : memref<80xi32, #tpu.memory_space<vmem>>, vector<16xi32>,
      %add3A_496 = arith.constant 48 : i32
      %add3A_497 = arith.addi %mul3A_438, %add3A_496 : i32
      %get3A_498 = arith.index_cast %add3A_497 : i32 to index
      %get3A_499 = tpu.vector_load %arg6[%get3A_498] {strides = array<i32>} : memref<10080xi32, #tpu.memory_space<vmem>>, vector<16xi32>,
      %get3A_500 = vector.shape_cast %get3A_499 : vector<16xi32> to vector<16xi32>
      %shift_right_logical3A_501 = arith.constant 14 : i32
      %shift_right_logical3A_502 = vector.broadcast %shift_right_logical3A_501 : i32 to vector<16xi32>
      %shift_right_logical3A_503 = arith.shrui %get3A_500, %shift_right_logical3A_502 : vector<16xi32>
      %swap3A_504 = arith.constant 48 : index
      %swap3A_505 = tpu.vector_load %arg9[%swap3A_504] {strides = array<i32>} : memref<80xi32, #tpu.memory_space<vmem>>, vector<16xi32>,
      %swap3A_506 = vector.shape_cast %swap3A_505 : vector<16xi32> to vector<16xi32>
      %swap3A_507 = vector.shape_cast %shift_right_logical3A_503 : vector<16xi32> to vector<16xi32>
      tpu.vector_store %arg9[%swap3A_504], %swap3A_507 {strides = array<i32>} : memref<80xi32, #tpu.memory_space<vmem>>, vector<16xi32>,
      %and3A_508 = arith.constant 16383 : i32
      %and3A_509 = vector.broadcast %and3A_508 : i32 to vector<16xi32>
      %and3A_510 = arith.andi %get3A_500, %and3A_509 : vector<16xi32>
      %swap3A_511 = arith.constant 48 : index
      %swap3A_512 = tpu.vector_load %arg12[%swap3A_511] {strides = array<i32>} : memref<80xi32, #tpu.memory_space<vmem>>, vector<16xi32>,
      %swap3A_513 = vector.shape_cast %swap3A_512 : vector<16xi32> to vector<16xi32>
      %swap3A_514 = vector.shape_cast %and3A_510 : vector<16xi32> to vector<16xi32>
      tpu.vector_store %arg12[%swap3A_511], %swap3A_514 {strides = array<i32>} : memref<80xi32, #tpu.memory_space<vmem>>, vector<16xi32>,
      %add3A_515 = arith.constant 64 : i32
      %add3A_516 = arith.addi %mul3A_438, %add3A_515 : i32
      %get3A_517 = arith.index_cast %add3A_516 : i32 to index
      %get3A_518 = tpu.vector_load %arg6[%get3A_517] {strides = array<i32>} : memref<10080xi32, #tpu.memory_space<vmem>>, vector<16xi32>,
      %get3A_519 = vector.shape_cast %get3A_518 : vector<16xi32> to vector<16xi32>
      %shift_right_logical3A_520 = arith.constant 14 : i32
      %shift_right_logical3A_521 = vector.broadcast %shift_right_logical3A_520 : i32 to vector<16xi32>
      %shift_right_logical3A_522 = arith.shrui %get3A_519, %shift_right_logical3A_521 : vector<16xi32>
      %swap3A_523 = arith.constant 64 : index
      %swap3A_524 = tpu.vector_load %arg9[%swap3A_523] {strides = array<i32>} : memref<80xi32, #tpu.memory_space<vmem>>, vector<16xi32>,
      %swap3A_525 = vector.shape_cast %swap3A_524 : vector<16xi32> to vector<16xi32>
      %swap3A_526 = vector.shape_cast %shift_right_logical3A_522 : vector<16xi32> to vector<16xi32>
      tpu.vector_store %arg9[%swap3A_523], %swap3A_526 {strides = array<i32>} : memref<80xi32, #tpu.memory_space<vmem>>, vector<16xi32>,
      %and3A_527 = arith.constant 16383 : i32
      %and3A_528 = vector.broadcast %and3A_527 : i32 to vector<16xi32>
      %and3A_529 = arith.andi %get3A_519, %and3A_528 : vector<16xi32>
      %swap3A_530 = arith.constant 64 : index
      %swap3A_531 = tpu.vector_load %arg12[%swap3A_530] {strides = array<i32>} : memref<80xi32, #tpu.memory_space<vmem>>, vector<16xi32>,
      %swap3A_532 = vector.shape_cast %swap3A_531 : vector<16xi32> to vector<16xi32>
      %swap3A_533 = vector.shape_cast %and3A_529 : vector<16xi32> to vector<16xi32>
      tpu.vector_store %arg12[%swap3A_530], %swap3A_533 {strides = array<i32>} : memref<80xi32, #tpu.memory_space<vmem>>, vector<16xi32>,
      %dma_start3A_534 = arith.constant 0 : i32
      %dma_start3A_535 = arith.constant 0 : i32
      %dma_start3A_536 = tpu.memref_slice %arg2[%dma_start3A_534, %dma_start3A_535] : memref<40000x128xf32, #tpu.memory_space<hbm>> -> memref<40000x128xf32, #tpu.memory_space<hbm>>
      tpu.enqueue_indirect_dma source(%dma_start3A_536 : memref<40000x128xf32, #tpu.memory_space<hbm>>) target(%arg15 : memref<80x128xf32, #tpu.memory_space<vmem>>) offsets(%arg9 : memref<80xi32, #tpu.memory_space<vmem>>) semaphore(%arg20 : memref<!tpu.dma_semaphore, #tpu.memory_space<semaphore_mem>>)
      %dma_wait3A_537 = arith.constant 0 : i32
      %dma_wait3A_538 = arith.constant 0 : i32
      %dma_wait3A_539 = tpu.memref_slice %arg2[%dma_wait3A_537, %dma_wait3A_538] : memref<40000x128xf32, #tpu.memory_space<hbm>> -> memref<40000x128xf32, #tpu.memory_space<hbm>>
      tpu.wait_indirect_dma semaphore(%arg18 : memref<!tpu.dma_semaphore, #tpu.memory_space<semaphore_mem>>) src(%dma_wait3A_539 : memref<40000x128xf32, #tpu.memory_space<hbm>>) dst(%arg13 : memref<80x128xf32, #tpu.memory_space<vmem>>)
      "tpu.region"() ({
        %run_scoped3A = tpu.sem_alloc : memref<!tpu.dma_semaphore, #tpu.memory_space<semaphore_mem>>
        %dma_start3A_559 = arith.constant 0 : i32
        %dma_start3A_560 = arith.constant 0 : i32
        %dma_start3A_561 = tpu.memref_slice %arg16[%dma_start3A_559, %dma_start3A_560] : memref<10016x128xf32, #tpu.memory_space<vmem_shared>> -> memref<10016x128xf32, #tpu.memory_space<vmem_shared>>
        tpu.enqueue_indirect_dma source(%arg13 : memref<80x128xf32, #tpu.memory_space<vmem>>) target(%dma_start3A_561 : memref<10016x128xf32, #tpu.memory_space<vmem_shared>>) offsets(%arg10 : memref<80xi32, #tpu.memory_space<vmem>>) semaphore(%run_scoped3A : memref<!tpu.dma_semaphore, #tpu.memory_space<semaphore_mem>>) {add = true}
        %dma_wait3A_562 = arith.constant 0 : i32
        %dma_wait3A_563 = arith.constant 0 : i32
        %dma_wait3A_564 = tpu.memref_slice %arg16[%dma_wait3A_562, %dma_wait3A_563] : memref<10016x128xf32, #tpu.memory_space<vmem_shared>> -> memref<10016x128xf32, #tpu.memory_space<vmem_shared>>
        tpu.wait_indirect_dma semaphore(%run_scoped3A : memref<!tpu.dma_semaphore, #tpu.memory_space<semaphore_mem>>) src(%arg13 : memref<80x128xf32, #tpu.memory_space<vmem>>) dst(%dma_wait3A_564 : memref<10016x128xf32, #tpu.memory_space<vmem_shared>>)
        tpu.yield
      }) : () -> ()
      %add3A_540 = arith.constant 3 : i32
      %add3A_541 = arith.addi %mul3A_434, %add3A_540 : i32
      %lt3A = arith.constant 126 : i32
      %lt3A_542 = arith.cmpi slt, %add3A_541, %lt3A : i32
      %convert_element_type3A_543 = arith.extui %lt3A_542 : i1 to i32
      %cond3A_544 = arith.constant 0 : i32
      %cond3A_545 = arith.cmpi ne, %convert_element_type3A_543, %cond3A_544 : i32
      scf.if %cond3A_545 {
        %add3A_559 = arith.constant 3 : i32
        %add3A_560 = arith.addi %mul3A_434, %add3A_559 : i32
        %mul3A_561 = arith.constant 80 : i32
        %mul3A_562 = arith.muli %add3A_560, %mul3A_561 : i32
        %add3A_563 = arith.constant 0 : i32
        %add3A_564 = arith.addi %mul3A_562, %add3A_563 : i32
        %get3A_565 = arith.index_cast %add3A_564 : i32 to index
        %get3A_566 = tpu.vector_load %arg6[%get3A_565] {strides = array<i32>} : memref<10080xi32, #tpu.memory_space<vmem>>, vector<16xi32>,
        %get3A_567 = vector.shape_cast %get3A_566 : vector<16xi32> to vector<16xi32>
        %shift_right_logical3A_568 = arith.constant 14 : i32
        %shift_right_logical3A_569 = vector.broadcast %shift_right_logical3A_568 : i32 to vector<16xi32>
        %shift_right_logical3A_570 = arith.shrui %get3A_567, %shift_right_logical3A_569 : vector<16xi32>
        %swap3A_571 = arith.constant 0 : index
        %swap3A_572 = tpu.vector_load %arg7[%swap3A_571] {strides = array<i32>} : memref<80xi32, #tpu.memory_space<vmem>>, vector<16xi32>,
        %swap3A_573 = vector.shape_cast %swap3A_572 : vector<16xi32> to vector<16xi32>
        %swap3A_574 = vector.shape_cast %shift_right_logical3A_570 : vector<16xi32> to vector<16xi32>
        tpu.vector_store %arg7[%swap3A_571], %swap3A_574 {strides = array<i32>} : memref<80xi32, #tpu.memory_space<vmem>>, vector<16xi32>,
        %and3A_575 = arith.constant 16383 : i32
        %and3A_576 = vector.broadcast %and3A_575 : i32 to vector<16xi32>
        %and3A_577 = arith.andi %get3A_567, %and3A_576 : vector<16xi32>
        %swap3A_578 = arith.constant 0 : index
        %swap3A_579 = tpu.vector_load %arg10[%swap3A_578] {strides = array<i32>} : memref<80xi32, #tpu.memory_space<vmem>>, vector<16xi32>,
        %swap3A_580 = vector.shape_cast %swap3A_579 : vector<16xi32> to vector<16xi32>
        %swap3A_581 = vector.shape_cast %and3A_577 : vector<16xi32> to vector<16xi32>
        tpu.vector_store %arg10[%swap3A_578], %swap3A_581 {strides = array<i32>} : memref<80xi32, #tpu.memory_space<vmem>>, vector<16xi32>,
        %add3A_582 = arith.constant 16 : i32
        %add3A_583 = arith.addi %mul3A_562, %add3A_582 : i32
        %get3A_584 = arith.index_cast %add3A_583 : i32 to index
        %get3A_585 = tpu.vector_load %arg6[%get3A_584] {strides = array<i32>} : memref<10080xi32, #tpu.memory_space<vmem>>, vector<16xi32>,
        %get3A_586 = vector.shape_cast %get3A_585 : vector<16xi32> to vector<16xi32>
        %shift_right_logical3A_587 = arith.constant 14 : i32
        %shift_right_logical3A_588 = vector.broadcast %shift_right_logical3A_587 : i32 to vector<16xi32>
        %shift_right_logical3A_589 = arith.shrui %get3A_586, %shift_right_logical3A_588 : vector<16xi32>
        %swap3A_590 = arith.constant 16 : index
        %swap3A_591 = tpu.vector_load %arg7[%swap3A_590] {strides = array<i32>} : memref<80xi32, #tpu.memory_space<vmem>>, vector<16xi32>,
        %swap3A_592 = vector.shape_cast %swap3A_591 : vector<16xi32> to vector<16xi32>
        %swap3A_593 = vector.shape_cast %shift_right_logical3A_589 : vector<16xi32> to vector<16xi32>
        tpu.vector_store %arg7[%swap3A_590], %swap3A_593 {strides = array<i32>} : memref<80xi32, #tpu.memory_space<vmem>>, vector<16xi32>,
        %and3A_594 = arith.constant 16383 : i32
        %and3A_595 = vector.broadcast %and3A_594 : i32 to vector<16xi32>
        %and3A_596 = arith.andi %get3A_586, %and3A_595 : vector<16xi32>
        %swap3A_597 = arith.constant 16 : index
        %swap3A_598 = tpu.vector_load %arg10[%swap3A_597] {strides = array<i32>} : memref<80xi32, #tpu.memory_space<vmem>>, vector<16xi32>,
        %swap3A_599 = vector.shape_cast %swap3A_598 : vector<16xi32> to vector<16xi32>
        %swap3A_600 = vector.shape_cast %and3A_596 : vector<16xi32> to vector<16xi32>
        tpu.vector_store %arg10[%swap3A_597], %swap3A_600 {strides = array<i32>} : memref<80xi32, #tpu.memory_space<vmem>>, vector<16xi32>,
        %add3A_601 = arith.constant 32 : i32
        %add3A_602 = arith.addi %mul3A_562, %add3A_601 : i32
        %get3A_603 = arith.index_cast %add3A_602 : i32 to index
        %get3A_604 = tpu.vector_load %arg6[%get3A_603] {strides = array<i32>} : memref<10080xi32, #tpu.memory_space<vmem>>, vector<16xi32>,
        %get3A_605 = vector.shape_cast %get3A_604 : vector<16xi32> to vector<16xi32>
        %shift_right_logical3A_606 = arith.constant 14 : i32
        %shift_right_logical3A_607 = vector.broadcast %shift_right_logical3A_606 : i32 to vector<16xi32>
        %shift_right_logical3A_608 = arith.shrui %get3A_605, %shift_right_logical3A_607 : vector<16xi32>
        %swap3A_609 = arith.constant 32 : index
        %swap3A_610 = tpu.vector_load %arg7[%swap3A_609] {strides = array<i32>} : memref<80xi32, #tpu.memory_space<vmem>>, vector<16xi32>,
        %swap3A_611 = vector.shape_cast %swap3A_610 : vector<16xi32> to vector<16xi32>
        %swap3A_612 = vector.shape_cast %shift_right_logical3A_608 : vector<16xi32> to vector<16xi32>
        tpu.vector_store %arg7[%swap3A_609], %swap3A_612 {strides = array<i32>} : memref<80xi32, #tpu.memory_space<vmem>>, vector<16xi32>,
        %and3A_613 = arith.constant 16383 : i32
        %and3A_614 = vector.broadcast %and3A_613 : i32 to vector<16xi32>
        %and3A_615 = arith.andi %get3A_605, %and3A_614 : vector<16xi32>
        %swap3A_616 = arith.constant 32 : index
        %swap3A_617 = tpu.vector_load %arg10[%swap3A_616] {strides = array<i32>} : memref<80xi32, #tpu.memory_space<vmem>>, vector<16xi32>,
        %swap3A_618 = vector.shape_cast %swap3A_617 : vector<16xi32> to vector<16xi32>
        %swap3A_619 = vector.shape_cast %and3A_615 : vector<16xi32> to vector<16xi32>
        tpu.vector_store %arg10[%swap3A_616], %swap3A_619 {strides = array<i32>} : memref<80xi32, #tpu.memory_space<vmem>>, vector<16xi32>,
        %add3A_620 = arith.constant 48 : i32
        %add3A_621 = arith.addi %mul3A_562, %add3A_620 : i32
        %get3A_622 = arith.index_cast %add3A_621 : i32 to index
        %get3A_623 = tpu.vector_load %arg6[%get3A_622] {strides = array<i32>} : memref<10080xi32, #tpu.memory_space<vmem>>, vector<16xi32>,
        %get3A_624 = vector.shape_cast %get3A_623 : vector<16xi32> to vector<16xi32>
        %shift_right_logical3A_625 = arith.constant 14 : i32
        %shift_right_logical3A_626 = vector.broadcast %shift_right_logical3A_625 : i32 to vector<16xi32>
        %shift_right_logical3A_627 = arith.shrui %get3A_624, %shift_right_logical3A_626 : vector<16xi32>
        %swap3A_628 = arith.constant 48 : index
        %swap3A_629 = tpu.vector_load %arg7[%swap3A_628] {strides = array<i32>} : memref<80xi32, #tpu.memory_space<vmem>>, vector<16xi32>,
        %swap3A_630 = vector.shape_cast %swap3A_629 : vector<16xi32> to vector<16xi32>
        %swap3A_631 = vector.shape_cast %shift_right_logical3A_627 : vector<16xi32> to vector<16xi32>
        tpu.vector_store %arg7[%swap3A_628], %swap3A_631 {strides = array<i32>} : memref<80xi32, #tpu.memory_space<vmem>>, vector<16xi32>,
        %and3A_632 = arith.constant 16383 : i32
        %and3A_633 = vector.broadcast %and3A_632 : i32 to vector<16xi32>
        %and3A_634 = arith.andi %get3A_624, %and3A_633 : vector<16xi32>
        %swap3A_635 = arith.constant 48 : index
        %swap3A_636 = tpu.vector_load %arg10[%swap3A_635] {strides = array<i32>} : memref<80xi32, #tpu.memory_space<vmem>>, vector<16xi32>,
        %swap3A_637 = vector.shape_cast %swap3A_636 : vector<16xi32> to vector<16xi32>
        %swap3A_638 = vector.shape_cast %and3A_634 : vector<16xi32> to vector<16xi32>
        tpu.vector_store %arg10[%swap3A_635], %swap3A_638 {strides = array<i32>} : memref<80xi32, #tpu.memory_space<vmem>>, vector<16xi32>,
        %add3A_639 = arith.constant 64 : i32
        %add3A_640 = arith.addi %mul3A_562, %add3A_639 : i32
        %get3A_641 = arith.index_cast %add3A_640 : i32 to index
        %get3A_642 = tpu.vector_load %arg6[%get3A_641] {strides = array<i32>} : memref<10080xi32, #tpu.memory_space<vmem>>, vector<16xi32>,
        %get3A_643 = vector.shape_cast %get3A_642 : vector<16xi32> to vector<16xi32>
        %shift_right_logical3A_644 = arith.constant 14 : i32
        %shift_right_logical3A_645 = vector.broadcast %shift_right_logical3A_644 : i32 to vector<16xi32>
        %shift_right_logical3A_646 = arith.shrui %get3A_643, %shift_right_logical3A_645 : vector<16xi32>
        %swap3A_647 = arith.constant 64 : index
        %swap3A_648 = tpu.vector_load %arg7[%swap3A_647] {strides = array<i32>} : memref<80xi32, #tpu.memory_space<vmem>>, vector<16xi32>,
        %swap3A_649 = vector.shape_cast %swap3A_648 : vector<16xi32> to vector<16xi32>
        %swap3A_650 = vector.shape_cast %shift_right_logical3A_646 : vector<16xi32> to vector<16xi32>
        tpu.vector_store %arg7[%swap3A_647], %swap3A_650 {strides = array<i32>} : memref<80xi32, #tpu.memory_space<vmem>>, vector<16xi32>,
        %and3A_651 = arith.constant 16383 : i32
        %and3A_652 = vector.broadcast %and3A_651 : i32 to vector<16xi32>
        %and3A_653 = arith.andi %get3A_643, %and3A_652 : vector<16xi32>
        %swap3A_654 = arith.constant 64 : index
        %swap3A_655 = tpu.vector_load %arg10[%swap3A_654] {strides = array<i32>} : memref<80xi32, #tpu.memory_space<vmem>>, vector<16xi32>,
        %swap3A_656 = vector.shape_cast %swap3A_655 : vector<16xi32> to vector<16xi32>
        %swap3A_657 = vector.shape_cast %and3A_653 : vector<16xi32> to vector<16xi32>
        tpu.vector_store %arg10[%swap3A_654], %swap3A_657 {strides = array<i32>} : memref<80xi32, #tpu.memory_space<vmem>>, vector<16xi32>,
        %dma_start3A_658 = arith.constant 0 : i32
        %dma_start3A_659 = arith.constant 0 : i32
        %dma_start3A_660 = tpu.memref_slice %arg2[%dma_start3A_658, %dma_start3A_659] : memref<40000x128xf32, #tpu.memory_space<hbm>> -> memref<40000x128xf32, #tpu.memory_space<hbm>>
        tpu.enqueue_indirect_dma source(%dma_start3A_660 : memref<40000x128xf32, #tpu.memory_space<hbm>>) target(%arg13 : memref<80x128xf32, #tpu.memory_space<vmem>>) offsets(%arg7 : memref<80xi32, #tpu.memory_space<vmem>>) semaphore(%arg18 : memref<!tpu.dma_semaphore, #tpu.memory_space<semaphore_mem>>)
      } else {
      }
      %dma_wait3A_546 = arith.constant 0 : i32
      %dma_wait3A_547 = arith.constant 0 : i32
      %dma_wait3A_548 = tpu.memref_slice %arg2[%dma_wait3A_546, %dma_wait3A_547] : memref<40000x128xf32, #tpu.memory_space<hbm>> -> memref<40000x128xf32, #tpu.memory_space<hbm>>
      tpu.wait_indirect_dma semaphore(%arg19 : memref<!tpu.dma_semaphore, #tpu.memory_space<semaphore_mem>>) src(%dma_wait3A_548 : memref<40000x128xf32, #tpu.memory_space<hbm>>) dst(%arg14 : memref<80x128xf32, #tpu.memory_space<vmem>>)
      "tpu.region"() ({
        %run_scoped3A = tpu.sem_alloc : memref<!tpu.dma_semaphore, #tpu.memory_space<semaphore_mem>>
        %dma_start3A_559 = arith.constant 0 : i32
        %dma_start3A_560 = arith.constant 0 : i32
        %dma_start3A_561 = tpu.memref_slice %arg16[%dma_start3A_559, %dma_start3A_560] : memref<10016x128xf32, #tpu.memory_space<vmem_shared>> -> memref<10016x128xf32, #tpu.memory_space<vmem_shared>>
        tpu.enqueue_indirect_dma source(%arg14 : memref<80x128xf32, #tpu.memory_space<vmem>>) target(%dma_start3A_561 : memref<10016x128xf32, #tpu.memory_space<vmem_shared>>) offsets(%arg11 : memref<80xi32, #tpu.memory_space<vmem>>) semaphore(%run_scoped3A : memref<!tpu.dma_semaphore, #tpu.memory_space<semaphore_mem>>) {add = true}
        %dma_wait3A_562 = arith.constant 0 : i32
        %dma_wait3A_563 = arith.constant 0 : i32
        %dma_wait3A_564 = tpu.memref_slice %arg16[%dma_wait3A_562, %dma_wait3A_563] : memref<10016x128xf32, #tpu.memory_space<vmem_shared>> -> memref<10016x128xf32, #tpu.memory_space<vmem_shared>>
        tpu.wait_indirect_dma semaphore(%run_scoped3A : memref<!tpu.dma_semaphore, #tpu.memory_space<semaphore_mem>>) src(%arg14 : memref<80x128xf32, #tpu.memory_space<vmem>>) dst(%dma_wait3A_564 : memref<10016x128xf32, #tpu.memory_space<vmem_shared>>)
        tpu.yield
      }) : () -> ()
      %add3A_549 = arith.constant 4 : i32
      %add3A_550 = arith.addi %mul3A_434, %add3A_549 : i32
      %lt3A_551 = arith.constant 126 : i32
      %lt3A_552 = arith.cmpi slt, %add3A_550, %lt3A_551 : i32
      %convert_element_type3A_553 = arith.extui %lt3A_552 : i1 to i32
      %cond3A_554 = arith.constant 0 : i32
      %cond3A_555 = arith.cmpi ne, %convert_element_type3A_553, %cond3A_554 : i32
      scf.if %cond3A_555 {
        %add3A_559 = arith.constant 4 : i32
        %add3A_560 = arith.addi %mul3A_434, %add3A_559 : i32
        %mul3A_561 = arith.constant 80 : i32
        %mul3A_562 = arith.muli %add3A_560, %mul3A_561 : i32
        %add3A_563 = arith.constant 0 : i32
        %add3A_564 = arith.addi %mul3A_562, %add3A_563 : i32
        %get3A_565 = arith.index_cast %add3A_564 : i32 to index
        %get3A_566 = tpu.vector_load %arg6[%get3A_565] {strides = array<i32>} : memref<10080xi32, #tpu.memory_space<vmem>>, vector<16xi32>,
        %get3A_567 = vector.shape_cast %get3A_566 : vector<16xi32> to vector<16xi32>
        %shift_right_logical3A_568 = arith.constant 14 : i32
        %shift_right_logical3A_569 = vector.broadcast %shift_right_logical3A_568 : i32 to vector<16xi32>
        %shift_right_logical3A_570 = arith.shrui %get3A_567, %shift_right_logical3A_569 : vector<16xi32>
        %swap3A_571 = arith.constant 0 : index
        %swap3A_572 = tpu.vector_load %arg8[%swap3A_571] {strides = array<i32>} : memref<80xi32, #tpu.memory_space<vmem>>, vector<16xi32>,
        %swap3A_573 = vector.shape_cast %swap3A_572 : vector<16xi32> to vector<16xi32>
        %swap3A_574 = vector.shape_cast %shift_right_logical3A_570 : vector<16xi32> to vector<16xi32>
        tpu.vector_store %arg8[%swap3A_571], %swap3A_574 {strides = array<i32>} : memref<80xi32, #tpu.memory_space<vmem>>, vector<16xi32>,
        %and3A_575 = arith.constant 16383 : i32
        %and3A_576 = vector.broadcast %and3A_575 : i32 to vector<16xi32>
        %and3A_577 = arith.andi %get3A_567, %and3A_576 : vector<16xi32>
        %swap3A_578 = arith.constant 0 : index
        %swap3A_579 = tpu.vector_load %arg11[%swap3A_578] {strides = array<i32>} : memref<80xi32, #tpu.memory_space<vmem>>, vector<16xi32>,
        %swap3A_580 = vector.shape_cast %swap3A_579 : vector<16xi32> to vector<16xi32>
        %swap3A_581 = vector.shape_cast %and3A_577 : vector<16xi32> to vector<16xi32>
        tpu.vector_store %arg11[%swap3A_578], %swap3A_581 {strides = array<i32>} : memref<80xi32, #tpu.memory_space<vmem>>, vector<16xi32>,
        %add3A_582 = arith.constant 16 : i32
        %add3A_583 = arith.addi %mul3A_562, %add3A_582 : i32
        %get3A_584 = arith.index_cast %add3A_583 : i32 to index
        %get3A_585 = tpu.vector_load %arg6[%get3A_584] {strides = array<i32>} : memref<10080xi32, #tpu.memory_space<vmem>>, vector<16xi32>,
        %get3A_586 = vector.shape_cast %get3A_585 : vector<16xi32> to vector<16xi32>
        %shift_right_logical3A_587 = arith.constant 14 : i32
        %shift_right_logical3A_588 = vector.broadcast %shift_right_logical3A_587 : i32 to vector<16xi32>
        %shift_right_logical3A_589 = arith.shrui %get3A_586, %shift_right_logical3A_588 : vector<16xi32>
        %swap3A_590 = arith.constant 16 : index
        %swap3A_591 = tpu.vector_load %arg8[%swap3A_590] {strides = array<i32>} : memref<80xi32, #tpu.memory_space<vmem>>, vector<16xi32>,
        %swap3A_592 = vector.shape_cast %swap3A_591 : vector<16xi32> to vector<16xi32>
        %swap3A_593 = vector.shape_cast %shift_right_logical3A_589 : vector<16xi32> to vector<16xi32>
        tpu.vector_store %arg8[%swap3A_590], %swap3A_593 {strides = array<i32>} : memref<80xi32, #tpu.memory_space<vmem>>, vector<16xi32>,
        %and3A_594 = arith.constant 16383 : i32
        %and3A_595 = vector.broadcast %and3A_594 : i32 to vector<16xi32>
        %and3A_596 = arith.andi %get3A_586, %and3A_595 : vector<16xi32>
        %swap3A_597 = arith.constant 16 : index
        %swap3A_598 = tpu.vector_load %arg11[%swap3A_597] {strides = array<i32>} : memref<80xi32, #tpu.memory_space<vmem>>, vector<16xi32>,
        %swap3A_599 = vector.shape_cast %swap3A_598 : vector<16xi32> to vector<16xi32>
        %swap3A_600 = vector.shape_cast %and3A_596 : vector<16xi32> to vector<16xi32>
        tpu.vector_store %arg11[%swap3A_597], %swap3A_600 {strides = array<i32>} : memref<80xi32, #tpu.memory_space<vmem>>, vector<16xi32>,
        %add3A_601 = arith.constant 32 : i32
        %add3A_602 = arith.addi %mul3A_562, %add3A_601 : i32
        %get3A_603 = arith.index_cast %add3A_602 : i32 to index
        %get3A_604 = tpu.vector_load %arg6[%get3A_603] {strides = array<i32>} : memref<10080xi32, #tpu.memory_space<vmem>>, vector<16xi32>,
        %get3A_605 = vector.shape_cast %get3A_604 : vector<16xi32> to vector<16xi32>
        %shift_right_logical3A_606 = arith.constant 14 : i32
        %shift_right_logical3A_607 = vector.broadcast %shift_right_logical3A_606 : i32 to vector<16xi32>
        %shift_right_logical3A_608 = arith.shrui %get3A_605, %shift_right_logical3A_607 : vector<16xi32>
        %swap3A_609 = arith.constant 32 : index
        %swap3A_610 = tpu.vector_load %arg8[%swap3A_609] {strides = array<i32>} : memref<80xi32, #tpu.memory_space<vmem>>, vector<16xi32>,
        %swap3A_611 = vector.shape_cast %swap3A_610 : vector<16xi32> to vector<16xi32>
        %swap3A_612 = vector.shape_cast %shift_right_logical3A_608 : vector<16xi32> to vector<16xi32>
        tpu.vector_store %arg8[%swap3A_609], %swap3A_612 {strides = array<i32>} : memref<80xi32, #tpu.memory_space<vmem>>, vector<16xi32>,
        %and3A_613 = arith.constant 16383 : i32
        %and3A_614 = vector.broadcast %and3A_613 : i32 to vector<16xi32>
        %and3A_615 = arith.andi %get3A_605, %and3A_614 : vector<16xi32>
        %swap3A_616 = arith.constant 32 : index
        %swap3A_617 = tpu.vector_load %arg11[%swap3A_616] {strides = array<i32>} : memref<80xi32, #tpu.memory_space<vmem>>, vector<16xi32>,
        %swap3A_618 = vector.shape_cast %swap3A_617 : vector<16xi32> to vector<16xi32>
        %swap3A_619 = vector.shape_cast %and3A_615 : vector<16xi32> to vector<16xi32>
        tpu.vector_store %arg11[%swap3A_616], %swap3A_619 {strides = array<i32>} : memref<80xi32, #tpu.memory_space<vmem>>, vector<16xi32>,
        %add3A_620 = arith.constant 48 : i32
        %add3A_621 = arith.addi %mul3A_562, %add3A_620 : i32
        %get3A_622 = arith.index_cast %add3A_621 : i32 to index
        %get3A_623 = tpu.vector_load %arg6[%get3A_622] {strides = array<i32>} : memref<10080xi32, #tpu.memory_space<vmem>>, vector<16xi32>,
        %get3A_624 = vector.shape_cast %get3A_623 : vector<16xi32> to vector<16xi32>
        %shift_right_logical3A_625 = arith.constant 14 : i32
        %shift_right_logical3A_626 = vector.broadcast %shift_right_logical3A_625 : i32 to vector<16xi32>
        %shift_right_logical3A_627 = arith.shrui %get3A_624, %shift_right_logical3A_626 : vector<16xi32>
        %swap3A_628 = arith.constant 48 : index
        %swap3A_629 = tpu.vector_load %arg8[%swap3A_628] {strides = array<i32>} : memref<80xi32, #tpu.memory_space<vmem>>, vector<16xi32>,
        %swap3A_630 = vector.shape_cast %swap3A_629 : vector<16xi32> to vector<16xi32>
        %swap3A_631 = vector.shape_cast %shift_right_logical3A_627 : vector<16xi32> to vector<16xi32>
        tpu.vector_store %arg8[%swap3A_628], %swap3A_631 {strides = array<i32>} : memref<80xi32, #tpu.memory_space<vmem>>, vector<16xi32>,
        %and3A_632 = arith.constant 16383 : i32
        %and3A_633 = vector.broadcast %and3A_632 : i32 to vector<16xi32>
        %and3A_634 = arith.andi %get3A_624, %and3A_633 : vector<16xi32>
        %swap3A_635 = arith.constant 48 : index
        %swap3A_636 = tpu.vector_load %arg11[%swap3A_635] {strides = array<i32>} : memref<80xi32, #tpu.memory_space<vmem>>, vector<16xi32>,
        %swap3A_637 = vector.shape_cast %swap3A_636 : vector<16xi32> to vector<16xi32>
        %swap3A_638 = vector.shape_cast %and3A_634 : vector<16xi32> to vector<16xi32>
        tpu.vector_store %arg11[%swap3A_635], %swap3A_638 {strides = array<i32>} : memref<80xi32, #tpu.memory_space<vmem>>, vector<16xi32>,
        %add3A_639 = arith.constant 64 : i32
        %add3A_640 = arith.addi %mul3A_562, %add3A_639 : i32
        %get3A_641 = arith.index_cast %add3A_640 : i32 to index
        %get3A_642 = tpu.vector_load %arg6[%get3A_641] {strides = array<i32>} : memref<10080xi32, #tpu.memory_space<vmem>>, vector<16xi32>,
        %get3A_643 = vector.shape_cast %get3A_642 : vector<16xi32> to vector<16xi32>
        %shift_right_logical3A_644 = arith.constant 14 : i32
        %shift_right_logical3A_645 = vector.broadcast %shift_right_logical3A_644 : i32 to vector<16xi32>
        %shift_right_logical3A_646 = arith.shrui %get3A_643, %shift_right_logical3A_645 : vector<16xi32>
        %swap3A_647 = arith.constant 64 : index
        %swap3A_648 = tpu.vector_load %arg8[%swap3A_647] {strides = array<i32>} : memref<80xi32, #tpu.memory_space<vmem>>, vector<16xi32>,
        %swap3A_649 = vector.shape_cast %swap3A_648 : vector<16xi32> to vector<16xi32>
        %swap3A_650 = vector.shape_cast %shift_right_logical3A_646 : vector<16xi32> to vector<16xi32>
        tpu.vector_store %arg8[%swap3A_647], %swap3A_650 {strides = array<i32>} : memref<80xi32, #tpu.memory_space<vmem>>, vector<16xi32>,
        %and3A_651 = arith.constant 16383 : i32
        %and3A_652 = vector.broadcast %and3A_651 : i32 to vector<16xi32>
        %and3A_653 = arith.andi %get3A_643, %and3A_652 : vector<16xi32>
        %swap3A_654 = arith.constant 64 : index
        %swap3A_655 = tpu.vector_load %arg11[%swap3A_654] {strides = array<i32>} : memref<80xi32, #tpu.memory_space<vmem>>, vector<16xi32>,
        %swap3A_656 = vector.shape_cast %swap3A_655 : vector<16xi32> to vector<16xi32>
        %swap3A_657 = vector.shape_cast %and3A_653 : vector<16xi32> to vector<16xi32>
        tpu.vector_store %arg11[%swap3A_654], %swap3A_657 {strides = array<i32>} : memref<80xi32, #tpu.memory_space<vmem>>, vector<16xi32>,
        %dma_start3A_658 = arith.constant 0 : i32
        %dma_start3A_659 = arith.constant 0 : i32
        %dma_start3A_660 = tpu.memref_slice %arg2[%dma_start3A_658, %dma_start3A_659] : memref<40000x128xf32, #tpu.memory_space<hbm>> -> memref<40000x128xf32, #tpu.memory_space<hbm>>
        tpu.enqueue_indirect_dma source(%dma_start3A_660 : memref<40000x128xf32, #tpu.memory_space<hbm>>) target(%arg14 : memref<80x128xf32, #tpu.memory_space<vmem>>) offsets(%arg8 : memref<80xi32, #tpu.memory_space<vmem>>) semaphore(%arg19 : memref<!tpu.dma_semaphore, #tpu.memory_space<semaphore_mem>>)
      } else {
      }
      %dma_wait3A_556 = arith.constant 0 : i32
      %dma_wait3A_557 = arith.constant 0 : i32
      %dma_wait3A_558 = tpu.memref_slice %arg2[%dma_wait3A_556, %dma_wait3A_557] : memref<40000x128xf32, #tpu.memory_space<hbm>> -> memref<40000x128xf32, #tpu.memory_space<hbm>>
      tpu.wait_indirect_dma semaphore(%arg20 : memref<!tpu.dma_semaphore, #tpu.memory_space<semaphore_mem>>) src(%dma_wait3A_558 : memref<40000x128xf32, #tpu.memory_space<hbm>>) dst(%arg15 : memref<80x128xf32, #tpu.memory_space<vmem>>)
      "tpu.region"() ({
        %run_scoped3A = tpu.sem_alloc : memref<!tpu.dma_semaphore, #tpu.memory_space<semaphore_mem>>
        %dma_start3A_559 = arith.constant 0 : i32
        %dma_start3A_560 = arith.constant 0 : i32
        %dma_start3A_561 = tpu.memref_slice %arg16[%dma_start3A_559, %dma_start3A_560] : memref<10016x128xf32, #tpu.memory_space<vmem_shared>> -> memref<10016x128xf32, #tpu.memory_space<vmem_shared>>
        tpu.enqueue_indirect_dma source(%arg15 : memref<80x128xf32, #tpu.memory_space<vmem>>) target(%dma_start3A_561 : memref<10016x128xf32, #tpu.memory_space<vmem_shared>>) offsets(%arg12 : memref<80xi32, #tpu.memory_space<vmem>>) semaphore(%run_scoped3A : memref<!tpu.dma_semaphore, #tpu.memory_space<semaphore_mem>>) {add = true}
        %dma_wait3A_562 = arith.constant 0 : i32
        %dma_wait3A_563 = arith.constant 0 : i32
        %dma_wait3A_564 = tpu.memref_slice %arg16[%dma_wait3A_562, %dma_wait3A_563] : memref<10016x128xf32, #tpu.memory_space<vmem_shared>> -> memref<10016x128xf32, #tpu.memory_space<vmem_shared>>
        tpu.wait_indirect_dma semaphore(%run_scoped3A : memref<!tpu.dma_semaphore, #tpu.memory_space<semaphore_mem>>) src(%arg15 : memref<80x128xf32, #tpu.memory_space<vmem>>) dst(%dma_wait3A_564 : memref<10016x128xf32, #tpu.memory_space<vmem_shared>>)
        tpu.yield
      }) : () -> ()
    }
    %scan3A_201 = arith.constant 42 : i32
    %barrier3A_202 = arith.constant 0 : index
    tpu.barrier barrier_id(%barrier3A_202)
    %add3A_203 = arith.constant 0 : i32
    %add3A_204 = arith.addi %mul3A_5, %add3A_203 : i32
    "tpu.region"() ({
      %run_scoped3A = tpu.sem_alloc : memref<!tpu.dma_semaphore, #tpu.memory_space<semaphore_mem>>
      %dma_start3A_432 = arith.constant 0 : i32
      %dma_start3A_433 = arith.constant 0 : i32
      %dma_start3A_434 = tpu.memref_slice %arg13[%dma_start3A_432, %dma_start3A_433] : memref<80x128xf32, #tpu.memory_space<vmem>> -> memref<80x128xf32, #tpu.memory_space<vmem>>
      %dma_start3A_435 = arith.constant 0 : i32
      %dma_start3A_436 = tpu.memref_slice %arg16[%add3A_204, %dma_start3A_435] : memref<10016x128xf32, #tpu.memory_space<vmem_shared>> -> memref<80x128xf32, #tpu.memory_space<vmem_shared>>
      %dma_start3A_437 = arith.constant 0 : i32
      %dma_start3A_438 = arith.constant 0 : i32
      %dma_start3A_439 = tpu.memref_slice %arg13[%dma_start3A_437, %dma_start3A_438] : memref<80x128xf32, #tpu.memory_space<vmem>> -> memref<80x128xf32, #tpu.memory_space<vmem>>
      %dma_start3A_440 = arith.constant 0 : i32
      %dma_start3A_441 = tpu.memref_slice %arg16[%add3A_204, %dma_start3A_440] : memref<10016x128xf32, #tpu.memory_space<vmem_shared>> -> memref<80x128xf32, #tpu.memory_space<vmem_shared>>
      tpu.enqueue_dma source(%dma_start3A_441 : memref<80x128xf32, #tpu.memory_space<vmem_shared>>) target(%dma_start3A_439 : memref<80x128xf32, #tpu.memory_space<vmem>>) target_semaphore(%run_scoped3A : memref<!tpu.dma_semaphore, #tpu.memory_space<semaphore_mem>>)
      %dma_wait3A_442 = arith.constant 0 : i32
      %dma_wait3A_443 = arith.constant 0 : i32
      %dma_wait3A_444 = tpu.memref_slice %arg13[%dma_wait3A_442, %dma_wait3A_443] : memref<80x128xf32, #tpu.memory_space<vmem>> -> memref<80x128xf32, #tpu.memory_space<vmem>>
      %dma_wait3A_445 = arith.constant 0 : i32
      %dma_wait3A_446 = tpu.memref_slice %arg16[%add3A_204, %dma_wait3A_445] : memref<10016x128xf32, #tpu.memory_space<vmem_shared>> -> memref<80x128xf32, #tpu.memory_space<vmem_shared>>
      %dma_wait3A_447 = arith.constant 0 : i32
      %dma_wait3A_448 = arith.constant 0 : i32
      %dma_wait3A_449 = tpu.memref_slice %arg13[%dma_wait3A_447, %dma_wait3A_448] : memref<80x128xf32, #tpu.memory_space<vmem>> -> memref<80x128xf32, #tpu.memory_space<vmem>>
      %dma_wait3A_450 = arith.constant 0 : i32
      %dma_wait3A_451 = tpu.memref_slice %arg16[%add3A_204, %dma_wait3A_450] : memref<10016x128xf32, #tpu.memory_space<vmem_shared>> -> memref<80x128xf32, #tpu.memory_space<vmem_shared>>
      tpu.wait_dma2 semaphore(%run_scoped3A : memref<!tpu.dma_semaphore, #tpu.memory_space<semaphore_mem>>) src(%dma_wait3A_451 : memref<80x128xf32, #tpu.memory_space<vmem_shared>>) dst(%dma_wait3A_449 : memref<80x128xf32, #tpu.memory_space<vmem>>)
      tpu.yield
    }) : () -> ()
    %add3A_205 = arith.constant 0 : i32
    %add3A_206 = arith.addi %mul3A_5, %add3A_205 : i32
    %dma_start3A_207 = arith.constant 0 : i32
    %dma_start3A_208 = arith.constant 0 : i32
    %dma_start3A_209 = tpu.memref_slice %arg13[%dma_start3A_207, %dma_start3A_208] : memref<80x128xf32, #tpu.memory_space<vmem>> -> memref<80x128xf32, #tpu.memory_space<vmem>>
    %dma_start3A_210 = arith.constant 0 : i32
    %dma_start3A_211 = tpu.memref_slice %arg5[%arg0, %add3A_206, %dma_start3A_210] : memref<2x10000x128xf32, #tpu.memory_space<hbm>> -> memref<1x80x128xf32, #tpu.memory_space<hbm>>
    %dma_start3A_212 = tpu.memref_squeeze %dma_start3A_211 : memref<1x80x128xf32, #tpu.memory_space<hbm>> -> memref<80x128xf32, #tpu.memory_space<hbm>>
    %dma_start3A_213 = arith.constant 0 : i32
    %dma_start3A_214 = tpu.memref_slice %arg5[%arg0, %add3A_206, %dma_start3A_213] : memref<2x10000x128xf32, #tpu.memory_space<hbm>> -> memref<1x80x128xf32, #tpu.memory_space<hbm>>
    %dma_start3A_215 = tpu.memref_squeeze %dma_start3A_214 : memref<1x80x128xf32, #tpu.memory_space<hbm>> -> memref<80x128xf32, #tpu.memory_space<hbm>>
    %dma_start3A_216 = arith.constant 0 : i32
    %dma_start3A_217 = arith.constant 0 : i32
    %dma_start3A_218 = tpu.memref_slice %arg13[%dma_start3A_216, %dma_start3A_217] : memref<80x128xf32, #tpu.memory_space<vmem>> -> memref<80x128xf32, #tpu.memory_space<vmem>>
    tpu.enqueue_dma source(%dma_start3A_218 : memref<80x128xf32, #tpu.memory_space<vmem>>) target(%dma_start3A_215 : memref<80x128xf32, #tpu.memory_space<hbm>>) target_semaphore(%arg18 : memref<!tpu.dma_semaphore, #tpu.memory_space<semaphore_mem>>)
    %add3A_219 = arith.constant 80 : i32
    %add3A_220 = arith.addi %mul3A_5, %add3A_219 : i32
    "tpu.region"() ({
      %run_scoped3A = tpu.sem_alloc : memref<!tpu.dma_semaphore, #tpu.memory_space<semaphore_mem>>
      %dma_start3A_432 = arith.constant 0 : i32
      %dma_start3A_433 = arith.constant 0 : i32
      %dma_start3A_434 = tpu.memref_slice %arg14[%dma_start3A_432, %dma_start3A_433] : memref<80x128xf32, #tpu.memory_space<vmem>> -> memref<80x128xf32, #tpu.memory_space<vmem>>
      %dma_start3A_435 = arith.constant 0 : i32
      %dma_start3A_436 = tpu.memref_slice %arg16[%add3A_220, %dma_start3A_435] : memref<10016x128xf32, #tpu.memory_space<vmem_shared>> -> memref<80x128xf32, #tpu.memory_space<vmem_shared>>
      %dma_start3A_437 = arith.constant 0 : i32
      %dma_start3A_438 = arith.constant 0 : i32
      %dma_start3A_439 = tpu.memref_slice %arg14[%dma_start3A_437, %dma_start3A_438] : memref<80x128xf32, #tpu.memory_space<vmem>> -> memref<80x128xf32, #tpu.memory_space<vmem>>
      %dma_start3A_440 = arith.constant 0 : i32
      %dma_start3A_441 = tpu.memref_slice %arg16[%add3A_220, %dma_start3A_440] : memref<10016x128xf32, #tpu.memory_space<vmem_shared>> -> memref<80x128xf32, #tpu.memory_space<vmem_shared>>
      tpu.enqueue_dma source(%dma_start3A_441 : memref<80x128xf32, #tpu.memory_space<vmem_shared>>) target(%dma_start3A_439 : memref<80x128xf32, #tpu.memory_space<vmem>>) target_semaphore(%run_scoped3A : memref<!tpu.dma_semaphore, #tpu.memory_space<semaphore_mem>>)
      %dma_wait3A_442 = arith.constant 0 : i32
      %dma_wait3A_443 = arith.constant 0 : i32
      %dma_wait3A_444 = tpu.memref_slice %arg14[%dma_wait3A_442, %dma_wait3A_443] : memref<80x128xf32, #tpu.memory_space<vmem>> -> memref<80x128xf32, #tpu.memory_space<vmem>>
      %dma_wait3A_445 = arith.constant 0 : i32
      %dma_wait3A_446 = tpu.memref_slice %arg16[%add3A_220, %dma_wait3A_445] : memref<10016x128xf32, #tpu.memory_space<vmem_shared>> -> memref<80x128xf32, #tpu.memory_space<vmem_shared>>
      %dma_wait3A_447 = arith.constant 0 : i32
      %dma_wait3A_448 = arith.constant 0 : i32
      %dma_wait3A_449 = tpu.memref_slice %arg14[%dma_wait3A_447, %dma_wait3A_448] : memref<80x128xf32, #tpu.memory_space<vmem>> -> memref<80x128xf32, #tpu.memory_space<vmem>>
      %dma_wait3A_450 = arith.constant 0 : i32
      %dma_wait3A_451 = tpu.memref_slice %arg16[%add3A_220, %dma_wait3A_450] : memref<10016x128xf32, #tpu.memory_space<vmem_shared>> -> memref<80x128xf32, #tpu.memory_space<vmem_shared>>
      tpu.wait_dma2 semaphore(%run_scoped3A : memref<!tpu.dma_semaphore, #tpu.memory_space<semaphore_mem>>) src(%dma_wait3A_451 : memref<80x128xf32, #tpu.memory_space<vmem_shared>>) dst(%dma_wait3A_449 : memref<80x128xf32, #tpu.memory_space<vmem>>)
      tpu.yield
    }) : () -> ()
    %add3A_221 = arith.constant 80 : i32
    %add3A_222 = arith.addi %mul3A_5, %add3A_221 : i32
    %dma_start3A_223 = arith.constant 0 : i32
    %dma_start3A_224 = arith.constant 0 : i32
    %dma_start3A_225 = tpu.memref_slice %arg14[%dma_start3A_223, %dma_start3A_224] : memref<80x128xf32, #tpu.memory_space<vmem>> -> memref<80x128xf32, #tpu.memory_space<vmem>>
    %dma_start3A_226 = arith.constant 0 : i32
    %dma_start3A_227 = tpu.memref_slice %arg5[%arg0, %add3A_222, %dma_start3A_226] : memref<2x10000x128xf32, #tpu.memory_space<hbm>> -> memref<1x80x128xf32, #tpu.memory_space<hbm>>
    %dma_start3A_228 = tpu.memref_squeeze %dma_start3A_227 : memref<1x80x128xf32, #tpu.memory_space<hbm>> -> memref<80x128xf32, #tpu.memory_space<hbm>>
    %dma_start3A_229 = arith.constant 0 : i32
    %dma_start3A_230 = tpu.memref_slice %arg5[%arg0, %add3A_222, %dma_start3A_229] : memref<2x10000x128xf32, #tpu.memory_space<hbm>> -> memref<1x80x128xf32, #tpu.memory_space<hbm>>
    %dma_start3A_231 = tpu.memref_squeeze %dma_start3A_230 : memref<1x80x128xf32, #tpu.memory_space<hbm>> -> memref<80x128xf32, #tpu.memory_space<hbm>>
    %dma_start3A_232 = arith.constant 0 : i32
    %dma_start3A_233 = arith.constant 0 : i32
    %dma_start3A_234 = tpu.memref_slice %arg14[%dma_start3A_232, %dma_start3A_233] : memref<80x128xf32, #tpu.memory_space<vmem>> -> memref<80x128xf32, #tpu.memory_space<vmem>>
    tpu.enqueue_dma source(%dma_start3A_234 : memref<80x128xf32, #tpu.memory_space<vmem>>) target(%dma_start3A_231 : memref<80x128xf32, #tpu.memory_space<hbm>>) target_semaphore(%arg19 : memref<!tpu.dma_semaphore, #tpu.memory_space<semaphore_mem>>)
    %dma_wait3A_235 = arith.constant 0 : i32
    %dma_wait3A_236 = arith.constant 0 : i32
    %dma_wait3A_237 = tpu.memref_slice %arg13[%dma_wait3A_235, %dma_wait3A_236] : memref<80x128xf32, #tpu.memory_space<vmem>> -> memref<80x128xf32, #tpu.memory_space<vmem>>
    %dma_wait3A_238 = arith.constant 0 : i32
    %dma_wait3A_239 = tpu.memref_slice %arg5[%arg0, %add3A_206, %dma_wait3A_238] : memref<2x10000x128xf32, #tpu.memory_space<hbm>> -> memref<1x80x128xf32, #tpu.memory_space<hbm>>
    %dma_wait3A_240 = tpu.memref_squeeze %dma_wait3A_239 : memref<1x80x128xf32, #tpu.memory_space<hbm>> -> memref<80x128xf32, #tpu.memory_space<hbm>>
    %dma_wait3A_241 = arith.constant 0 : i32
    %dma_wait3A_242 = tpu.memref_slice %arg5[%arg0, %add3A_206, %dma_wait3A_241] : memref<2x10000x128xf32, #tpu.memory_space<hbm>> -> memref<1x80x128xf32, #tpu.memory_space<hbm>>
    %dma_wait3A_243 = tpu.memref_squeeze %dma_wait3A_242 : memref<1x80x128xf32, #tpu.memory_space<hbm>> -> memref<80x128xf32, #tpu.memory_space<hbm>>
    %dma_wait3A_244 = arith.constant 0 : i32
    %dma_wait3A_245 = arith.constant 0 : i32
    %dma_wait3A_246 = tpu.memref_slice %arg13[%dma_wait3A_244, %dma_wait3A_245] : memref<80x128xf32, #tpu.memory_space<vmem>> -> memref<80x128xf32, #tpu.memory_space<vmem>>
    tpu.wait_dma2 semaphore(%arg18 : memref<!tpu.dma_semaphore, #tpu.memory_space<semaphore_mem>>) src(%dma_wait3A_246 : memref<80x128xf32, #tpu.memory_space<vmem>>) dst(%dma_wait3A_243 : memref<80x128xf32, #tpu.memory_space<hbm>>)
    %add3A_247 = arith.constant 160 : i32
    %add3A_248 = arith.addi %mul3A_5, %add3A_247 : i32
    "tpu.region"() ({
      %run_scoped3A = tpu.sem_alloc : memref<!tpu.dma_semaphore, #tpu.memory_space<semaphore_mem>>
      %dma_start3A_432 = arith.constant 0 : i32
      %dma_start3A_433 = arith.constant 0 : i32
      %dma_start3A_434 = tpu.memref_slice %arg13[%dma_start3A_432, %dma_start3A_433] : memref<80x128xf32, #tpu.memory_space<vmem>> -> memref<80x128xf32, #tpu.memory_space<vmem>>
      %dma_start3A_435 = arith.constant 0 : i32
      %dma_start3A_436 = tpu.memref_slice %arg16[%add3A_248, %dma_start3A_435] : memref<10016x128xf32, #tpu.memory_space<vmem_shared>> -> memref<80x128xf32, #tpu.memory_space<vmem_shared>>
      %dma_start3A_437 = arith.constant 0 : i32
      %dma_start3A_438 = arith.constant 0 : i32
      %dma_start3A_439 = tpu.memref_slice %arg13[%dma_start3A_437, %dma_start3A_438] : memref<80x128xf32, #tpu.memory_space<vmem>> -> memref<80x128xf32, #tpu.memory_space<vmem>>
      %dma_start3A_440 = arith.constant 0 : i32
      %dma_start3A_441 = tpu.memref_slice %arg16[%add3A_248, %dma_start3A_440] : memref<10016x128xf32, #tpu.memory_space<vmem_shared>> -> memref<80x128xf32, #tpu.memory_space<vmem_shared>>
      tpu.enqueue_dma source(%dma_start3A_441 : memref<80x128xf32, #tpu.memory_space<vmem_shared>>) target(%dma_start3A_439 : memref<80x128xf32, #tpu.memory_space<vmem>>) target_semaphore(%run_scoped3A : memref<!tpu.dma_semaphore, #tpu.memory_space<semaphore_mem>>)
      %dma_wait3A_442 = arith.constant 0 : i32
      %dma_wait3A_443 = arith.constant 0 : i32
      %dma_wait3A_444 = tpu.memref_slice %arg13[%dma_wait3A_442, %dma_wait3A_443] : memref<80x128xf32, #tpu.memory_space<vmem>> -> memref<80x128xf32, #tpu.memory_space<vmem>>
      %dma_wait3A_445 = arith.constant 0 : i32
      %dma_wait3A_446 = tpu.memref_slice %arg16[%add3A_248, %dma_wait3A_445] : memref<10016x128xf32, #tpu.memory_space<vmem_shared>> -> memref<80x128xf32, #tpu.memory_space<vmem_shared>>
      %dma_wait3A_447 = arith.constant 0 : i32
      %dma_wait3A_448 = arith.constant 0 : i32
      %dma_wait3A_449 = tpu.memref_slice %arg13[%dma_wait3A_447, %dma_wait3A_448] : memref<80x128xf32, #tpu.memory_space<vmem>> -> memref<80x128xf32, #tpu.memory_space<vmem>>
      %dma_wait3A_450 = arith.constant 0 : i32
      %dma_wait3A_451 = tpu.memref_slice %arg16[%add3A_248, %dma_wait3A_450] : memref<10016x128xf32, #tpu.memory_space<vmem_shared>> -> memref<80x128xf32, #tpu.memory_space<vmem_shared>>
      tpu.wait_dma2 semaphore(%run_scoped3A : memref<!tpu.dma_semaphore, #tpu.memory_space<semaphore_mem>>) src(%dma_wait3A_451 : memref<80x128xf32, #tpu.memory_space<vmem_shared>>) dst(%dma_wait3A_449 : memref<80x128xf32, #tpu.memory_space<vmem>>)
      tpu.yield
    }) : () -> ()
    %add3A_249 = arith.constant 160 : i32
    %add3A_250 = arith.addi %mul3A_5, %add3A_249 : i32
    %dma_start3A_251 = arith.constant 0 : i32
    %dma_start3A_252 = arith.constant 0 : i32
    %dma_start3A_253 = tpu.memref_slice %arg13[%dma_start3A_251, %dma_start3A_252] : memref<80x128xf32, #tpu.memory_space<vmem>> -> memref<80x128xf32, #tpu.memory_space<vmem>>
    %dma_start3A_254 = arith.constant 0 : i32
    %dma_start3A_255 = tpu.memref_slice %arg5[%arg0, %add3A_250, %dma_start3A_254] : memref<2x10000x128xf32, #tpu.memory_space<hbm>> -> memref<1x80x128xf32, #tpu.memory_space<hbm>>
    %dma_start3A_256 = tpu.memref_squeeze %dma_start3A_255 : memref<1x80x128xf32, #tpu.memory_space<hbm>> -> memref<80x128xf32, #tpu.memory_space<hbm>>
    %dma_start3A_257 = arith.constant 0 : i32
    %dma_start3A_258 = tpu.memref_slice %arg5[%arg0, %add3A_250, %dma_start3A_257] : memref<2x10000x128xf32, #tpu.memory_space<hbm>> -> memref<1x80x128xf32, #tpu.memory_space<hbm>>
    %dma_start3A_259 = tpu.memref_squeeze %dma_start3A_258 : memref<1x80x128xf32, #tpu.memory_space<hbm>> -> memref<80x128xf32, #tpu.memory_space<hbm>>
    %dma_start3A_260 = arith.constant 0 : i32
    %dma_start3A_261 = arith.constant 0 : i32
    %dma_start3A_262 = tpu.memref_slice %arg13[%dma_start3A_260, %dma_start3A_261] : memref<80x128xf32, #tpu.memory_space<vmem>> -> memref<80x128xf32, #tpu.memory_space<vmem>>
    tpu.enqueue_dma source(%dma_start3A_262 : memref<80x128xf32, #tpu.memory_space<vmem>>) target(%dma_start3A_259 : memref<80x128xf32, #tpu.memory_space<hbm>>) target_semaphore(%arg18 : memref<!tpu.dma_semaphore, #tpu.memory_space<semaphore_mem>>)
    %dma_wait3A_263 = arith.constant 0 : i32
    %dma_wait3A_264 = arith.constant 0 : i32
    %dma_wait3A_265 = tpu.memref_slice %arg14[%dma_wait3A_263, %dma_wait3A_264] : memref<80x128xf32, #tpu.memory_space<vmem>> -> memref<80x128xf32, #tpu.memory_space<vmem>>
    %dma_wait3A_266 = arith.constant 0 : i32
    %dma_wait3A_267 = tpu.memref_slice %arg5[%arg0, %add3A_222, %dma_wait3A_266] : memref<2x10000x128xf32, #tpu.memory_space<hbm>> -> memref<1x80x128xf32, #tpu.memory_space<hbm>>
    %dma_wait3A_268 = tpu.memref_squeeze %dma_wait3A_267 : memref<1x80x128xf32, #tpu.memory_space<hbm>> -> memref<80x128xf32, #tpu.memory_space<hbm>>
    %dma_wait3A_269 = arith.constant 0 : i32
    %dma_wait3A_270 = tpu.memref_slice %arg5[%arg0, %add3A_222, %dma_wait3A_269] : memref<2x10000x128xf32, #tpu.memory_space<hbm>> -> memref<1x80x128xf32, #tpu.memory_space<hbm>>
    %dma_wait3A_271 = tpu.memref_squeeze %dma_wait3A_270 : memref<1x80x128xf32, #tpu.memory_space<hbm>> -> memref<80x128xf32, #tpu.memory_space<hbm>>
    %dma_wait3A_272 = arith.constant 0 : i32
    %dma_wait3A_273 = arith.constant 0 : i32
    %dma_wait3A_274 = tpu.memref_slice %arg14[%dma_wait3A_272, %dma_wait3A_273] : memref<80x128xf32, #tpu.memory_space<vmem>> -> memref<80x128xf32, #tpu.memory_space<vmem>>
    tpu.wait_dma2 semaphore(%arg19 : memref<!tpu.dma_semaphore, #tpu.memory_space<semaphore_mem>>) src(%dma_wait3A_274 : memref<80x128xf32, #tpu.memory_space<vmem>>) dst(%dma_wait3A_271 : memref<80x128xf32, #tpu.memory_space<hbm>>)
    %add3A_275 = arith.constant 240 : i32
    %add3A_276 = arith.addi %mul3A_5, %add3A_275 : i32
    "tpu.region"() ({
      %run_scoped3A = tpu.sem_alloc : memref<!tpu.dma_semaphore, #tpu.memory_space<semaphore_mem>>
      %dma_start3A_432 = arith.constant 0 : i32
      %dma_start3A_433 = arith.constant 0 : i32
      %dma_start3A_434 = tpu.memref_slice %arg14[%dma_start3A_432, %dma_start3A_433] : memref<80x128xf32, #tpu.memory_space<vmem>> -> memref<80x128xf32, #tpu.memory_space<vmem>>
      %dma_start3A_435 = arith.constant 0 : i32
      %dma_start3A_436 = tpu.memref_slice %arg16[%add3A_276, %dma_start3A_435] : memref<10016x128xf32, #tpu.memory_space<vmem_shared>> -> memref<80x128xf32, #tpu.memory_space<vmem_shared>>
      %dma_start3A_437 = arith.constant 0 : i32
      %dma_start3A_438 = arith.constant 0 : i32
      %dma_start3A_439 = tpu.memref_slice %arg14[%dma_start3A_437, %dma_start3A_438] : memref<80x128xf32, #tpu.memory_space<vmem>> -> memref<80x128xf32, #tpu.memory_space<vmem>>
      %dma_start3A_440 = arith.constant 0 : i32
      %dma_start3A_441 = tpu.memref_slice %arg16[%add3A_276, %dma_start3A_440] : memref<10016x128xf32, #tpu.memory_space<vmem_shared>> -> memref<80x128xf32, #tpu.memory_space<vmem_shared>>
      tpu.enqueue_dma source(%dma_start3A_441 : memref<80x128xf32, #tpu.memory_space<vmem_shared>>) target(%dma_start3A_439 : memref<80x128xf32, #tpu.memory_space<vmem>>) target_semaphore(%run_scoped3A : memref<!tpu.dma_semaphore, #tpu.memory_space<semaphore_mem>>)
      %dma_wait3A_442 = arith.constant 0 : i32
      %dma_wait3A_443 = arith.constant 0 : i32
      %dma_wait3A_444 = tpu.memref_slice %arg14[%dma_wait3A_442, %dma_wait3A_443] : memref<80x128xf32, #tpu.memory_space<vmem>> -> memref<80x128xf32, #tpu.memory_space<vmem>>
      %dma_wait3A_445 = arith.constant 0 : i32
      %dma_wait3A_446 = tpu.memref_slice %arg16[%add3A_276, %dma_wait3A_445] : memref<10016x128xf32, #tpu.memory_space<vmem_shared>> -> memref<80x128xf32, #tpu.memory_space<vmem_shared>>
      %dma_wait3A_447 = arith.constant 0 : i32
      %dma_wait3A_448 = arith.constant 0 : i32
      %dma_wait3A_449 = tpu.memref_slice %arg14[%dma_wait3A_447, %dma_wait3A_448] : memref<80x128xf32, #tpu.memory_space<vmem>> -> memref<80x128xf32, #tpu.memory_space<vmem>>
      %dma_wait3A_450 = arith.constant 0 : i32
      %dma_wait3A_451 = tpu.memref_slice %arg16[%add3A_276, %dma_wait3A_450] : memref<10016x128xf32, #tpu.memory_space<vmem_shared>> -> memref<80x128xf32, #tpu.memory_space<vmem_shared>>
      tpu.wait_dma2 semaphore(%run_scoped3A : memref<!tpu.dma_semaphore, #tpu.memory_space<semaphore_mem>>) src(%dma_wait3A_451 : memref<80x128xf32, #tpu.memory_space<vmem_shared>>) dst(%dma_wait3A_449 : memref<80x128xf32, #tpu.memory_space<vmem>>)
      tpu.yield
    }) : () -> ()
    %add3A_277 = arith.constant 240 : i32
    %add3A_278 = arith.addi %mul3A_5, %add3A_277 : i32
    %dma_start3A_279 = arith.constant 0 : i32
    %dma_start3A_280 = arith.constant 0 : i32
    %dma_start3A_281 = tpu.memref_slice %arg14[%dma_start3A_279, %dma_start3A_280] : memref<80x128xf32, #tpu.memory_space<vmem>> -> memref<80x128xf32, #tpu.memory_space<vmem>>
    %dma_start3A_282 = arith.constant 0 : i32
    %dma_start3A_283 = tpu.memref_slice %arg5[%arg0, %add3A_278, %dma_start3A_282] : memref<2x10000x128xf32, #tpu.memory_space<hbm>> -> memref<1x80x128xf32, #tpu.memory_space<hbm>>
    %dma_start3A_284 = tpu.memref_squeeze %dma_start3A_283 : memref<1x80x128xf32, #tpu.memory_space<hbm>> -> memref<80x128xf32, #tpu.memory_space<hbm>>
    %dma_start3A_285 = arith.constant 0 : i32
    %dma_start3A_286 = tpu.memref_slice %arg5[%arg0, %add3A_278, %dma_start3A_285] : memref<2x10000x128xf32, #tpu.memory_space<hbm>> -> memref<1x80x128xf32, #tpu.memory_space<hbm>>
    %dma_start3A_287 = tpu.memref_squeeze %dma_start3A_286 : memref<1x80x128xf32, #tpu.memory_space<hbm>> -> memref<80x128xf32, #tpu.memory_space<hbm>>
    %dma_start3A_288 = arith.constant 0 : i32
    %dma_start3A_289 = arith.constant 0 : i32
    %dma_start3A_290 = tpu.memref_slice %arg14[%dma_start3A_288, %dma_start3A_289] : memref<80x128xf32, #tpu.memory_space<vmem>> -> memref<80x128xf32, #tpu.memory_space<vmem>>
    tpu.enqueue_dma source(%dma_start3A_290 : memref<80x128xf32, #tpu.memory_space<vmem>>) target(%dma_start3A_287 : memref<80x128xf32, #tpu.memory_space<hbm>>) target_semaphore(%arg19 : memref<!tpu.dma_semaphore, #tpu.memory_space<semaphore_mem>>)
    %dma_wait3A_291 = arith.constant 0 : i32
    %dma_wait3A_292 = arith.constant 0 : i32
    %dma_wait3A_293 = tpu.memref_slice %arg13[%dma_wait3A_291, %dma_wait3A_292] : memref<80x128xf32, #tpu.memory_space<vmem>> -> memref<80x128xf32, #tpu.memory_space<vmem>>
    %dma_wait3A_294 = arith.constant 0 : i32
    %dma_wait3A_295 = tpu.memref_slice %arg5[%arg0, %add3A_250, %dma_wait3A_294] : memref<2x10000x128xf32, #tpu.memory_space<hbm>> -> memref<1x80x128xf32, #tpu.memory_space<hbm>>
    %dma_wait3A_296 = tpu.memref_squeeze %dma_wait3A_295 : memref<1x80x128xf32, #tpu.memory_space<hbm>> -> memref<80x128xf32, #tpu.memory_space<hbm>>
    %dma_wait3A_297 = arith.constant 0 : i32
    %dma_wait3A_298 = tpu.memref_slice %arg5[%arg0, %add3A_250, %dma_wait3A_297] : memref<2x10000x128xf32, #tpu.memory_space<hbm>> -> memref<1x80x128xf32, #tpu.memory_space<hbm>>
    %dma_wait3A_299 = tpu.memref_squeeze %dma_wait3A_298 : memref<1x80x128xf32, #tpu.memory_space<hbm>> -> memref<80x128xf32, #tpu.memory_space<hbm>>
    %dma_wait3A_300 = arith.constant 0 : i32
    %dma_wait3A_301 = arith.constant 0 : i32
    %dma_wait3A_302 = tpu.memref_slice %arg13[%dma_wait3A_300, %dma_wait3A_301] : memref<80x128xf32, #tpu.memory_space<vmem>> -> memref<80x128xf32, #tpu.memory_space<vmem>>
    tpu.wait_dma2 semaphore(%arg18 : memref<!tpu.dma_semaphore, #tpu.memory_space<semaphore_mem>>) src(%dma_wait3A_302 : memref<80x128xf32, #tpu.memory_space<vmem>>) dst(%dma_wait3A_299 : memref<80x128xf32, #tpu.memory_space<hbm>>)
    %add3A_303 = arith.constant 320 : i32
    %add3A_304 = arith.addi %mul3A_5, %add3A_303 : i32
    "tpu.region"() ({
      %run_scoped3A = tpu.sem_alloc : memref<!tpu.dma_semaphore, #tpu.memory_space<semaphore_mem>>
      %dma_start3A_432 = arith.constant 0 : i32
      %dma_start3A_433 = arith.constant 0 : i32
      %dma_start3A_434 = tpu.memref_slice %arg13[%dma_start3A_432, %dma_start3A_433] : memref<80x128xf32, #tpu.memory_space<vmem>> -> memref<80x128xf32, #tpu.memory_space<vmem>>
      %dma_start3A_435 = arith.constant 0 : i32
      %dma_start3A_436 = tpu.memref_slice %arg16[%add3A_304, %dma_start3A_435] : memref<10016x128xf32, #tpu.memory_space<vmem_shared>> -> memref<80x128xf32, #tpu.memory_space<vmem_shared>>
      %dma_start3A_437 = arith.constant 0 : i32
      %dma_start3A_438 = arith.constant 0 : i32
      %dma_start3A_439 = tpu.memref_slice %arg13[%dma_start3A_437, %dma_start3A_438] : memref<80x128xf32, #tpu.memory_space<vmem>> -> memref<80x128xf32, #tpu.memory_space<vmem>>
      %dma_start3A_440 = arith.constant 0 : i32
      %dma_start3A_441 = tpu.memref_slice %arg16[%add3A_304, %dma_start3A_440] : memref<10016x128xf32, #tpu.memory_space<vmem_shared>> -> memref<80x128xf32, #tpu.memory_space<vmem_shared>>
      tpu.enqueue_dma source(%dma_start3A_441 : memref<80x128xf32, #tpu.memory_space<vmem_shared>>) target(%dma_start3A_439 : memref<80x128xf32, #tpu.memory_space<vmem>>) target_semaphore(%run_scoped3A : memref<!tpu.dma_semaphore, #tpu.memory_space<semaphore_mem>>)
      %dma_wait3A_442 = arith.constant 0 : i32
      %dma_wait3A_443 = arith.constant 0 : i32
      %dma_wait3A_444 = tpu.memref_slice %arg13[%dma_wait3A_442, %dma_wait3A_443] : memref<80x128xf32, #tpu.memory_space<vmem>> -> memref<80x128xf32, #tpu.memory_space<vmem>>
      %dma_wait3A_445 = arith.constant 0 : i32
      %dma_wait3A_446 = tpu.memref_slice %arg16[%add3A_304, %dma_wait3A_445] : memref<10016x128xf32, #tpu.memory_space<vmem_shared>> -> memref<80x128xf32, #tpu.memory_space<vmem_shared>>
      %dma_wait3A_447 = arith.constant 0 : i32
      %dma_wait3A_448 = arith.constant 0 : i32
      %dma_wait3A_449 = tpu.memref_slice %arg13[%dma_wait3A_447, %dma_wait3A_448] : memref<80x128xf32, #tpu.memory_space<vmem>> -> memref<80x128xf32, #tpu.memory_space<vmem>>
      %dma_wait3A_450 = arith.constant 0 : i32
      %dma_wait3A_451 = tpu.memref_slice %arg16[%add3A_304, %dma_wait3A_450] : memref<10016x128xf32, #tpu.memory_space<vmem_shared>> -> memref<80x128xf32, #tpu.memory_space<vmem_shared>>
      tpu.wait_dma2 semaphore(%run_scoped3A : memref<!tpu.dma_semaphore, #tpu.memory_space<semaphore_mem>>) src(%dma_wait3A_451 : memref<80x128xf32, #tpu.memory_space<vmem_shared>>) dst(%dma_wait3A_449 : memref<80x128xf32, #tpu.memory_space<vmem>>)
      tpu.yield
    }) : () -> ()
    %add3A_305 = arith.constant 320 : i32
    %add3A_306 = arith.addi %mul3A_5, %add3A_305 : i32
    %dma_start3A_307 = arith.constant 0 : i32
    %dma_start3A_308 = arith.constant 0 : i32
    %dma_start3A_309 = tpu.memref_slice %arg13[%dma_start3A_307, %dma_start3A_308] : memref<80x128xf32, #tpu.memory_space<vmem>> -> memref<80x128xf32, #tpu.memory_space<vmem>>
    %dma_start3A_310 = arith.constant 0 : i32
    %dma_start3A_311 = tpu.memref_slice %arg5[%arg0, %add3A_306, %dma_start3A_310] : memref<2x10000x128xf32, #tpu.memory_space<hbm>> -> memref<1x80x128xf32, #tpu.memory_space<hbm>>
    %dma_start3A_312 = tpu.memref_squeeze %dma_start3A_311 : memref<1x80x128xf32, #tpu.memory_space<hbm>> -> memref<80x128xf32, #tpu.memory_space<hbm>>
    %dma_start3A_313 = arith.constant 0 : i32
    %dma_start3A_314 = tpu.memref_slice %arg5[%arg0, %add3A_306, %dma_start3A_313] : memref<2x10000x128xf32, #tpu.memory_space<hbm>> -> memref<1x80x128xf32, #tpu.memory_space<hbm>>
    %dma_start3A_315 = tpu.memref_squeeze %dma_start3A_314 : memref<1x80x128xf32, #tpu.memory_space<hbm>> -> memref<80x128xf32, #tpu.memory_space<hbm>>
    %dma_start3A_316 = arith.constant 0 : i32
    %dma_start3A_317 = arith.constant 0 : i32
    %dma_start3A_318 = tpu.memref_slice %arg13[%dma_start3A_316, %dma_start3A_317] : memref<80x128xf32, #tpu.memory_space<vmem>> -> memref<80x128xf32, #tpu.memory_space<vmem>>
    tpu.enqueue_dma source(%dma_start3A_318 : memref<80x128xf32, #tpu.memory_space<vmem>>) target(%dma_start3A_315 : memref<80x128xf32, #tpu.memory_space<hbm>>) target_semaphore(%arg18 : memref<!tpu.dma_semaphore, #tpu.memory_space<semaphore_mem>>)
    %dma_wait3A_319 = arith.constant 0 : i32
    %dma_wait3A_320 = arith.constant 0 : i32
    %dma_wait3A_321 = tpu.memref_slice %arg14[%dma_wait3A_319, %dma_wait3A_320] : memref<80x128xf32, #tpu.memory_space<vmem>> -> memref<80x128xf32, #tpu.memory_space<vmem>>
    %dma_wait3A_322 = arith.constant 0 : i32
    %dma_wait3A_323 = tpu.memref_slice %arg5[%arg0, %add3A_278, %dma_wait3A_322] : memref<2x10000x128xf32, #tpu.memory_space<hbm>> -> memref<1x80x128xf32, #tpu.memory_space<hbm>>
    %dma_wait3A_324 = tpu.memref_squeeze %dma_wait3A_323 : memref<1x80x128xf32, #tpu.memory_space<hbm>> -> memref<80x128xf32, #tpu.memory_space<hbm>>
    %dma_wait3A_325 = arith.constant 0 : i32
    %dma_wait3A_326 = tpu.memref_slice %arg5[%arg0, %add3A_278, %dma_wait3A_325] : memref<2x10000x128xf32, #tpu.memory_space<hbm>> -> memref<1x80x128xf32, #tpu.memory_space<hbm>>
    %dma_wait3A_327 = tpu.memref_squeeze %dma_wait3A_326 : memref<1x80x128xf32, #tpu.memory_space<hbm>> -> memref<80x128xf32, #tpu.memory_space<hbm>>
    %dma_wait3A_328 = arith.constant 0 : i32
    %dma_wait3A_329 = arith.constant 0 : i32
    %dma_wait3A_330 = tpu.memref_slice %arg14[%dma_wait3A_328, %dma_wait3A_329] : memref<80x128xf32, #tpu.memory_space<vmem>> -> memref<80x128xf32, #tpu.memory_space<vmem>>
    tpu.wait_dma2 semaphore(%arg19 : memref<!tpu.dma_semaphore, #tpu.memory_space<semaphore_mem>>) src(%dma_wait3A_330 : memref<80x128xf32, #tpu.memory_space<vmem>>) dst(%dma_wait3A_327 : memref<80x128xf32, #tpu.memory_space<hbm>>)
    %add3A_331 = arith.constant 400 : i32
    %add3A_332 = arith.addi %mul3A_5, %add3A_331 : i32
    "tpu.region"() ({
      %run_scoped3A = tpu.sem_alloc : memref<!tpu.dma_semaphore, #tpu.memory_space<semaphore_mem>>
      %dma_start3A_432 = arith.constant 0 : i32
      %dma_start3A_433 = arith.constant 0 : i32
      %dma_start3A_434 = tpu.memref_slice %arg14[%dma_start3A_432, %dma_start3A_433] : memref<80x128xf32, #tpu.memory_space<vmem>> -> memref<80x128xf32, #tpu.memory_space<vmem>>
      %dma_start3A_435 = arith.constant 0 : i32
      %dma_start3A_436 = tpu.memref_slice %arg16[%add3A_332, %dma_start3A_435] : memref<10016x128xf32, #tpu.memory_space<vmem_shared>> -> memref<80x128xf32, #tpu.memory_space<vmem_shared>>
      %dma_start3A_437 = arith.constant 0 : i32
      %dma_start3A_438 = arith.constant 0 : i32
      %dma_start3A_439 = tpu.memref_slice %arg14[%dma_start3A_437, %dma_start3A_438] : memref<80x128xf32, #tpu.memory_space<vmem>> -> memref<80x128xf32, #tpu.memory_space<vmem>>
      %dma_start3A_440 = arith.constant 0 : i32
      %dma_start3A_441 = tpu.memref_slice %arg16[%add3A_332, %dma_start3A_440] : memref<10016x128xf32, #tpu.memory_space<vmem_shared>> -> memref<80x128xf32, #tpu.memory_space<vmem_shared>>
      tpu.enqueue_dma source(%dma_start3A_441 : memref<80x128xf32, #tpu.memory_space<vmem_shared>>) target(%dma_start3A_439 : memref<80x128xf32, #tpu.memory_space<vmem>>) target_semaphore(%run_scoped3A : memref<!tpu.dma_semaphore, #tpu.memory_space<semaphore_mem>>)
      %dma_wait3A_442 = arith.constant 0 : i32
      %dma_wait3A_443 = arith.constant 0 : i32
      %dma_wait3A_444 = tpu.memref_slice %arg14[%dma_wait3A_442, %dma_wait3A_443] : memref<80x128xf32, #tpu.memory_space<vmem>> -> memref<80x128xf32, #tpu.memory_space<vmem>>
      %dma_wait3A_445 = arith.constant 0 : i32
      %dma_wait3A_446 = tpu.memref_slice %arg16[%add3A_332, %dma_wait3A_445] : memref<10016x128xf32, #tpu.memory_space<vmem_shared>> -> memref<80x128xf32, #tpu.memory_space<vmem_shared>>
      %dma_wait3A_447 = arith.constant 0 : i32
      %dma_wait3A_448 = arith.constant 0 : i32
      %dma_wait3A_449 = tpu.memref_slice %arg14[%dma_wait3A_447, %dma_wait3A_448] : memref<80x128xf32, #tpu.memory_space<vmem>> -> memref<80x128xf32, #tpu.memory_space<vmem>>
      %dma_wait3A_450 = arith.constant 0 : i32
      %dma_wait3A_451 = tpu.memref_slice %arg16[%add3A_332, %dma_wait3A_450] : memref<10016x128xf32, #tpu.memory_space<vmem_shared>> -> memref<80x128xf32, #tpu.memory_space<vmem_shared>>
      tpu.wait_dma2 semaphore(%run_scoped3A : memref<!tpu.dma_semaphore, #tpu.memory_space<semaphore_mem>>) src(%dma_wait3A_451 : memref<80x128xf32, #tpu.memory_space<vmem_shared>>) dst(%dma_wait3A_449 : memref<80x128xf32, #tpu.memory_space<vmem>>)
      tpu.yield
    }) : () -> ()
    %add3A_333 = arith.constant 400 : i32
    %add3A_334 = arith.addi %mul3A_5, %add3A_333 : i32
    %dma_start3A_335 = arith.constant 0 : i32
    %dma_start3A_336 = arith.constant 0 : i32
    %dma_start3A_337 = tpu.memref_slice %arg14[%dma_start3A_335, %dma_start3A_336] : memref<80x128xf32, #tpu.memory_space<vmem>> -> memref<80x128xf32, #tpu.memory_space<vmem>>
    %dma_start3A_338 = arith.constant 0 : i32
    %dma_start3A_339 = tpu.memref_slice %arg5[%arg0, %add3A_334, %dma_start3A_338] : memref<2x10000x128xf32, #tpu.memory_space<hbm>> -> memref<1x80x128xf32, #tpu.memory_space<hbm>>
    %dma_start3A_340 = tpu.memref_squeeze %dma_start3A_339 : memref<1x80x128xf32, #tpu.memory_space<hbm>> -> memref<80x128xf32, #tpu.memory_space<hbm>>
    %dma_start3A_341 = arith.constant 0 : i32
    %dma_start3A_342 = tpu.memref_slice %arg5[%arg0, %add3A_334, %dma_start3A_341] : memref<2x10000x128xf32, #tpu.memory_space<hbm>> -> memref<1x80x128xf32, #tpu.memory_space<hbm>>
    %dma_start3A_343 = tpu.memref_squeeze %dma_start3A_342 : memref<1x80x128xf32, #tpu.memory_space<hbm>> -> memref<80x128xf32, #tpu.memory_space<hbm>>
    %dma_start3A_344 = arith.constant 0 : i32
    %dma_start3A_345 = arith.constant 0 : i32
    %dma_start3A_346 = tpu.memref_slice %arg14[%dma_start3A_344, %dma_start3A_345] : memref<80x128xf32, #tpu.memory_space<vmem>> -> memref<80x128xf32, #tpu.memory_space<vmem>>
    tpu.enqueue_dma source(%dma_start3A_346 : memref<80x128xf32, #tpu.memory_space<vmem>>) target(%dma_start3A_343 : memref<80x128xf32, #tpu.memory_space<hbm>>) target_semaphore(%arg19 : memref<!tpu.dma_semaphore, #tpu.memory_space<semaphore_mem>>)
    %dma_wait3A_347 = arith.constant 0 : i32
    %dma_wait3A_348 = arith.constant 0 : i32
    %dma_wait3A_349 = tpu.memref_slice %arg13[%dma_wait3A_347, %dma_wait3A_348] : memref<80x128xf32, #tpu.memory_space<vmem>> -> memref<80x128xf32, #tpu.memory_space<vmem>>
    %dma_wait3A_350 = arith.constant 0 : i32
    %dma_wait3A_351 = tpu.memref_slice %arg5[%arg0, %add3A_306, %dma_wait3A_350] : memref<2x10000x128xf32, #tpu.memory_space<hbm>> -> memref<1x80x128xf32, #tpu.memory_space<hbm>>
    %dma_wait3A_352 = tpu.memref_squeeze %dma_wait3A_351 : memref<1x80x128xf32, #tpu.memory_space<hbm>> -> memref<80x128xf32, #tpu.memory_space<hbm>>
    %dma_wait3A_353 = arith.constant 0 : i32
    %dma_wait3A_354 = tpu.memref_slice %arg5[%arg0, %add3A_306, %dma_wait3A_353] : memref<2x10000x128xf32, #tpu.memory_space<hbm>> -> memref<1x80x128xf32, #tpu.memory_space<hbm>>
    %dma_wait3A_355 = tpu.memref_squeeze %dma_wait3A_354 : memref<1x80x128xf32, #tpu.memory_space<hbm>> -> memref<80x128xf32, #tpu.memory_space<hbm>>
    %dma_wait3A_356 = arith.constant 0 : i32
    %dma_wait3A_357 = arith.constant 0 : i32
    %dma_wait3A_358 = tpu.memref_slice %arg13[%dma_wait3A_356, %dma_wait3A_357] : memref<80x128xf32, #tpu.memory_space<vmem>> -> memref<80x128xf32, #tpu.memory_space<vmem>>
    tpu.wait_dma2 semaphore(%arg18 : memref<!tpu.dma_semaphore, #tpu.memory_space<semaphore_mem>>) src(%dma_wait3A_358 : memref<80x128xf32, #tpu.memory_space<vmem>>) dst(%dma_wait3A_355 : memref<80x128xf32, #tpu.memory_space<hbm>>)
    %add3A_359 = arith.constant 480 : i32
    %add3A_360 = arith.addi %mul3A_5, %add3A_359 : i32
    "tpu.region"() ({
      %run_scoped3A = tpu.sem_alloc : memref<!tpu.dma_semaphore, #tpu.memory_space<semaphore_mem>>
      %dma_start3A_432 = arith.constant 0 : i32
      %dma_start3A_433 = arith.constant 0 : i32
      %dma_start3A_434 = tpu.memref_slice %arg13[%dma_start3A_432, %dma_start3A_433] : memref<80x128xf32, #tpu.memory_space<vmem>> -> memref<80x128xf32, #tpu.memory_space<vmem>>
      %dma_start3A_435 = arith.constant 0 : i32
      %dma_start3A_436 = tpu.memref_slice %arg16[%add3A_360, %dma_start3A_435] : memref<10016x128xf32, #tpu.memory_space<vmem_shared>> -> memref<80x128xf32, #tpu.memory_space<vmem_shared>>
      %dma_start3A_437 = arith.constant 0 : i32
      %dma_start3A_438 = arith.constant 0 : i32
      %dma_start3A_439 = tpu.memref_slice %arg13[%dma_start3A_437, %dma_start3A_438] : memref<80x128xf32, #tpu.memory_space<vmem>> -> memref<80x128xf32, #tpu.memory_space<vmem>>
      %dma_start3A_440 = arith.constant 0 : i32
      %dma_start3A_441 = tpu.memref_slice %arg16[%add3A_360, %dma_start3A_440] : memref<10016x128xf32, #tpu.memory_space<vmem_shared>> -> memref<80x128xf32, #tpu.memory_space<vmem_shared>>
      tpu.enqueue_dma source(%dma_start3A_441 : memref<80x128xf32, #tpu.memory_space<vmem_shared>>) target(%dma_start3A_439 : memref<80x128xf32, #tpu.memory_space<vmem>>) target_semaphore(%run_scoped3A : memref<!tpu.dma_semaphore, #tpu.memory_space<semaphore_mem>>)
      %dma_wait3A_442 = arith.constant 0 : i32
      %dma_wait3A_443 = arith.constant 0 : i32
      %dma_wait3A_444 = tpu.memref_slice %arg13[%dma_wait3A_442, %dma_wait3A_443] : memref<80x128xf32, #tpu.memory_space<vmem>> -> memref<80x128xf32, #tpu.memory_space<vmem>>
      %dma_wait3A_445 = arith.constant 0 : i32
      %dma_wait3A_446 = tpu.memref_slice %arg16[%add3A_360, %dma_wait3A_445] : memref<10016x128xf32, #tpu.memory_space<vmem_shared>> -> memref<80x128xf32, #tpu.memory_space<vmem_shared>>
      %dma_wait3A_447 = arith.constant 0 : i32
      %dma_wait3A_448 = arith.constant 0 : i32
      %dma_wait3A_449 = tpu.memref_slice %arg13[%dma_wait3A_447, %dma_wait3A_448] : memref<80x128xf32, #tpu.memory_space<vmem>> -> memref<80x128xf32, #tpu.memory_space<vmem>>
      %dma_wait3A_450 = arith.constant 0 : i32
      %dma_wait3A_451 = tpu.memref_slice %arg16[%add3A_360, %dma_wait3A_450] : memref<10016x128xf32, #tpu.memory_space<vmem_shared>> -> memref<80x128xf32, #tpu.memory_space<vmem_shared>>
      tpu.wait_dma2 semaphore(%run_scoped3A : memref<!tpu.dma_semaphore, #tpu.memory_space<semaphore_mem>>) src(%dma_wait3A_451 : memref<80x128xf32, #tpu.memory_space<vmem_shared>>) dst(%dma_wait3A_449 : memref<80x128xf32, #tpu.memory_space<vmem>>)
      tpu.yield
    }) : () -> ()
    %add3A_361 = arith.constant 480 : i32
    %add3A_362 = arith.addi %mul3A_5, %add3A_361 : i32
    %dma_start3A_363 = arith.constant 0 : i32
    %dma_start3A_364 = arith.constant 0 : i32
    %dma_start3A_365 = tpu.memref_slice %arg13[%dma_start3A_363, %dma_start3A_364] : memref<80x128xf32, #tpu.memory_space<vmem>> -> memref<80x128xf32, #tpu.memory_space<vmem>>
    %dma_start3A_366 = arith.constant 0 : i32
    %dma_start3A_367 = tpu.memref_slice %arg5[%arg0, %add3A_362, %dma_start3A_366] : memref<2x10000x128xf32, #tpu.memory_space<hbm>> -> memref<1x80x128xf32, #tpu.memory_space<hbm>>
    %dma_start3A_368 = tpu.memref_squeeze %dma_start3A_367 : memref<1x80x128xf32, #tpu.memory_space<hbm>> -> memref<80x128xf32, #tpu.memory_space<hbm>>
    %dma_start3A_369 = arith.constant 0 : i32
    %dma_start3A_370 = tpu.memref_slice %arg5[%arg0, %add3A_362, %dma_start3A_369] : memref<2x10000x128xf32, #tpu.memory_space<hbm>> -> memref<1x80x128xf32, #tpu.memory_space<hbm>>
    %dma_start3A_371 = tpu.memref_squeeze %dma_start3A_370 : memref<1x80x128xf32, #tpu.memory_space<hbm>> -> memref<80x128xf32, #tpu.memory_space<hbm>>
    %dma_start3A_372 = arith.constant 0 : i32
    %dma_start3A_373 = arith.constant 0 : i32
    %dma_start3A_374 = tpu.memref_slice %arg13[%dma_start3A_372, %dma_start3A_373] : memref<80x128xf32, #tpu.memory_space<vmem>> -> memref<80x128xf32, #tpu.memory_space<vmem>>
    tpu.enqueue_dma source(%dma_start3A_374 : memref<80x128xf32, #tpu.memory_space<vmem>>) target(%dma_start3A_371 : memref<80x128xf32, #tpu.memory_space<hbm>>) target_semaphore(%arg18 : memref<!tpu.dma_semaphore, #tpu.memory_space<semaphore_mem>>)
    %dma_wait3A_375 = arith.constant 0 : i32
    %dma_wait3A_376 = arith.constant 0 : i32
    %dma_wait3A_377 = tpu.memref_slice %arg14[%dma_wait3A_375, %dma_wait3A_376] : memref<80x128xf32, #tpu.memory_space<vmem>> -> memref<80x128xf32, #tpu.memory_space<vmem>>
    %dma_wait3A_378 = arith.constant 0 : i32
    %dma_wait3A_379 = tpu.memref_slice %arg5[%arg0, %add3A_334, %dma_wait3A_378] : memref<2x10000x128xf32, #tpu.memory_space<hbm>> -> memref<1x80x128xf32, #tpu.memory_space<hbm>>
    %dma_wait3A_380 = tpu.memref_squeeze %dma_wait3A_379 : memref<1x80x128xf32, #tpu.memory_space<hbm>> -> memref<80x128xf32, #tpu.memory_space<hbm>>
    %dma_wait3A_381 = arith.constant 0 : i32
    %dma_wait3A_382 = tpu.memref_slice %arg5[%arg0, %add3A_334, %dma_wait3A_381] : memref<2x10000x128xf32, #tpu.memory_space<hbm>> -> memref<1x80x128xf32, #tpu.memory_space<hbm>>
    %dma_wait3A_383 = tpu.memref_squeeze %dma_wait3A_382 : memref<1x80x128xf32, #tpu.memory_space<hbm>> -> memref<80x128xf32, #tpu.memory_space<hbm>>
    %dma_wait3A_384 = arith.constant 0 : i32
    %dma_wait3A_385 = arith.constant 0 : i32
    %dma_wait3A_386 = tpu.memref_slice %arg14[%dma_wait3A_384, %dma_wait3A_385] : memref<80x128xf32, #tpu.memory_space<vmem>> -> memref<80x128xf32, #tpu.memory_space<vmem>>
    tpu.wait_dma2 semaphore(%arg19 : memref<!tpu.dma_semaphore, #tpu.memory_space<semaphore_mem>>) src(%dma_wait3A_386 : memref<80x128xf32, #tpu.memory_space<vmem>>) dst(%dma_wait3A_383 : memref<80x128xf32, #tpu.memory_space<hbm>>)
    %add3A_387 = arith.constant 560 : i32
    %add3A_388 = arith.addi %mul3A_5, %add3A_387 : i32
    "tpu.region"() ({
      %run_scoped3A = tpu.sem_alloc : memref<!tpu.dma_semaphore, #tpu.memory_space<semaphore_mem>>
      %dma_start3A_432 = arith.constant 0 : i32
      %dma_start3A_433 = arith.constant 0 : i32
      %dma_start3A_434 = tpu.memref_slice %arg14[%dma_start3A_432, %dma_start3A_433] : memref<80x128xf32, #tpu.memory_space<vmem>> -> memref<64x128xf32, #tpu.memory_space<vmem>>
      %dma_start3A_435 = arith.constant 0 : i32
      %dma_start3A_436 = tpu.memref_slice %arg16[%add3A_388, %dma_start3A_435] : memref<10016x128xf32, #tpu.memory_space<vmem_shared>> -> memref<64x128xf32, #tpu.memory_space<vmem_shared>>
      %dma_start3A_437 = arith.constant 0 : i32
      %dma_start3A_438 = arith.constant 0 : i32
      %dma_start3A_439 = tpu.memref_slice %arg14[%dma_start3A_437, %dma_start3A_438] : memref<80x128xf32, #tpu.memory_space<vmem>> -> memref<64x128xf32, #tpu.memory_space<vmem>>
      %dma_start3A_440 = arith.constant 0 : i32
      %dma_start3A_441 = tpu.memref_slice %arg16[%add3A_388, %dma_start3A_440] : memref<10016x128xf32, #tpu.memory_space<vmem_shared>> -> memref<64x128xf32, #tpu.memory_space<vmem_shared>>
      tpu.enqueue_dma source(%dma_start3A_441 : memref<64x128xf32, #tpu.memory_space<vmem_shared>>) target(%dma_start3A_439 : memref<64x128xf32, #tpu.memory_space<vmem>>) target_semaphore(%run_scoped3A : memref<!tpu.dma_semaphore, #tpu.memory_space<semaphore_mem>>)
      %dma_wait3A_442 = arith.constant 0 : i32
      %dma_wait3A_443 = arith.constant 0 : i32
      %dma_wait3A_444 = tpu.memref_slice %arg14[%dma_wait3A_442, %dma_wait3A_443] : memref<80x128xf32, #tpu.memory_space<vmem>> -> memref<64x128xf32, #tpu.memory_space<vmem>>
      %dma_wait3A_445 = arith.constant 0 : i32
      %dma_wait3A_446 = tpu.memref_slice %arg16[%add3A_388, %dma_wait3A_445] : memref<10016x128xf32, #tpu.memory_space<vmem_shared>> -> memref<64x128xf32, #tpu.memory_space<vmem_shared>>
      %dma_wait3A_447 = arith.constant 0 : i32
      %dma_wait3A_448 = arith.constant 0 : i32
      %dma_wait3A_449 = tpu.memref_slice %arg14[%dma_wait3A_447, %dma_wait3A_448] : memref<80x128xf32, #tpu.memory_space<vmem>> -> memref<64x128xf32, #tpu.memory_space<vmem>>
      %dma_wait3A_450 = arith.constant 0 : i32
      %dma_wait3A_451 = tpu.memref_slice %arg16[%add3A_388, %dma_wait3A_450] : memref<10016x128xf32, #tpu.memory_space<vmem_shared>> -> memref<64x128xf32, #tpu.memory_space<vmem_shared>>
      tpu.wait_dma2 semaphore(%run_scoped3A : memref<!tpu.dma_semaphore, #tpu.memory_space<semaphore_mem>>) src(%dma_wait3A_451 : memref<64x128xf32, #tpu.memory_space<vmem_shared>>) dst(%dma_wait3A_449 : memref<64x128xf32, #tpu.memory_space<vmem>>)
      tpu.yield
    }) : () -> ()
    %add3A_389 = arith.constant 560 : i32
    %add3A_390 = arith.addi %mul3A_5, %add3A_389 : i32
    %dma_start3A_391 = arith.constant 0 : i32
    %dma_start3A_392 = arith.constant 0 : i32
    %dma_start3A_393 = tpu.memref_slice %arg14[%dma_start3A_391, %dma_start3A_392] : memref<80x128xf32, #tpu.memory_space<vmem>> -> memref<64x128xf32, #tpu.memory_space<vmem>>
    %dma_start3A_394 = arith.constant 0 : i32
    %dma_start3A_395 = tpu.memref_slice %arg5[%arg0, %add3A_390, %dma_start3A_394] : memref<2x10000x128xf32, #tpu.memory_space<hbm>> -> memref<1x64x128xf32, #tpu.memory_space<hbm>>
    %dma_start3A_396 = tpu.memref_squeeze %dma_start3A_395 : memref<1x64x128xf32, #tpu.memory_space<hbm>> -> memref<64x128xf32, #tpu.memory_space<hbm>>
    %dma_start3A_397 = arith.constant 0 : i32
    %dma_start3A_398 = tpu.memref_slice %arg5[%arg0, %add3A_390, %dma_start3A_397] : memref<2x10000x128xf32, #tpu.memory_space<hbm>> -> memref<1x64x128xf32, #tpu.memory_space<hbm>>
    %dma_start3A_399 = tpu.memref_squeeze %dma_start3A_398 : memref<1x64x128xf32, #tpu.memory_space<hbm>> -> memref<64x128xf32, #tpu.memory_space<hbm>>
    %dma_start3A_400 = arith.constant 0 : i32
    %dma_start3A_401 = arith.constant 0 : i32
    %dma_start3A_402 = tpu.memref_slice %arg14[%dma_start3A_400, %dma_start3A_401] : memref<80x128xf32, #tpu.memory_space<vmem>> -> memref<64x128xf32, #tpu.memory_space<vmem>>
    tpu.enqueue_dma source(%dma_start3A_402 : memref<64x128xf32, #tpu.memory_space<vmem>>) target(%dma_start3A_399 : memref<64x128xf32, #tpu.memory_space<hbm>>) target_semaphore(%arg19 : memref<!tpu.dma_semaphore, #tpu.memory_space<semaphore_mem>>)
    %dma_wait3A_403 = arith.constant 0 : i32
    %dma_wait3A_404 = arith.constant 0 : i32
    %dma_wait3A_405 = tpu.memref_slice %arg13[%dma_wait3A_403, %dma_wait3A_404] : memref<80x128xf32, #tpu.memory_space<vmem>> -> memref<80x128xf32, #tpu.memory_space<vmem>>
    %dma_wait3A_406 = arith.constant 0 : i32
    %dma_wait3A_407 = tpu.memref_slice %arg5[%arg0, %add3A_362, %dma_wait3A_406] : memref<2x10000x128xf32, #tpu.memory_space<hbm>> -> memref<1x80x128xf32, #tpu.memory_space<hbm>>
    %dma_wait3A_408 = tpu.memref_squeeze %dma_wait3A_407 : memref<1x80x128xf32, #tpu.memory_space<hbm>> -> memref<80x128xf32, #tpu.memory_space<hbm>>
    %dma_wait3A_409 = arith.constant 0 : i32
    %dma_wait3A_410 = tpu.memref_slice %arg5[%arg0, %add3A_362, %dma_wait3A_409] : memref<2x10000x128xf32, #tpu.memory_space<hbm>> -> memref<1x80x128xf32, #tpu.memory_space<hbm>>
    %dma_wait3A_411 = tpu.memref_squeeze %dma_wait3A_410 : memref<1x80x128xf32, #tpu.memory_space<hbm>> -> memref<80x128xf32, #tpu.memory_space<hbm>>
    %dma_wait3A_412 = arith.constant 0 : i32
    %dma_wait3A_413 = arith.constant 0 : i32
    %dma_wait3A_414 = tpu.memref_slice %arg13[%dma_wait3A_412, %dma_wait3A_413] : memref<80x128xf32, #tpu.memory_space<vmem>> -> memref<80x128xf32, #tpu.memory_space<vmem>>
    tpu.wait_dma2 semaphore(%arg18 : memref<!tpu.dma_semaphore, #tpu.memory_space<semaphore_mem>>) src(%dma_wait3A_414 : memref<80x128xf32, #tpu.memory_space<vmem>>) dst(%dma_wait3A_411 : memref<80x128xf32, #tpu.memory_space<hbm>>)
    %dma_wait3A_415 = arith.constant 0 : i32
    %dma_wait3A_416 = arith.constant 0 : i32
    %dma_wait3A_417 = tpu.memref_slice %arg14[%dma_wait3A_415, %dma_wait3A_416] : memref<80x128xf32, #tpu.memory_space<vmem>> -> memref<64x128xf32, #tpu.memory_space<vmem>>
    %dma_wait3A_418 = arith.constant 0 : i32
    %dma_wait3A_419 = tpu.memref_slice %arg5[%arg0, %add3A_390, %dma_wait3A_418] : memref<2x10000x128xf32, #tpu.memory_space<hbm>> -> memref<1x64x128xf32, #tpu.memory_space<hbm>>
    %dma_wait3A_420 = tpu.memref_squeeze %dma_wait3A_419 : memref<1x64x128xf32, #tpu.memory_space<hbm>> -> memref<64x128xf32, #tpu.memory_space<hbm>>
    %dma_wait3A_421 = arith.constant 0 : i32
    %dma_wait3A_422 = tpu.memref_slice %arg5[%arg0, %add3A_390, %dma_wait3A_421] : memref<2x10000x128xf32, #tpu.memory_space<hbm>> -> memref<1x64x128xf32, #tpu.memory_space<hbm>>
    %dma_wait3A_423 = tpu.memref_squeeze %dma_wait3A_422 : memref<1x64x128xf32, #tpu.memory_space<hbm>> -> memref<64x128xf32, #tpu.memory_space<hbm>>
    %dma_wait3A_424 = arith.constant 0 : i32
    %dma_wait3A_425 = arith.constant 0 : i32
    %dma_wait3A_426 = tpu.memref_slice %arg14[%dma_wait3A_424, %dma_wait3A_425] : memref<80x128xf32, #tpu.memory_space<vmem>> -> memref<64x128xf32, #tpu.memory_space<vmem>>
    tpu.wait_dma2 semaphore(%arg19 : memref<!tpu.dma_semaphore, #tpu.memory_space<semaphore_mem>>) src(%dma_wait3A_426 : memref<64x128xf32, #tpu.memory_space<vmem>>) dst(%dma_wait3A_423 : memref<64x128xf32, #tpu.memory_space<hbm>>)
    %eq3A_427 = arith.constant 15 : i32
    %eq3A_428 = arith.cmpi eq, %arg1, %eq3A_427 : i32
    %convert_element_type3A_429 = arith.extui %eq3A_428 : i1 to i32
    %cond3A_430 = arith.constant 0 : i32
    %cond3A_431 = arith.cmpi ne, %convert_element_type3A_429, %cond3A_430 : i32
    scf.if %cond3A_431 {
      "tpu.region"() ({
        %run_scoped3A = tpu.sem_alloc : memref<!tpu.dma_semaphore, #tpu.memory_space<semaphore_mem>>
        %dma_start3A_432 = arith.constant 0 : i32
        %dma_start3A_433 = arith.constant 0 : i32
        %dma_start3A_434 = tpu.memref_slice %arg13[%dma_start3A_432, %dma_start3A_433] : memref<80x128xf32, #tpu.memory_space<vmem>> -> memref<16x128xf32, #tpu.memory_space<vmem>>
        %dma_start3A_435 = arith.constant 9984 : i32
        %dma_start3A_436 = arith.constant 0 : i32
        %dma_start3A_437 = tpu.memref_slice %arg16[%dma_start3A_435, %dma_start3A_436] : memref<10016x128xf32, #tpu.memory_space<vmem_shared>> -> memref<16x128xf32, #tpu.memory_space<vmem_shared>>
        %dma_start3A_438 = arith.constant 0 : i32
        %dma_start3A_439 = arith.constant 0 : i32
        %dma_start3A_440 = tpu.memref_slice %arg13[%dma_start3A_438, %dma_start3A_439] : memref<80x128xf32, #tpu.memory_space<vmem>> -> memref<16x128xf32, #tpu.memory_space<vmem>>
        %dma_start3A_441 = arith.constant 9984 : i32
        %dma_start3A_442 = arith.constant 0 : i32
        %dma_start3A_443 = tpu.memref_slice %arg16[%dma_start3A_441, %dma_start3A_442] : memref<10016x128xf32, #tpu.memory_space<vmem_shared>> -> memref<16x128xf32, #tpu.memory_space<vmem_shared>>
        tpu.enqueue_dma source(%dma_start3A_443 : memref<16x128xf32, #tpu.memory_space<vmem_shared>>) target(%dma_start3A_440 : memref<16x128xf32, #tpu.memory_space<vmem>>) target_semaphore(%run_scoped3A : memref<!tpu.dma_semaphore, #tpu.memory_space<semaphore_mem>>)
        %dma_wait3A_444 = arith.constant 0 : i32
        %dma_wait3A_445 = arith.constant 0 : i32
        %dma_wait3A_446 = tpu.memref_slice %arg13[%dma_wait3A_444, %dma_wait3A_445] : memref<80x128xf32, #tpu.memory_space<vmem>> -> memref<16x128xf32, #tpu.memory_space<vmem>>
        %dma_wait3A_447 = arith.constant 9984 : i32
        %dma_wait3A_448 = arith.constant 0 : i32
        %dma_wait3A_449 = tpu.memref_slice %arg16[%dma_wait3A_447, %dma_wait3A_448] : memref<10016x128xf32, #tpu.memory_space<vmem_shared>> -> memref<16x128xf32, #tpu.memory_space<vmem_shared>>
        %dma_wait3A_450 = arith.constant 0 : i32
        %dma_wait3A_451 = arith.constant 0 : i32
        %dma_wait3A_452 = tpu.memref_slice %arg13[%dma_wait3A_450, %dma_wait3A_451] : memref<80x128xf32, #tpu.memory_space<vmem>> -> memref<16x128xf32, #tpu.memory_space<vmem>>
        %dma_wait3A_453 = arith.constant 9984 : i32
        %dma_wait3A_454 = arith.constant 0 : i32
        %dma_wait3A_455 = tpu.memref_slice %arg16[%dma_wait3A_453, %dma_wait3A_454] : memref<10016x128xf32, #tpu.memory_space<vmem_shared>> -> memref<16x128xf32, #tpu.memory_space<vmem_shared>>
        tpu.wait_dma2 semaphore(%run_scoped3A : memref<!tpu.dma_semaphore, #tpu.memory_space<semaphore_mem>>) src(%dma_wait3A_455 : memref<16x128xf32, #tpu.memory_space<vmem_shared>>) dst(%dma_wait3A_452 : memref<16x128xf32, #tpu.memory_space<vmem>>)
        tpu.yield
      }) : () -> ()
      "tpu.region"() ({
        %run_scoped3A = tpu.sem_alloc : memref<!tpu.dma_semaphore, #tpu.memory_space<semaphore_mem>>
        %dma_start3A_432 = arith.constant 0 : i32
        %dma_start3A_433 = arith.constant 0 : i32
        %dma_start3A_434 = tpu.memref_slice %arg13[%dma_start3A_432, %dma_start3A_433] : memref<80x128xf32, #tpu.memory_space<vmem>> -> memref<16x128xf32, #tpu.memory_space<vmem>>
        %dma_start3A_435 = arith.constant 9984 : i32
        %dma_start3A_436 = arith.constant 0 : i32
        %dma_start3A_437 = tpu.memref_slice %arg5[%arg0, %dma_start3A_435, %dma_start3A_436] : memref<2x10000x128xf32, #tpu.memory_space<hbm>> -> memref<1x16x128xf32, #tpu.memory_space<hbm>>
        %dma_start3A_438 = tpu.memref_squeeze %dma_start3A_437 : memref<1x16x128xf32, #tpu.memory_space<hbm>> -> memref<16x128xf32, #tpu.memory_space<hbm>>
        %dma_start3A_439 = arith.constant 9984 : i32
        %dma_start3A_440 = arith.constant 0 : i32
        %dma_start3A_441 = tpu.memref_slice %arg5[%arg0, %dma_start3A_439, %dma_start3A_440] : memref<2x10000x128xf32, #tpu.memory_space<hbm>> -> memref<1x16x128xf32, #tpu.memory_space<hbm>>
        %dma_start3A_442 = tpu.memref_squeeze %dma_start3A_441 : memref<1x16x128xf32, #tpu.memory_space<hbm>> -> memref<16x128xf32, #tpu.memory_space<hbm>>
        %dma_start3A_443 = arith.constant 0 : i32
        %dma_start3A_444 = arith.constant 0 : i32
        %dma_start3A_445 = tpu.memref_slice %arg13[%dma_start3A_443, %dma_start3A_444] : memref<80x128xf32, #tpu.memory_space<vmem>> -> memref<16x128xf32, #tpu.memory_space<vmem>>
        tpu.enqueue_dma source(%dma_start3A_445 : memref<16x128xf32, #tpu.memory_space<vmem>>) target(%dma_start3A_442 : memref<16x128xf32, #tpu.memory_space<hbm>>) target_semaphore(%run_scoped3A : memref<!tpu.dma_semaphore, #tpu.memory_space<semaphore_mem>>)
        %dma_wait3A_446 = arith.constant 0 : i32
        %dma_wait3A_447 = arith.constant 0 : i32
        %dma_wait3A_448 = tpu.memref_slice %arg13[%dma_wait3A_446, %dma_wait3A_447] : memref<80x128xf32, #tpu.memory_space<vmem>> -> memref<16x128xf32, #tpu.memory_space<vmem>>
        %dma_wait3A_449 = arith.constant 9984 : i32
        %dma_wait3A_450 = arith.constant 0 : i32
        %dma_wait3A_451 = tpu.memref_slice %arg5[%arg0, %dma_wait3A_449, %dma_wait3A_450] : memref<2x10000x128xf32, #tpu.memory_space<hbm>> -> memref<1x16x128xf32, #tpu.memory_space<hbm>>
        %dma_wait3A_452 = tpu.memref_squeeze %dma_wait3A_451 : memref<1x16x128xf32, #tpu.memory_space<hbm>> -> memref<16x128xf32, #tpu.memory_space<hbm>>
        %dma_wait3A_453 = arith.constant 9984 : i32
        %dma_wait3A_454 = arith.constant 0 : i32
        %dma_wait3A_455 = tpu.memref_slice %arg5[%arg0, %dma_wait3A_453, %dma_wait3A_454] : memref<2x10000x128xf32, #tpu.memory_space<hbm>> -> memref<1x16x128xf32, #tpu.memory_space<hbm>>
        %dma_wait3A_456 = tpu.memref_squeeze %dma_wait3A_455 : memref<1x16x128xf32, #tpu.memory_space<hbm>> -> memref<16x128xf32, #tpu.memory_space<hbm>>
        %dma_wait3A_457 = arith.constant 0 : i32
        %dma_wait3A_458 = arith.constant 0 : i32
        %dma_wait3A_459 = tpu.memref_slice %arg13[%dma_wait3A_457, %dma_wait3A_458] : memref<80x128xf32, #tpu.memory_space<vmem>> -> memref<16x128xf32, #tpu.memory_space<vmem>>
        tpu.wait_dma2 semaphore(%run_scoped3A : memref<!tpu.dma_semaphore, #tpu.memory_space<semaphore_mem>>) src(%dma_wait3A_459 : memref<16x128xf32, #tpu.memory_space<vmem>>) dst(%dma_wait3A_456 : memref<16x128xf32, #tpu.memory_space<hbm>>)
        tpu.yield
      }) : () -> ()
    } else {
    }
    return
  }
}

#map = affine_map<(d0, d1) -> (0, 0)>
#map1 = affine_map<(d0, d1) -> (0)>
#map2 = affine_map<(d0, d1) -> (0, 0, 0)>
module attributes {stable_mosaic.version = 14 : i64} {
  func.func @_sc_agg_body(%arg0: i32, %arg1: i32, %arg2: memref<40000x128xf32, #tpu.memory_space<hbm>>, %arg3: memref<322560xi32, #tpu.memory_space<hbm>>, %arg4: memref<80x128xf32, #tpu.memory_space<hbm>>, %arg5: memref<2x10000x128xf32, #tpu.memory_space<hbm>>, %arg6: memref<10080xi32, #tpu.memory_space<vmem>>, %arg7: memref<80xi32, #tpu.memory_space<vmem>>, %arg8: memref<80xi32, #tpu.memory_space<vmem>>, %arg9: memref<80xi32, #tpu.memory_space<vmem>>, %arg10: memref<80xi32, #tpu.memory_space<vmem>>, %arg11: memref<80xi32, #tpu.memory_space<vmem>>, %arg12: memref<80xi32, #tpu.memory_space<vmem>>, %arg13: memref<80x128xf32, #tpu.memory_space<vmem>>, %arg14: memref<80x128xf32, #tpu.memory_space<vmem>>, %arg15: memref<80x128xf32, #tpu.memory_space<vmem>>, %arg16: memref<10016x128xf32, #tpu.memory_space<vmem_shared>>, %arg17: memref<!tpu.dma_semaphore, #tpu.memory_space<semaphore_mem>>, %arg18: memref<!tpu.dma_semaphore, #tpu.memory_space<semaphore_mem>>, %arg19: memref<!tpu.dma_semaphore, #tpu.memory_space<semaphore_mem>>, %arg20: memref<!tpu.dma_semaphore, #tpu.memory_space<semaphore_mem>>) attributes {dimension_semantics = [#tpu.dimension_semantics<core_parallel>, #tpu.dimension_semantics<subcore_parallel>], iteration_bounds = array<i64: 2, 16>, scalar_prefetch = 0 : i64, scratch_operands = 15 : i64, tpu.core_type = #tpu.core_type<sc_vector_subcore>, window_params = [{transform_indices = #map}, {transform_indices = #map1}, {transform_indices = #map}, {transform_indices = #map2}]} {
    %mul3A = arith.constant 2 : i32
    %mul3A_0 = arith.muli %arg1, %mul3A : i32
    %add3A = arith.addi %mul3A_0, %arg0 : i32
    %mul3A_1 = arith.constant 10080 : i32
    %mul3A_2 = arith.muli %add3A, %mul3A_1 : i32
    %dma_start3A = tpu.memref_slice %arg3[%mul3A_2] : memref<322560xi32, #tpu.memory_space<hbm>> -> memref<10080xi32, #tpu.memory_space<hbm>>
    %dma_start3A_3 = tpu.memref_slice %arg3[%mul3A_2] : memref<322560xi32, #tpu.memory_space<hbm>> -> memref<10080xi32, #tpu.memory_space<hbm>>
    tpu.enqueue_dma source(%dma_start3A_3 : memref<10080xi32, #tpu.memory_space<hbm>>) target(%arg6 : memref<10080xi32, #tpu.memory_space<vmem>>) target_semaphore(%arg17 : memref<!tpu.dma_semaphore, #tpu.memory_space<semaphore_mem>>)
    "tpu.region"() ({
      %run_scoped3A = tpu.sem_alloc : memref<!tpu.dma_semaphore, #tpu.memory_space<semaphore_mem>>
      tpu.enqueue_dma source(%arg4 : memref<80x128xf32, #tpu.memory_space<hbm>>) target(%arg13 : memref<80x128xf32, #tpu.memory_space<vmem>>) target_semaphore(%run_scoped3A : memref<!tpu.dma_semaphore, #tpu.memory_space<semaphore_mem>>)
      tpu.wait_dma2 semaphore(%run_scoped3A : memref<!tpu.dma_semaphore, #tpu.memory_space<semaphore_mem>>) src(%arg4 : memref<80x128xf32, #tpu.memory_space<hbm>>) dst(%arg13 : memref<80x128xf32, #tpu.memory_space<vmem>>)
      tpu.yield
    }) : () -> ()
    %mul3A_4 = arith.constant 624 : i32
    %mul3A_5 = arith.muli %arg1, %mul3A_4 : i32
    %add3A_6 = arith.constant 0 : i32
    %add3A_7 = arith.addi %mul3A_5, %add3A_6 : i32
    "tpu.region"() ({
      %run_scoped3A = tpu.sem_alloc : memref<!tpu.dma_semaphore, #tpu.memory_space<semaphore_mem>>
      %dma_start3A_432 = arith.constant 0 : i32
      %dma_start3A_433 = arith.constant 0 : i32
      %dma_start3A_434 = tpu.memref_slice %arg13[%dma_start3A_432, %dma_start3A_433] : memref<80x128xf32, #tpu.memory_space<vmem>> -> memref<80x128xf32, #tpu.memory_space<vmem>>
      %dma_start3A_435 = arith.constant 0 : i32
      %dma_start3A_436 = tpu.memref_slice %arg16[%add3A_7, %dma_start3A_435] : memref<10016x128xf32, #tpu.memory_space<vmem_shared>> -> memref<80x128xf32, #tpu.memory_space<vmem_shared>>
      %dma_start3A_437 = arith.constant 0 : i32
      %dma_start3A_438 = tpu.memref_slice %arg16[%add3A_7, %dma_start3A_437] : memref<10016x128xf32, #tpu.memory_space<vmem_shared>> -> memref<80x128xf32, #tpu.memory_space<vmem_shared>>
      %dma_start3A_439 = arith.constant 0 : i32
      %dma_start3A_440 = arith.constant 0 : i32
      %dma_start3A_441 = tpu.memref_slice %arg13[%dma_start3A_439, %dma_start3A_440] : memref<80x128xf32, #tpu.memory_space<vmem>> -> memref<80x128xf32, #tpu.memory_space<vmem>>
      tpu.enqueue_dma source(%dma_start3A_441 : memref<80x128xf32, #tpu.memory_space<vmem>>) target(%dma_start3A_438 : memref<80x128xf32, #tpu.memory_space<vmem_shared>>) target_semaphore(%run_scoped3A : memref<!tpu.dma_semaphore, #tpu.memory_space<semaphore_mem>>)
      %dma_wait3A_442 = arith.constant 0 : i32
      %dma_wait3A_443 = arith.constant 0 : i32
      %dma_wait3A_444 = tpu.memref_slice %arg13[%dma_wait3A_442, %dma_wait3A_443] : memref<80x128xf32, #tpu.memory_space<vmem>> -> memref<80x128xf32, #tpu.memory_space<vmem>>
      %dma_wait3A_445 = arith.constant 0 : i32
      %dma_wait3A_446 = tpu.memref_slice %arg16[%add3A_7, %dma_wait3A_445] : memref<10016x128xf32, #tpu.memory_space<vmem_shared>> -> memref<80x128xf32, #tpu.memory_space<vmem_shared>>
      %dma_wait3A_447 = arith.constant 0 : i32
      %dma_wait3A_448 = tpu.memref_slice %arg16[%add3A_7, %dma_wait3A_447] : memref<10016x128xf32, #tpu.memory_space<vmem_shared>> -> memref<80x128xf32, #tpu.memory_space<vmem_shared>>
      %dma_wait3A_449 = arith.constant 0 : i32
      %dma_wait3A_450 = arith.constant 0 : i32
      %dma_wait3A_451 = tpu.memref_slice %arg13[%dma_wait3A_449, %dma_wait3A_450] : memref<80x128xf32, #tpu.memory_space<vmem>> -> memref<80x128xf32, #tpu.memory_space<vmem>>
      tpu.wait_dma2 semaphore(%run_scoped3A : memref<!tpu.dma_semaphore, #tpu.memory_space<semaphore_mem>>) src(%dma_wait3A_451 : memref<80x128xf32, #tpu.memory_space<vmem>>) dst(%dma_wait3A_448 : memref<80x128xf32, #tpu.memory_space<vmem_shared>>)
      tpu.yield
    }) : () -> ()
    %add3A_8 = arith.constant 80 : i32
    %add3A_9 = arith.addi %mul3A_5, %add3A_8 : i32
    "tpu.region"() ({
      %run_scoped3A = tpu.sem_alloc : memref<!tpu.dma_semaphore, #tpu.memory_space<semaphore_mem>>
      %dma_start3A_432 = arith.constant 0 : i32
      %dma_start3A_433 = arith.constant 0 : i32
      %dma_start3A_434 = tpu.memref_slice %arg13[%dma_start3A_432, %dma_start3A_433] : memref<80x128xf32, #tpu.memory_space<vmem>> -> memref<80x128xf32, #tpu.memory_space<vmem>>
      %dma_start3A_435 = arith.constant 0 : i32
      %dma_start3A_436 = tpu.memref_slice %arg16[%add3A_9, %dma_start3A_435] : memref<10016x128xf32, #tpu.memory_space<vmem_shared>> -> memref<80x128xf32, #tpu.memory_space<vmem_shared>>
      %dma_start3A_437 = arith.constant 0 : i32
      %dma_start3A_438 = tpu.memref_slice %arg16[%add3A_9, %dma_start3A_437] : memref<10016x128xf32, #tpu.memory_space<vmem_shared>> -> memref<80x128xf32, #tpu.memory_space<vmem_shared>>
      %dma_start3A_439 = arith.constant 0 : i32
      %dma_start3A_440 = arith.constant 0 : i32
      %dma_start3A_441 = tpu.memref_slice %arg13[%dma_start3A_439, %dma_start3A_440] : memref<80x128xf32, #tpu.memory_space<vmem>> -> memref<80x128xf32, #tpu.memory_space<vmem>>
      tpu.enqueue_dma source(%dma_start3A_441 : memref<80x128xf32, #tpu.memory_space<vmem>>) target(%dma_start3A_438 : memref<80x128xf32, #tpu.memory_space<vmem_shared>>) target_semaphore(%run_scoped3A : memref<!tpu.dma_semaphore, #tpu.memory_space<semaphore_mem>>)
      %dma_wait3A_442 = arith.constant 0 : i32
      %dma_wait3A_443 = arith.constant 0 : i32
      %dma_wait3A_444 = tpu.memref_slice %arg13[%dma_wait3A_442, %dma_wait3A_443] : memref<80x128xf32, #tpu.memory_space<vmem>> -> memref<80x128xf32, #tpu.memory_space<vmem>>
      %dma_wait3A_445 = arith.constant 0 : i32
      %dma_wait3A_446 = tpu.memref_slice %arg16[%add3A_9, %dma_wait3A_445] : memref<10016x128xf32, #tpu.memory_space<vmem_shared>> -> memref<80x128xf32, #tpu.memory_space<vmem_shared>>
      %dma_wait3A_447 = arith.constant 0 : i32
      %dma_wait3A_448 = tpu.memref_slice %arg16[%add3A_9, %dma_wait3A_447] : memref<10016x128xf32, #tpu.memory_space<vmem_shared>> -> memref<80x128xf32, #tpu.memory_space<vmem_shared>>
      %dma_wait3A_449 = arith.constant 0 : i32
      %dma_wait3A_450 = arith.constant 0 : i32
      %dma_wait3A_451 = tpu.memref_slice %arg13[%dma_wait3A_449, %dma_wait3A_450] : memref<80x128xf32, #tpu.memory_space<vmem>> -> memref<80x128xf32, #tpu.memory_space<vmem>>
      tpu.wait_dma2 semaphore(%run_scoped3A : memref<!tpu.dma_semaphore, #tpu.memory_space<semaphore_mem>>) src(%dma_wait3A_451 : memref<80x128xf32, #tpu.memory_space<vmem>>) dst(%dma_wait3A_448 : memref<80x128xf32, #tpu.memory_space<vmem_shared>>)
      tpu.yield
    }) : () -> ()
    %add3A_10 = arith.constant 160 : i32
    %add3A_11 = arith.addi %mul3A_5, %add3A_10 : i32
    "tpu.region"() ({
      %run_scoped3A = tpu.sem_alloc : memref<!tpu.dma_semaphore, #tpu.memory_space<semaphore_mem>>
      %dma_start3A_432 = arith.constant 0 : i32
      %dma_start3A_433 = arith.constant 0 : i32
      %dma_start3A_434 = tpu.memref_slice %arg13[%dma_start3A_432, %dma_start3A_433] : memref<80x128xf32, #tpu.memory_space<vmem>> -> memref<80x128xf32, #tpu.memory_space<vmem>>
      %dma_start3A_435 = arith.constant 0 : i32
      %dma_start3A_436 = tpu.memref_slice %arg16[%add3A_11, %dma_start3A_435] : memref<10016x128xf32, #tpu.memory_space<vmem_shared>> -> memref<80x128xf32, #tpu.memory_space<vmem_shared>>
      %dma_start3A_437 = arith.constant 0 : i32
      %dma_start3A_438 = tpu.memref_slice %arg16[%add3A_11, %dma_start3A_437] : memref<10016x128xf32, #tpu.memory_space<vmem_shared>> -> memref<80x128xf32, #tpu.memory_space<vmem_shared>>
      %dma_start3A_439 = arith.constant 0 : i32
      %dma_start3A_440 = arith.constant 0 : i32
      %dma_start3A_441 = tpu.memref_slice %arg13[%dma_start3A_439, %dma_start3A_440] : memref<80x128xf32, #tpu.memory_space<vmem>> -> memref<80x128xf32, #tpu.memory_space<vmem>>
      tpu.enqueue_dma source(%dma_start3A_441 : memref<80x128xf32, #tpu.memory_space<vmem>>) target(%dma_start3A_438 : memref<80x128xf32, #tpu.memory_space<vmem_shared>>) target_semaphore(%run_scoped3A : memref<!tpu.dma_semaphore, #tpu.memory_space<semaphore_mem>>)
      %dma_wait3A_442 = arith.constant 0 : i32
      %dma_wait3A_443 = arith.constant 0 : i32
      %dma_wait3A_444 = tpu.memref_slice %arg13[%dma_wait3A_442, %dma_wait3A_443] : memref<80x128xf32, #tpu.memory_space<vmem>> -> memref<80x128xf32, #tpu.memory_space<vmem>>
      %dma_wait3A_445 = arith.constant 0 : i32
      %dma_wait3A_446 = tpu.memref_slice %arg16[%add3A_11, %dma_wait3A_445] : memref<10016x128xf32, #tpu.memory_space<vmem_shared>> -> memref<80x128xf32, #tpu.memory_space<vmem_shared>>
      %dma_wait3A_447 = arith.constant 0 : i32
      %dma_wait3A_448 = tpu.memref_slice %arg16[%add3A_11, %dma_wait3A_447] : memref<10016x128xf32, #tpu.memory_space<vmem_shared>> -> memref<80x128xf32, #tpu.memory_space<vmem_shared>>
      %dma_wait3A_449 = arith.constant 0 : i32
      %dma_wait3A_450 = arith.constant 0 : i32
      %dma_wait3A_451 = tpu.memref_slice %arg13[%dma_wait3A_449, %dma_wait3A_450] : memref<80x128xf32, #tpu.memory_space<vmem>> -> memref<80x128xf32, #tpu.memory_space<vmem>>
      tpu.wait_dma2 semaphore(%run_scoped3A : memref<!tpu.dma_semaphore, #tpu.memory_space<semaphore_mem>>) src(%dma_wait3A_451 : memref<80x128xf32, #tpu.memory_space<vmem>>) dst(%dma_wait3A_448 : memref<80x128xf32, #tpu.memory_space<vmem_shared>>)
      tpu.yield
    }) : () -> ()
    %add3A_12 = arith.constant 240 : i32
    %add3A_13 = arith.addi %mul3A_5, %add3A_12 : i32
    "tpu.region"() ({
      %run_scoped3A = tpu.sem_alloc : memref<!tpu.dma_semaphore, #tpu.memory_space<semaphore_mem>>
      %dma_start3A_432 = arith.constant 0 : i32
      %dma_start3A_433 = arith.constant 0 : i32
      %dma_start3A_434 = tpu.memref_slice %arg13[%dma_start3A_432, %dma_start3A_433] : memref<80x128xf32, #tpu.memory_space<vmem>> -> memref<80x128xf32, #tpu.memory_space<vmem>>
      %dma_start3A_435 = arith.constant 0 : i32
      %dma_start3A_436 = tpu.memref_slice %arg16[%add3A_13, %dma_start3A_435] : memref<10016x128xf32, #tpu.memory_space<vmem_shared>> -> memref<80x128xf32, #tpu.memory_space<vmem_shared>>
      %dma_start3A_437 = arith.constant 0 : i32
      %dma_start3A_438 = tpu.memref_slice %arg16[%add3A_13, %dma_start3A_437] : memref<10016x128xf32, #tpu.memory_space<vmem_shared>> -> memref<80x128xf32, #tpu.memory_space<vmem_shared>>
      %dma_start3A_439 = arith.constant 0 : i32
      %dma_start3A_440 = arith.constant 0 : i32
      %dma_start3A_441 = tpu.memref_slice %arg13[%dma_start3A_439, %dma_start3A_440] : memref<80x128xf32, #tpu.memory_space<vmem>> -> memref<80x128xf32, #tpu.memory_space<vmem>>
      tpu.enqueue_dma source(%dma_start3A_441 : memref<80x128xf32, #tpu.memory_space<vmem>>) target(%dma_start3A_438 : memref<80x128xf32, #tpu.memory_space<vmem_shared>>) target_semaphore(%run_scoped3A : memref<!tpu.dma_semaphore, #tpu.memory_space<semaphore_mem>>)
      %dma_wait3A_442 = arith.constant 0 : i32
      %dma_wait3A_443 = arith.constant 0 : i32
      %dma_wait3A_444 = tpu.memref_slice %arg13[%dma_wait3A_442, %dma_wait3A_443] : memref<80x128xf32, #tpu.memory_space<vmem>> -> memref<80x128xf32, #tpu.memory_space<vmem>>
      %dma_wait3A_445 = arith.constant 0 : i32
      %dma_wait3A_446 = tpu.memref_slice %arg16[%add3A_13, %dma_wait3A_445] : memref<10016x128xf32, #tpu.memory_space<vmem_shared>> -> memref<80x128xf32, #tpu.memory_space<vmem_shared>>
      %dma_wait3A_447 = arith.constant 0 : i32
      %dma_wait3A_448 = tpu.memref_slice %arg16[%add3A_13, %dma_wait3A_447] : memref<10016x128xf32, #tpu.memory_space<vmem_shared>> -> memref<80x128xf32, #tpu.memory_space<vmem_shared>>
      %dma_wait3A_449 = arith.constant 0 : i32
      %dma_wait3A_450 = arith.constant 0 : i32
      %dma_wait3A_451 = tpu.memref_slice %arg13[%dma_wait3A_449, %dma_wait3A_450] : memref<80x128xf32, #tpu.memory_space<vmem>> -> memref<80x128xf32, #tpu.memory_space<vmem>>
      tpu.wait_dma2 semaphore(%run_scoped3A : memref<!tpu.dma_semaphore, #tpu.memory_space<semaphore_mem>>) src(%dma_wait3A_451 : memref<80x128xf32, #tpu.memory_space<vmem>>) dst(%dma_wait3A_448 : memref<80x128xf32, #tpu.memory_space<vmem_shared>>)
      tpu.yield
    }) : () -> ()
    %add3A_14 = arith.constant 320 : i32
    %add3A_15 = arith.addi %mul3A_5, %add3A_14 : i32
    "tpu.region"() ({
      %run_scoped3A = tpu.sem_alloc : memref<!tpu.dma_semaphore, #tpu.memory_space<semaphore_mem>>
      %dma_start3A_432 = arith.constant 0 : i32
      %dma_start3A_433 = arith.constant 0 : i32
      %dma_start3A_434 = tpu.memref_slice %arg13[%dma_start3A_432, %dma_start3A_433] : memref<80x128xf32, #tpu.memory_space<vmem>> -> memref<80x128xf32, #tpu.memory_space<vmem>>
      %dma_start3A_435 = arith.constant 0 : i32
      %dma_start3A_436 = tpu.memref_slice %arg16[%add3A_15, %dma_start3A_435] : memref<10016x128xf32, #tpu.memory_space<vmem_shared>> -> memref<80x128xf32, #tpu.memory_space<vmem_shared>>
      %dma_start3A_437 = arith.constant 0 : i32
      %dma_start3A_438 = tpu.memref_slice %arg16[%add3A_15, %dma_start3A_437] : memref<10016x128xf32, #tpu.memory_space<vmem_shared>> -> memref<80x128xf32, #tpu.memory_space<vmem_shared>>
      %dma_start3A_439 = arith.constant 0 : i32
      %dma_start3A_440 = arith.constant 0 : i32
      %dma_start3A_441 = tpu.memref_slice %arg13[%dma_start3A_439, %dma_start3A_440] : memref<80x128xf32, #tpu.memory_space<vmem>> -> memref<80x128xf32, #tpu.memory_space<vmem>>
      tpu.enqueue_dma source(%dma_start3A_441 : memref<80x128xf32, #tpu.memory_space<vmem>>) target(%dma_start3A_438 : memref<80x128xf32, #tpu.memory_space<vmem_shared>>) target_semaphore(%run_scoped3A : memref<!tpu.dma_semaphore, #tpu.memory_space<semaphore_mem>>)
      %dma_wait3A_442 = arith.constant 0 : i32
      %dma_wait3A_443 = arith.constant 0 : i32
      %dma_wait3A_444 = tpu.memref_slice %arg13[%dma_wait3A_442, %dma_wait3A_443] : memref<80x128xf32, #tpu.memory_space<vmem>> -> memref<80x128xf32, #tpu.memory_space<vmem>>
      %dma_wait3A_445 = arith.constant 0 : i32
      %dma_wait3A_446 = tpu.memref_slice %arg16[%add3A_15, %dma_wait3A_445] : memref<10016x128xf32, #tpu.memory_space<vmem_shared>> -> memref<80x128xf32, #tpu.memory_space<vmem_shared>>
      %dma_wait3A_447 = arith.constant 0 : i32
      %dma_wait3A_448 = tpu.memref_slice %arg16[%add3A_15, %dma_wait3A_447] : memref<10016x128xf32, #tpu.memory_space<vmem_shared>> -> memref<80x128xf32, #tpu.memory_space<vmem_shared>>
      %dma_wait3A_449 = arith.constant 0 : i32
      %dma_wait3A_450 = arith.constant 0 : i32
      %dma_wait3A_451 = tpu.memref_slice %arg13[%dma_wait3A_449, %dma_wait3A_450] : memref<80x128xf32, #tpu.memory_space<vmem>> -> memref<80x128xf32, #tpu.memory_space<vmem>>
      tpu.wait_dma2 semaphore(%run_scoped3A : memref<!tpu.dma_semaphore, #tpu.memory_space<semaphore_mem>>) src(%dma_wait3A_451 : memref<80x128xf32, #tpu.memory_space<vmem>>) dst(%dma_wait3A_448 : memref<80x128xf32, #tpu.memory_space<vmem_shared>>)
      tpu.yield
    }) : () -> ()
    %add3A_16 = arith.constant 400 : i32
    %add3A_17 = arith.addi %mul3A_5, %add3A_16 : i32
    "tpu.region"() ({
      %run_scoped3A = tpu.sem_alloc : memref<!tpu.dma_semaphore, #tpu.memory_space<semaphore_mem>>
      %dma_start3A_432 = arith.constant 0 : i32
      %dma_start3A_433 = arith.constant 0 : i32
      %dma_start3A_434 = tpu.memref_slice %arg13[%dma_start3A_432, %dma_start3A_433] : memref<80x128xf32, #tpu.memory_space<vmem>> -> memref<80x128xf32, #tpu.memory_space<vmem>>
      %dma_start3A_435 = arith.constant 0 : i32
      %dma_start3A_436 = tpu.memref_slice %arg16[%add3A_17, %dma_start3A_435] : memref<10016x128xf32, #tpu.memory_space<vmem_shared>> -> memref<80x128xf32, #tpu.memory_space<vmem_shared>>
      %dma_start3A_437 = arith.constant 0 : i32
      %dma_start3A_438 = tpu.memref_slice %arg16[%add3A_17, %dma_start3A_437] : memref<10016x128xf32, #tpu.memory_space<vmem_shared>> -> memref<80x128xf32, #tpu.memory_space<vmem_shared>>
      %dma_start3A_439 = arith.constant 0 : i32
      %dma_start3A_440 = arith.constant 0 : i32
      %dma_start3A_441 = tpu.memref_slice %arg13[%dma_start3A_439, %dma_start3A_440] : memref<80x128xf32, #tpu.memory_space<vmem>> -> memref<80x128xf32, #tpu.memory_space<vmem>>
      tpu.enqueue_dma source(%dma_start3A_441 : memref<80x128xf32, #tpu.memory_space<vmem>>) target(%dma_start3A_438 : memref<80x128xf32, #tpu.memory_space<vmem_shared>>) target_semaphore(%run_scoped3A : memref<!tpu.dma_semaphore, #tpu.memory_space<semaphore_mem>>)
      %dma_wait3A_442 = arith.constant 0 : i32
      %dma_wait3A_443 = arith.constant 0 : i32
      %dma_wait3A_444 = tpu.memref_slice %arg13[%dma_wait3A_442, %dma_wait3A_443] : memref<80x128xf32, #tpu.memory_space<vmem>> -> memref<80x128xf32, #tpu.memory_space<vmem>>
      %dma_wait3A_445 = arith.constant 0 : i32
      %dma_wait3A_446 = tpu.memref_slice %arg16[%add3A_17, %dma_wait3A_445] : memref<10016x128xf32, #tpu.memory_space<vmem_shared>> -> memref<80x128xf32, #tpu.memory_space<vmem_shared>>
      %dma_wait3A_447 = arith.constant 0 : i32
      %dma_wait3A_448 = tpu.memref_slice %arg16[%add3A_17, %dma_wait3A_447] : memref<10016x128xf32, #tpu.memory_space<vmem_shared>> -> memref<80x128xf32, #tpu.memory_space<vmem_shared>>
      %dma_wait3A_449 = arith.constant 0 : i32
      %dma_wait3A_450 = arith.constant 0 : i32
      %dma_wait3A_451 = tpu.memref_slice %arg13[%dma_wait3A_449, %dma_wait3A_450] : memref<80x128xf32, #tpu.memory_space<vmem>> -> memref<80x128xf32, #tpu.memory_space<vmem>>
      tpu.wait_dma2 semaphore(%run_scoped3A : memref<!tpu.dma_semaphore, #tpu.memory_space<semaphore_mem>>) src(%dma_wait3A_451 : memref<80x128xf32, #tpu.memory_space<vmem>>) dst(%dma_wait3A_448 : memref<80x128xf32, #tpu.memory_space<vmem_shared>>)
      tpu.yield
    }) : () -> ()
    %add3A_18 = arith.constant 480 : i32
    %add3A_19 = arith.addi %mul3A_5, %add3A_18 : i32
    "tpu.region"() ({
      %run_scoped3A = tpu.sem_alloc : memref<!tpu.dma_semaphore, #tpu.memory_space<semaphore_mem>>
      %dma_start3A_432 = arith.constant 0 : i32
      %dma_start3A_433 = arith.constant 0 : i32
      %dma_start3A_434 = tpu.memref_slice %arg13[%dma_start3A_432, %dma_start3A_433] : memref<80x128xf32, #tpu.memory_space<vmem>> -> memref<80x128xf32, #tpu.memory_space<vmem>>
      %dma_start3A_435 = arith.constant 0 : i32
      %dma_start3A_436 = tpu.memref_slice %arg16[%add3A_19, %dma_start3A_435] : memref<10016x128xf32, #tpu.memory_space<vmem_shared>> -> memref<80x128xf32, #tpu.memory_space<vmem_shared>>
      %dma_start3A_437 = arith.constant 0 : i32
      %dma_start3A_438 = tpu.memref_slice %arg16[%add3A_19, %dma_start3A_437] : memref<10016x128xf32, #tpu.memory_space<vmem_shared>> -> memref<80x128xf32, #tpu.memory_space<vmem_shared>>
      %dma_start3A_439 = arith.constant 0 : i32
      %dma_start3A_440 = arith.constant 0 : i32
      %dma_start3A_441 = tpu.memref_slice %arg13[%dma_start3A_439, %dma_start3A_440] : memref<80x128xf32, #tpu.memory_space<vmem>> -> memref<80x128xf32, #tpu.memory_space<vmem>>
      tpu.enqueue_dma source(%dma_start3A_441 : memref<80x128xf32, #tpu.memory_space<vmem>>) target(%dma_start3A_438 : memref<80x128xf32, #tpu.memory_space<vmem_shared>>) target_semaphore(%run_scoped3A : memref<!tpu.dma_semaphore, #tpu.memory_space<semaphore_mem>>)
      %dma_wait3A_442 = arith.constant 0 : i32
      %dma_wait3A_443 = arith.constant 0 : i32
      %dma_wait3A_444 = tpu.memref_slice %arg13[%dma_wait3A_442, %dma_wait3A_443] : memref<80x128xf32, #tpu.memory_space<vmem>> -> memref<80x128xf32, #tpu.memory_space<vmem>>
      %dma_wait3A_445 = arith.constant 0 : i32
      %dma_wait3A_446 = tpu.memref_slice %arg16[%add3A_19, %dma_wait3A_445] : memref<10016x128xf32, #tpu.memory_space<vmem_shared>> -> memref<80x128xf32, #tpu.memory_space<vmem_shared>>
      %dma_wait3A_447 = arith.constant 0 : i32
      %dma_wait3A_448 = tpu.memref_slice %arg16[%add3A_19, %dma_wait3A_447] : memref<10016x128xf32, #tpu.memory_space<vmem_shared>> -> memref<80x128xf32, #tpu.memory_space<vmem_shared>>
      %dma_wait3A_449 = arith.constant 0 : i32
      %dma_wait3A_450 = arith.constant 0 : i32
      %dma_wait3A_451 = tpu.memref_slice %arg13[%dma_wait3A_449, %dma_wait3A_450] : memref<80x128xf32, #tpu.memory_space<vmem>> -> memref<80x128xf32, #tpu.memory_space<vmem>>
      tpu.wait_dma2 semaphore(%run_scoped3A : memref<!tpu.dma_semaphore, #tpu.memory_space<semaphore_mem>>) src(%dma_wait3A_451 : memref<80x128xf32, #tpu.memory_space<vmem>>) dst(%dma_wait3A_448 : memref<80x128xf32, #tpu.memory_space<vmem_shared>>)
      tpu.yield
    }) : () -> ()
    %add3A_20 = arith.constant 560 : i32
    %add3A_21 = arith.addi %mul3A_5, %add3A_20 : i32
    "tpu.region"() ({
      %run_scoped3A = tpu.sem_alloc : memref<!tpu.dma_semaphore, #tpu.memory_space<semaphore_mem>>
      %dma_start3A_432 = arith.constant 0 : i32
      %dma_start3A_433 = arith.constant 0 : i32
      %dma_start3A_434 = tpu.memref_slice %arg13[%dma_start3A_432, %dma_start3A_433] : memref<80x128xf32, #tpu.memory_space<vmem>> -> memref<64x128xf32, #tpu.memory_space<vmem>>
      %dma_start3A_435 = arith.constant 0 : i32
      %dma_start3A_436 = tpu.memref_slice %arg16[%add3A_21, %dma_start3A_435] : memref<10016x128xf32, #tpu.memory_space<vmem_shared>> -> memref<64x128xf32, #tpu.memory_space<vmem_shared>>
      %dma_start3A_437 = arith.constant 0 : i32
      %dma_start3A_438 = tpu.memref_slice %arg16[%add3A_21, %dma_start3A_437] : memref<10016x128xf32, #tpu.memory_space<vmem_shared>> -> memref<64x128xf32, #tpu.memory_space<vmem_shared>>
      %dma_start3A_439 = arith.constant 0 : i32
      %dma_start3A_440 = arith.constant 0 : i32
      %dma_start3A_441 = tpu.memref_slice %arg13[%dma_start3A_439, %dma_start3A_440] : memref<80x128xf32, #tpu.memory_space<vmem>> -> memref<64x128xf32, #tpu.memory_space<vmem>>
      tpu.enqueue_dma source(%dma_start3A_441 : memref<64x128xf32, #tpu.memory_space<vmem>>) target(%dma_start3A_438 : memref<64x128xf32, #tpu.memory_space<vmem_shared>>) target_semaphore(%run_scoped3A : memref<!tpu.dma_semaphore, #tpu.memory_space<semaphore_mem>>)
      %dma_wait3A_442 = arith.constant 0 : i32
      %dma_wait3A_443 = arith.constant 0 : i32
      %dma_wait3A_444 = tpu.memref_slice %arg13[%dma_wait3A_442, %dma_wait3A_443] : memref<80x128xf32, #tpu.memory_space<vmem>> -> memref<64x128xf32, #tpu.memory_space<vmem>>
      %dma_wait3A_445 = arith.constant 0 : i32
      %dma_wait3A_446 = tpu.memref_slice %arg16[%add3A_21, %dma_wait3A_445] : memref<10016x128xf32, #tpu.memory_space<vmem_shared>> -> memref<64x128xf32, #tpu.memory_space<vmem_shared>>
      %dma_wait3A_447 = arith.constant 0 : i32
      %dma_wait3A_448 = tpu.memref_slice %arg16[%add3A_21, %dma_wait3A_447] : memref<10016x128xf32, #tpu.memory_space<vmem_shared>> -> memref<64x128xf32, #tpu.memory_space<vmem_shared>>
      %dma_wait3A_449 = arith.constant 0 : i32
      %dma_wait3A_450 = arith.constant 0 : i32
      %dma_wait3A_451 = tpu.memref_slice %arg13[%dma_wait3A_449, %dma_wait3A_450] : memref<80x128xf32, #tpu.memory_space<vmem>> -> memref<64x128xf32, #tpu.memory_space<vmem>>
      tpu.wait_dma2 semaphore(%run_scoped3A : memref<!tpu.dma_semaphore, #tpu.memory_space<semaphore_mem>>) src(%dma_wait3A_451 : memref<64x128xf32, #tpu.memory_space<vmem>>) dst(%dma_wait3A_448 : memref<64x128xf32, #tpu.memory_space<vmem_shared>>)
      tpu.yield
    }) : () -> ()
    %eq3A = arith.constant 15 : i32
    %eq3A_22 = arith.cmpi eq, %arg1, %eq3A : i32
    %convert_element_type3A = arith.extui %eq3A_22 : i1 to i32
    %cond3A = arith.constant 0 : i32
    %cond3A_23 = arith.cmpi ne, %convert_element_type3A, %cond3A : i32
    scf.if %cond3A_23 {
      "tpu.region"() ({
        %run_scoped3A = tpu.sem_alloc : memref<!tpu.dma_semaphore, #tpu.memory_space<semaphore_mem>>
        %dma_start3A_432 = arith.constant 0 : i32
        %dma_start3A_433 = arith.constant 0 : i32
        %dma_start3A_434 = tpu.memref_slice %arg13[%dma_start3A_432, %dma_start3A_433] : memref<80x128xf32, #tpu.memory_space<vmem>> -> memref<32x128xf32, #tpu.memory_space<vmem>>
        %dma_start3A_435 = arith.constant 9984 : i32
        %dma_start3A_436 = arith.constant 0 : i32
        %dma_start3A_437 = tpu.memref_slice %arg16[%dma_start3A_435, %dma_start3A_436] : memref<10016x128xf32, #tpu.memory_space<vmem_shared>> -> memref<32x128xf32, #tpu.memory_space<vmem_shared>>
        %dma_start3A_438 = arith.constant 9984 : i32
        %dma_start3A_439 = arith.constant 0 : i32
        %dma_start3A_440 = tpu.memref_slice %arg16[%dma_start3A_438, %dma_start3A_439] : memref<10016x128xf32, #tpu.memory_space<vmem_shared>> -> memref<32x128xf32, #tpu.memory_space<vmem_shared>>
        %dma_start3A_441 = arith.constant 0 : i32
        %dma_start3A_442 = arith.constant 0 : i32
        %dma_start3A_443 = tpu.memref_slice %arg13[%dma_start3A_441, %dma_start3A_442] : memref<80x128xf32, #tpu.memory_space<vmem>> -> memref<32x128xf32, #tpu.memory_space<vmem>>
        tpu.enqueue_dma source(%dma_start3A_443 : memref<32x128xf32, #tpu.memory_space<vmem>>) target(%dma_start3A_440 : memref<32x128xf32, #tpu.memory_space<vmem_shared>>) target_semaphore(%run_scoped3A : memref<!tpu.dma_semaphore, #tpu.memory_space<semaphore_mem>>)
        %dma_wait3A_444 = arith.constant 0 : i32
        %dma_wait3A_445 = arith.constant 0 : i32
        %dma_wait3A_446 = tpu.memref_slice %arg13[%dma_wait3A_444, %dma_wait3A_445] : memref<80x128xf32, #tpu.memory_space<vmem>> -> memref<32x128xf32, #tpu.memory_space<vmem>>
        %dma_wait3A_447 = arith.constant 9984 : i32
        %dma_wait3A_448 = arith.constant 0 : i32
        %dma_wait3A_449 = tpu.memref_slice %arg16[%dma_wait3A_447, %dma_wait3A_448] : memref<10016x128xf32, #tpu.memory_space<vmem_shared>> -> memref<32x128xf32, #tpu.memory_space<vmem_shared>>
        %dma_wait3A_450 = arith.constant 9984 : i32
        %dma_wait3A_451 = arith.constant 0 : i32
        %dma_wait3A_452 = tpu.memref_slice %arg16[%dma_wait3A_450, %dma_wait3A_451] : memref<10016x128xf32, #tpu.memory_space<vmem_shared>> -> memref<32x128xf32, #tpu.memory_space<vmem_shared>>
        %dma_wait3A_453 = arith.constant 0 : i32
        %dma_wait3A_454 = arith.constant 0 : i32
        %dma_wait3A_455 = tpu.memref_slice %arg13[%dma_wait3A_453, %dma_wait3A_454] : memref<80x128xf32, #tpu.memory_space<vmem>> -> memref<32x128xf32, #tpu.memory_space<vmem>>
        tpu.wait_dma2 semaphore(%run_scoped3A : memref<!tpu.dma_semaphore, #tpu.memory_space<semaphore_mem>>) src(%dma_wait3A_455 : memref<32x128xf32, #tpu.memory_space<vmem>>) dst(%dma_wait3A_452 : memref<32x128xf32, #tpu.memory_space<vmem_shared>>)
        tpu.yield
      }) : () -> ()
    } else {
    }
    %barrier3A = arith.constant 0 : index
    tpu.barrier barrier_id(%barrier3A)
    %dma_wait3A = tpu.memref_slice %arg3[%mul3A_2] : memref<322560xi32, #tpu.memory_space<hbm>> -> memref<10080xi32, #tpu.memory_space<hbm>>
    %dma_wait3A_24 = tpu.memref_slice %arg3[%mul3A_2] : memref<322560xi32, #tpu.memory_space<hbm>> -> memref<10080xi32, #tpu.memory_space<hbm>>
    tpu.wait_dma2 semaphore(%arg17 : memref<!tpu.dma_semaphore, #tpu.memory_space<semaphore_mem>>) src(%dma_wait3A_24 : memref<10080xi32, #tpu.memory_space<hbm>>) dst(%arg6 : memref<10080xi32, #tpu.memory_space<vmem>>)
    %get3A = arith.constant 0 : index
    %get3A_25 = tpu.vector_load %arg6[%get3A] {strides = array<i32>} : memref<10080xi32, #tpu.memory_space<vmem>>, vector<16xi32>,
    %get3A_26 = vector.shape_cast %get3A_25 : vector<16xi32> to vector<16xi32>
    %shift_right_logical3A = arith.constant 14 : i32
    %shift_right_logical3A_27 = vector.broadcast %shift_right_logical3A : i32 to vector<16xi32>
    %shift_right_logical3A_28 = arith.shrui %get3A_26, %shift_right_logical3A_27 : vector<16xi32>
    %swap3A = arith.constant 0 : index
    %swap3A_29 = tpu.vector_load %arg7[%swap3A] {strides = array<i32>} : memref<80xi32, #tpu.memory_space<vmem>>, vector<16xi32>,
    %swap3A_30 = vector.shape_cast %swap3A_29 : vector<16xi32> to vector<16xi32>
    %swap3A_31 = vector.shape_cast %shift_right_logical3A_28 : vector<16xi32> to vector<16xi32>
    tpu.vector_store %arg7[%swap3A], %swap3A_31 {strides = array<i32>} : memref<80xi32, #tpu.memory_space<vmem>>, vector<16xi32>,
    %and3A = arith.constant 16383 : i32
    %and3A_32 = vector.broadcast %and3A : i32 to vector<16xi32>
    %and3A_33 = arith.andi %get3A_26, %and3A_32 : vector<16xi32>
    %swap3A_34 = arith.constant 0 : index
    %swap3A_35 = tpu.vector_load %arg10[%swap3A_34] {strides = array<i32>} : memref<80xi32, #tpu.memory_space<vmem>>, vector<16xi32>,
    %swap3A_36 = vector.shape_cast %swap3A_35 : vector<16xi32> to vector<16xi32>
    %swap3A_37 = vector.shape_cast %and3A_33 : vector<16xi32> to vector<16xi32>
    tpu.vector_store %arg10[%swap3A_34], %swap3A_37 {strides = array<i32>} : memref<80xi32, #tpu.memory_space<vmem>>, vector<16xi32>,
    %get3A_38 = arith.constant 16 : index
    %get3A_39 = tpu.vector_load %arg6[%get3A_38] {strides = array<i32>} : memref<10080xi32, #tpu.memory_space<vmem>>, vector<16xi32>,
    %get3A_40 = vector.shape_cast %get3A_39 : vector<16xi32> to vector<16xi32>
    %shift_right_logical3A_41 = arith.constant 14 : i32
    %shift_right_logical3A_42 = vector.broadcast %shift_right_logical3A_41 : i32 to vector<16xi32>
    %shift_right_logical3A_43 = arith.shrui %get3A_40, %shift_right_logical3A_42 : vector<16xi32>
    %swap3A_44 = arith.constant 16 : index
    %swap3A_45 = tpu.vector_load %arg7[%swap3A_44] {strides = array<i32>} : memref<80xi32, #tpu.memory_space<vmem>>, vector<16xi32>,
    %swap3A_46 = vector.shape_cast %swap3A_45 : vector<16xi32> to vector<16xi32>
    %swap3A_47 = vector.shape_cast %shift_right_logical3A_43 : vector<16xi32> to vector<16xi32>
    tpu.vector_store %arg7[%swap3A_44], %swap3A_47 {strides = array<i32>} : memref<80xi32, #tpu.memory_space<vmem>>, vector<16xi32>,
    %and3A_48 = arith.constant 16383 : i32
    %and3A_49 = vector.broadcast %and3A_48 : i32 to vector<16xi32>
    %and3A_50 = arith.andi %get3A_40, %and3A_49 : vector<16xi32>
    %swap3A_51 = arith.constant 16 : index
    %swap3A_52 = tpu.vector_load %arg10[%swap3A_51] {strides = array<i32>} : memref<80xi32, #tpu.memory_space<vmem>>, vector<16xi32>,
    %swap3A_53 = vector.shape_cast %swap3A_52 : vector<16xi32> to vector<16xi32>
    %swap3A_54 = vector.shape_cast %and3A_50 : vector<16xi32> to vector<16xi32>
    tpu.vector_store %arg10[%swap3A_51], %swap3A_54 {strides = array<i32>} : memref<80xi32, #tpu.memory_space<vmem>>, vector<16xi32>,
    %get3A_55 = arith.constant 32 : index
    %get3A_56 = tpu.vector_load %arg6[%get3A_55] {strides = array<i32>} : memref<10080xi32, #tpu.memory_space<vmem>>, vector<16xi32>,
    %get3A_57 = vector.shape_cast %get3A_56 : vector<16xi32> to vector<16xi32>
    %shift_right_logical3A_58 = arith.constant 14 : i32
    %shift_right_logical3A_59 = vector.broadcast %shift_right_logical3A_58 : i32 to vector<16xi32>
    %shift_right_logical3A_60 = arith.shrui %get3A_57, %shift_right_logical3A_59 : vector<16xi32>
    %swap3A_61 = arith.constant 32 : index
    %swap3A_62 = tpu.vector_load %arg7[%swap3A_61] {strides = array<i32>} : memref<80xi32, #tpu.memory_space<vmem>>, vector<16xi32>,
    %swap3A_63 = vector.shape_cast %swap3A_62 : vector<16xi32> to vector<16xi32>
    %swap3A_64 = vector.shape_cast %shift_right_logical3A_60 : vector<16xi32> to vector<16xi32>
    tpu.vector_store %arg7[%swap3A_61], %swap3A_64 {strides = array<i32>} : memref<80xi32, #tpu.memory_space<vmem>>, vector<16xi32>,
    %and3A_65 = arith.constant 16383 : i32
    %and3A_66 = vector.broadcast %and3A_65 : i32 to vector<16xi32>
    %and3A_67 = arith.andi %get3A_57, %and3A_66 : vector<16xi32>
    %swap3A_68 = arith.constant 32 : index
    %swap3A_69 = tpu.vector_load %arg10[%swap3A_68] {strides = array<i32>} : memref<80xi32, #tpu.memory_space<vmem>>, vector<16xi32>,
    %swap3A_70 = vector.shape_cast %swap3A_69 : vector<16xi32> to vector<16xi32>
    %swap3A_71 = vector.shape_cast %and3A_67 : vector<16xi32> to vector<16xi32>
    tpu.vector_store %arg10[%swap3A_68], %swap3A_71 {strides = array<i32>} : memref<80xi32, #tpu.memory_space<vmem>>, vector<16xi32>,
    %get3A_72 = arith.constant 48 : index
    %get3A_73 = tpu.vector_load %arg6[%get3A_72] {strides = array<i32>} : memref<10080xi32, #tpu.memory_space<vmem>>, vector<16xi32>,
    %get3A_74 = vector.shape_cast %get3A_73 : vector<16xi32> to vector<16xi32>
    %shift_right_logical3A_75 = arith.constant 14 : i32
    %shift_right_logical3A_76 = vector.broadcast %shift_right_logical3A_75 : i32 to vector<16xi32>
    %shift_right_logical3A_77 = arith.shrui %get3A_74, %shift_right_logical3A_76 : vector<16xi32>
    %swap3A_78 = arith.constant 48 : index
    %swap3A_79 = tpu.vector_load %arg7[%swap3A_78] {strides = array<i32>} : memref<80xi32, #tpu.memory_space<vmem>>, vector<16xi32>,
    %swap3A_80 = vector.shape_cast %swap3A_79 : vector<16xi32> to vector<16xi32>
    %swap3A_81 = vector.shape_cast %shift_right_logical3A_77 : vector<16xi32> to vector<16xi32>
    tpu.vector_store %arg7[%swap3A_78], %swap3A_81 {strides = array<i32>} : memref<80xi32, #tpu.memory_space<vmem>>, vector<16xi32>,
    %and3A_82 = arith.constant 16383 : i32
    %and3A_83 = vector.broadcast %and3A_82 : i32 to vector<16xi32>
    %and3A_84 = arith.andi %get3A_74, %and3A_83 : vector<16xi32>
    %swap3A_85 = arith.constant 48 : index
    %swap3A_86 = tpu.vector_load %arg10[%swap3A_85] {strides = array<i32>} : memref<80xi32, #tpu.memory_space<vmem>>, vector<16xi32>,
    %swap3A_87 = vector.shape_cast %swap3A_86 : vector<16xi32> to vector<16xi32>
    %swap3A_88 = vector.shape_cast %and3A_84 : vector<16xi32> to vector<16xi32>
    tpu.vector_store %arg10[%swap3A_85], %swap3A_88 {strides = array<i32>} : memref<80xi32, #tpu.memory_space<vmem>>, vector<16xi32>,
    %get3A_89 = arith.constant 64 : index
    %get3A_90 = tpu.vector_load %arg6[%get3A_89] {strides = array<i32>} : memref<10080xi32, #tpu.memory_space<vmem>>, vector<16xi32>,
    %get3A_91 = vector.shape_cast %get3A_90 : vector<16xi32> to vector<16xi32>
    %shift_right_logical3A_92 = arith.constant 14 : i32
    %shift_right_logical3A_93 = vector.broadcast %shift_right_logical3A_92 : i32 to vector<16xi32>
    %shift_right_logical3A_94 = arith.shrui %get3A_91, %shift_right_logical3A_93 : vector<16xi32>
    %swap3A_95 = arith.constant 64 : index
    %swap3A_96 = tpu.vector_load %arg7[%swap3A_95] {strides = array<i32>} : memref<80xi32, #tpu.memory_space<vmem>>, vector<16xi32>,
    %swap3A_97 = vector.shape_cast %swap3A_96 : vector<16xi32> to vector<16xi32>
    %swap3A_98 = vector.shape_cast %shift_right_logical3A_94 : vector<16xi32> to vector<16xi32>
    tpu.vector_store %arg7[%swap3A_95], %swap3A_98 {strides = array<i32>} : memref<80xi32, #tpu.memory_space<vmem>>, vector<16xi32>,
    %and3A_99 = arith.constant 16383 : i32
    %and3A_100 = vector.broadcast %and3A_99 : i32 to vector<16xi32>
    %and3A_101 = arith.andi %get3A_91, %and3A_100 : vector<16xi32>
    %swap3A_102 = arith.constant 64 : index
    %swap3A_103 = tpu.vector_load %arg10[%swap3A_102] {strides = array<i32>} : memref<80xi32, #tpu.memory_space<vmem>>, vector<16xi32>,
    %swap3A_104 = vector.shape_cast %swap3A_103 : vector<16xi32> to vector<16xi32>
    %swap3A_105 = vector.shape_cast %and3A_101 : vector<16xi32> to vector<16xi32>
    tpu.vector_store %arg10[%swap3A_102], %swap3A_105 {strides = array<i32>} : memref<80xi32, #tpu.memory_space<vmem>>, vector<16xi32>,
    %dma_start3A_106 = arith.constant 0 : i32
    %dma_start3A_107 = arith.constant 0 : i32
    %dma_start3A_108 = tpu.memref_slice %arg2[%dma_start3A_106, %dma_start3A_107] : memref<40000x128xf32, #tpu.memory_space<hbm>> -> memref<40000x128xf32, #tpu.memory_space<hbm>>
    tpu.enqueue_indirect_dma source(%dma_start3A_108 : memref<40000x128xf32, #tpu.memory_space<hbm>>) target(%arg13 : memref<80x128xf32, #tpu.memory_space<vmem>>) offsets(%arg7 : memref<80xi32, #tpu.memory_space<vmem>>) semaphore(%arg18 : memref<!tpu.dma_semaphore, #tpu.memory_space<semaphore_mem>>)
    %get3A_109 = arith.constant 80 : index
    %get3A_110 = tpu.vector_load %arg6[%get3A_109] {strides = array<i32>} : memref<10080xi32, #tpu.memory_space<vmem>>, vector<16xi32>,
    %get3A_111 = vector.shape_cast %get3A_110 : vector<16xi32> to vector<16xi32>
    %shift_right_logical3A_112 = arith.constant 14 : i32
    %shift_right_logical3A_113 = vector.broadcast %shift_right_logical3A_112 : i32 to vector<16xi32>
    %shift_right_logical3A_114 = arith.shrui %get3A_111, %shift_right_logical3A_113 : vector<16xi32>
    %swap3A_115 = arith.constant 0 : index
    %swap3A_116 = tpu.vector_load %arg8[%swap3A_115] {strides = array<i32>} : memref<80xi32, #tpu.memory_space<vmem>>, vector<16xi32>,
    %swap3A_117 = vector.shape_cast %swap3A_116 : vector<16xi32> to vector<16xi32>
    %swap3A_118 = vector.shape_cast %shift_right_logical3A_114 : vector<16xi32> to vector<16xi32>
    tpu.vector_store %arg8[%swap3A_115], %swap3A_118 {strides = array<i32>} : memref<80xi32, #tpu.memory_space<vmem>>, vector<16xi32>,
    %and3A_119 = arith.constant 16383 : i32
    %and3A_120 = vector.broadcast %and3A_119 : i32 to vector<16xi32>
    %and3A_121 = arith.andi %get3A_111, %and3A_120 : vector<16xi32>
    %swap3A_122 = arith.constant 0 : index
    %swap3A_123 = tpu.vector_load %arg11[%swap3A_122] {strides = array<i32>} : memref<80xi32, #tpu.memory_space<vmem>>, vector<16xi32>,
    %swap3A_124 = vector.shape_cast %swap3A_123 : vector<16xi32> to vector<16xi32>
    %swap3A_125 = vector.shape_cast %and3A_121 : vector<16xi32> to vector<16xi32>
    tpu.vector_store %arg11[%swap3A_122], %swap3A_125 {strides = array<i32>} : memref<80xi32, #tpu.memory_space<vmem>>, vector<16xi32>,
    %get3A_126 = arith.constant 96 : index
    %get3A_127 = tpu.vector_load %arg6[%get3A_126] {strides = array<i32>} : memref<10080xi32, #tpu.memory_space<vmem>>, vector<16xi32>,
    %get3A_128 = vector.shape_cast %get3A_127 : vector<16xi32> to vector<16xi32>
    %shift_right_logical3A_129 = arith.constant 14 : i32
    %shift_right_logical3A_130 = vector.broadcast %shift_right_logical3A_129 : i32 to vector<16xi32>
    %shift_right_logical3A_131 = arith.shrui %get3A_128, %shift_right_logical3A_130 : vector<16xi32>
    %swap3A_132 = arith.constant 16 : index
    %swap3A_133 = tpu.vector_load %arg8[%swap3A_132] {strides = array<i32>} : memref<80xi32, #tpu.memory_space<vmem>>, vector<16xi32>,
    %swap3A_134 = vector.shape_cast %swap3A_133 : vector<16xi32> to vector<16xi32>
    %swap3A_135 = vector.shape_cast %shift_right_logical3A_131 : vector<16xi32> to vector<16xi32>
    tpu.vector_store %arg8[%swap3A_132], %swap3A_135 {strides = array<i32>} : memref<80xi32, #tpu.memory_space<vmem>>, vector<16xi32>,
    %and3A_136 = arith.constant 16383 : i32
    %and3A_137 = vector.broadcast %and3A_136 : i32 to vector<16xi32>
    %and3A_138 = arith.andi %get3A_128, %and3A_137 : vector<16xi32>
    %swap3A_139 = arith.constant 16 : index
    %swap3A_140 = tpu.vector_load %arg11[%swap3A_139] {strides = array<i32>} : memref<80xi32, #tpu.memory_space<vmem>>, vector<16xi32>,
    %swap3A_141 = vector.shape_cast %swap3A_140 : vector<16xi32> to vector<16xi32>
    %swap3A_142 = vector.shape_cast %and3A_138 : vector<16xi32> to vector<16xi32>
    tpu.vector_store %arg11[%swap3A_139], %swap3A_142 {strides = array<i32>} : memref<80xi32, #tpu.memory_space<vmem>>, vector<16xi32>,
    %get3A_143 = arith.constant 112 : index
    %get3A_144 = tpu.vector_load %arg6[%get3A_143] {strides = array<i32>} : memref<10080xi32, #tpu.memory_space<vmem>>, vector<16xi32>,
    %get3A_145 = vector.shape_cast %get3A_144 : vector<16xi32> to vector<16xi32>
    %shift_right_logical3A_146 = arith.constant 14 : i32
    %shift_right_logical3A_147 = vector.broadcast %shift_right_logical3A_146 : i32 to vector<16xi32>
    %shift_right_logical3A_148 = arith.shrui %get3A_145, %shift_right_logical3A_147 : vector<16xi32>
    %swap3A_149 = arith.constant 32 : index
    %swap3A_150 = tpu.vector_load %arg8[%swap3A_149] {strides = array<i32>} : memref<80xi32, #tpu.memory_space<vmem>>, vector<16xi32>,
    %swap3A_151 = vector.shape_cast %swap3A_150 : vector<16xi32> to vector<16xi32>
    %swap3A_152 = vector.shape_cast %shift_right_logical3A_148 : vector<16xi32> to vector<16xi32>
    tpu.vector_store %arg8[%swap3A_149], %swap3A_152 {strides = array<i32>} : memref<80xi32, #tpu.memory_space<vmem>>, vector<16xi32>,
    %and3A_153 = arith.constant 16383 : i32
    %and3A_154 = vector.broadcast %and3A_153 : i32 to vector<16xi32>
    %and3A_155 = arith.andi %get3A_145, %and3A_154 : vector<16xi32>
    %swap3A_156 = arith.constant 32 : index
    %swap3A_157 = tpu.vector_load %arg11[%swap3A_156] {strides = array<i32>} : memref<80xi32, #tpu.memory_space<vmem>>, vector<16xi32>,
    %swap3A_158 = vector.shape_cast %swap3A_157 : vector<16xi32> to vector<16xi32>
    %swap3A_159 = vector.shape_cast %and3A_155 : vector<16xi32> to vector<16xi32>
    tpu.vector_store %arg11[%swap3A_156], %swap3A_159 {strides = array<i32>} : memref<80xi32, #tpu.memory_space<vmem>>, vector<16xi32>,
    %get3A_160 = arith.constant 128 : index
    %get3A_161 = tpu.vector_load %arg6[%get3A_160] {strides = array<i32>} : memref<10080xi32, #tpu.memory_space<vmem>>, vector<16xi32>,
    %get3A_162 = vector.shape_cast %get3A_161 : vector<16xi32> to vector<16xi32>
    %shift_right_logical3A_163 = arith.constant 14 : i32
    %shift_right_logical3A_164 = vector.broadcast %shift_right_logical3A_163 : i32 to vector<16xi32>
    %shift_right_logical3A_165 = arith.shrui %get3A_162, %shift_right_logical3A_164 : vector<16xi32>
    %swap3A_166 = arith.constant 48 : index
    %swap3A_167 = tpu.vector_load %arg8[%swap3A_166] {strides = array<i32>} : memref<80xi32, #tpu.memory_space<vmem>>, vector<16xi32>,
    %swap3A_168 = vector.shape_cast %swap3A_167 : vector<16xi32> to vector<16xi32>
    %swap3A_169 = vector.shape_cast %shift_right_logical3A_165 : vector<16xi32> to vector<16xi32>
    tpu.vector_store %arg8[%swap3A_166], %swap3A_169 {strides = array<i32>} : memref<80xi32, #tpu.memory_space<vmem>>, vector<16xi32>,
    %and3A_170 = arith.constant 16383 : i32
    %and3A_171 = vector.broadcast %and3A_170 : i32 to vector<16xi32>
    %and3A_172 = arith.andi %get3A_162, %and3A_171 : vector<16xi32>
    %swap3A_173 = arith.constant 48 : index
    %swap3A_174 = tpu.vector_load %arg11[%swap3A_173] {strides = array<i32>} : memref<80xi32, #tpu.memory_space<vmem>>, vector<16xi32>,
    %swap3A_175 = vector.shape_cast %swap3A_174 : vector<16xi32> to vector<16xi32>
    %swap3A_176 = vector.shape_cast %and3A_172 : vector<16xi32> to vector<16xi32>
    tpu.vector_store %arg11[%swap3A_173], %swap3A_176 {strides = array<i32>} : memref<80xi32, #tpu.memory_space<vmem>>, vector<16xi32>,
    %get3A_177 = arith.constant 144 : index
    %get3A_178 = tpu.vector_load %arg6[%get3A_177] {strides = array<i32>} : memref<10080xi32, #tpu.memory_space<vmem>>, vector<16xi32>,
    %get3A_179 = vector.shape_cast %get3A_178 : vector<16xi32> to vector<16xi32>
    %shift_right_logical3A_180 = arith.constant 14 : i32
    %shift_right_logical3A_181 = vector.broadcast %shift_right_logical3A_180 : i32 to vector<16xi32>
    %shift_right_logical3A_182 = arith.shrui %get3A_179, %shift_right_logical3A_181 : vector<16xi32>
    %swap3A_183 = arith.constant 64 : index
    %swap3A_184 = tpu.vector_load %arg8[%swap3A_183] {strides = array<i32>} : memref<80xi32, #tpu.memory_space<vmem>>, vector<16xi32>,
    %swap3A_185 = vector.shape_cast %swap3A_184 : vector<16xi32> to vector<16xi32>
    %swap3A_186 = vector.shape_cast %shift_right_logical3A_182 : vector<16xi32> to vector<16xi32>
    tpu.vector_store %arg8[%swap3A_183], %swap3A_186 {strides = array<i32>} : memref<80xi32, #tpu.memory_space<vmem>>, vector<16xi32>,
    %and3A_187 = arith.constant 16383 : i32
    %and3A_188 = vector.broadcast %and3A_187 : i32 to vector<16xi32>
    %and3A_189 = arith.andi %get3A_179, %and3A_188 : vector<16xi32>
    %swap3A_190 = arith.constant 64 : index
    %swap3A_191 = tpu.vector_load %arg11[%swap3A_190] {strides = array<i32>} : memref<80xi32, #tpu.memory_space<vmem>>, vector<16xi32>,
    %swap3A_192 = vector.shape_cast %swap3A_191 : vector<16xi32> to vector<16xi32>
    %swap3A_193 = vector.shape_cast %and3A_189 : vector<16xi32> to vector<16xi32>
    tpu.vector_store %arg11[%swap3A_190], %swap3A_193 {strides = array<i32>} : memref<80xi32, #tpu.memory_space<vmem>>, vector<16xi32>,
    %dma_start3A_194 = arith.constant 0 : i32
    %dma_start3A_195 = arith.constant 0 : i32
    %dma_start3A_196 = tpu.memref_slice %arg2[%dma_start3A_194, %dma_start3A_195] : memref<40000x128xf32, #tpu.memory_space<hbm>> -> memref<40000x128xf32, #tpu.memory_space<hbm>>
    tpu.enqueue_indirect_dma source(%dma_start3A_196 : memref<40000x128xf32, #tpu.memory_space<hbm>>) target(%arg14 : memref<80x128xf32, #tpu.memory_space<vmem>>) offsets(%arg8 : memref<80xi32, #tpu.memory_space<vmem>>) semaphore(%arg19 : memref<!tpu.dma_semaphore, #tpu.memory_space<semaphore_mem>>)
    %scan3A = arith.constant 0 : i32
    %scan3A_197 = arith.constant 0 : i32
    %scan3A_198 = arith.constant 42 : i32
    %scan3A_199 = arith.addi %scan3A_197, %scan3A_198 : i32
    %scan3A_200 = arith.constant 1 : i32
    scf.for %scan3A_432 = %scan3A_197 to %scan3A_199 step %scan3A_200  : i32 {
      %mul3A_433 = arith.constant 3 : i32
      %mul3A_434 = arith.muli %scan3A_432, %mul3A_433 : i32
      %add3A_435 = arith.constant 2 : i32
      %add3A_436 = arith.addi %mul3A_434, %add3A_435 : i32
      %mul3A_437 = arith.constant 80 : i32
      %mul3A_438 = arith.muli %add3A_436, %mul3A_437 : i32
      %add3A_439 = arith.constant 0 : i32
      %add3A_440 = arith.addi %mul3A_438, %add3A_439 : i32
      %get3A_441 = arith.index_cast %add3A_440 : i32 to index
      %get3A_442 = tpu.vector_load %arg6[%get3A_441] {strides = array<i32>} : memref<10080xi32, #tpu.memory_space<vmem>>, vector<16xi32>,
      %get3A_443 = vector.shape_cast %get3A_442 : vector<16xi32> to vector<16xi32>
      %shift_right_logical3A_444 = arith.constant 14 : i32
      %shift_right_logical3A_445 = vector.broadcast %shift_right_logical3A_444 : i32 to vector<16xi32>
      %shift_right_logical3A_446 = arith.shrui %get3A_443, %shift_right_logical3A_445 : vector<16xi32>
      %swap3A_447 = arith.constant 0 : index
      %swap3A_448 = tpu.vector_load %arg9[%swap3A_447] {strides = array<i32>} : memref<80xi32, #tpu.memory_space<vmem>>, vector<16xi32>,
      %swap3A_449 = vector.shape_cast %swap3A_448 : vector<16xi32> to vector<16xi32>
      %swap3A_450 = vector.shape_cast %shift_right_logical3A_446 : vector<16xi32> to vector<16xi32>
      tpu.vector_store %arg9[%swap3A_447], %swap3A_450 {strides = array<i32>} : memref<80xi32, #tpu.memory_space<vmem>>, vector<16xi32>,
      %and3A_451 = arith.constant 16383 : i32
      %and3A_452 = vector.broadcast %and3A_451 : i32 to vector<16xi32>
      %and3A_453 = arith.andi %get3A_443, %and3A_452 : vector<16xi32>
      %swap3A_454 = arith.constant 0 : index
      %swap3A_455 = tpu.vector_load %arg12[%swap3A_454] {strides = array<i32>} : memref<80xi32, #tpu.memory_space<vmem>>, vector<16xi32>,
      %swap3A_456 = vector.shape_cast %swap3A_455 : vector<16xi32> to vector<16xi32>
      %swap3A_457 = vector.shape_cast %and3A_453 : vector<16xi32> to vector<16xi32>
      tpu.vector_store %arg12[%swap3A_454], %swap3A_457 {strides = array<i32>} : memref<80xi32, #tpu.memory_space<vmem>>, vector<16xi32>,
      %add3A_458 = arith.constant 16 : i32
      %add3A_459 = arith.addi %mul3A_438, %add3A_458 : i32
      %get3A_460 = arith.index_cast %add3A_459 : i32 to index
      %get3A_461 = tpu.vector_load %arg6[%get3A_460] {strides = array<i32>} : memref<10080xi32, #tpu.memory_space<vmem>>, vector<16xi32>,
      %get3A_462 = vector.shape_cast %get3A_461 : vector<16xi32> to vector<16xi32>
      %shift_right_logical3A_463 = arith.constant 14 : i32
      %shift_right_logical3A_464 = vector.broadcast %shift_right_logical3A_463 : i32 to vector<16xi32>
      %shift_right_logical3A_465 = arith.shrui %get3A_462, %shift_right_logical3A_464 : vector<16xi32>
      %swap3A_466 = arith.constant 16 : index
      %swap3A_467 = tpu.vector_load %arg9[%swap3A_466] {strides = array<i32>} : memref<80xi32, #tpu.memory_space<vmem>>, vector<16xi32>,
      %swap3A_468 = vector.shape_cast %swap3A_467 : vector<16xi32> to vector<16xi32>
      %swap3A_469 = vector.shape_cast %shift_right_logical3A_465 : vector<16xi32> to vector<16xi32>
      tpu.vector_store %arg9[%swap3A_466], %swap3A_469 {strides = array<i32>} : memref<80xi32, #tpu.memory_space<vmem>>, vector<16xi32>,
      %and3A_470 = arith.constant 16383 : i32
      %and3A_471 = vector.broadcast %and3A_470 : i32 to vector<16xi32>
      %and3A_472 = arith.andi %get3A_462, %and3A_471 : vector<16xi32>
      %swap3A_473 = arith.constant 16 : index
      %swap3A_474 = tpu.vector_load %arg12[%swap3A_473] {strides = array<i32>} : memref<80xi32, #tpu.memory_space<vmem>>, vector<16xi32>,
      %swap3A_475 = vector.shape_cast %swap3A_474 : vector<16xi32> to vector<16xi32>
      %swap3A_476 = vector.shape_cast %and3A_472 : vector<16xi32> to vector<16xi32>
      tpu.vector_store %arg12[%swap3A_473], %swap3A_476 {strides = array<i32>} : memref<80xi32, #tpu.memory_space<vmem>>, vector<16xi32>,
      %add3A_477 = arith.constant 32 : i32
      %add3A_478 = arith.addi %mul3A_438, %add3A_477 : i32
      %get3A_479 = arith.index_cast %add3A_478 : i32 to index
      %get3A_480 = tpu.vector_load %arg6[%get3A_479] {strides = array<i32>} : memref<10080xi32, #tpu.memory_space<vmem>>, vector<16xi32>,
      %get3A_481 = vector.shape_cast %get3A_480 : vector<16xi32> to vector<16xi32>
      %shift_right_logical3A_482 = arith.constant 14 : i32
      %shift_right_logical3A_483 = vector.broadcast %shift_right_logical3A_482 : i32 to vector<16xi32>
      %shift_right_logical3A_484 = arith.shrui %get3A_481, %shift_right_logical3A_483 : vector<16xi32>
      %swap3A_485 = arith.constant 32 : index
      %swap3A_486 = tpu.vector_load %arg9[%swap3A_485] {strides = array<i32>} : memref<80xi32, #tpu.memory_space<vmem>>, vector<16xi32>,
      %swap3A_487 = vector.shape_cast %swap3A_486 : vector<16xi32> to vector<16xi32>
      %swap3A_488 = vector.shape_cast %shift_right_logical3A_484 : vector<16xi32> to vector<16xi32>
      tpu.vector_store %arg9[%swap3A_485], %swap3A_488 {strides = array<i32>} : memref<80xi32, #tpu.memory_space<vmem>>, vector<16xi32>,
      %and3A_489 = arith.constant 16383 : i32
      %and3A_490 = vector.broadcast %and3A_489 : i32 to vector<16xi32>
      %and3A_491 = arith.andi %get3A_481, %and3A_490 : vector<16xi32>
      %swap3A_492 = arith.constant 32 : index
      %swap3A_493 = tpu.vector_load %arg12[%swap3A_492] {strides = array<i32>} : memref<80xi32, #tpu.memory_space<vmem>>, vector<16xi32>,
      %swap3A_494 = vector.shape_cast %swap3A_493 : vector<16xi32> to vector<16xi32>
      %swap3A_495 = vector.shape_cast %and3A_491 : vector<16xi32> to vector<16xi32>
      tpu.vector_store %arg12[%swap3A_492], %swap3A_495 {strides = array<i32>} : memref<80xi32, #tpu.memory_space<vmem>>, vector<16xi32>,
      %add3A_496 = arith.constant 48 : i32
      %add3A_497 = arith.addi %mul3A_438, %add3A_496 : i32
      %get3A_498 = arith.index_cast %add3A_497 : i32 to index
      %get3A_499 = tpu.vector_load %arg6[%get3A_498] {strides = array<i32>} : memref<10080xi32, #tpu.memory_space<vmem>>, vector<16xi32>,
      %get3A_500 = vector.shape_cast %get3A_499 : vector<16xi32> to vector<16xi32>
      %shift_right_logical3A_501 = arith.constant 14 : i32
      %shift_right_logical3A_502 = vector.broadcast %shift_right_logical3A_501 : i32 to vector<16xi32>
      %shift_right_logical3A_503 = arith.shrui %get3A_500, %shift_right_logical3A_502 : vector<16xi32>
      %swap3A_504 = arith.constant 48 : index
      %swap3A_505 = tpu.vector_load %arg9[%swap3A_504] {strides = array<i32>} : memref<80xi32, #tpu.memory_space<vmem>>, vector<16xi32>,
      %swap3A_506 = vector.shape_cast %swap3A_505 : vector<16xi32> to vector<16xi32>
      %swap3A_507 = vector.shape_cast %shift_right_logical3A_503 : vector<16xi32> to vector<16xi32>
      tpu.vector_store %arg9[%swap3A_504], %swap3A_507 {strides = array<i32>} : memref<80xi32, #tpu.memory_space<vmem>>, vector<16xi32>,
      %and3A_508 = arith.constant 16383 : i32
      %and3A_509 = vector.broadcast %and3A_508 : i32 to vector<16xi32>
      %and3A_510 = arith.andi %get3A_500, %and3A_509 : vector<16xi32>
      %swap3A_511 = arith.constant 48 : index
      %swap3A_512 = tpu.vector_load %arg12[%swap3A_511] {strides = array<i32>} : memref<80xi32, #tpu.memory_space<vmem>>, vector<16xi32>,
      %swap3A_513 = vector.shape_cast %swap3A_512 : vector<16xi32> to vector<16xi32>
      %swap3A_514 = vector.shape_cast %and3A_510 : vector<16xi32> to vector<16xi32>
      tpu.vector_store %arg12[%swap3A_511], %swap3A_514 {strides = array<i32>} : memref<80xi32, #tpu.memory_space<vmem>>, vector<16xi32>,
      %add3A_515 = arith.constant 64 : i32
      %add3A_516 = arith.addi %mul3A_438, %add3A_515 : i32
      %get3A_517 = arith.index_cast %add3A_516 : i32 to index
      %get3A_518 = tpu.vector_load %arg6[%get3A_517] {strides = array<i32>} : memref<10080xi32, #tpu.memory_space<vmem>>, vector<16xi32>,
      %get3A_519 = vector.shape_cast %get3A_518 : vector<16xi32> to vector<16xi32>
      %shift_right_logical3A_520 = arith.constant 14 : i32
      %shift_right_logical3A_521 = vector.broadcast %shift_right_logical3A_520 : i32 to vector<16xi32>
      %shift_right_logical3A_522 = arith.shrui %get3A_519, %shift_right_logical3A_521 : vector<16xi32>
      %swap3A_523 = arith.constant 64 : index
      %swap3A_524 = tpu.vector_load %arg9[%swap3A_523] {strides = array<i32>} : memref<80xi32, #tpu.memory_space<vmem>>, vector<16xi32>,
      %swap3A_525 = vector.shape_cast %swap3A_524 : vector<16xi32> to vector<16xi32>
      %swap3A_526 = vector.shape_cast %shift_right_logical3A_522 : vector<16xi32> to vector<16xi32>
      tpu.vector_store %arg9[%swap3A_523], %swap3A_526 {strides = array<i32>} : memref<80xi32, #tpu.memory_space<vmem>>, vector<16xi32>,
      %and3A_527 = arith.constant 16383 : i32
      %and3A_528 = vector.broadcast %and3A_527 : i32 to vector<16xi32>
      %and3A_529 = arith.andi %get3A_519, %and3A_528 : vector<16xi32>
      %swap3A_530 = arith.constant 64 : index
      %swap3A_531 = tpu.vector_load %arg12[%swap3A_530] {strides = array<i32>} : memref<80xi32, #tpu.memory_space<vmem>>, vector<16xi32>,
      %swap3A_532 = vector.shape_cast %swap3A_531 : vector<16xi32> to vector<16xi32>
      %swap3A_533 = vector.shape_cast %and3A_529 : vector<16xi32> to vector<16xi32>
      tpu.vector_store %arg12[%swap3A_530], %swap3A_533 {strides = array<i32>} : memref<80xi32, #tpu.memory_space<vmem>>, vector<16xi32>,
      %dma_start3A_534 = arith.constant 0 : i32
      %dma_start3A_535 = arith.constant 0 : i32
      %dma_start3A_536 = tpu.memref_slice %arg2[%dma_start3A_534, %dma_start3A_535] : memref<40000x128xf32, #tpu.memory_space<hbm>> -> memref<40000x128xf32, #tpu.memory_space<hbm>>
      tpu.enqueue_indirect_dma source(%dma_start3A_536 : memref<40000x128xf32, #tpu.memory_space<hbm>>) target(%arg15 : memref<80x128xf32, #tpu.memory_space<vmem>>) offsets(%arg9 : memref<80xi32, #tpu.memory_space<vmem>>) semaphore(%arg20 : memref<!tpu.dma_semaphore, #tpu.memory_space<semaphore_mem>>)
      %dma_wait3A_537 = arith.constant 0 : i32
      %dma_wait3A_538 = arith.constant 0 : i32
      %dma_wait3A_539 = tpu.memref_slice %arg2[%dma_wait3A_537, %dma_wait3A_538] : memref<40000x128xf32, #tpu.memory_space<hbm>> -> memref<40000x128xf32, #tpu.memory_space<hbm>>
      tpu.wait_indirect_dma semaphore(%arg18 : memref<!tpu.dma_semaphore, #tpu.memory_space<semaphore_mem>>) src(%dma_wait3A_539 : memref<40000x128xf32, #tpu.memory_space<hbm>>) dst(%arg13 : memref<80x128xf32, #tpu.memory_space<vmem>>)
      "tpu.region"() ({
        %run_scoped3A = tpu.sem_alloc : memref<!tpu.dma_semaphore, #tpu.memory_space<semaphore_mem>>
        %dma_start3A_559 = arith.constant 0 : i32
        %dma_start3A_560 = arith.constant 0 : i32
        %dma_start3A_561 = tpu.memref_slice %arg16[%dma_start3A_559, %dma_start3A_560] : memref<10016x128xf32, #tpu.memory_space<vmem_shared>> -> memref<10016x128xf32, #tpu.memory_space<vmem_shared>>
        tpu.enqueue_indirect_dma source(%arg13 : memref<80x128xf32, #tpu.memory_space<vmem>>) target(%dma_start3A_561 : memref<10016x128xf32, #tpu.memory_space<vmem_shared>>) offsets(%arg10 : memref<80xi32, #tpu.memory_space<vmem>>) semaphore(%run_scoped3A : memref<!tpu.dma_semaphore, #tpu.memory_space<semaphore_mem>>) {add = true}
        %dma_wait3A_562 = arith.constant 0 : i32
        %dma_wait3A_563 = arith.constant 0 : i32
        %dma_wait3A_564 = tpu.memref_slice %arg16[%dma_wait3A_562, %dma_wait3A_563] : memref<10016x128xf32, #tpu.memory_space<vmem_shared>> -> memref<10016x128xf32, #tpu.memory_space<vmem_shared>>
        tpu.wait_indirect_dma semaphore(%run_scoped3A : memref<!tpu.dma_semaphore, #tpu.memory_space<semaphore_mem>>) src(%arg13 : memref<80x128xf32, #tpu.memory_space<vmem>>) dst(%dma_wait3A_564 : memref<10016x128xf32, #tpu.memory_space<vmem_shared>>)
        tpu.yield
      }) : () -> ()
      %add3A_540 = arith.constant 3 : i32
      %add3A_541 = arith.addi %mul3A_434, %add3A_540 : i32
      %lt3A = arith.constant 126 : i32
      %lt3A_542 = arith.cmpi slt, %add3A_541, %lt3A : i32
      %convert_element_type3A_543 = arith.extui %lt3A_542 : i1 to i32
      %cond3A_544 = arith.constant 0 : i32
      %cond3A_545 = arith.cmpi ne, %convert_element_type3A_543, %cond3A_544 : i32
      scf.if %cond3A_545 {
        %add3A_559 = arith.constant 3 : i32
        %add3A_560 = arith.addi %mul3A_434, %add3A_559 : i32
        %mul3A_561 = arith.constant 80 : i32
        %mul3A_562 = arith.muli %add3A_560, %mul3A_561 : i32
        %add3A_563 = arith.constant 0 : i32
        %add3A_564 = arith.addi %mul3A_562, %add3A_563 : i32
        %get3A_565 = arith.index_cast %add3A_564 : i32 to index
        %get3A_566 = tpu.vector_load %arg6[%get3A_565] {strides = array<i32>} : memref<10080xi32, #tpu.memory_space<vmem>>, vector<16xi32>,
        %get3A_567 = vector.shape_cast %get3A_566 : vector<16xi32> to vector<16xi32>
        %shift_right_logical3A_568 = arith.constant 14 : i32
        %shift_right_logical3A_569 = vector.broadcast %shift_right_logical3A_568 : i32 to vector<16xi32>
        %shift_right_logical3A_570 = arith.shrui %get3A_567, %shift_right_logical3A_569 : vector<16xi32>
        %swap3A_571 = arith.constant 0 : index
        %swap3A_572 = tpu.vector_load %arg7[%swap3A_571] {strides = array<i32>} : memref<80xi32, #tpu.memory_space<vmem>>, vector<16xi32>,
        %swap3A_573 = vector.shape_cast %swap3A_572 : vector<16xi32> to vector<16xi32>
        %swap3A_574 = vector.shape_cast %shift_right_logical3A_570 : vector<16xi32> to vector<16xi32>
        tpu.vector_store %arg7[%swap3A_571], %swap3A_574 {strides = array<i32>} : memref<80xi32, #tpu.memory_space<vmem>>, vector<16xi32>,
        %and3A_575 = arith.constant 16383 : i32
        %and3A_576 = vector.broadcast %and3A_575 : i32 to vector<16xi32>
        %and3A_577 = arith.andi %get3A_567, %and3A_576 : vector<16xi32>
        %swap3A_578 = arith.constant 0 : index
        %swap3A_579 = tpu.vector_load %arg10[%swap3A_578] {strides = array<i32>} : memref<80xi32, #tpu.memory_space<vmem>>, vector<16xi32>,
        %swap3A_580 = vector.shape_cast %swap3A_579 : vector<16xi32> to vector<16xi32>
        %swap3A_581 = vector.shape_cast %and3A_577 : vector<16xi32> to vector<16xi32>
        tpu.vector_store %arg10[%swap3A_578], %swap3A_581 {strides = array<i32>} : memref<80xi32, #tpu.memory_space<vmem>>, vector<16xi32>,
        %add3A_582 = arith.constant 16 : i32
        %add3A_583 = arith.addi %mul3A_562, %add3A_582 : i32
        %get3A_584 = arith.index_cast %add3A_583 : i32 to index
        %get3A_585 = tpu.vector_load %arg6[%get3A_584] {strides = array<i32>} : memref<10080xi32, #tpu.memory_space<vmem>>, vector<16xi32>,
        %get3A_586 = vector.shape_cast %get3A_585 : vector<16xi32> to vector<16xi32>
        %shift_right_logical3A_587 = arith.constant 14 : i32
        %shift_right_logical3A_588 = vector.broadcast %shift_right_logical3A_587 : i32 to vector<16xi32>
        %shift_right_logical3A_589 = arith.shrui %get3A_586, %shift_right_logical3A_588 : vector<16xi32>
        %swap3A_590 = arith.constant 16 : index
        %swap3A_591 = tpu.vector_load %arg7[%swap3A_590] {strides = array<i32>} : memref<80xi32, #tpu.memory_space<vmem>>, vector<16xi32>,
        %swap3A_592 = vector.shape_cast %swap3A_591 : vector<16xi32> to vector<16xi32>
        %swap3A_593 = vector.shape_cast %shift_right_logical3A_589 : vector<16xi32> to vector<16xi32>
        tpu.vector_store %arg7[%swap3A_590], %swap3A_593 {strides = array<i32>} : memref<80xi32, #tpu.memory_space<vmem>>, vector<16xi32>,
        %and3A_594 = arith.constant 16383 : i32
        %and3A_595 = vector.broadcast %and3A_594 : i32 to vector<16xi32>
        %and3A_596 = arith.andi %get3A_586, %and3A_595 : vector<16xi32>
        %swap3A_597 = arith.constant 16 : index
        %swap3A_598 = tpu.vector_load %arg10[%swap3A_597] {strides = array<i32>} : memref<80xi32, #tpu.memory_space<vmem>>, vector<16xi32>,
        %swap3A_599 = vector.shape_cast %swap3A_598 : vector<16xi32> to vector<16xi32>
        %swap3A_600 = vector.shape_cast %and3A_596 : vector<16xi32> to vector<16xi32>
        tpu.vector_store %arg10[%swap3A_597], %swap3A_600 {strides = array<i32>} : memref<80xi32, #tpu.memory_space<vmem>>, vector<16xi32>,
        %add3A_601 = arith.constant 32 : i32
        %add3A_602 = arith.addi %mul3A_562, %add3A_601 : i32
        %get3A_603 = arith.index_cast %add3A_602 : i32 to index
        %get3A_604 = tpu.vector_load %arg6[%get3A_603] {strides = array<i32>} : memref<10080xi32, #tpu.memory_space<vmem>>, vector<16xi32>,
        %get3A_605 = vector.shape_cast %get3A_604 : vector<16xi32> to vector<16xi32>
        %shift_right_logical3A_606 = arith.constant 14 : i32
        %shift_right_logical3A_607 = vector.broadcast %shift_right_logical3A_606 : i32 to vector<16xi32>
        %shift_right_logical3A_608 = arith.shrui %get3A_605, %shift_right_logical3A_607 : vector<16xi32>
        %swap3A_609 = arith.constant 32 : index
        %swap3A_610 = tpu.vector_load %arg7[%swap3A_609] {strides = array<i32>} : memref<80xi32, #tpu.memory_space<vmem>>, vector<16xi32>,
        %swap3A_611 = vector.shape_cast %swap3A_610 : vector<16xi32> to vector<16xi32>
        %swap3A_612 = vector.shape_cast %shift_right_logical3A_608 : vector<16xi32> to vector<16xi32>
        tpu.vector_store %arg7[%swap3A_609], %swap3A_612 {strides = array<i32>} : memref<80xi32, #tpu.memory_space<vmem>>, vector<16xi32>,
        %and3A_613 = arith.constant 16383 : i32
        %and3A_614 = vector.broadcast %and3A_613 : i32 to vector<16xi32>
        %and3A_615 = arith.andi %get3A_605, %and3A_614 : vector<16xi32>
        %swap3A_616 = arith.constant 32 : index
        %swap3A_617 = tpu.vector_load %arg10[%swap3A_616] {strides = array<i32>} : memref<80xi32, #tpu.memory_space<vmem>>, vector<16xi32>,
        %swap3A_618 = vector.shape_cast %swap3A_617 : vector<16xi32> to vector<16xi32>
        %swap3A_619 = vector.shape_cast %and3A_615 : vector<16xi32> to vector<16xi32>
        tpu.vector_store %arg10[%swap3A_616], %swap3A_619 {strides = array<i32>} : memref<80xi32, #tpu.memory_space<vmem>>, vector<16xi32>,
        %add3A_620 = arith.constant 48 : i32
        %add3A_621 = arith.addi %mul3A_562, %add3A_620 : i32
        %get3A_622 = arith.index_cast %add3A_621 : i32 to index
        %get3A_623 = tpu.vector_load %arg6[%get3A_622] {strides = array<i32>} : memref<10080xi32, #tpu.memory_space<vmem>>, vector<16xi32>,
        %get3A_624 = vector.shape_cast %get3A_623 : vector<16xi32> to vector<16xi32>
        %shift_right_logical3A_625 = arith.constant 14 : i32
        %shift_right_logical3A_626 = vector.broadcast %shift_right_logical3A_625 : i32 to vector<16xi32>
        %shift_right_logical3A_627 = arith.shrui %get3A_624, %shift_right_logical3A_626 : vector<16xi32>
        %swap3A_628 = arith.constant 48 : index
        %swap3A_629 = tpu.vector_load %arg7[%swap3A_628] {strides = array<i32>} : memref<80xi32, #tpu.memory_space<vmem>>, vector<16xi32>,
        %swap3A_630 = vector.shape_cast %swap3A_629 : vector<16xi32> to vector<16xi32>
        %swap3A_631 = vector.shape_cast %shift_right_logical3A_627 : vector<16xi32> to vector<16xi32>
        tpu.vector_store %arg7[%swap3A_628], %swap3A_631 {strides = array<i32>} : memref<80xi32, #tpu.memory_space<vmem>>, vector<16xi32>,
        %and3A_632 = arith.constant 16383 : i32
        %and3A_633 = vector.broadcast %and3A_632 : i32 to vector<16xi32>
        %and3A_634 = arith.andi %get3A_624, %and3A_633 : vector<16xi32>
        %swap3A_635 = arith.constant 48 : index
        %swap3A_636 = tpu.vector_load %arg10[%swap3A_635] {strides = array<i32>} : memref<80xi32, #tpu.memory_space<vmem>>, vector<16xi32>,
        %swap3A_637 = vector.shape_cast %swap3A_636 : vector<16xi32> to vector<16xi32>
        %swap3A_638 = vector.shape_cast %and3A_634 : vector<16xi32> to vector<16xi32>
        tpu.vector_store %arg10[%swap3A_635], %swap3A_638 {strides = array<i32>} : memref<80xi32, #tpu.memory_space<vmem>>, vector<16xi32>,
        %add3A_639 = arith.constant 64 : i32
        %add3A_640 = arith.addi %mul3A_562, %add3A_639 : i32
        %get3A_641 = arith.index_cast %add3A_640 : i32 to index
        %get3A_642 = tpu.vector_load %arg6[%get3A_641] {strides = array<i32>} : memref<10080xi32, #tpu.memory_space<vmem>>, vector<16xi32>,
        %get3A_643 = vector.shape_cast %get3A_642 : vector<16xi32> to vector<16xi32>
        %shift_right_logical3A_644 = arith.constant 14 : i32
        %shift_right_logical3A_645 = vector.broadcast %shift_right_logical3A_644 : i32 to vector<16xi32>
        %shift_right_logical3A_646 = arith.shrui %get3A_643, %shift_right_logical3A_645 : vector<16xi32>
        %swap3A_647 = arith.constant 64 : index
        %swap3A_648 = tpu.vector_load %arg7[%swap3A_647] {strides = array<i32>} : memref<80xi32, #tpu.memory_space<vmem>>, vector<16xi32>,
        %swap3A_649 = vector.shape_cast %swap3A_648 : vector<16xi32> to vector<16xi32>
        %swap3A_650 = vector.shape_cast %shift_right_logical3A_646 : vector<16xi32> to vector<16xi32>
        tpu.vector_store %arg7[%swap3A_647], %swap3A_650 {strides = array<i32>} : memref<80xi32, #tpu.memory_space<vmem>>, vector<16xi32>,
        %and3A_651 = arith.constant 16383 : i32
        %and3A_652 = vector.broadcast %and3A_651 : i32 to vector<16xi32>
        %and3A_653 = arith.andi %get3A_643, %and3A_652 : vector<16xi32>
        %swap3A_654 = arith.constant 64 : index
        %swap3A_655 = tpu.vector_load %arg10[%swap3A_654] {strides = array<i32>} : memref<80xi32, #tpu.memory_space<vmem>>, vector<16xi32>,
        %swap3A_656 = vector.shape_cast %swap3A_655 : vector<16xi32> to vector<16xi32>
        %swap3A_657 = vector.shape_cast %and3A_653 : vector<16xi32> to vector<16xi32>
        tpu.vector_store %arg10[%swap3A_654], %swap3A_657 {strides = array<i32>} : memref<80xi32, #tpu.memory_space<vmem>>, vector<16xi32>,
        %dma_start3A_658 = arith.constant 0 : i32
        %dma_start3A_659 = arith.constant 0 : i32
        %dma_start3A_660 = tpu.memref_slice %arg2[%dma_start3A_658, %dma_start3A_659] : memref<40000x128xf32, #tpu.memory_space<hbm>> -> memref<40000x128xf32, #tpu.memory_space<hbm>>
        tpu.enqueue_indirect_dma source(%dma_start3A_660 : memref<40000x128xf32, #tpu.memory_space<hbm>>) target(%arg13 : memref<80x128xf32, #tpu.memory_space<vmem>>) offsets(%arg7 : memref<80xi32, #tpu.memory_space<vmem>>) semaphore(%arg18 : memref<!tpu.dma_semaphore, #tpu.memory_space<semaphore_mem>>)
      } else {
      }
      %dma_wait3A_546 = arith.constant 0 : i32
      %dma_wait3A_547 = arith.constant 0 : i32
      %dma_wait3A_548 = tpu.memref_slice %arg2[%dma_wait3A_546, %dma_wait3A_547] : memref<40000x128xf32, #tpu.memory_space<hbm>> -> memref<40000x128xf32, #tpu.memory_space<hbm>>
      tpu.wait_indirect_dma semaphore(%arg19 : memref<!tpu.dma_semaphore, #tpu.memory_space<semaphore_mem>>) src(%dma_wait3A_548 : memref<40000x128xf32, #tpu.memory_space<hbm>>) dst(%arg14 : memref<80x128xf32, #tpu.memory_space<vmem>>)
      "tpu.region"() ({
        %run_scoped3A = tpu.sem_alloc : memref<!tpu.dma_semaphore, #tpu.memory_space<semaphore_mem>>
        %dma_start3A_559 = arith.constant 0 : i32
        %dma_start3A_560 = arith.constant 0 : i32
        %dma_start3A_561 = tpu.memref_slice %arg16[%dma_start3A_559, %dma_start3A_560] : memref<10016x128xf32, #tpu.memory_space<vmem_shared>> -> memref<10016x128xf32, #tpu.memory_space<vmem_shared>>
        tpu.enqueue_indirect_dma source(%arg14 : memref<80x128xf32, #tpu.memory_space<vmem>>) target(%dma_start3A_561 : memref<10016x128xf32, #tpu.memory_space<vmem_shared>>) offsets(%arg11 : memref<80xi32, #tpu.memory_space<vmem>>) semaphore(%run_scoped3A : memref<!tpu.dma_semaphore, #tpu.memory_space<semaphore_mem>>) {add = true}
        %dma_wait3A_562 = arith.constant 0 : i32
        %dma_wait3A_563 = arith.constant 0 : i32
        %dma_wait3A_564 = tpu.memref_slice %arg16[%dma_wait3A_562, %dma_wait3A_563] : memref<10016x128xf32, #tpu.memory_space<vmem_shared>> -> memref<10016x128xf32, #tpu.memory_space<vmem_shared>>
        tpu.wait_indirect_dma semaphore(%run_scoped3A : memref<!tpu.dma_semaphore, #tpu.memory_space<semaphore_mem>>) src(%arg14 : memref<80x128xf32, #tpu.memory_space<vmem>>) dst(%dma_wait3A_564 : memref<10016x128xf32, #tpu.memory_space<vmem_shared>>)
        tpu.yield
      }) : () -> ()
      %add3A_549 = arith.constant 4 : i32
      %add3A_550 = arith.addi %mul3A_434, %add3A_549 : i32
      %lt3A_551 = arith.constant 126 : i32
      %lt3A_552 = arith.cmpi slt, %add3A_550, %lt3A_551 : i32
      %convert_element_type3A_553 = arith.extui %lt3A_552 : i1 to i32
      %cond3A_554 = arith.constant 0 : i32
      %cond3A_555 = arith.cmpi ne, %convert_element_type3A_553, %cond3A_554 : i32
      scf.if %cond3A_555 {
        %add3A_559 = arith.constant 4 : i32
        %add3A_560 = arith.addi %mul3A_434, %add3A_559 : i32
        %mul3A_561 = arith.constant 80 : i32
        %mul3A_562 = arith.muli %add3A_560, %mul3A_561 : i32
        %add3A_563 = arith.constant 0 : i32
        %add3A_564 = arith.addi %mul3A_562, %add3A_563 : i32
        %get3A_565 = arith.index_cast %add3A_564 : i32 to index
        %get3A_566 = tpu.vector_load %arg6[%get3A_565] {strides = array<i32>} : memref<10080xi32, #tpu.memory_space<vmem>>, vector<16xi32>,
        %get3A_567 = vector.shape_cast %get3A_566 : vector<16xi32> to vector<16xi32>
        %shift_right_logical3A_568 = arith.constant 14 : i32
        %shift_right_logical3A_569 = vector.broadcast %shift_right_logical3A_568 : i32 to vector<16xi32>
        %shift_right_logical3A_570 = arith.shrui %get3A_567, %shift_right_logical3A_569 : vector<16xi32>
        %swap3A_571 = arith.constant 0 : index
        %swap3A_572 = tpu.vector_load %arg8[%swap3A_571] {strides = array<i32>} : memref<80xi32, #tpu.memory_space<vmem>>, vector<16xi32>,
        %swap3A_573 = vector.shape_cast %swap3A_572 : vector<16xi32> to vector<16xi32>
        %swap3A_574 = vector.shape_cast %shift_right_logical3A_570 : vector<16xi32> to vector<16xi32>
        tpu.vector_store %arg8[%swap3A_571], %swap3A_574 {strides = array<i32>} : memref<80xi32, #tpu.memory_space<vmem>>, vector<16xi32>,
        %and3A_575 = arith.constant 16383 : i32
        %and3A_576 = vector.broadcast %and3A_575 : i32 to vector<16xi32>
        %and3A_577 = arith.andi %get3A_567, %and3A_576 : vector<16xi32>
        %swap3A_578 = arith.constant 0 : index
        %swap3A_579 = tpu.vector_load %arg11[%swap3A_578] {strides = array<i32>} : memref<80xi32, #tpu.memory_space<vmem>>, vector<16xi32>,
        %swap3A_580 = vector.shape_cast %swap3A_579 : vector<16xi32> to vector<16xi32>
        %swap3A_581 = vector.shape_cast %and3A_577 : vector<16xi32> to vector<16xi32>
        tpu.vector_store %arg11[%swap3A_578], %swap3A_581 {strides = array<i32>} : memref<80xi32, #tpu.memory_space<vmem>>, vector<16xi32>,
        %add3A_582 = arith.constant 16 : i32
        %add3A_583 = arith.addi %mul3A_562, %add3A_582 : i32
        %get3A_584 = arith.index_cast %add3A_583 : i32 to index
        %get3A_585 = tpu.vector_load %arg6[%get3A_584] {strides = array<i32>} : memref<10080xi32, #tpu.memory_space<vmem>>, vector<16xi32>,
        %get3A_586 = vector.shape_cast %get3A_585 : vector<16xi32> to vector<16xi32>
        %shift_right_logical3A_587 = arith.constant 14 : i32
        %shift_right_logical3A_588 = vector.broadcast %shift_right_logical3A_587 : i32 to vector<16xi32>
        %shift_right_logical3A_589 = arith.shrui %get3A_586, %shift_right_logical3A_588 : vector<16xi32>
        %swap3A_590 = arith.constant 16 : index
        %swap3A_591 = tpu.vector_load %arg8[%swap3A_590] {strides = array<i32>} : memref<80xi32, #tpu.memory_space<vmem>>, vector<16xi32>,
        %swap3A_592 = vector.shape_cast %swap3A_591 : vector<16xi32> to vector<16xi32>
        %swap3A_593 = vector.shape_cast %shift_right_logical3A_589 : vector<16xi32> to vector<16xi32>
        tpu.vector_store %arg8[%swap3A_590], %swap3A_593 {strides = array<i32>} : memref<80xi32, #tpu.memory_space<vmem>>, vector<16xi32>,
        %and3A_594 = arith.constant 16383 : i32
        %and3A_595 = vector.broadcast %and3A_594 : i32 to vector<16xi32>
        %and3A_596 = arith.andi %get3A_586, %and3A_595 : vector<16xi32>
        %swap3A_597 = arith.constant 16 : index
        %swap3A_598 = tpu.vector_load %arg11[%swap3A_597] {strides = array<i32>} : memref<80xi32, #tpu.memory_space<vmem>>, vector<16xi32>,
        %swap3A_599 = vector.shape_cast %swap3A_598 : vector<16xi32> to vector<16xi32>
        %swap3A_600 = vector.shape_cast %and3A_596 : vector<16xi32> to vector<16xi32>
        tpu.vector_store %arg11[%swap3A_597], %swap3A_600 {strides = array<i32>} : memref<80xi32, #tpu.memory_space<vmem>>, vector<16xi32>,
        %add3A_601 = arith.constant 32 : i32
        %add3A_602 = arith.addi %mul3A_562, %add3A_601 : i32
        %get3A_603 = arith.index_cast %add3A_602 : i32 to index
        %get3A_604 = tpu.vector_load %arg6[%get3A_603] {strides = array<i32>} : memref<10080xi32, #tpu.memory_space<vmem>>, vector<16xi32>,
        %get3A_605 = vector.shape_cast %get3A_604 : vector<16xi32> to vector<16xi32>
        %shift_right_logical3A_606 = arith.constant 14 : i32
        %shift_right_logical3A_607 = vector.broadcast %shift_right_logical3A_606 : i32 to vector<16xi32>
        %shift_right_logical3A_608 = arith.shrui %get3A_605, %shift_right_logical3A_607 : vector<16xi32>
        %swap3A_609 = arith.constant 32 : index
        %swap3A_610 = tpu.vector_load %arg8[%swap3A_609] {strides = array<i32>} : memref<80xi32, #tpu.memory_space<vmem>>, vector<16xi32>,
        %swap3A_611 = vector.shape_cast %swap3A_610 : vector<16xi32> to vector<16xi32>
        %swap3A_612 = vector.shape_cast %shift_right_logical3A_608 : vector<16xi32> to vector<16xi32>
        tpu.vector_store %arg8[%swap3A_609], %swap3A_612 {strides = array<i32>} : memref<80xi32, #tpu.memory_space<vmem>>, vector<16xi32>,
        %and3A_613 = arith.constant 16383 : i32
        %and3A_614 = vector.broadcast %and3A_613 : i32 to vector<16xi32>
        %and3A_615 = arith.andi %get3A_605, %and3A_614 : vector<16xi32>
        %swap3A_616 = arith.constant 32 : index
        %swap3A_617 = tpu.vector_load %arg11[%swap3A_616] {strides = array<i32>} : memref<80xi32, #tpu.memory_space<vmem>>, vector<16xi32>,
        %swap3A_618 = vector.shape_cast %swap3A_617 : vector<16xi32> to vector<16xi32>
        %swap3A_619 = vector.shape_cast %and3A_615 : vector<16xi32> to vector<16xi32>
        tpu.vector_store %arg11[%swap3A_616], %swap3A_619 {strides = array<i32>} : memref<80xi32, #tpu.memory_space<vmem>>, vector<16xi32>,
        %add3A_620 = arith.constant 48 : i32
        %add3A_621 = arith.addi %mul3A_562, %add3A_620 : i32
        %get3A_622 = arith.index_cast %add3A_621 : i32 to index
        %get3A_623 = tpu.vector_load %arg6[%get3A_622] {strides = array<i32>} : memref<10080xi32, #tpu.memory_space<vmem>>, vector<16xi32>,
        %get3A_624 = vector.shape_cast %get3A_623 : vector<16xi32> to vector<16xi32>
        %shift_right_logical3A_625 = arith.constant 14 : i32
        %shift_right_logical3A_626 = vector.broadcast %shift_right_logical3A_625 : i32 to vector<16xi32>
        %shift_right_logical3A_627 = arith.shrui %get3A_624, %shift_right_logical3A_626 : vector<16xi32>
        %swap3A_628 = arith.constant 48 : index
        %swap3A_629 = tpu.vector_load %arg8[%swap3A_628] {strides = array<i32>} : memref<80xi32, #tpu.memory_space<vmem>>, vector<16xi32>,
        %swap3A_630 = vector.shape_cast %swap3A_629 : vector<16xi32> to vector<16xi32>
        %swap3A_631 = vector.shape_cast %shift_right_logical3A_627 : vector<16xi32> to vector<16xi32>
        tpu.vector_store %arg8[%swap3A_628], %swap3A_631 {strides = array<i32>} : memref<80xi32, #tpu.memory_space<vmem>>, vector<16xi32>,
        %and3A_632 = arith.constant 16383 : i32
        %and3A_633 = vector.broadcast %and3A_632 : i32 to vector<16xi32>
        %and3A_634 = arith.andi %get3A_624, %and3A_633 : vector<16xi32>
        %swap3A_635 = arith.constant 48 : index
        %swap3A_636 = tpu.vector_load %arg11[%swap3A_635] {strides = array<i32>} : memref<80xi32, #tpu.memory_space<vmem>>, vector<16xi32>,
        %swap3A_637 = vector.shape_cast %swap3A_636 : vector<16xi32> to vector<16xi32>
        %swap3A_638 = vector.shape_cast %and3A_634 : vector<16xi32> to vector<16xi32>
        tpu.vector_store %arg11[%swap3A_635], %swap3A_638 {strides = array<i32>} : memref<80xi32, #tpu.memory_space<vmem>>, vector<16xi32>,
        %add3A_639 = arith.constant 64 : i32
        %add3A_640 = arith.addi %mul3A_562, %add3A_639 : i32
        %get3A_641 = arith.index_cast %add3A_640 : i32 to index
        %get3A_642 = tpu.vector_load %arg6[%get3A_641] {strides = array<i32>} : memref<10080xi32, #tpu.memory_space<vmem>>, vector<16xi32>,
        %get3A_643 = vector.shape_cast %get3A_642 : vector<16xi32> to vector<16xi32>
        %shift_right_logical3A_644 = arith.constant 14 : i32
        %shift_right_logical3A_645 = vector.broadcast %shift_right_logical3A_644 : i32 to vector<16xi32>
        %shift_right_logical3A_646 = arith.shrui %get3A_643, %shift_right_logical3A_645 : vector<16xi32>
        %swap3A_647 = arith.constant 64 : index
        %swap3A_648 = tpu.vector_load %arg8[%swap3A_647] {strides = array<i32>} : memref<80xi32, #tpu.memory_space<vmem>>, vector<16xi32>,
        %swap3A_649 = vector.shape_cast %swap3A_648 : vector<16xi32> to vector<16xi32>
        %swap3A_650 = vector.shape_cast %shift_right_logical3A_646 : vector<16xi32> to vector<16xi32>
        tpu.vector_store %arg8[%swap3A_647], %swap3A_650 {strides = array<i32>} : memref<80xi32, #tpu.memory_space<vmem>>, vector<16xi32>,
        %and3A_651 = arith.constant 16383 : i32
        %and3A_652 = vector.broadcast %and3A_651 : i32 to vector<16xi32>
        %and3A_653 = arith.andi %get3A_643, %and3A_652 : vector<16xi32>
        %swap3A_654 = arith.constant 64 : index
        %swap3A_655 = tpu.vector_load %arg11[%swap3A_654] {strides = array<i32>} : memref<80xi32, #tpu.memory_space<vmem>>, vector<16xi32>,
        %swap3A_656 = vector.shape_cast %swap3A_655 : vector<16xi32> to vector<16xi32>
        %swap3A_657 = vector.shape_cast %and3A_653 : vector<16xi32> to vector<16xi32>
        tpu.vector_store %arg11[%swap3A_654], %swap3A_657 {strides = array<i32>} : memref<80xi32, #tpu.memory_space<vmem>>, vector<16xi32>,
        %dma_start3A_658 = arith.constant 0 : i32
        %dma_start3A_659 = arith.constant 0 : i32
        %dma_start3A_660 = tpu.memref_slice %arg2[%dma_start3A_658, %dma_start3A_659] : memref<40000x128xf32, #tpu.memory_space<hbm>> -> memref<40000x128xf32, #tpu.memory_space<hbm>>
        tpu.enqueue_indirect_dma source(%dma_start3A_660 : memref<40000x128xf32, #tpu.memory_space<hbm>>) target(%arg14 : memref<80x128xf32, #tpu.memory_space<vmem>>) offsets(%arg8 : memref<80xi32, #tpu.memory_space<vmem>>) semaphore(%arg19 : memref<!tpu.dma_semaphore, #tpu.memory_space<semaphore_mem>>)
      } else {
      }
      %dma_wait3A_556 = arith.constant 0 : i32
      %dma_wait3A_557 = arith.constant 0 : i32
      %dma_wait3A_558 = tpu.memref_slice %arg2[%dma_wait3A_556, %dma_wait3A_557] : memref<40000x128xf32, #tpu.memory_space<hbm>> -> memref<40000x128xf32, #tpu.memory_space<hbm>>
      tpu.wait_indirect_dma semaphore(%arg20 : memref<!tpu.dma_semaphore, #tpu.memory_space<semaphore_mem>>) src(%dma_wait3A_558 : memref<40000x128xf32, #tpu.memory_space<hbm>>) dst(%arg15 : memref<80x128xf32, #tpu.memory_space<vmem>>)
      "tpu.region"() ({
        %run_scoped3A = tpu.sem_alloc : memref<!tpu.dma_semaphore, #tpu.memory_space<semaphore_mem>>
        %dma_start3A_559 = arith.constant 0 : i32
        %dma_start3A_560 = arith.constant 0 : i32
        %dma_start3A_561 = tpu.memref_slice %arg16[%dma_start3A_559, %dma_start3A_560] : memref<10016x128xf32, #tpu.memory_space<vmem_shared>> -> memref<10016x128xf32, #tpu.memory_space<vmem_shared>>
        tpu.enqueue_indirect_dma source(%arg15 : memref<80x128xf32, #tpu.memory_space<vmem>>) target(%dma_start3A_561 : memref<10016x128xf32, #tpu.memory_space<vmem_shared>>) offsets(%arg12 : memref<80xi32, #tpu.memory_space<vmem>>) semaphore(%run_scoped3A : memref<!tpu.dma_semaphore, #tpu.memory_space<semaphore_mem>>) {add = true}
        %dma_wait3A_562 = arith.constant 0 : i32
        %dma_wait3A_563 = arith.constant 0 : i32
        %dma_wait3A_564 = tpu.memref_slice %arg16[%dma_wait3A_562, %dma_wait3A_563] : memref<10016x128xf32, #tpu.memory_space<vmem_shared>> -> memref<10016x128xf32, #tpu.memory_space<vmem_shared>>
        tpu.wait_indirect_dma semaphore(%run_scoped3A : memref<!tpu.dma_semaphore, #tpu.memory_space<semaphore_mem>>) src(%arg15 : memref<80x128xf32, #tpu.memory_space<vmem>>) dst(%dma_wait3A_564 : memref<10016x128xf32, #tpu.memory_space<vmem_shared>>)
        tpu.yield
      }) : () -> ()
    }
    %scan3A_201 = arith.constant 42 : i32
    %barrier3A_202 = arith.constant 0 : index
    tpu.barrier barrier_id(%barrier3A_202)
    %add3A_203 = arith.constant 0 : i32
    %add3A_204 = arith.addi %mul3A_5, %add3A_203 : i32
    "tpu.region"() ({
      %run_scoped3A = tpu.sem_alloc : memref<!tpu.dma_semaphore, #tpu.memory_space<semaphore_mem>>
      %dma_start3A_432 = arith.constant 0 : i32
      %dma_start3A_433 = arith.constant 0 : i32
      %dma_start3A_434 = tpu.memref_slice %arg13[%dma_start3A_432, %dma_start3A_433] : memref<80x128xf32, #tpu.memory_space<vmem>> -> memref<80x128xf32, #tpu.memory_space<vmem>>
      %dma_start3A_435 = arith.constant 0 : i32
      %dma_start3A_436 = tpu.memref_slice %arg16[%add3A_204, %dma_start3A_435] : memref<10016x128xf32, #tpu.memory_space<vmem_shared>> -> memref<80x128xf32, #tpu.memory_space<vmem_shared>>
      %dma_start3A_437 = arith.constant 0 : i32
      %dma_start3A_438 = arith.constant 0 : i32
      %dma_start3A_439 = tpu.memref_slice %arg13[%dma_start3A_437, %dma_start3A_438] : memref<80x128xf32, #tpu.memory_space<vmem>> -> memref<80x128xf32, #tpu.memory_space<vmem>>
      %dma_start3A_440 = arith.constant 0 : i32
      %dma_start3A_441 = tpu.memref_slice %arg16[%add3A_204, %dma_start3A_440] : memref<10016x128xf32, #tpu.memory_space<vmem_shared>> -> memref<80x128xf32, #tpu.memory_space<vmem_shared>>
      tpu.enqueue_dma source(%dma_start3A_441 : memref<80x128xf32, #tpu.memory_space<vmem_shared>>) target(%dma_start3A_439 : memref<80x128xf32, #tpu.memory_space<vmem>>) target_semaphore(%run_scoped3A : memref<!tpu.dma_semaphore, #tpu.memory_space<semaphore_mem>>)
      %dma_wait3A_442 = arith.constant 0 : i32
      %dma_wait3A_443 = arith.constant 0 : i32
      %dma_wait3A_444 = tpu.memref_slice %arg13[%dma_wait3A_442, %dma_wait3A_443] : memref<80x128xf32, #tpu.memory_space<vmem>> -> memref<80x128xf32, #tpu.memory_space<vmem>>
      %dma_wait3A_445 = arith.constant 0 : i32
      %dma_wait3A_446 = tpu.memref_slice %arg16[%add3A_204, %dma_wait3A_445] : memref<10016x128xf32, #tpu.memory_space<vmem_shared>> -> memref<80x128xf32, #tpu.memory_space<vmem_shared>>
      %dma_wait3A_447 = arith.constant 0 : i32
      %dma_wait3A_448 = arith.constant 0 : i32
      %dma_wait3A_449 = tpu.memref_slice %arg13[%dma_wait3A_447, %dma_wait3A_448] : memref<80x128xf32, #tpu.memory_space<vmem>> -> memref<80x128xf32, #tpu.memory_space<vmem>>
      %dma_wait3A_450 = arith.constant 0 : i32
      %dma_wait3A_451 = tpu.memref_slice %arg16[%add3A_204, %dma_wait3A_450] : memref<10016x128xf32, #tpu.memory_space<vmem_shared>> -> memref<80x128xf32, #tpu.memory_space<vmem_shared>>
      tpu.wait_dma2 semaphore(%run_scoped3A : memref<!tpu.dma_semaphore, #tpu.memory_space<semaphore_mem>>) src(%dma_wait3A_451 : memref<80x128xf32, #tpu.memory_space<vmem_shared>>) dst(%dma_wait3A_449 : memref<80x128xf32, #tpu.memory_space<vmem>>)
      tpu.yield
    }) : () -> ()
    %add3A_205 = arith.constant 0 : i32
    %add3A_206 = arith.addi %mul3A_5, %add3A_205 : i32
    %dma_start3A_207 = arith.constant 0 : i32
    %dma_start3A_208 = arith.constant 0 : i32
    %dma_start3A_209 = tpu.memref_slice %arg13[%dma_start3A_207, %dma_start3A_208] : memref<80x128xf32, #tpu.memory_space<vmem>> -> memref<80x128xf32, #tpu.memory_space<vmem>>
    %dma_start3A_210 = arith.constant 0 : i32
    %dma_start3A_211 = tpu.memref_slice %arg5[%arg0, %add3A_206, %dma_start3A_210] : memref<2x10000x128xf32, #tpu.memory_space<hbm>> -> memref<1x80x128xf32, #tpu.memory_space<hbm>>
    %dma_start3A_212 = tpu.memref_squeeze %dma_start3A_211 : memref<1x80x128xf32, #tpu.memory_space<hbm>> -> memref<80x128xf32, #tpu.memory_space<hbm>>
    %dma_start3A_213 = arith.constant 0 : i32
    %dma_start3A_214 = tpu.memref_slice %arg5[%arg0, %add3A_206, %dma_start3A_213] : memref<2x10000x128xf32, #tpu.memory_space<hbm>> -> memref<1x80x128xf32, #tpu.memory_space<hbm>>
    %dma_start3A_215 = tpu.memref_squeeze %dma_start3A_214 : memref<1x80x128xf32, #tpu.memory_space<hbm>> -> memref<80x128xf32, #tpu.memory_space<hbm>>
    %dma_start3A_216 = arith.constant 0 : i32
    %dma_start3A_217 = arith.constant 0 : i32
    %dma_start3A_218 = tpu.memref_slice %arg13[%dma_start3A_216, %dma_start3A_217] : memref<80x128xf32, #tpu.memory_space<vmem>> -> memref<80x128xf32, #tpu.memory_space<vmem>>
    tpu.enqueue_dma source(%dma_start3A_218 : memref<80x128xf32, #tpu.memory_space<vmem>>) target(%dma_start3A_215 : memref<80x128xf32, #tpu.memory_space<hbm>>) target_semaphore(%arg18 : memref<!tpu.dma_semaphore, #tpu.memory_space<semaphore_mem>>)
    %add3A_219 = arith.constant 80 : i32
    %add3A_220 = arith.addi %mul3A_5, %add3A_219 : i32
    "tpu.region"() ({
      %run_scoped3A = tpu.sem_alloc : memref<!tpu.dma_semaphore, #tpu.memory_space<semaphore_mem>>
      %dma_start3A_432 = arith.constant 0 : i32
      %dma_start3A_433 = arith.constant 0 : i32
      %dma_start3A_434 = tpu.memref_slice %arg14[%dma_start3A_432, %dma_start3A_433] : memref<80x128xf32, #tpu.memory_space<vmem>> -> memref<80x128xf32, #tpu.memory_space<vmem>>
      %dma_start3A_435 = arith.constant 0 : i32
      %dma_start3A_436 = tpu.memref_slice %arg16[%add3A_220, %dma_start3A_435] : memref<10016x128xf32, #tpu.memory_space<vmem_shared>> -> memref<80x128xf32, #tpu.memory_space<vmem_shared>>
      %dma_start3A_437 = arith.constant 0 : i32
      %dma_start3A_438 = arith.constant 0 : i32
      %dma_start3A_439 = tpu.memref_slice %arg14[%dma_start3A_437, %dma_start3A_438] : memref<80x128xf32, #tpu.memory_space<vmem>> -> memref<80x128xf32, #tpu.memory_space<vmem>>
      %dma_start3A_440 = arith.constant 0 : i32
      %dma_start3A_441 = tpu.memref_slice %arg16[%add3A_220, %dma_start3A_440] : memref<10016x128xf32, #tpu.memory_space<vmem_shared>> -> memref<80x128xf32, #tpu.memory_space<vmem_shared>>
      tpu.enqueue_dma source(%dma_start3A_441 : memref<80x128xf32, #tpu.memory_space<vmem_shared>>) target(%dma_start3A_439 : memref<80x128xf32, #tpu.memory_space<vmem>>) target_semaphore(%run_scoped3A : memref<!tpu.dma_semaphore, #tpu.memory_space<semaphore_mem>>)
      %dma_wait3A_442 = arith.constant 0 : i32
      %dma_wait3A_443 = arith.constant 0 : i32
      %dma_wait3A_444 = tpu.memref_slice %arg14[%dma_wait3A_442, %dma_wait3A_443] : memref<80x128xf32, #tpu.memory_space<vmem>> -> memref<80x128xf32, #tpu.memory_space<vmem>>
      %dma_wait3A_445 = arith.constant 0 : i32
      %dma_wait3A_446 = tpu.memref_slice %arg16[%add3A_220, %dma_wait3A_445] : memref<10016x128xf32, #tpu.memory_space<vmem_shared>> -> memref<80x128xf32, #tpu.memory_space<vmem_shared>>
      %dma_wait3A_447 = arith.constant 0 : i32
      %dma_wait3A_448 = arith.constant 0 : i32
      %dma_wait3A_449 = tpu.memref_slice %arg14[%dma_wait3A_447, %dma_wait3A_448] : memref<80x128xf32, #tpu.memory_space<vmem>> -> memref<80x128xf32, #tpu.memory_space<vmem>>
      %dma_wait3A_450 = arith.constant 0 : i32
      %dma_wait3A_451 = tpu.memref_slice %arg16[%add3A_220, %dma_wait3A_450] : memref<10016x128xf32, #tpu.memory_space<vmem_shared>> -> memref<80x128xf32, #tpu.memory_space<vmem_shared>>
      tpu.wait_dma2 semaphore(%run_scoped3A : memref<!tpu.dma_semaphore, #tpu.memory_space<semaphore_mem>>) src(%dma_wait3A_451 : memref<80x128xf32, #tpu.memory_space<vmem_shared>>) dst(%dma_wait3A_449 : memref<80x128xf32, #tpu.memory_space<vmem>>)
      tpu.yield
    }) : () -> ()
    %add3A_221 = arith.constant 80 : i32
    %add3A_222 = arith.addi %mul3A_5, %add3A_221 : i32
    %dma_start3A_223 = arith.constant 0 : i32
    %dma_start3A_224 = arith.constant 0 : i32
    %dma_start3A_225 = tpu.memref_slice %arg14[%dma_start3A_223, %dma_start3A_224] : memref<80x128xf32, #tpu.memory_space<vmem>> -> memref<80x128xf32, #tpu.memory_space<vmem>>
    %dma_start3A_226 = arith.constant 0 : i32
    %dma_start3A_227 = tpu.memref_slice %arg5[%arg0, %add3A_222, %dma_start3A_226] : memref<2x10000x128xf32, #tpu.memory_space<hbm>> -> memref<1x80x128xf32, #tpu.memory_space<hbm>>
    %dma_start3A_228 = tpu.memref_squeeze %dma_start3A_227 : memref<1x80x128xf32, #tpu.memory_space<hbm>> -> memref<80x128xf32, #tpu.memory_space<hbm>>
    %dma_start3A_229 = arith.constant 0 : i32
    %dma_start3A_230 = tpu.memref_slice %arg5[%arg0, %add3A_222, %dma_start3A_229] : memref<2x10000x128xf32, #tpu.memory_space<hbm>> -> memref<1x80x128xf32, #tpu.memory_space<hbm>>
    %dma_start3A_231 = tpu.memref_squeeze %dma_start3A_230 : memref<1x80x128xf32, #tpu.memory_space<hbm>> -> memref<80x128xf32, #tpu.memory_space<hbm>>
    %dma_start3A_232 = arith.constant 0 : i32
    %dma_start3A_233 = arith.constant 0 : i32
    %dma_start3A_234 = tpu.memref_slice %arg14[%dma_start3A_232, %dma_start3A_233] : memref<80x128xf32, #tpu.memory_space<vmem>> -> memref<80x128xf32, #tpu.memory_space<vmem>>
    tpu.enqueue_dma source(%dma_start3A_234 : memref<80x128xf32, #tpu.memory_space<vmem>>) target(%dma_start3A_231 : memref<80x128xf32, #tpu.memory_space<hbm>>) target_semaphore(%arg19 : memref<!tpu.dma_semaphore, #tpu.memory_space<semaphore_mem>>)
    %dma_wait3A_235 = arith.constant 0 : i32
    %dma_wait3A_236 = arith.constant 0 : i32
    %dma_wait3A_237 = tpu.memref_slice %arg13[%dma_wait3A_235, %dma_wait3A_236] : memref<80x128xf32, #tpu.memory_space<vmem>> -> memref<80x128xf32, #tpu.memory_space<vmem>>
    %dma_wait3A_238 = arith.constant 0 : i32
    %dma_wait3A_239 = tpu.memref_slice %arg5[%arg0, %add3A_206, %dma_wait3A_238] : memref<2x10000x128xf32, #tpu.memory_space<hbm>> -> memref<1x80x128xf32, #tpu.memory_space<hbm>>
    %dma_wait3A_240 = tpu.memref_squeeze %dma_wait3A_239 : memref<1x80x128xf32, #tpu.memory_space<hbm>> -> memref<80x128xf32, #tpu.memory_space<hbm>>
    %dma_wait3A_241 = arith.constant 0 : i32
    %dma_wait3A_242 = tpu.memref_slice %arg5[%arg0, %add3A_206, %dma_wait3A_241] : memref<2x10000x128xf32, #tpu.memory_space<hbm>> -> memref<1x80x128xf32, #tpu.memory_space<hbm>>
    %dma_wait3A_243 = tpu.memref_squeeze %dma_wait3A_242 : memref<1x80x128xf32, #tpu.memory_space<hbm>> -> memref<80x128xf32, #tpu.memory_space<hbm>>
    %dma_wait3A_244 = arith.constant 0 : i32
    %dma_wait3A_245 = arith.constant 0 : i32
    %dma_wait3A_246 = tpu.memref_slice %arg13[%dma_wait3A_244, %dma_wait3A_245] : memref<80x128xf32, #tpu.memory_space<vmem>> -> memref<80x128xf32, #tpu.memory_space<vmem>>
    tpu.wait_dma2 semaphore(%arg18 : memref<!tpu.dma_semaphore, #tpu.memory_space<semaphore_mem>>) src(%dma_wait3A_246 : memref<80x128xf32, #tpu.memory_space<vmem>>) dst(%dma_wait3A_243 : memref<80x128xf32, #tpu.memory_space<hbm>>)
    %add3A_247 = arith.constant 160 : i32
    %add3A_248 = arith.addi %mul3A_5, %add3A_247 : i32
    "tpu.region"() ({
      %run_scoped3A = tpu.sem_alloc : memref<!tpu.dma_semaphore, #tpu.memory_space<semaphore_mem>>
      %dma_start3A_432 = arith.constant 0 : i32
      %dma_start3A_433 = arith.constant 0 : i32
      %dma_start3A_434 = tpu.memref_slice %arg13[%dma_start3A_432, %dma_start3A_433] : memref<80x128xf32, #tpu.memory_space<vmem>> -> memref<80x128xf32, #tpu.memory_space<vmem>>
      %dma_start3A_435 = arith.constant 0 : i32
      %dma_start3A_436 = tpu.memref_slice %arg16[%add3A_248, %dma_start3A_435] : memref<10016x128xf32, #tpu.memory_space<vmem_shared>> -> memref<80x128xf32, #tpu.memory_space<vmem_shared>>
      %dma_start3A_437 = arith.constant 0 : i32
      %dma_start3A_438 = arith.constant 0 : i32
      %dma_start3A_439 = tpu.memref_slice %arg13[%dma_start3A_437, %dma_start3A_438] : memref<80x128xf32, #tpu.memory_space<vmem>> -> memref<80x128xf32, #tpu.memory_space<vmem>>
      %dma_start3A_440 = arith.constant 0 : i32
      %dma_start3A_441 = tpu.memref_slice %arg16[%add3A_248, %dma_start3A_440] : memref<10016x128xf32, #tpu.memory_space<vmem_shared>> -> memref<80x128xf32, #tpu.memory_space<vmem_shared>>
      tpu.enqueue_dma source(%dma_start3A_441 : memref<80x128xf32, #tpu.memory_space<vmem_shared>>) target(%dma_start3A_439 : memref<80x128xf32, #tpu.memory_space<vmem>>) target_semaphore(%run_scoped3A : memref<!tpu.dma_semaphore, #tpu.memory_space<semaphore_mem>>)
      %dma_wait3A_442 = arith.constant 0 : i32
      %dma_wait3A_443 = arith.constant 0 : i32
      %dma_wait3A_444 = tpu.memref_slice %arg13[%dma_wait3A_442, %dma_wait3A_443] : memref<80x128xf32, #tpu.memory_space<vmem>> -> memref<80x128xf32, #tpu.memory_space<vmem>>
      %dma_wait3A_445 = arith.constant 0 : i32
      %dma_wait3A_446 = tpu.memref_slice %arg16[%add3A_248, %dma_wait3A_445] : memref<10016x128xf32, #tpu.memory_space<vmem_shared>> -> memref<80x128xf32, #tpu.memory_space<vmem_shared>>
      %dma_wait3A_447 = arith.constant 0 : i32
      %dma_wait3A_448 = arith.constant 0 : i32
      %dma_wait3A_449 = tpu.memref_slice %arg13[%dma_wait3A_447, %dma_wait3A_448] : memref<80x128xf32, #tpu.memory_space<vmem>> -> memref<80x128xf32, #tpu.memory_space<vmem>>
      %dma_wait3A_450 = arith.constant 0 : i32
      %dma_wait3A_451 = tpu.memref_slice %arg16[%add3A_248, %dma_wait3A_450] : memref<10016x128xf32, #tpu.memory_space<vmem_shared>> -> memref<80x128xf32, #tpu.memory_space<vmem_shared>>
      tpu.wait_dma2 semaphore(%run_scoped3A : memref<!tpu.dma_semaphore, #tpu.memory_space<semaphore_mem>>) src(%dma_wait3A_451 : memref<80x128xf32, #tpu.memory_space<vmem_shared>>) dst(%dma_wait3A_449 : memref<80x128xf32, #tpu.memory_space<vmem>>)
      tpu.yield
    }) : () -> ()
    %add3A_249 = arith.constant 160 : i32
    %add3A_250 = arith.addi %mul3A_5, %add3A_249 : i32
    %dma_start3A_251 = arith.constant 0 : i32
    %dma_start3A_252 = arith.constant 0 : i32
    %dma_start3A_253 = tpu.memref_slice %arg13[%dma_start3A_251, %dma_start3A_252] : memref<80x128xf32, #tpu.memory_space<vmem>> -> memref<80x128xf32, #tpu.memory_space<vmem>>
    %dma_start3A_254 = arith.constant 0 : i32
    %dma_start3A_255 = tpu.memref_slice %arg5[%arg0, %add3A_250, %dma_start3A_254] : memref<2x10000x128xf32, #tpu.memory_space<hbm>> -> memref<1x80x128xf32, #tpu.memory_space<hbm>>
    %dma_start3A_256 = tpu.memref_squeeze %dma_start3A_255 : memref<1x80x128xf32, #tpu.memory_space<hbm>> -> memref<80x128xf32, #tpu.memory_space<hbm>>
    %dma_start3A_257 = arith.constant 0 : i32
    %dma_start3A_258 = tpu.memref_slice %arg5[%arg0, %add3A_250, %dma_start3A_257] : memref<2x10000x128xf32, #tpu.memory_space<hbm>> -> memref<1x80x128xf32, #tpu.memory_space<hbm>>
    %dma_start3A_259 = tpu.memref_squeeze %dma_start3A_258 : memref<1x80x128xf32, #tpu.memory_space<hbm>> -> memref<80x128xf32, #tpu.memory_space<hbm>>
    %dma_start3A_260 = arith.constant 0 : i32
    %dma_start3A_261 = arith.constant 0 : i32
    %dma_start3A_262 = tpu.memref_slice %arg13[%dma_start3A_260, %dma_start3A_261] : memref<80x128xf32, #tpu.memory_space<vmem>> -> memref<80x128xf32, #tpu.memory_space<vmem>>
    tpu.enqueue_dma source(%dma_start3A_262 : memref<80x128xf32, #tpu.memory_space<vmem>>) target(%dma_start3A_259 : memref<80x128xf32, #tpu.memory_space<hbm>>) target_semaphore(%arg18 : memref<!tpu.dma_semaphore, #tpu.memory_space<semaphore_mem>>)
    %dma_wait3A_263 = arith.constant 0 : i32
    %dma_wait3A_264 = arith.constant 0 : i32
    %dma_wait3A_265 = tpu.memref_slice %arg14[%dma_wait3A_263, %dma_wait3A_264] : memref<80x128xf32, #tpu.memory_space<vmem>> -> memref<80x128xf32, #tpu.memory_space<vmem>>
    %dma_wait3A_266 = arith.constant 0 : i32
    %dma_wait3A_267 = tpu.memref_slice %arg5[%arg0, %add3A_222, %dma_wait3A_266] : memref<2x10000x128xf32, #tpu.memory_space<hbm>> -> memref<1x80x128xf32, #tpu.memory_space<hbm>>
    %dma_wait3A_268 = tpu.memref_squeeze %dma_wait3A_267 : memref<1x80x128xf32, #tpu.memory_space<hbm>> -> memref<80x128xf32, #tpu.memory_space<hbm>>
    %dma_wait3A_269 = arith.constant 0 : i32
    %dma_wait3A_270 = tpu.memref_slice %arg5[%arg0, %add3A_222, %dma_wait3A_269] : memref<2x10000x128xf32, #tpu.memory_space<hbm>> -> memref<1x80x128xf32, #tpu.memory_space<hbm>>
    %dma_wait3A_271 = tpu.memref_squeeze %dma_wait3A_270 : memref<1x80x128xf32, #tpu.memory_space<hbm>> -> memref<80x128xf32, #tpu.memory_space<hbm>>
    %dma_wait3A_272 = arith.constant 0 : i32
    %dma_wait3A_273 = arith.constant 0 : i32
    %dma_wait3A_274 = tpu.memref_slice %arg14[%dma_wait3A_272, %dma_wait3A_273] : memref<80x128xf32, #tpu.memory_space<vmem>> -> memref<80x128xf32, #tpu.memory_space<vmem>>
    tpu.wait_dma2 semaphore(%arg19 : memref<!tpu.dma_semaphore, #tpu.memory_space<semaphore_mem>>) src(%dma_wait3A_274 : memref<80x128xf32, #tpu.memory_space<vmem>>) dst(%dma_wait3A_271 : memref<80x128xf32, #tpu.memory_space<hbm>>)
    %add3A_275 = arith.constant 240 : i32
    %add3A_276 = arith.addi %mul3A_5, %add3A_275 : i32
    "tpu.region"() ({
      %run_scoped3A = tpu.sem_alloc : memref<!tpu.dma_semaphore, #tpu.memory_space<semaphore_mem>>
      %dma_start3A_432 = arith.constant 0 : i32
      %dma_start3A_433 = arith.constant 0 : i32
      %dma_start3A_434 = tpu.memref_slice %arg14[%dma_start3A_432, %dma_start3A_433] : memref<80x128xf32, #tpu.memory_space<vmem>> -> memref<80x128xf32, #tpu.memory_space<vmem>>
      %dma_start3A_435 = arith.constant 0 : i32
      %dma_start3A_436 = tpu.memref_slice %arg16[%add3A_276, %dma_start3A_435] : memref<10016x128xf32, #tpu.memory_space<vmem_shared>> -> memref<80x128xf32, #tpu.memory_space<vmem_shared>>
      %dma_start3A_437 = arith.constant 0 : i32
      %dma_start3A_438 = arith.constant 0 : i32
      %dma_start3A_439 = tpu.memref_slice %arg14[%dma_start3A_437, %dma_start3A_438] : memref<80x128xf32, #tpu.memory_space<vmem>> -> memref<80x128xf32, #tpu.memory_space<vmem>>
      %dma_start3A_440 = arith.constant 0 : i32
      %dma_start3A_441 = tpu.memref_slice %arg16[%add3A_276, %dma_start3A_440] : memref<10016x128xf32, #tpu.memory_space<vmem_shared>> -> memref<80x128xf32, #tpu.memory_space<vmem_shared>>
      tpu.enqueue_dma source(%dma_start3A_441 : memref<80x128xf32, #tpu.memory_space<vmem_shared>>) target(%dma_start3A_439 : memref<80x128xf32, #tpu.memory_space<vmem>>) target_semaphore(%run_scoped3A : memref<!tpu.dma_semaphore, #tpu.memory_space<semaphore_mem>>)
      %dma_wait3A_442 = arith.constant 0 : i32
      %dma_wait3A_443 = arith.constant 0 : i32
      %dma_wait3A_444 = tpu.memref_slice %arg14[%dma_wait3A_442, %dma_wait3A_443] : memref<80x128xf32, #tpu.memory_space<vmem>> -> memref<80x128xf32, #tpu.memory_space<vmem>>
      %dma_wait3A_445 = arith.constant 0 : i32
      %dma_wait3A_446 = tpu.memref_slice %arg16[%add3A_276, %dma_wait3A_445] : memref<10016x128xf32, #tpu.memory_space<vmem_shared>> -> memref<80x128xf32, #tpu.memory_space<vmem_shared>>
      %dma_wait3A_447 = arith.constant 0 : i32
      %dma_wait3A_448 = arith.constant 0 : i32
      %dma_wait3A_449 = tpu.memref_slice %arg14[%dma_wait3A_447, %dma_wait3A_448] : memref<80x128xf32, #tpu.memory_space<vmem>> -> memref<80x128xf32, #tpu.memory_space<vmem>>
      %dma_wait3A_450 = arith.constant 0 : i32
      %dma_wait3A_451 = tpu.memref_slice %arg16[%add3A_276, %dma_wait3A_450] : memref<10016x128xf32, #tpu.memory_space<vmem_shared>> -> memref<80x128xf32, #tpu.memory_space<vmem_shared>>
      tpu.wait_dma2 semaphore(%run_scoped3A : memref<!tpu.dma_semaphore, #tpu.memory_space<semaphore_mem>>) src(%dma_wait3A_451 : memref<80x128xf32, #tpu.memory_space<vmem_shared>>) dst(%dma_wait3A_449 : memref<80x128xf32, #tpu.memory_space<vmem>>)
      tpu.yield
    }) : () -> ()
    %add3A_277 = arith.constant 240 : i32
    %add3A_278 = arith.addi %mul3A_5, %add3A_277 : i32
    %dma_start3A_279 = arith.constant 0 : i32
    %dma_start3A_280 = arith.constant 0 : i32
    %dma_start3A_281 = tpu.memref_slice %arg14[%dma_start3A_279, %dma_start3A_280] : memref<80x128xf32, #tpu.memory_space<vmem>> -> memref<80x128xf32, #tpu.memory_space<vmem>>
    %dma_start3A_282 = arith.constant 0 : i32
    %dma_start3A_283 = tpu.memref_slice %arg5[%arg0, %add3A_278, %dma_start3A_282] : memref<2x10000x128xf32, #tpu.memory_space<hbm>> -> memref<1x80x128xf32, #tpu.memory_space<hbm>>
    %dma_start3A_284 = tpu.memref_squeeze %dma_start3A_283 : memref<1x80x128xf32, #tpu.memory_space<hbm>> -> memref<80x128xf32, #tpu.memory_space<hbm>>
    %dma_start3A_285 = arith.constant 0 : i32
    %dma_start3A_286 = tpu.memref_slice %arg5[%arg0, %add3A_278, %dma_start3A_285] : memref<2x10000x128xf32, #tpu.memory_space<hbm>> -> memref<1x80x128xf32, #tpu.memory_space<hbm>>
    %dma_start3A_287 = tpu.memref_squeeze %dma_start3A_286 : memref<1x80x128xf32, #tpu.memory_space<hbm>> -> memref<80x128xf32, #tpu.memory_space<hbm>>
    %dma_start3A_288 = arith.constant 0 : i32
    %dma_start3A_289 = arith.constant 0 : i32
    %dma_start3A_290 = tpu.memref_slice %arg14[%dma_start3A_288, %dma_start3A_289] : memref<80x128xf32, #tpu.memory_space<vmem>> -> memref<80x128xf32, #tpu.memory_space<vmem>>
    tpu.enqueue_dma source(%dma_start3A_290 : memref<80x128xf32, #tpu.memory_space<vmem>>) target(%dma_start3A_287 : memref<80x128xf32, #tpu.memory_space<hbm>>) target_semaphore(%arg19 : memref<!tpu.dma_semaphore, #tpu.memory_space<semaphore_mem>>)
    %dma_wait3A_291 = arith.constant 0 : i32
    %dma_wait3A_292 = arith.constant 0 : i32
    %dma_wait3A_293 = tpu.memref_slice %arg13[%dma_wait3A_291, %dma_wait3A_292] : memref<80x128xf32, #tpu.memory_space<vmem>> -> memref<80x128xf32, #tpu.memory_space<vmem>>
    %dma_wait3A_294 = arith.constant 0 : i32
    %dma_wait3A_295 = tpu.memref_slice %arg5[%arg0, %add3A_250, %dma_wait3A_294] : memref<2x10000x128xf32, #tpu.memory_space<hbm>> -> memref<1x80x128xf32, #tpu.memory_space<hbm>>
    %dma_wait3A_296 = tpu.memref_squeeze %dma_wait3A_295 : memref<1x80x128xf32, #tpu.memory_space<hbm>> -> memref<80x128xf32, #tpu.memory_space<hbm>>
    %dma_wait3A_297 = arith.constant 0 : i32
    %dma_wait3A_298 = tpu.memref_slice %arg5[%arg0, %add3A_250, %dma_wait3A_297] : memref<2x10000x128xf32, #tpu.memory_space<hbm>> -> memref<1x80x128xf32, #tpu.memory_space<hbm>>
    %dma_wait3A_299 = tpu.memref_squeeze %dma_wait3A_298 : memref<1x80x128xf32, #tpu.memory_space<hbm>> -> memref<80x128xf32, #tpu.memory_space<hbm>>
    %dma_wait3A_300 = arith.constant 0 : i32
    %dma_wait3A_301 = arith.constant 0 : i32
    %dma_wait3A_302 = tpu.memref_slice %arg13[%dma_wait3A_300, %dma_wait3A_301] : memref<80x128xf32, #tpu.memory_space<vmem>> -> memref<80x128xf32, #tpu.memory_space<vmem>>
    tpu.wait_dma2 semaphore(%arg18 : memref<!tpu.dma_semaphore, #tpu.memory_space<semaphore_mem>>) src(%dma_wait3A_302 : memref<80x128xf32, #tpu.memory_space<vmem>>) dst(%dma_wait3A_299 : memref<80x128xf32, #tpu.memory_space<hbm>>)
    %add3A_303 = arith.constant 320 : i32
    %add3A_304 = arith.addi %mul3A_5, %add3A_303 : i32
    "tpu.region"() ({
      %run_scoped3A = tpu.sem_alloc : memref<!tpu.dma_semaphore, #tpu.memory_space<semaphore_mem>>
      %dma_start3A_432 = arith.constant 0 : i32
      %dma_start3A_433 = arith.constant 0 : i32
      %dma_start3A_434 = tpu.memref_slice %arg13[%dma_start3A_432, %dma_start3A_433] : memref<80x128xf32, #tpu.memory_space<vmem>> -> memref<80x128xf32, #tpu.memory_space<vmem>>
      %dma_start3A_435 = arith.constant 0 : i32
      %dma_start3A_436 = tpu.memref_slice %arg16[%add3A_304, %dma_start3A_435] : memref<10016x128xf32, #tpu.memory_space<vmem_shared>> -> memref<80x128xf32, #tpu.memory_space<vmem_shared>>
      %dma_start3A_437 = arith.constant 0 : i32
      %dma_start3A_438 = arith.constant 0 : i32
      %dma_start3A_439 = tpu.memref_slice %arg13[%dma_start3A_437, %dma_start3A_438] : memref<80x128xf32, #tpu.memory_space<vmem>> -> memref<80x128xf32, #tpu.memory_space<vmem>>
      %dma_start3A_440 = arith.constant 0 : i32
      %dma_start3A_441 = tpu.memref_slice %arg16[%add3A_304, %dma_start3A_440] : memref<10016x128xf32, #tpu.memory_space<vmem_shared>> -> memref<80x128xf32, #tpu.memory_space<vmem_shared>>
      tpu.enqueue_dma source(%dma_start3A_441 : memref<80x128xf32, #tpu.memory_space<vmem_shared>>) target(%dma_start3A_439 : memref<80x128xf32, #tpu.memory_space<vmem>>) target_semaphore(%run_scoped3A : memref<!tpu.dma_semaphore, #tpu.memory_space<semaphore_mem>>)
      %dma_wait3A_442 = arith.constant 0 : i32
      %dma_wait3A_443 = arith.constant 0 : i32
      %dma_wait3A_444 = tpu.memref_slice %arg13[%dma_wait3A_442, %dma_wait3A_443] : memref<80x128xf32, #tpu.memory_space<vmem>> -> memref<80x128xf32, #tpu.memory_space<vmem>>
      %dma_wait3A_445 = arith.constant 0 : i32
      %dma_wait3A_446 = tpu.memref_slice %arg16[%add3A_304, %dma_wait3A_445] : memref<10016x128xf32, #tpu.memory_space<vmem_shared>> -> memref<80x128xf32, #tpu.memory_space<vmem_shared>>
      %dma_wait3A_447 = arith.constant 0 : i32
      %dma_wait3A_448 = arith.constant 0 : i32
      %dma_wait3A_449 = tpu.memref_slice %arg13[%dma_wait3A_447, %dma_wait3A_448] : memref<80x128xf32, #tpu.memory_space<vmem>> -> memref<80x128xf32, #tpu.memory_space<vmem>>
      %dma_wait3A_450 = arith.constant 0 : i32
      %dma_wait3A_451 = tpu.memref_slice %arg16[%add3A_304, %dma_wait3A_450] : memref<10016x128xf32, #tpu.memory_space<vmem_shared>> -> memref<80x128xf32, #tpu.memory_space<vmem_shared>>
      tpu.wait_dma2 semaphore(%run_scoped3A : memref<!tpu.dma_semaphore, #tpu.memory_space<semaphore_mem>>) src(%dma_wait3A_451 : memref<80x128xf32, #tpu.memory_space<vmem_shared>>) dst(%dma_wait3A_449 : memref<80x128xf32, #tpu.memory_space<vmem>>)
      tpu.yield
    }) : () -> ()
    %add3A_305 = arith.constant 320 : i32
    %add3A_306 = arith.addi %mul3A_5, %add3A_305 : i32
    %dma_start3A_307 = arith.constant 0 : i32
    %dma_start3A_308 = arith.constant 0 : i32
    %dma_start3A_309 = tpu.memref_slice %arg13[%dma_start3A_307, %dma_start3A_308] : memref<80x128xf32, #tpu.memory_space<vmem>> -> memref<80x128xf32, #tpu.memory_space<vmem>>
    %dma_start3A_310 = arith.constant 0 : i32
    %dma_start3A_311 = tpu.memref_slice %arg5[%arg0, %add3A_306, %dma_start3A_310] : memref<2x10000x128xf32, #tpu.memory_space<hbm>> -> memref<1x80x128xf32, #tpu.memory_space<hbm>>
    %dma_start3A_312 = tpu.memref_squeeze %dma_start3A_311 : memref<1x80x128xf32, #tpu.memory_space<hbm>> -> memref<80x128xf32, #tpu.memory_space<hbm>>
    %dma_start3A_313 = arith.constant 0 : i32
    %dma_start3A_314 = tpu.memref_slice %arg5[%arg0, %add3A_306, %dma_start3A_313] : memref<2x10000x128xf32, #tpu.memory_space<hbm>> -> memref<1x80x128xf32, #tpu.memory_space<hbm>>
    %dma_start3A_315 = tpu.memref_squeeze %dma_start3A_314 : memref<1x80x128xf32, #tpu.memory_space<hbm>> -> memref<80x128xf32, #tpu.memory_space<hbm>>
    %dma_start3A_316 = arith.constant 0 : i32
    %dma_start3A_317 = arith.constant 0 : i32
    %dma_start3A_318 = tpu.memref_slice %arg13[%dma_start3A_316, %dma_start3A_317] : memref<80x128xf32, #tpu.memory_space<vmem>> -> memref<80x128xf32, #tpu.memory_space<vmem>>
    tpu.enqueue_dma source(%dma_start3A_318 : memref<80x128xf32, #tpu.memory_space<vmem>>) target(%dma_start3A_315 : memref<80x128xf32, #tpu.memory_space<hbm>>) target_semaphore(%arg18 : memref<!tpu.dma_semaphore, #tpu.memory_space<semaphore_mem>>)
    %dma_wait3A_319 = arith.constant 0 : i32
    %dma_wait3A_320 = arith.constant 0 : i32
    %dma_wait3A_321 = tpu.memref_slice %arg14[%dma_wait3A_319, %dma_wait3A_320] : memref<80x128xf32, #tpu.memory_space<vmem>> -> memref<80x128xf32, #tpu.memory_space<vmem>>
    %dma_wait3A_322 = arith.constant 0 : i32
    %dma_wait3A_323 = tpu.memref_slice %arg5[%arg0, %add3A_278, %dma_wait3A_322] : memref<2x10000x128xf32, #tpu.memory_space<hbm>> -> memref<1x80x128xf32, #tpu.memory_space<hbm>>
    %dma_wait3A_324 = tpu.memref_squeeze %dma_wait3A_323 : memref<1x80x128xf32, #tpu.memory_space<hbm>> -> memref<80x128xf32, #tpu.memory_space<hbm>>
    %dma_wait3A_325 = arith.constant 0 : i32
    %dma_wait3A_326 = tpu.memref_slice %arg5[%arg0, %add3A_278, %dma_wait3A_325] : memref<2x10000x128xf32, #tpu.memory_space<hbm>> -> memref<1x80x128xf32, #tpu.memory_space<hbm>>
    %dma_wait3A_327 = tpu.memref_squeeze %dma_wait3A_326 : memref<1x80x128xf32, #tpu.memory_space<hbm>> -> memref<80x128xf32, #tpu.memory_space<hbm>>
    %dma_wait3A_328 = arith.constant 0 : i32
    %dma_wait3A_329 = arith.constant 0 : i32
    %dma_wait3A_330 = tpu.memref_slice %arg14[%dma_wait3A_328, %dma_wait3A_329] : memref<80x128xf32, #tpu.memory_space<vmem>> -> memref<80x128xf32, #tpu.memory_space<vmem>>
    tpu.wait_dma2 semaphore(%arg19 : memref<!tpu.dma_semaphore, #tpu.memory_space<semaphore_mem>>) src(%dma_wait3A_330 : memref<80x128xf32, #tpu.memory_space<vmem>>) dst(%dma_wait3A_327 : memref<80x128xf32, #tpu.memory_space<hbm>>)
    %add3A_331 = arith.constant 400 : i32
    %add3A_332 = arith.addi %mul3A_5, %add3A_331 : i32
    "tpu.region"() ({
      %run_scoped3A = tpu.sem_alloc : memref<!tpu.dma_semaphore, #tpu.memory_space<semaphore_mem>>
      %dma_start3A_432 = arith.constant 0 : i32
      %dma_start3A_433 = arith.constant 0 : i32
      %dma_start3A_434 = tpu.memref_slice %arg14[%dma_start3A_432, %dma_start3A_433] : memref<80x128xf32, #tpu.memory_space<vmem>> -> memref<80x128xf32, #tpu.memory_space<vmem>>
      %dma_start3A_435 = arith.constant 0 : i32
      %dma_start3A_436 = tpu.memref_slice %arg16[%add3A_332, %dma_start3A_435] : memref<10016x128xf32, #tpu.memory_space<vmem_shared>> -> memref<80x128xf32, #tpu.memory_space<vmem_shared>>
      %dma_start3A_437 = arith.constant 0 : i32
      %dma_start3A_438 = arith.constant 0 : i32
      %dma_start3A_439 = tpu.memref_slice %arg14[%dma_start3A_437, %dma_start3A_438] : memref<80x128xf32, #tpu.memory_space<vmem>> -> memref<80x128xf32, #tpu.memory_space<vmem>>
      %dma_start3A_440 = arith.constant 0 : i32
      %dma_start3A_441 = tpu.memref_slice %arg16[%add3A_332, %dma_start3A_440] : memref<10016x128xf32, #tpu.memory_space<vmem_shared>> -> memref<80x128xf32, #tpu.memory_space<vmem_shared>>
      tpu.enqueue_dma source(%dma_start3A_441 : memref<80x128xf32, #tpu.memory_space<vmem_shared>>) target(%dma_start3A_439 : memref<80x128xf32, #tpu.memory_space<vmem>>) target_semaphore(%run_scoped3A : memref<!tpu.dma_semaphore, #tpu.memory_space<semaphore_mem>>)
      %dma_wait3A_442 = arith.constant 0 : i32
      %dma_wait3A_443 = arith.constant 0 : i32
      %dma_wait3A_444 = tpu.memref_slice %arg14[%dma_wait3A_442, %dma_wait3A_443] : memref<80x128xf32, #tpu.memory_space<vmem>> -> memref<80x128xf32, #tpu.memory_space<vmem>>
      %dma_wait3A_445 = arith.constant 0 : i32
      %dma_wait3A_446 = tpu.memref_slice %arg16[%add3A_332, %dma_wait3A_445] : memref<10016x128xf32, #tpu.memory_space<vmem_shared>> -> memref<80x128xf32, #tpu.memory_space<vmem_shared>>
      %dma_wait3A_447 = arith.constant 0 : i32
      %dma_wait3A_448 = arith.constant 0 : i32
      %dma_wait3A_449 = tpu.memref_slice %arg14[%dma_wait3A_447, %dma_wait3A_448] : memref<80x128xf32, #tpu.memory_space<vmem>> -> memref<80x128xf32, #tpu.memory_space<vmem>>
      %dma_wait3A_450 = arith.constant 0 : i32
      %dma_wait3A_451 = tpu.memref_slice %arg16[%add3A_332, %dma_wait3A_450] : memref<10016x128xf32, #tpu.memory_space<vmem_shared>> -> memref<80x128xf32, #tpu.memory_space<vmem_shared>>
      tpu.wait_dma2 semaphore(%run_scoped3A : memref<!tpu.dma_semaphore, #tpu.memory_space<semaphore_mem>>) src(%dma_wait3A_451 : memref<80x128xf32, #tpu.memory_space<vmem_shared>>) dst(%dma_wait3A_449 : memref<80x128xf32, #tpu.memory_space<vmem>>)
      tpu.yield
    }) : () -> ()
    %add3A_333 = arith.constant 400 : i32
    %add3A_334 = arith.addi %mul3A_5, %add3A_333 : i32
    %dma_start3A_335 = arith.constant 0 : i32
    %dma_start3A_336 = arith.constant 0 : i32
    %dma_start3A_337 = tpu.memref_slice %arg14[%dma_start3A_335, %dma_start3A_336] : memref<80x128xf32, #tpu.memory_space<vmem>> -> memref<80x128xf32, #tpu.memory_space<vmem>>
    %dma_start3A_338 = arith.constant 0 : i32
    %dma_start3A_339 = tpu.memref_slice %arg5[%arg0, %add3A_334, %dma_start3A_338] : memref<2x10000x128xf32, #tpu.memory_space<hbm>> -> memref<1x80x128xf32, #tpu.memory_space<hbm>>
    %dma_start3A_340 = tpu.memref_squeeze %dma_start3A_339 : memref<1x80x128xf32, #tpu.memory_space<hbm>> -> memref<80x128xf32, #tpu.memory_space<hbm>>
    %dma_start3A_341 = arith.constant 0 : i32
    %dma_start3A_342 = tpu.memref_slice %arg5[%arg0, %add3A_334, %dma_start3A_341] : memref<2x10000x128xf32, #tpu.memory_space<hbm>> -> memref<1x80x128xf32, #tpu.memory_space<hbm>>
    %dma_start3A_343 = tpu.memref_squeeze %dma_start3A_342 : memref<1x80x128xf32, #tpu.memory_space<hbm>> -> memref<80x128xf32, #tpu.memory_space<hbm>>
    %dma_start3A_344 = arith.constant 0 : i32
    %dma_start3A_345 = arith.constant 0 : i32
    %dma_start3A_346 = tpu.memref_slice %arg14[%dma_start3A_344, %dma_start3A_345] : memref<80x128xf32, #tpu.memory_space<vmem>> -> memref<80x128xf32, #tpu.memory_space<vmem>>
    tpu.enqueue_dma source(%dma_start3A_346 : memref<80x128xf32, #tpu.memory_space<vmem>>) target(%dma_start3A_343 : memref<80x128xf32, #tpu.memory_space<hbm>>) target_semaphore(%arg19 : memref<!tpu.dma_semaphore, #tpu.memory_space<semaphore_mem>>)
    %dma_wait3A_347 = arith.constant 0 : i32
    %dma_wait3A_348 = arith.constant 0 : i32
    %dma_wait3A_349 = tpu.memref_slice %arg13[%dma_wait3A_347, %dma_wait3A_348] : memref<80x128xf32, #tpu.memory_space<vmem>> -> memref<80x128xf32, #tpu.memory_space<vmem>>
    %dma_wait3A_350 = arith.constant 0 : i32
    %dma_wait3A_351 = tpu.memref_slice %arg5[%arg0, %add3A_306, %dma_wait3A_350] : memref<2x10000x128xf32, #tpu.memory_space<hbm>> -> memref<1x80x128xf32, #tpu.memory_space<hbm>>
    %dma_wait3A_352 = tpu.memref_squeeze %dma_wait3A_351 : memref<1x80x128xf32, #tpu.memory_space<hbm>> -> memref<80x128xf32, #tpu.memory_space<hbm>>
    %dma_wait3A_353 = arith.constant 0 : i32
    %dma_wait3A_354 = tpu.memref_slice %arg5[%arg0, %add3A_306, %dma_wait3A_353] : memref<2x10000x128xf32, #tpu.memory_space<hbm>> -> memref<1x80x128xf32, #tpu.memory_space<hbm>>
    %dma_wait3A_355 = tpu.memref_squeeze %dma_wait3A_354 : memref<1x80x128xf32, #tpu.memory_space<hbm>> -> memref<80x128xf32, #tpu.memory_space<hbm>>
    %dma_wait3A_356 = arith.constant 0 : i32
    %dma_wait3A_357 = arith.constant 0 : i32
    %dma_wait3A_358 = tpu.memref_slice %arg13[%dma_wait3A_356, %dma_wait3A_357] : memref<80x128xf32, #tpu.memory_space<vmem>> -> memref<80x128xf32, #tpu.memory_space<vmem>>
    tpu.wait_dma2 semaphore(%arg18 : memref<!tpu.dma_semaphore, #tpu.memory_space<semaphore_mem>>) src(%dma_wait3A_358 : memref<80x128xf32, #tpu.memory_space<vmem>>) dst(%dma_wait3A_355 : memref<80x128xf32, #tpu.memory_space<hbm>>)
    %add3A_359 = arith.constant 480 : i32
    %add3A_360 = arith.addi %mul3A_5, %add3A_359 : i32
    "tpu.region"() ({
      %run_scoped3A = tpu.sem_alloc : memref<!tpu.dma_semaphore, #tpu.memory_space<semaphore_mem>>
      %dma_start3A_432 = arith.constant 0 : i32
      %dma_start3A_433 = arith.constant 0 : i32
      %dma_start3A_434 = tpu.memref_slice %arg13[%dma_start3A_432, %dma_start3A_433] : memref<80x128xf32, #tpu.memory_space<vmem>> -> memref<80x128xf32, #tpu.memory_space<vmem>>
      %dma_start3A_435 = arith.constant 0 : i32
      %dma_start3A_436 = tpu.memref_slice %arg16[%add3A_360, %dma_start3A_435] : memref<10016x128xf32, #tpu.memory_space<vmem_shared>> -> memref<80x128xf32, #tpu.memory_space<vmem_shared>>
      %dma_start3A_437 = arith.constant 0 : i32
      %dma_start3A_438 = arith.constant 0 : i32
      %dma_start3A_439 = tpu.memref_slice %arg13[%dma_start3A_437, %dma_start3A_438] : memref<80x128xf32, #tpu.memory_space<vmem>> -> memref<80x128xf32, #tpu.memory_space<vmem>>
      %dma_start3A_440 = arith.constant 0 : i32
      %dma_start3A_441 = tpu.memref_slice %arg16[%add3A_360, %dma_start3A_440] : memref<10016x128xf32, #tpu.memory_space<vmem_shared>> -> memref<80x128xf32, #tpu.memory_space<vmem_shared>>
      tpu.enqueue_dma source(%dma_start3A_441 : memref<80x128xf32, #tpu.memory_space<vmem_shared>>) target(%dma_start3A_439 : memref<80x128xf32, #tpu.memory_space<vmem>>) target_semaphore(%run_scoped3A : memref<!tpu.dma_semaphore, #tpu.memory_space<semaphore_mem>>)
      %dma_wait3A_442 = arith.constant 0 : i32
      %dma_wait3A_443 = arith.constant 0 : i32
      %dma_wait3A_444 = tpu.memref_slice %arg13[%dma_wait3A_442, %dma_wait3A_443] : memref<80x128xf32, #tpu.memory_space<vmem>> -> memref<80x128xf32, #tpu.memory_space<vmem>>
      %dma_wait3A_445 = arith.constant 0 : i32
      %dma_wait3A_446 = tpu.memref_slice %arg16[%add3A_360, %dma_wait3A_445] : memref<10016x128xf32, #tpu.memory_space<vmem_shared>> -> memref<80x128xf32, #tpu.memory_space<vmem_shared>>
      %dma_wait3A_447 = arith.constant 0 : i32
      %dma_wait3A_448 = arith.constant 0 : i32
      %dma_wait3A_449 = tpu.memref_slice %arg13[%dma_wait3A_447, %dma_wait3A_448] : memref<80x128xf32, #tpu.memory_space<vmem>> -> memref<80x128xf32, #tpu.memory_space<vmem>>
      %dma_wait3A_450 = arith.constant 0 : i32
      %dma_wait3A_451 = tpu.memref_slice %arg16[%add3A_360, %dma_wait3A_450] : memref<10016x128xf32, #tpu.memory_space<vmem_shared>> -> memref<80x128xf32, #tpu.memory_space<vmem_shared>>
      tpu.wait_dma2 semaphore(%run_scoped3A : memref<!tpu.dma_semaphore, #tpu.memory_space<semaphore_mem>>) src(%dma_wait3A_451 : memref<80x128xf32, #tpu.memory_space<vmem_shared>>) dst(%dma_wait3A_449 : memref<80x128xf32, #tpu.memory_space<vmem>>)
      tpu.yield
    }) : () -> ()
    %add3A_361 = arith.constant 480 : i32
    %add3A_362 = arith.addi %mul3A_5, %add3A_361 : i32
    %dma_start3A_363 = arith.constant 0 : i32
    %dma_start3A_364 = arith.constant 0 : i32
    %dma_start3A_365 = tpu.memref_slice %arg13[%dma_start3A_363, %dma_start3A_364] : memref<80x128xf32, #tpu.memory_space<vmem>> -> memref<80x128xf32, #tpu.memory_space<vmem>>
    %dma_start3A_366 = arith.constant 0 : i32
    %dma_start3A_367 = tpu.memref_slice %arg5[%arg0, %add3A_362, %dma_start3A_366] : memref<2x10000x128xf32, #tpu.memory_space<hbm>> -> memref<1x80x128xf32, #tpu.memory_space<hbm>>
    %dma_start3A_368 = tpu.memref_squeeze %dma_start3A_367 : memref<1x80x128xf32, #tpu.memory_space<hbm>> -> memref<80x128xf32, #tpu.memory_space<hbm>>
    %dma_start3A_369 = arith.constant 0 : i32
    %dma_start3A_370 = tpu.memref_slice %arg5[%arg0, %add3A_362, %dma_start3A_369] : memref<2x10000x128xf32, #tpu.memory_space<hbm>> -> memref<1x80x128xf32, #tpu.memory_space<hbm>>
    %dma_start3A_371 = tpu.memref_squeeze %dma_start3A_370 : memref<1x80x128xf32, #tpu.memory_space<hbm>> -> memref<80x128xf32, #tpu.memory_space<hbm>>
    %dma_start3A_372 = arith.constant 0 : i32
    %dma_start3A_373 = arith.constant 0 : i32
    %dma_start3A_374 = tpu.memref_slice %arg13[%dma_start3A_372, %dma_start3A_373] : memref<80x128xf32, #tpu.memory_space<vmem>> -> memref<80x128xf32, #tpu.memory_space<vmem>>
    tpu.enqueue_dma source(%dma_start3A_374 : memref<80x128xf32, #tpu.memory_space<vmem>>) target(%dma_start3A_371 : memref<80x128xf32, #tpu.memory_space<hbm>>) target_semaphore(%arg18 : memref<!tpu.dma_semaphore, #tpu.memory_space<semaphore_mem>>)
    %dma_wait3A_375 = arith.constant 0 : i32
    %dma_wait3A_376 = arith.constant 0 : i32
    %dma_wait3A_377 = tpu.memref_slice %arg14[%dma_wait3A_375, %dma_wait3A_376] : memref<80x128xf32, #tpu.memory_space<vmem>> -> memref<80x128xf32, #tpu.memory_space<vmem>>
    %dma_wait3A_378 = arith.constant 0 : i32
    %dma_wait3A_379 = tpu.memref_slice %arg5[%arg0, %add3A_334, %dma_wait3A_378] : memref<2x10000x128xf32, #tpu.memory_space<hbm>> -> memref<1x80x128xf32, #tpu.memory_space<hbm>>
    %dma_wait3A_380 = tpu.memref_squeeze %dma_wait3A_379 : memref<1x80x128xf32, #tpu.memory_space<hbm>> -> memref<80x128xf32, #tpu.memory_space<hbm>>
    %dma_wait3A_381 = arith.constant 0 : i32
    %dma_wait3A_382 = tpu.memref_slice %arg5[%arg0, %add3A_334, %dma_wait3A_381] : memref<2x10000x128xf32, #tpu.memory_space<hbm>> -> memref<1x80x128xf32, #tpu.memory_space<hbm>>
    %dma_wait3A_383 = tpu.memref_squeeze %dma_wait3A_382 : memref<1x80x128xf32, #tpu.memory_space<hbm>> -> memref<80x128xf32, #tpu.memory_space<hbm>>
    %dma_wait3A_384 = arith.constant 0 : i32
    %dma_wait3A_385 = arith.constant 0 : i32
    %dma_wait3A_386 = tpu.memref_slice %arg14[%dma_wait3A_384, %dma_wait3A_385] : memref<80x128xf32, #tpu.memory_space<vmem>> -> memref<80x128xf32, #tpu.memory_space<vmem>>
    tpu.wait_dma2 semaphore(%arg19 : memref<!tpu.dma_semaphore, #tpu.memory_space<semaphore_mem>>) src(%dma_wait3A_386 : memref<80x128xf32, #tpu.memory_space<vmem>>) dst(%dma_wait3A_383 : memref<80x128xf32, #tpu.memory_space<hbm>>)
    %add3A_387 = arith.constant 560 : i32
    %add3A_388 = arith.addi %mul3A_5, %add3A_387 : i32
    "tpu.region"() ({
      %run_scoped3A = tpu.sem_alloc : memref<!tpu.dma_semaphore, #tpu.memory_space<semaphore_mem>>
      %dma_start3A_432 = arith.constant 0 : i32
      %dma_start3A_433 = arith.constant 0 : i32
      %dma_start3A_434 = tpu.memref_slice %arg14[%dma_start3A_432, %dma_start3A_433] : memref<80x128xf32, #tpu.memory_space<vmem>> -> memref<64x128xf32, #tpu.memory_space<vmem>>
      %dma_start3A_435 = arith.constant 0 : i32
      %dma_start3A_436 = tpu.memref_slice %arg16[%add3A_388, %dma_start3A_435] : memref<10016x128xf32, #tpu.memory_space<vmem_shared>> -> memref<64x128xf32, #tpu.memory_space<vmem_shared>>
      %dma_start3A_437 = arith.constant 0 : i32
      %dma_start3A_438 = arith.constant 0 : i32
      %dma_start3A_439 = tpu.memref_slice %arg14[%dma_start3A_437, %dma_start3A_438] : memref<80x128xf32, #tpu.memory_space<vmem>> -> memref<64x128xf32, #tpu.memory_space<vmem>>
      %dma_start3A_440 = arith.constant 0 : i32
      %dma_start3A_441 = tpu.memref_slice %arg16[%add3A_388, %dma_start3A_440] : memref<10016x128xf32, #tpu.memory_space<vmem_shared>> -> memref<64x128xf32, #tpu.memory_space<vmem_shared>>
      tpu.enqueue_dma source(%dma_start3A_441 : memref<64x128xf32, #tpu.memory_space<vmem_shared>>) target(%dma_start3A_439 : memref<64x128xf32, #tpu.memory_space<vmem>>) target_semaphore(%run_scoped3A : memref<!tpu.dma_semaphore, #tpu.memory_space<semaphore_mem>>)
      %dma_wait3A_442 = arith.constant 0 : i32
      %dma_wait3A_443 = arith.constant 0 : i32
      %dma_wait3A_444 = tpu.memref_slice %arg14[%dma_wait3A_442, %dma_wait3A_443] : memref<80x128xf32, #tpu.memory_space<vmem>> -> memref<64x128xf32, #tpu.memory_space<vmem>>
      %dma_wait3A_445 = arith.constant 0 : i32
      %dma_wait3A_446 = tpu.memref_slice %arg16[%add3A_388, %dma_wait3A_445] : memref<10016x128xf32, #tpu.memory_space<vmem_shared>> -> memref<64x128xf32, #tpu.memory_space<vmem_shared>>
      %dma_wait3A_447 = arith.constant 0 : i32
      %dma_wait3A_448 = arith.constant 0 : i32
      %dma_wait3A_449 = tpu.memref_slice %arg14[%dma_wait3A_447, %dma_wait3A_448] : memref<80x128xf32, #tpu.memory_space<vmem>> -> memref<64x128xf32, #tpu.memory_space<vmem>>
      %dma_wait3A_450 = arith.constant 0 : i32
      %dma_wait3A_451 = tpu.memref_slice %arg16[%add3A_388, %dma_wait3A_450] : memref<10016x128xf32, #tpu.memory_space<vmem_shared>> -> memref<64x128xf32, #tpu.memory_space<vmem_shared>>
      tpu.wait_dma2 semaphore(%run_scoped3A : memref<!tpu.dma_semaphore, #tpu.memory_space<semaphore_mem>>) src(%dma_wait3A_451 : memref<64x128xf32, #tpu.memory_space<vmem_shared>>) dst(%dma_wait3A_449 : memref<64x128xf32, #tpu.memory_space<vmem>>)
      tpu.yield
    }) : () -> ()
    %add3A_389 = arith.constant 560 : i32
    %add3A_390 = arith.addi %mul3A_5, %add3A_389 : i32
    %dma_start3A_391 = arith.constant 0 : i32
    %dma_start3A_392 = arith.constant 0 : i32
    %dma_start3A_393 = tpu.memref_slice %arg14[%dma_start3A_391, %dma_start3A_392] : memref<80x128xf32, #tpu.memory_space<vmem>> -> memref<64x128xf32, #tpu.memory_space<vmem>>
    %dma_start3A_394 = arith.constant 0 : i32
    %dma_start3A_395 = tpu.memref_slice %arg5[%arg0, %add3A_390, %dma_start3A_394] : memref<2x10000x128xf32, #tpu.memory_space<hbm>> -> memref<1x64x128xf32, #tpu.memory_space<hbm>>
    %dma_start3A_396 = tpu.memref_squeeze %dma_start3A_395 : memref<1x64x128xf32, #tpu.memory_space<hbm>> -> memref<64x128xf32, #tpu.memory_space<hbm>>
    %dma_start3A_397 = arith.constant 0 : i32
    %dma_start3A_398 = tpu.memref_slice %arg5[%arg0, %add3A_390, %dma_start3A_397] : memref<2x10000x128xf32, #tpu.memory_space<hbm>> -> memref<1x64x128xf32, #tpu.memory_space<hbm>>
    %dma_start3A_399 = tpu.memref_squeeze %dma_start3A_398 : memref<1x64x128xf32, #tpu.memory_space<hbm>> -> memref<64x128xf32, #tpu.memory_space<hbm>>
    %dma_start3A_400 = arith.constant 0 : i32
    %dma_start3A_401 = arith.constant 0 : i32
    %dma_start3A_402 = tpu.memref_slice %arg14[%dma_start3A_400, %dma_start3A_401] : memref<80x128xf32, #tpu.memory_space<vmem>> -> memref<64x128xf32, #tpu.memory_space<vmem>>
    tpu.enqueue_dma source(%dma_start3A_402 : memref<64x128xf32, #tpu.memory_space<vmem>>) target(%dma_start3A_399 : memref<64x128xf32, #tpu.memory_space<hbm>>) target_semaphore(%arg19 : memref<!tpu.dma_semaphore, #tpu.memory_space<semaphore_mem>>)
    %dma_wait3A_403 = arith.constant 0 : i32
    %dma_wait3A_404 = arith.constant 0 : i32
    %dma_wait3A_405 = tpu.memref_slice %arg13[%dma_wait3A_403, %dma_wait3A_404] : memref<80x128xf32, #tpu.memory_space<vmem>> -> memref<80x128xf32, #tpu.memory_space<vmem>>
    %dma_wait3A_406 = arith.constant 0 : i32
    %dma_wait3A_407 = tpu.memref_slice %arg5[%arg0, %add3A_362, %dma_wait3A_406] : memref<2x10000x128xf32, #tpu.memory_space<hbm>> -> memref<1x80x128xf32, #tpu.memory_space<hbm>>
    %dma_wait3A_408 = tpu.memref_squeeze %dma_wait3A_407 : memref<1x80x128xf32, #tpu.memory_space<hbm>> -> memref<80x128xf32, #tpu.memory_space<hbm>>
    %dma_wait3A_409 = arith.constant 0 : i32
    %dma_wait3A_410 = tpu.memref_slice %arg5[%arg0, %add3A_362, %dma_wait3A_409] : memref<2x10000x128xf32, #tpu.memory_space<hbm>> -> memref<1x80x128xf32, #tpu.memory_space<hbm>>
    %dma_wait3A_411 = tpu.memref_squeeze %dma_wait3A_410 : memref<1x80x128xf32, #tpu.memory_space<hbm>> -> memref<80x128xf32, #tpu.memory_space<hbm>>
    %dma_wait3A_412 = arith.constant 0 : i32
    %dma_wait3A_413 = arith.constant 0 : i32
    %dma_wait3A_414 = tpu.memref_slice %arg13[%dma_wait3A_412, %dma_wait3A_413] : memref<80x128xf32, #tpu.memory_space<vmem>> -> memref<80x128xf32, #tpu.memory_space<vmem>>
    tpu.wait_dma2 semaphore(%arg18 : memref<!tpu.dma_semaphore, #tpu.memory_space<semaphore_mem>>) src(%dma_wait3A_414 : memref<80x128xf32, #tpu.memory_space<vmem>>) dst(%dma_wait3A_411 : memref<80x128xf32, #tpu.memory_space<hbm>>)
    %dma_wait3A_415 = arith.constant 0 : i32
    %dma_wait3A_416 = arith.constant 0 : i32
    %dma_wait3A_417 = tpu.memref_slice %arg14[%dma_wait3A_415, %dma_wait3A_416] : memref<80x128xf32, #tpu.memory_space<vmem>> -> memref<64x128xf32, #tpu.memory_space<vmem>>
    %dma_wait3A_418 = arith.constant 0 : i32
    %dma_wait3A_419 = tpu.memref_slice %arg5[%arg0, %add3A_390, %dma_wait3A_418] : memref<2x10000x128xf32, #tpu.memory_space<hbm>> -> memref<1x64x128xf32, #tpu.memory_space<hbm>>
    %dma_wait3A_420 = tpu.memref_squeeze %dma_wait3A_419 : memref<1x64x128xf32, #tpu.memory_space<hbm>> -> memref<64x128xf32, #tpu.memory_space<hbm>>
    %dma_wait3A_421 = arith.constant 0 : i32
    %dma_wait3A_422 = tpu.memref_slice %arg5[%arg0, %add3A_390, %dma_wait3A_421] : memref<2x10000x128xf32, #tpu.memory_space<hbm>> -> memref<1x64x128xf32, #tpu.memory_space<hbm>>
    %dma_wait3A_423 = tpu.memref_squeeze %dma_wait3A_422 : memref<1x64x128xf32, #tpu.memory_space<hbm>> -> memref<64x128xf32, #tpu.memory_space<hbm>>
    %dma_wait3A_424 = arith.constant 0 : i32
    %dma_wait3A_425 = arith.constant 0 : i32
    %dma_wait3A_426 = tpu.memref_slice %arg14[%dma_wait3A_424, %dma_wait3A_425] : memref<80x128xf32, #tpu.memory_space<vmem>> -> memref<64x128xf32, #tpu.memory_space<vmem>>
    tpu.wait_dma2 semaphore(%arg19 : memref<!tpu.dma_semaphore, #tpu.memory_space<semaphore_mem>>) src(%dma_wait3A_426 : memref<64x128xf32, #tpu.memory_space<vmem>>) dst(%dma_wait3A_423 : memref<64x128xf32, #tpu.memory_space<hbm>>)
    %eq3A_427 = arith.constant 15 : i32
    %eq3A_428 = arith.cmpi eq, %arg1, %eq3A_427 : i32
    %convert_element_type3A_429 = arith.extui %eq3A_428 : i1 to i32
    %cond3A_430 = arith.constant 0 : i32
    %cond3A_431 = arith.cmpi ne, %convert_element_type3A_429, %cond3A_430 : i32
    scf.if %cond3A_431 {
      "tpu.region"() ({
        %run_scoped3A = tpu.sem_alloc : memref<!tpu.dma_semaphore, #tpu.memory_space<semaphore_mem>>
        %dma_start3A_432 = arith.constant 0 : i32
        %dma_start3A_433 = arith.constant 0 : i32
        %dma_start3A_434 = tpu.memref_slice %arg13[%dma_start3A_432, %dma_start3A_433] : memref<80x128xf32, #tpu.memory_space<vmem>> -> memref<16x128xf32, #tpu.memory_space<vmem>>
        %dma_start3A_435 = arith.constant 9984 : i32
        %dma_start3A_436 = arith.constant 0 : i32
        %dma_start3A_437 = tpu.memref_slice %arg16[%dma_start3A_435, %dma_start3A_436] : memref<10016x128xf32, #tpu.memory_space<vmem_shared>> -> memref<16x128xf32, #tpu.memory_space<vmem_shared>>
        %dma_start3A_438 = arith.constant 0 : i32
        %dma_start3A_439 = arith.constant 0 : i32
        %dma_start3A_440 = tpu.memref_slice %arg13[%dma_start3A_438, %dma_start3A_439] : memref<80x128xf32, #tpu.memory_space<vmem>> -> memref<16x128xf32, #tpu.memory_space<vmem>>
        %dma_start3A_441 = arith.constant 9984 : i32
        %dma_start3A_442 = arith.constant 0 : i32
        %dma_start3A_443 = tpu.memref_slice %arg16[%dma_start3A_441, %dma_start3A_442] : memref<10016x128xf32, #tpu.memory_space<vmem_shared>> -> memref<16x128xf32, #tpu.memory_space<vmem_shared>>
        tpu.enqueue_dma source(%dma_start3A_443 : memref<16x128xf32, #tpu.memory_space<vmem_shared>>) target(%dma_start3A_440 : memref<16x128xf32, #tpu.memory_space<vmem>>) target_semaphore(%run_scoped3A : memref<!tpu.dma_semaphore, #tpu.memory_space<semaphore_mem>>)
        %dma_wait3A_444 = arith.constant 0 : i32
        %dma_wait3A_445 = arith.constant 0 : i32
        %dma_wait3A_446 = tpu.memref_slice %arg13[%dma_wait3A_444, %dma_wait3A_445] : memref<80x128xf32, #tpu.memory_space<vmem>> -> memref<16x128xf32, #tpu.memory_space<vmem>>
        %dma_wait3A_447 = arith.constant 9984 : i32
        %dma_wait3A_448 = arith.constant 0 : i32
        %dma_wait3A_449 = tpu.memref_slice %arg16[%dma_wait3A_447, %dma_wait3A_448] : memref<10016x128xf32, #tpu.memory_space<vmem_shared>> -> memref<16x128xf32, #tpu.memory_space<vmem_shared>>
        %dma_wait3A_450 = arith.constant 0 : i32
        %dma_wait3A_451 = arith.constant 0 : i32
        %dma_wait3A_452 = tpu.memref_slice %arg13[%dma_wait3A_450, %dma_wait3A_451] : memref<80x128xf32, #tpu.memory_space<vmem>> -> memref<16x128xf32, #tpu.memory_space<vmem>>
        %dma_wait3A_453 = arith.constant 9984 : i32
        %dma_wait3A_454 = arith.constant 0 : i32
        %dma_wait3A_455 = tpu.memref_slice %arg16[%dma_wait3A_453, %dma_wait3A_454] : memref<10016x128xf32, #tpu.memory_space<vmem_shared>> -> memref<16x128xf32, #tpu.memory_space<vmem_shared>>
        tpu.wait_dma2 semaphore(%run_scoped3A : memref<!tpu.dma_semaphore, #tpu.memory_space<semaphore_mem>>) src(%dma_wait3A_455 : memref<16x128xf32, #tpu.memory_space<vmem_shared>>) dst(%dma_wait3A_452 : memref<16x128xf32, #tpu.memory_space<vmem>>)
        tpu.yield
      }) : () -> ()
      "tpu.region"() ({
        %run_scoped3A = tpu.sem_alloc : memref<!tpu.dma_semaphore, #tpu.memory_space<semaphore_mem>>
        %dma_start3A_432 = arith.constant 0 : i32
        %dma_start3A_433 = arith.constant 0 : i32
        %dma_start3A_434 = tpu.memref_slice %arg13[%dma_start3A_432, %dma_start3A_433] : memref<80x128xf32, #tpu.memory_space<vmem>> -> memref<16x128xf32, #tpu.memory_space<vmem>>
        %dma_start3A_435 = arith.constant 9984 : i32
        %dma_start3A_436 = arith.constant 0 : i32
        %dma_start3A_437 = tpu.memref_slice %arg5[%arg0, %dma_start3A_435, %dma_start3A_436] : memref<2x10000x128xf32, #tpu.memory_space<hbm>> -> memref<1x16x128xf32, #tpu.memory_space<hbm>>
        %dma_start3A_438 = tpu.memref_squeeze %dma_start3A_437 : memref<1x16x128xf32, #tpu.memory_space<hbm>> -> memref<16x128xf32, #tpu.memory_space<hbm>>
        %dma_start3A_439 = arith.constant 9984 : i32
        %dma_start3A_440 = arith.constant 0 : i32
        %dma_start3A_441 = tpu.memref_slice %arg5[%arg0, %dma_start3A_439, %dma_start3A_440] : memref<2x10000x128xf32, #tpu.memory_space<hbm>> -> memref<1x16x128xf32, #tpu.memory_space<hbm>>
        %dma_start3A_442 = tpu.memref_squeeze %dma_start3A_441 : memref<1x16x128xf32, #tpu.memory_space<hbm>> -> memref<16x128xf32, #tpu.memory_space<hbm>>
        %dma_start3A_443 = arith.constant 0 : i32
        %dma_start3A_444 = arith.constant 0 : i32
        %dma_start3A_445 = tpu.memref_slice %arg13[%dma_start3A_443, %dma_start3A_444] : memref<80x128xf32, #tpu.memory_space<vmem>> -> memref<16x128xf32, #tpu.memory_space<vmem>>
        tpu.enqueue_dma source(%dma_start3A_445 : memref<16x128xf32, #tpu.memory_space<vmem>>) target(%dma_start3A_442 : memref<16x128xf32, #tpu.memory_space<hbm>>) target_semaphore(%run_scoped3A : memref<!tpu.dma_semaphore, #tpu.memory_space<semaphore_mem>>)
        %dma_wait3A_446 = arith.constant 0 : i32
        %dma_wait3A_447 = arith.constant 0 : i32
        %dma_wait3A_448 = tpu.memref_slice %arg13[%dma_wait3A_446, %dma_wait3A_447] : memref<80x128xf32, #tpu.memory_space<vmem>> -> memref<16x128xf32, #tpu.memory_space<vmem>>
        %dma_wait3A_449 = arith.constant 9984 : i32
        %dma_wait3A_450 = arith.constant 0 : i32
        %dma_wait3A_451 = tpu.memref_slice %arg5[%arg0, %dma_wait3A_449, %dma_wait3A_450] : memref<2x10000x128xf32, #tpu.memory_space<hbm>> -> memref<1x16x128xf32, #tpu.memory_space<hbm>>
        %dma_wait3A_452 = tpu.memref_squeeze %dma_wait3A_451 : memref<1x16x128xf32, #tpu.memory_space<hbm>> -> memref<16x128xf32, #tpu.memory_space<hbm>>
        %dma_wait3A_453 = arith.constant 9984 : i32
        %dma_wait3A_454 = arith.constant 0 : i32
        %dma_wait3A_455 = tpu.memref_slice %arg5[%arg0, %dma_wait3A_453, %dma_wait3A_454] : memref<2x10000x128xf32, #tpu.memory_space<hbm>> -> memref<1x16x128xf32, #tpu.memory_space<hbm>>
        %dma_wait3A_456 = tpu.memref_squeeze %dma_wait3A_455 : memref<1x16x128xf32, #tpu.memory_space<hbm>> -> memref<16x128xf32, #tpu.memory_space<hbm>>
        %dma_wait3A_457 = arith.constant 0 : i32
        %dma_wait3A_458 = arith.constant 0 : i32
        %dma_wait3A_459 = tpu.memref_slice %arg13[%dma_wait3A_457, %dma_wait3A_458] : memref<80x128xf32, #tpu.memory_space<vmem>> -> memref<16x128xf32, #tpu.memory_space<vmem>>
        tpu.wait_dma2 semaphore(%run_scoped3A : memref<!tpu.dma_semaphore, #tpu.memory_space<semaphore_mem>>) src(%dma_wait3A_459 : memref<16x128xf32, #tpu.memory_space<vmem>>) dst(%dma_wait3A_456 : memref<16x128xf32, #tpu.memory_space<hbm>>)
        tpu.yield
      }) : () -> ()
    } else {
    }
    return
  }
}

module attributes {stable_mosaic.version = 14 : i64} {
  func.func @body(%arg0: i32, %arg1: memref<1000x128xf32, #tpu.memory_space<vmem>>, %arg2: memref<128x128xf32, #tpu.memory_space<vmem>>, %arg3: memref<1x128xf32, #tpu.memory_space<vmem>>, %arg4: memref<128x128xf32, #tpu.memory_space<vmem>>, %arg5: memref<1x128xf32, #tpu.memory_space<vmem>>, %arg6: memref<1000x128xf32, #tpu.memory_space<vmem>>) attributes {dimension_semantics = [#tpu.dimension_semantics<arbitrary>], iteration_bounds = array<i64: 5>, scalar_prefetch = 0 : i64, scratch_operands = 0 : i64, tpu.core_type = #tpu.core_type<tc>, window_params = [{transform_indices = @transform_0, window_bounds = array<i64: 1000, 128>}, {pipeline_mode = #tpu.pipeline_mode<synchronous>, transform_indices = @transform_1, window_bounds = array<i64: 128, 128>}, {pipeline_mode = #tpu.pipeline_mode<synchronous>, transform_indices = @transform_2, window_bounds = array<i64: 1, 128>}, {pipeline_mode = #tpu.pipeline_mode<synchronous>, transform_indices = @transform_3, window_bounds = array<i64: 128, 128>}, {pipeline_mode = #tpu.pipeline_mode<synchronous>, transform_indices = @transform_4, window_bounds = array<i64: 1, 128>}, {transform_indices = @transform_5, window_bounds = array<i64: 1000, 128>}]} {
    %get3A = arith.constant 0 : index
    %get3A_0 = arith.constant 0 : index
    %get3A_1 = vector.load %arg1[%get3A, %get3A_0] : memref<1000x128xf32, #tpu.memory_space<vmem>>, vector<1000x128xf32>
    %get3A_2 = arith.constant 0 : index
    %get3A_3 = arith.constant 0 : index
    %get3A_4 = vector.load %arg2[%get3A_2, %get3A_3] : memref<128x128xf32, #tpu.memory_space<vmem>>, vector<128x128xf32>
    %dot_general3A = arith.constant dense<0.000000e+00> : vector<1000x128xf32>
    %dot_general3A_5 = tpu.matmul %get3A_1, %get3A_4, %dot_general3A {dimension_numbers = #tpu.dot_dimension_numbers<[1], [0], [0], [1], [0, 0, 1, 1], [], []>, transpose_lhs_hint = false} : vector<1000x128xf32>, vector<128x128xf32>, vector<1000x128xf32> -> vector<1000x128xf32>
    %get3A_6 = arith.constant 0 : index
    %get3A_7 = arith.constant 0 : index
    %get3A_8 = vector.load %arg3[%get3A_6, %get3A_7] : memref<1x128xf32, #tpu.memory_space<vmem>>, vector<1x128xf32>
    %add3A = vector.broadcast %get3A_8 : vector<1x128xf32> to vector<1000x128xf32>
    %add3A_9 = arith.addf %dot_general3A_5, %add3A : vector<1000x128xf32>
    %gt3A = arith.constant 0.000000e+00 : f32
    %gt3A_10 = vector.broadcast %gt3A : f32 to vector<1000x128xf32>
    %gt3A_11 = arith.cmpf ogt, %add3A_9, %gt3A_10 : vector<1000x128xf32>
    %mul3A = arith.constant 3.000000e-01 : f32
    %mul3A_12 = vector.broadcast %mul3A : f32 to vector<1000x128xf32>
    %mul3A_13 = arith.mulf %mul3A_12, %add3A_9 : vector<1000x128xf32>
    %select_n3A = arith.select %gt3A_11, %add3A_9, %mul3A_13 : vector<1000x128xi1>, vector<1000x128xf32>
    %get3A_14 = arith.constant 0 : index
    %get3A_15 = arith.constant 0 : index
    %get3A_16 = vector.load %arg4[%get3A_14, %get3A_15] : memref<128x128xf32, #tpu.memory_space<vmem>>, vector<128x128xf32>
    %dot_general3A_17 = arith.constant dense<0.000000e+00> : vector<1000x128xf32>
    %dot_general3A_18 = tpu.matmul %select_n3A, %get3A_16, %dot_general3A_17 {dimension_numbers = #tpu.dot_dimension_numbers<[1], [0], [0], [1], [0, 0, 1, 1], [], []>, transpose_lhs_hint = false} : vector<1000x128xf32>, vector<128x128xf32>, vector<1000x128xf32> -> vector<1000x128xf32>
    %get3A_19 = arith.constant 0 : index
    %get3A_20 = arith.constant 0 : index
    %get3A_21 = vector.load %arg5[%get3A_19, %get3A_20] : memref<1x128xf32, #tpu.memory_space<vmem>>, vector<1x128xf32>
    %add3A_22 = vector.broadcast %get3A_21 : vector<1x128xf32> to vector<1000x128xf32>
    %add3A_23 = arith.addf %dot_general3A_18, %add3A_22 : vector<1000x128xf32>
    %swap3A = arith.constant 0 : index
    %swap3A_24 = arith.constant 0 : index
    %swap3A_25 = vector.load %arg6[%swap3A, %swap3A_24] : memref<1000x128xf32, #tpu.memory_space<vmem>>, vector<1000x128xf32>
    tpu.vector_store %arg6[%swap3A, %swap3A_24], %add3A_23 {strides = array<i32>} : memref<1000x128xf32, #tpu.memory_space<vmem>>, vector<1000x128xf32>,
    return
  }
  func.func @transform_0(%arg0: i32) -> (i32, i32) {
    %c0_i32 = arith.constant 0 : i32
    %c0_i32_0 = arith.constant 0 : i32
    return %arg0, %c0_i32 : i32, i32
  }
  func.func @transform_1(%arg0: i32) -> (i32, i32) {
    %c0_i32 = arith.constant 0 : i32
    %c0_i32_0 = arith.constant 0 : i32
    %c0_i32_1 = arith.constant 0 : i32
    return %c0_i32, %c0_i32_0 : i32, i32
  }
  func.func @transform_2(%arg0: i32) -> (i32, i32) {
    %c0_i32 = arith.constant 0 : i32
    %c0_i32_0 = arith.constant 0 : i32
    %c0_i32_1 = arith.constant 0 : i32
    return %c0_i32, %c0_i32_0 : i32, i32
  }
  func.func @transform_3(%arg0: i32) -> (i32, i32) {
    %c0_i32 = arith.constant 0 : i32
    %c0_i32_0 = arith.constant 0 : i32
    %c0_i32_1 = arith.constant 0 : i32
    return %c0_i32, %c0_i32_0 : i32, i32
  }
  func.func @transform_4(%arg0: i32) -> (i32, i32) {
    %c0_i32 = arith.constant 0 : i32
    %c0_i32_0 = arith.constant 0 : i32
    %c0_i32_1 = arith.constant 0 : i32
    return %c0_i32, %c0_i32_0 : i32, i32
  }
  func.func @transform_5(%arg0: i32) -> (i32, i32) {
    %c0_i32 = arith.constant 0 : i32
    %c0_i32_0 = arith.constant 0 : i32
    return %arg0, %c0_i32 : i32, i32
  }
}

module attributes {stable_mosaic.version = 14 : i64} {
  func.func @body(%arg0: i32, %arg1: memref<2000x128xf32, #tpu.memory_space<vmem>>, %arg2: memref<128x512xf32, #tpu.memory_space<vmem>>, %arg3: memref<2000x512xf32, #tpu.memory_space<vmem>>) attributes {dimension_semantics = [#tpu.dimension_semantics<arbitrary>], iteration_bounds = array<i64: 5>, scalar_prefetch = 0 : i64, scratch_operands = 0 : i64, tpu.core_type = #tpu.core_type<tc>, window_params = [{transform_indices = @transform_0, window_bounds = array<i64: 2000, 128>}, {pipeline_mode = #tpu.pipeline_mode<synchronous>, transform_indices = @transform_1, window_bounds = array<i64: 128, 512>}, {transform_indices = @transform_2, window_bounds = array<i64: 2000, 512>}]} {
    %get3A = arith.constant 0 : index
    %get3A_0 = arith.constant 0 : index
    %get3A_1 = vector.load %arg1[%get3A, %get3A_0] : memref<2000x128xf32, #tpu.memory_space<vmem>>, vector<2000x128xf32>
    %get3A_2 = arith.constant 0 : index
    %get3A_3 = arith.constant 0 : index
    %get3A_4 = vector.load %arg2[%get3A_2, %get3A_3] : memref<128x512xf32, #tpu.memory_space<vmem>>, vector<128x512xf32>
    %dot_general3A = arith.constant dense<0.000000e+00> : vector<2000x512xf32>
    %dot_general3A_5 = tpu.matmul %get3A_1, %get3A_4, %dot_general3A {dimension_numbers = #tpu.dot_dimension_numbers<[1], [0], [0], [1], [0, 0, 1, 1], [], []>, transpose_lhs_hint = false} : vector<2000x128xf32>, vector<128x512xf32>, vector<2000x512xf32> -> vector<2000x512xf32>
    %swap3A = arith.constant 0 : index
    %swap3A_6 = arith.constant 0 : index
    %swap3A_7 = vector.load %arg3[%swap3A, %swap3A_6] : memref<2000x512xf32, #tpu.memory_space<vmem>>, vector<2000x512xf32>
    tpu.vector_store %arg3[%swap3A, %swap3A_6], %dot_general3A_5 {strides = array<i32>} : memref<2000x512xf32, #tpu.memory_space<vmem>>, vector<2000x512xf32>,
    return
  }
  func.func @transform_0(%arg0: i32) -> (i32, i32) {
    %c0_i32 = arith.constant 0 : i32
    %c0_i32_0 = arith.constant 0 : i32
    return %arg0, %c0_i32 : i32, i32
  }
  func.func @transform_1(%arg0: i32) -> (i32, i32) {
    %c0_i32 = arith.constant 0 : i32
    %c0_i32_0 = arith.constant 0 : i32
    %c0_i32_1 = arith.constant 0 : i32
    return %c0_i32, %c0_i32_0 : i32, i32
  }
  func.func @transform_2(%arg0: i32) -> (i32, i32) {
    %c0_i32 = arith.constant 0 : i32
    %c0_i32_0 = arith.constant 0 : i32
    return %arg0, %c0_i32 : i32, i32
  }
}

module attributes {stable_mosaic.version = 14 : i64} {
  func.func @body(%arg0: i32, %arg1: memref<1000x256xf32, #tpu.memory_space<vmem>>, %arg2: memref<256x256xf32, #tpu.memory_space<vmem>>, %arg3: memref<1x256xf32, #tpu.memory_space<vmem>>, %arg4: memref<256x128xf32, #tpu.memory_space<vmem>>, %arg5: memref<1x128xf32, #tpu.memory_space<vmem>>, %arg6: memref<1000x128xf32, #tpu.memory_space<vmem>>) attributes {dimension_semantics = [#tpu.dimension_semantics<arbitrary>], iteration_bounds = array<i64: 5>, scalar_prefetch = 0 : i64, scratch_operands = 0 : i64, tpu.core_type = #tpu.core_type<tc>, window_params = [{transform_indices = @transform_0, window_bounds = array<i64: 1000, 256>}, {pipeline_mode = #tpu.pipeline_mode<synchronous>, transform_indices = @transform_1, window_bounds = array<i64: 256, 256>}, {pipeline_mode = #tpu.pipeline_mode<synchronous>, transform_indices = @transform_2, window_bounds = array<i64: 1, 256>}, {pipeline_mode = #tpu.pipeline_mode<synchronous>, transform_indices = @transform_3, window_bounds = array<i64: 256, 128>}, {pipeline_mode = #tpu.pipeline_mode<synchronous>, transform_indices = @transform_4, window_bounds = array<i64: 1, 128>}, {transform_indices = @transform_5, window_bounds = array<i64: 1000, 128>}]} {
    %get3A = arith.constant 0 : index
    %get3A_0 = arith.constant 0 : index
    %get3A_1 = vector.load %arg1[%get3A, %get3A_0] : memref<1000x256xf32, #tpu.memory_space<vmem>>, vector<1000x256xf32>
    %get3A_2 = arith.constant 0 : index
    %get3A_3 = arith.constant 0 : index
    %get3A_4 = vector.load %arg2[%get3A_2, %get3A_3] : memref<256x256xf32, #tpu.memory_space<vmem>>, vector<256x256xf32>
    %dot_general3A = arith.constant dense<0.000000e+00> : vector<1000x256xf32>
    %dot_general3A_5 = tpu.matmul %get3A_1, %get3A_4, %dot_general3A {dimension_numbers = #tpu.dot_dimension_numbers<[1], [0], [0], [1], [0, 0, 1, 1], [], []>, transpose_lhs_hint = false} : vector<1000x256xf32>, vector<256x256xf32>, vector<1000x256xf32> -> vector<1000x256xf32>
    %get3A_6 = arith.constant 0 : index
    %get3A_7 = arith.constant 0 : index
    %get3A_8 = vector.load %arg3[%get3A_6, %get3A_7] : memref<1x256xf32, #tpu.memory_space<vmem>>, vector<1x256xf32>
    %add3A = vector.broadcast %get3A_8 : vector<1x256xf32> to vector<1000x256xf32>
    %add3A_9 = arith.addf %dot_general3A_5, %add3A : vector<1000x256xf32>
    %gt3A = arith.constant 0.000000e+00 : f32
    %gt3A_10 = vector.broadcast %gt3A : f32 to vector<1000x256xf32>
    %gt3A_11 = arith.cmpf ogt, %add3A_9, %gt3A_10 : vector<1000x256xf32>
    %mul3A = arith.constant 3.000000e-01 : f32
    %mul3A_12 = vector.broadcast %mul3A : f32 to vector<1000x256xf32>
    %mul3A_13 = arith.mulf %mul3A_12, %add3A_9 : vector<1000x256xf32>
    %select_n3A = arith.select %gt3A_11, %add3A_9, %mul3A_13 : vector<1000x256xi1>, vector<1000x256xf32>
    %get3A_14 = arith.constant 0 : index
    %get3A_15 = arith.constant 0 : index
    %get3A_16 = vector.load %arg4[%get3A_14, %get3A_15] : memref<256x128xf32, #tpu.memory_space<vmem>>, vector<256x128xf32>
    %dot_general3A_17 = arith.constant dense<0.000000e+00> : vector<1000x128xf32>
    %dot_general3A_18 = tpu.matmul %select_n3A, %get3A_16, %dot_general3A_17 {dimension_numbers = #tpu.dot_dimension_numbers<[1], [0], [0], [1], [0, 0, 1, 1], [], []>, transpose_lhs_hint = false} : vector<1000x256xf32>, vector<256x128xf32>, vector<1000x128xf32> -> vector<1000x128xf32>
    %get3A_19 = arith.constant 0 : index
    %get3A_20 = arith.constant 0 : index
    %get3A_21 = vector.load %arg5[%get3A_19, %get3A_20] : memref<1x128xf32, #tpu.memory_space<vmem>>, vector<1x128xf32>
    %add3A_22 = vector.broadcast %get3A_21 : vector<1x128xf32> to vector<1000x128xf32>
    %add3A_23 = arith.addf %dot_general3A_18, %add3A_22 : vector<1000x128xf32>
    %swap3A = arith.constant 0 : index
    %swap3A_24 = arith.constant 0 : index
    %swap3A_25 = vector.load %arg6[%swap3A, %swap3A_24] : memref<1000x128xf32, #tpu.memory_space<vmem>>, vector<1000x128xf32>
    tpu.vector_store %arg6[%swap3A, %swap3A_24], %add3A_23 {strides = array<i32>} : memref<1000x128xf32, #tpu.memory_space<vmem>>, vector<1000x128xf32>,
    return
  }
  func.func @transform_0(%arg0: i32) -> (i32, i32) {
    %c0_i32 = arith.constant 0 : i32
    %c0_i32_0 = arith.constant 0 : i32
    return %arg0, %c0_i32 : i32, i32
  }
  func.func @transform_1(%arg0: i32) -> (i32, i32) {
    %c0_i32 = arith.constant 0 : i32
    %c0_i32_0 = arith.constant 0 : i32
    %c0_i32_1 = arith.constant 0 : i32
    return %c0_i32, %c0_i32_0 : i32, i32
  }
  func.func @transform_2(%arg0: i32) -> (i32, i32) {
    %c0_i32 = arith.constant 0 : i32
    %c0_i32_0 = arith.constant 0 : i32
    %c0_i32_1 = arith.constant 0 : i32
    return %c0_i32, %c0_i32_0 : i32, i32
  }
  func.func @transform_3(%arg0: i32) -> (i32, i32) {
    %c0_i32 = arith.constant 0 : i32
    %c0_i32_0 = arith.constant 0 : i32
    %c0_i32_1 = arith.constant 0 : i32
    return %c0_i32, %c0_i32_0 : i32, i32
  }
  func.func @transform_4(%arg0: i32) -> (i32, i32) {
    %c0_i32 = arith.constant 0 : i32
    %c0_i32_0 = arith.constant 0 : i32
    %c0_i32_1 = arith.constant 0 : i32
    return %c0_i32, %c0_i32_0 : i32, i32
  }
  func.func @transform_5(%arg0: i32) -> (i32, i32) {
    %c0_i32 = arith.constant 0 : i32
    %c0_i32_0 = arith.constant 0 : i32
    return %arg0, %c0_i32 : i32, i32
  }
}

module attributes {stable_mosaic.version = 14 : i64} {
  func.func @body(%arg0: i32, %arg1: memref<2500x128xi32, #tpu.memory_space<vmem>>, %arg2: memref<2500x128xi32, #tpu.memory_space<vmem>>, %arg3: memref<2500x128xi32, #tpu.memory_space<vmem>>, %arg4: memref<2500x128xi32, #tpu.memory_space<vmem>>) attributes {dimension_semantics = [#tpu.dimension_semantics<arbitrary>], iteration_bounds = array<i64: 1>, scalar_prefetch = 0 : i64, scratch_operands = 0 : i64, tpu.core_type = #tpu.core_type<tc>, window_params = [{pipeline_mode = #tpu.pipeline_mode<synchronous>, transform_indices = @transform_0, window_bounds = array<i64: 2500, 128>}, {pipeline_mode = #tpu.pipeline_mode<synchronous>, transform_indices = @transform_1, window_bounds = array<i64: 2500, 128>}, {pipeline_mode = #tpu.pipeline_mode<synchronous>, transform_indices = @transform_2, window_bounds = array<i64: 2500, 128>}, {pipeline_mode = #tpu.pipeline_mode<synchronous>, transform_indices = @transform_3, window_bounds = array<i64: 2500, 128>}]} {
    %get3A = arith.constant 0 : index
    %get3A_0 = arith.constant 0 : index
    %get3A_1 = vector.load %arg1[%get3A, %get3A_0] : memref<2500x128xi32, #tpu.memory_space<vmem>>, vector<2500x128xi32>
    %mul3A = arith.constant 4 : i32
    %mul3A_2 = vector.broadcast %mul3A : i32 to vector<2500x128xi32>
    %mul3A_3 = arith.muli %get3A_1, %mul3A_2 : vector<2500x128xi32>
    %get3A_4 = arith.constant 0 : index
    %get3A_5 = arith.constant 0 : index
    %get3A_6 = vector.load %arg2[%get3A_4, %get3A_5] : memref<2500x128xi32, #tpu.memory_space<vmem>>, vector<2500x128xi32>
    %add3A = arith.addi %mul3A_3, %get3A_6 : vector<2500x128xi32>
    %shift_left3A = arith.constant 14 : i32
    %shift_left3A_7 = vector.broadcast %shift_left3A : i32 to vector<2500x128xi32>
    %shift_left3A_8 = arith.shli %add3A, %shift_left3A_7 : vector<2500x128xi32>
    %get3A_9 = arith.constant 0 : index
    %get3A_10 = arith.constant 0 : index
    %get3A_11 = vector.load %arg3[%get3A_9, %get3A_10] : memref<2500x128xi32, #tpu.memory_space<vmem>>, vector<2500x128xi32>
    %or3A = arith.ori %shift_left3A_8, %get3A_11 : vector<2500x128xi32>
    %swap3A = arith.constant 0 : index
    %swap3A_12 = arith.constant 0 : index
    %swap3A_13 = vector.load %arg4[%swap3A, %swap3A_12] : memref<2500x128xi32, #tpu.memory_space<vmem>>, vector<2500x128xi32>
    tpu.vector_store %arg4[%swap3A, %swap3A_12], %or3A {strides = array<i32>} : memref<2500x128xi32, #tpu.memory_space<vmem>>, vector<2500x128xi32>,
    return
  }
  func.func @transform_0(%arg0: i32) -> (i32, i32) {
    %c0_i32 = arith.constant 0 : i32
    %c0_i32_0 = arith.constant 0 : i32
    %c0_i32_1 = arith.constant 0 : i32
    return %c0_i32, %c0_i32_0 : i32, i32
  }
  func.func @transform_1(%arg0: i32) -> (i32, i32) {
    %c0_i32 = arith.constant 0 : i32
    %c0_i32_0 = arith.constant 0 : i32
    %c0_i32_1 = arith.constant 0 : i32
    return %c0_i32, %c0_i32_0 : i32, i32
  }
  func.func @transform_2(%arg0: i32) -> (i32, i32) {
    %c0_i32 = arith.constant 0 : i32
    %c0_i32_0 = arith.constant 0 : i32
    %c0_i32_1 = arith.constant 0 : i32
    return %c0_i32, %c0_i32_0 : i32, i32
  }
  func.func @transform_3(%arg0: i32) -> (i32, i32) {
    %c0_i32 = arith.constant 0 : i32
    %c0_i32_0 = arith.constant 0 : i32
    %c0_i32_1 = arith.constant 0 : i32
    return %c0_i32, %c0_i32_0 : i32, i32
  }
}

module attributes {stable_mosaic.version = 14 : i64} {
  func.func @body(%arg0: i32, %arg1: memref<2000x128xf32, #tpu.memory_space<vmem>>, %arg2: memref<128x128xf32, #tpu.memory_space<vmem>>, %arg3: memref<1x128xf32, #tpu.memory_space<vmem>>, %arg4: memref<2000x128xf32, #tpu.memory_space<vmem>>) attributes {dimension_semantics = [#tpu.dimension_semantics<arbitrary>], iteration_bounds = array<i64: 5>, scalar_prefetch = 0 : i64, scratch_operands = 0 : i64, tpu.core_type = #tpu.core_type<tc>, window_params = [{transform_indices = @transform_0, window_bounds = array<i64: 2000, 128>}, {pipeline_mode = #tpu.pipeline_mode<synchronous>, transform_indices = @transform_1, window_bounds = array<i64: 128, 128>}, {pipeline_mode = #tpu.pipeline_mode<synchronous>, transform_indices = @transform_2, window_bounds = array<i64: 1, 128>}, {transform_indices = @transform_3, window_bounds = array<i64: 2000, 128>}]} {
    %get3A = arith.constant 0 : index
    %get3A_0 = arith.constant 0 : index
    %get3A_1 = vector.load %arg1[%get3A, %get3A_0] : memref<2000x128xf32, #tpu.memory_space<vmem>>, vector<2000x128xf32>
    %get3A_2 = arith.constant 0 : index
    %get3A_3 = arith.constant 0 : index
    %get3A_4 = vector.load %arg2[%get3A_2, %get3A_3] : memref<128x128xf32, #tpu.memory_space<vmem>>, vector<128x128xf32>
    %dot_general3A = arith.constant dense<0.000000e+00> : vector<2000x128xf32>
    %dot_general3A_5 = tpu.matmul %get3A_1, %get3A_4, %dot_general3A {dimension_numbers = #tpu.dot_dimension_numbers<[1], [0], [0], [1], [0, 0, 1, 1], [], []>, transpose_lhs_hint = false} : vector<2000x128xf32>, vector<128x128xf32>, vector<2000x128xf32> -> vector<2000x128xf32>
    %get3A_6 = arith.constant 0 : index
    %get3A_7 = arith.constant 0 : index
    %get3A_8 = vector.load %arg3[%get3A_6, %get3A_7] : memref<1x128xf32, #tpu.memory_space<vmem>>, vector<1x128xf32>
    %add3A = vector.broadcast %get3A_8 : vector<1x128xf32> to vector<2000x128xf32>
    %add3A_9 = arith.addf %dot_general3A_5, %add3A : vector<2000x128xf32>
    %swap3A = arith.constant 0 : index
    %swap3A_10 = arith.constant 0 : index
    %swap3A_11 = vector.load %arg4[%swap3A, %swap3A_10] : memref<2000x128xf32, #tpu.memory_space<vmem>>, vector<2000x128xf32>
    tpu.vector_store %arg4[%swap3A, %swap3A_10], %add3A_9 {strides = array<i32>} : memref<2000x128xf32, #tpu.memory_space<vmem>>, vector<2000x128xf32>,
    return
  }
  func.func @transform_0(%arg0: i32) -> (i32, i32) {
    %c0_i32 = arith.constant 0 : i32
    %c0_i32_0 = arith.constant 0 : i32
    return %arg0, %c0_i32 : i32, i32
  }
  func.func @transform_1(%arg0: i32) -> (i32, i32) {
    %c0_i32 = arith.constant 0 : i32
    %c0_i32_0 = arith.constant 0 : i32
    %c0_i32_1 = arith.constant 0 : i32
    return %c0_i32, %c0_i32_0 : i32, i32
  }
  func.func @transform_2(%arg0: i32) -> (i32, i32) {
    %c0_i32 = arith.constant 0 : i32
    %c0_i32_0 = arith.constant 0 : i32
    %c0_i32_1 = arith.constant 0 : i32
    return %c0_i32, %c0_i32_0 : i32, i32
  }
  func.func @transform_3(%arg0: i32) -> (i32, i32) {
    %c0_i32 = arith.constant 0 : i32
    %c0_i32_0 = arith.constant 0 : i32
    return %arg0, %c0_i32 : i32, i32
  }
}

module attributes {stable_mosaic.version = 14 : i64} {
  func.func @body(%arg0: i32, %arg1: memref<2000x128xf32, #tpu.memory_space<vmem>>, %arg2: memref<2000x128xf32, #tpu.memory_space<vmem>>, %arg3: memref<2000x128xf32, #tpu.memory_space<vmem>>, %arg4: memref<128x512xf32, #tpu.memory_space<vmem>>, %arg5: memref<2000x128xf32, #tpu.memory_space<vmem>>, %arg6: memref<2000x512xf32, #tpu.memory_space<vmem>>) attributes {dimension_semantics = [#tpu.dimension_semantics<arbitrary>], iteration_bounds = array<i64: 5>, scalar_prefetch = 0 : i64, scratch_operands = 0 : i64, tpu.core_type = #tpu.core_type<tc>, window_params = [{transform_indices = @transform_0, window_bounds = array<i64: 2000, 128>}, {transform_indices = @transform_1, window_bounds = array<i64: 2000, 128>}, {transform_indices = @transform_2, window_bounds = array<i64: 2000, 128>}, {pipeline_mode = #tpu.pipeline_mode<synchronous>, transform_indices = @transform_3, window_bounds = array<i64: 128, 512>}, {transform_indices = @transform_4, window_bounds = array<i64: 2000, 128>}, {transform_indices = @transform_5, window_bounds = array<i64: 2000, 512>}]} {
    %get3A = arith.constant 0 : index
    %get3A_0 = arith.constant 0 : index
    %get3A_1 = vector.load %arg1[%get3A, %get3A_0] : memref<2000x128xf32, #tpu.memory_space<vmem>>, vector<2000x128xf32>
    %get3A_2 = arith.constant 0 : index
    %get3A_3 = arith.constant 0 : index
    %get3A_4 = vector.load %arg2[%get3A_2, %get3A_3] : memref<2000x128xf32, #tpu.memory_space<vmem>>, vector<2000x128xf32>
    %add3A = arith.addf %get3A_1, %get3A_4 : vector<2000x128xf32>
    %get3A_5 = arith.constant 0 : index
    %get3A_6 = arith.constant 0 : index
    %get3A_7 = vector.load %arg3[%get3A_5, %get3A_6] : memref<2000x128xf32, #tpu.memory_space<vmem>>, vector<2000x128xf32>
    %add3A_8 = arith.addf %add3A, %get3A_7 : vector<2000x128xf32>
    %swap3A = arith.constant 0 : index
    %swap3A_9 = arith.constant 0 : index
    %swap3A_10 = vector.load %arg5[%swap3A, %swap3A_9] : memref<2000x128xf32, #tpu.memory_space<vmem>>, vector<2000x128xf32>
    tpu.vector_store %arg5[%swap3A, %swap3A_9], %add3A_8 {strides = array<i32>} : memref<2000x128xf32, #tpu.memory_space<vmem>>, vector<2000x128xf32>,
    %get3A_11 = arith.constant 0 : index
    %get3A_12 = arith.constant 0 : index
    %get3A_13 = vector.load %arg4[%get3A_11, %get3A_12] : memref<128x512xf32, #tpu.memory_space<vmem>>, vector<128x512xf32>
    %dot_general3A = arith.constant dense<0.000000e+00> : vector<2000x512xf32>
    %dot_general3A_14 = tpu.matmul %add3A_8, %get3A_13, %dot_general3A {dimension_numbers = #tpu.dot_dimension_numbers<[1], [0], [0], [1], [0, 0, 1, 1], [], []>, transpose_lhs_hint = false} : vector<2000x128xf32>, vector<128x512xf32>, vector<2000x512xf32> -> vector<2000x512xf32>
    %swap3A_15 = arith.constant 0 : index
    %swap3A_16 = arith.constant 0 : index
    %swap3A_17 = vector.load %arg6[%swap3A_15, %swap3A_16] : memref<2000x512xf32, #tpu.memory_space<vmem>>, vector<2000x512xf32>
    tpu.vector_store %arg6[%swap3A_15, %swap3A_16], %dot_general3A_14 {strides = array<i32>} : memref<2000x512xf32, #tpu.memory_space<vmem>>, vector<2000x512xf32>,
    return
  }
  func.func @transform_0(%arg0: i32) -> (i32, i32) {
    %c0_i32 = arith.constant 0 : i32
    %c0_i32_0 = arith.constant 0 : i32
    return %arg0, %c0_i32 : i32, i32
  }
  func.func @transform_1(%arg0: i32) -> (i32, i32) {
    %c0_i32 = arith.constant 0 : i32
    %c0_i32_0 = arith.constant 0 : i32
    return %arg0, %c0_i32 : i32, i32
  }
  func.func @transform_2(%arg0: i32) -> (i32, i32) {
    %c0_i32 = arith.constant 0 : i32
    %c0_i32_0 = arith.constant 0 : i32
    return %arg0, %c0_i32 : i32, i32
  }
  func.func @transform_3(%arg0: i32) -> (i32, i32) {
    %c0_i32 = arith.constant 0 : i32
    %c0_i32_0 = arith.constant 0 : i32
    %c0_i32_1 = arith.constant 0 : i32
    return %c0_i32, %c0_i32_0 : i32, i32
  }
  func.func @transform_4(%arg0: i32) -> (i32, i32) {
    %c0_i32 = arith.constant 0 : i32
    %c0_i32_0 = arith.constant 0 : i32
    return %arg0, %c0_i32 : i32, i32
  }
  func.func @transform_5(%arg0: i32) -> (i32, i32) {
    %c0_i32 = arith.constant 0 : i32
    %c0_i32_0 = arith.constant 0 : i32
    return %arg0, %c0_i32 : i32, i32
  }
}

module attributes {stable_mosaic.version = 14 : i64} {
  func.func @body(%arg0: i32, %arg1: memref<1000x128xf32, #tpu.memory_space<vmem>>, %arg2: memref<1000x128xf32, #tpu.memory_space<vmem>>, %arg3: memref<1000x128xf32, #tpu.memory_space<vmem>>, %arg4: memref<1000x128xf32, #tpu.memory_space<vmem>>, %arg5: memref<1000x128xf32, #tpu.memory_space<vmem>>, %arg6: memref<1000x128xf32, #tpu.memory_space<vmem>>, %arg7: memref<128x256xf32, #tpu.memory_space<vmem>>, %arg8: memref<1x256xf32, #tpu.memory_space<vmem>>, %arg9: memref<256x16xf32, #tpu.memory_space<vmem>>, %arg10: memref<1x16xf32, #tpu.memory_space<vmem>>, %arg11: memref<16x1024xf32, #tpu.memory_space<vmem>>, %arg12: memref<1x1024xf32, #tpu.memory_space<vmem>>, %arg13: memref<1024x128xf32, #tpu.memory_space<vmem>>, %arg14: memref<1x128xf32, #tpu.memory_space<vmem>>, %arg15: memref<128x256xf32, #tpu.memory_space<vmem>>, %arg16: memref<1x256xf32, #tpu.memory_space<vmem>>, %arg17: memref<256x16xf32, #tpu.memory_space<vmem>>, %arg18: memref<1x16xf32, #tpu.memory_space<vmem>>, %arg19: memref<1000x16xf32, #tpu.memory_space<vmem>>, %arg20: memref<1x1xf32, #tpu.memory_space<vmem>>) attributes {dimension_semantics = [#tpu.dimension_semantics<arbitrary>], iteration_bounds = array<i64: 5>, scalar_prefetch = 0 : i64, scratch_operands = 0 : i64, tpu.core_type = #tpu.core_type<tc>, window_params = [{transform_indices = @transform_0, window_bounds = array<i64: 1000, 128>}, {transform_indices = @transform_1, window_bounds = array<i64: 1000, 128>}, {transform_indices = @transform_2, window_bounds = array<i64: 1000, 128>}, {transform_indices = @transform_3, window_bounds = array<i64: 1000, 128>}, {transform_indices = @transform_4, window_bounds = array<i64: 1000, 128>}, {transform_indices = @transform_5, window_bounds = array<i64: 1000, 128>}, {pipeline_mode = #tpu.pipeline_mode<synchronous>, transform_indices = @transform_6, window_bounds = array<i64: 128, 256>}, {pipeline_mode = #tpu.pipeline_mode<synchronous>, transform_indices = @transform_7, window_bounds = array<i64: 1, 256>}, {pipeline_mode = #tpu.pipeline_mode<synchronous>, transform_indices = @transform_8, window_bounds = array<i64: 256, 16>}, {pipeline_mode = #tpu.pipeline_mode<synchronous>, transform_indices = @transform_9, window_bounds = array<i64: 1, 16>}, {pipeline_mode = #tpu.pipeline_mode<synchronous>, transform_indices = @transform_10, window_bounds = array<i64: 16, 1024>}, {pipeline_mode = #tpu.pipeline_mode<synchronous>, transform_indices = @transform_11, window_bounds = array<i64: 1, 1024>}, {pipeline_mode = #tpu.pipeline_mode<synchronous>, transform_indices = @transform_12, window_bounds = array<i64: 1024, 128>}, {pipeline_mode = #tpu.pipeline_mode<synchronous>, transform_indices = @transform_13, window_bounds = array<i64: 1, 128>}, {pipeline_mode = #tpu.pipeline_mode<synchronous>, transform_indices = @transform_14, window_bounds = array<i64: 128, 256>}, {pipeline_mode = #tpu.pipeline_mode<synchronous>, transform_indices = @transform_15, window_bounds = array<i64: 1, 256>}, {pipeline_mode = #tpu.pipeline_mode<synchronous>, transform_indices = @transform_16, window_bounds = array<i64: 256, 16>}, {pipeline_mode = #tpu.pipeline_mode<synchronous>, transform_indices = @transform_17, window_bounds = array<i64: 1, 16>}, {transform_indices = @transform_18, window_bounds = array<i64: 1000, 16>}, {pipeline_mode = #tpu.pipeline_mode<synchronous>, transform_indices = @transform_19, window_bounds = array<i64: 1, 1>}]} {
    %get3A = arith.constant 0 : index
    %get3A_0 = arith.constant 0 : index
    %get3A_1 = vector.load %arg1[%get3A, %get3A_0] : memref<1000x128xf32, #tpu.memory_space<vmem>>, vector<1000x128xf32>
    %get3A_2 = arith.constant 0 : index
    %get3A_3 = arith.constant 0 : index
    %get3A_4 = vector.load %arg2[%get3A_2, %get3A_3] : memref<1000x128xf32, #tpu.memory_space<vmem>>, vector<1000x128xf32>
    %add3A = arith.addf %get3A_1, %get3A_4 : vector<1000x128xf32>
    %get3A_5 = arith.constant 0 : index
    %get3A_6 = arith.constant 0 : index
    %get3A_7 = vector.load %arg3[%get3A_5, %get3A_6] : memref<1000x128xf32, #tpu.memory_space<vmem>>, vector<1000x128xf32>
    %add3A_8 = arith.addf %add3A, %get3A_7 : vector<1000x128xf32>
    %get3A_9 = arith.constant 0 : index
    %get3A_10 = arith.constant 0 : index
    %get3A_11 = vector.load %arg7[%get3A_9, %get3A_10] : memref<128x256xf32, #tpu.memory_space<vmem>>, vector<128x256xf32>
    %dot_general3A = arith.constant dense<0.000000e+00> : vector<1000x256xf32>
    %dot_general3A_12 = tpu.matmul %add3A_8, %get3A_11, %dot_general3A {dimension_numbers = #tpu.dot_dimension_numbers<[1], [0], [0], [1], [0, 0, 1, 1], [], []>, transpose_lhs_hint = false} : vector<1000x128xf32>, vector<128x256xf32>, vector<1000x256xf32> -> vector<1000x256xf32>
    %get3A_13 = arith.constant 0 : index
    %get3A_14 = arith.constant 0 : index
    %get3A_15 = vector.load %arg8[%get3A_13, %get3A_14] : memref<1x256xf32, #tpu.memory_space<vmem>>, vector<1x256xf32>
    %add3A_16 = vector.broadcast %get3A_15 : vector<1x256xf32> to vector<1000x256xf32>
    %add3A_17 = arith.addf %dot_general3A_12, %add3A_16 : vector<1000x256xf32>
    %gt3A = arith.constant 0.000000e+00 : f32
    %gt3A_18 = vector.broadcast %gt3A : f32 to vector<1000x256xf32>
    %gt3A_19 = arith.cmpf ogt, %add3A_17, %gt3A_18 : vector<1000x256xf32>
    %mul3A = arith.constant 3.000000e-01 : f32
    %mul3A_20 = vector.broadcast %mul3A : f32 to vector<1000x256xf32>
    %mul3A_21 = arith.mulf %mul3A_20, %add3A_17 : vector<1000x256xf32>
    %select_n3A = arith.select %gt3A_19, %add3A_17, %mul3A_21 : vector<1000x256xi1>, vector<1000x256xf32>
    %get3A_22 = arith.constant 0 : index
    %get3A_23 = arith.constant 0 : index
    %get3A_24 = vector.load %arg9[%get3A_22, %get3A_23] : memref<256x16xf32, #tpu.memory_space<vmem>>, vector<256x16xf32>
    %dot_general3A_25 = arith.constant dense<0.000000e+00> : vector<1000x16xf32>
    %dot_general3A_26 = tpu.matmul %select_n3A, %get3A_24, %dot_general3A_25 {dimension_numbers = #tpu.dot_dimension_numbers<[1], [0], [0], [1], [0, 0, 1, 1], [], []>, transpose_lhs_hint = false} : vector<1000x256xf32>, vector<256x16xf32>, vector<1000x16xf32> -> vector<1000x16xf32>
    %get3A_27 = arith.constant 0 : index
    %get3A_28 = arith.constant 0 : index
    %get3A_29 = vector.load %arg10[%get3A_27, %get3A_28] : memref<1x16xf32, #tpu.memory_space<vmem>>, vector<1x16xf32>
    %add3A_30 = vector.broadcast %get3A_29 : vector<1x16xf32> to vector<1000x16xf32>
    %add3A_31 = arith.addf %dot_general3A_26, %add3A_30 : vector<1000x16xf32>
    %get3A_32 = arith.constant 0 : index
    %get3A_33 = arith.constant 0 : index
    %get3A_34 = vector.load %arg4[%get3A_32, %get3A_33] : memref<1000x128xf32, #tpu.memory_space<vmem>>, vector<1000x128xf32>
    %get3A_35 = arith.constant 0 : index
    %get3A_36 = arith.constant 0 : index
    %get3A_37 = vector.load %arg5[%get3A_35, %get3A_36] : memref<1000x128xf32, #tpu.memory_space<vmem>>, vector<1000x128xf32>
    %add3A_38 = arith.addf %get3A_34, %get3A_37 : vector<1000x128xf32>
    %get3A_39 = arith.constant 0 : index
    %get3A_40 = arith.constant 0 : index
    %get3A_41 = vector.load %arg6[%get3A_39, %get3A_40] : memref<1000x128xf32, #tpu.memory_space<vmem>>, vector<1000x128xf32>
    %add3A_42 = arith.addf %add3A_38, %get3A_41 : vector<1000x128xf32>
    %get3A_43 = arith.constant 0 : index
    %get3A_44 = arith.constant 0 : index
    %get3A_45 = vector.load %arg7[%get3A_43, %get3A_44] : memref<128x256xf32, #tpu.memory_space<vmem>>, vector<128x256xf32>
    %dot_general3A_46 = arith.constant dense<0.000000e+00> : vector<1000x256xf32>
    %dot_general3A_47 = tpu.matmul %add3A_42, %get3A_45, %dot_general3A_46 {dimension_numbers = #tpu.dot_dimension_numbers<[1], [0], [0], [1], [0, 0, 1, 1], [], []>, transpose_lhs_hint = false} : vector<1000x128xf32>, vector<128x256xf32>, vector<1000x256xf32> -> vector<1000x256xf32>
    %get3A_48 = arith.constant 0 : index
    %get3A_49 = arith.constant 0 : index
    %get3A_50 = vector.load %arg8[%get3A_48, %get3A_49] : memref<1x256xf32, #tpu.memory_space<vmem>>, vector<1x256xf32>
    %add3A_51 = vector.broadcast %get3A_50 : vector<1x256xf32> to vector<1000x256xf32>
    %add3A_52 = arith.addf %dot_general3A_47, %add3A_51 : vector<1000x256xf32>
    %gt3A_53 = arith.constant 0.000000e+00 : f32
    %gt3A_54 = vector.broadcast %gt3A_53 : f32 to vector<1000x256xf32>
    %gt3A_55 = arith.cmpf ogt, %add3A_52, %gt3A_54 : vector<1000x256xf32>
    %mul3A_56 = arith.constant 3.000000e-01 : f32
    %mul3A_57 = vector.broadcast %mul3A_56 : f32 to vector<1000x256xf32>
    %mul3A_58 = arith.mulf %mul3A_57, %add3A_52 : vector<1000x256xf32>
    %select_n3A_59 = arith.select %gt3A_55, %add3A_52, %mul3A_58 : vector<1000x256xi1>, vector<1000x256xf32>
    %get3A_60 = arith.constant 0 : index
    %get3A_61 = arith.constant 0 : index
    %get3A_62 = vector.load %arg9[%get3A_60, %get3A_61] : memref<256x16xf32, #tpu.memory_space<vmem>>, vector<256x16xf32>
    %dot_general3A_63 = arith.constant dense<0.000000e+00> : vector<1000x16xf32>
    %dot_general3A_64 = tpu.matmul %select_n3A_59, %get3A_62, %dot_general3A_63 {dimension_numbers = #tpu.dot_dimension_numbers<[1], [0], [0], [1], [0, 0, 1, 1], [], []>, transpose_lhs_hint = false} : vector<1000x256xf32>, vector<256x16xf32>, vector<1000x16xf32> -> vector<1000x16xf32>
    %get3A_65 = arith.constant 0 : index
    %get3A_66 = arith.constant 0 : index
    %get3A_67 = vector.load %arg10[%get3A_65, %get3A_66] : memref<1x16xf32, #tpu.memory_space<vmem>>, vector<1x16xf32>
    %add3A_68 = vector.broadcast %get3A_67 : vector<1x16xf32> to vector<1000x16xf32>
    %add3A_69 = arith.addf %dot_general3A_64, %add3A_68 : vector<1000x16xf32>
    %get3A_70 = arith.constant 0 : index
    %get3A_71 = arith.constant 0 : index
    %get3A_72 = vector.load %arg11[%get3A_70, %get3A_71] : memref<16x1024xf32, #tpu.memory_space<vmem>>, vector<16x1024xf32>
    %dot_general3A_73 = arith.constant dense<0.000000e+00> : vector<1000x1024xf32>
    %dot_general3A_74 = tpu.matmul %add3A_31, %get3A_72, %dot_general3A_73 {dimension_numbers = #tpu.dot_dimension_numbers<[1], [0], [0], [1], [0, 0, 1, 1], [], []>, transpose_lhs_hint = false} : vector<1000x16xf32>, vector<16x1024xf32>, vector<1000x1024xf32> -> vector<1000x1024xf32>
    %get3A_75 = arith.constant 0 : index
    %get3A_76 = arith.constant 0 : index
    %get3A_77 = vector.load %arg12[%get3A_75, %get3A_76] : memref<1x1024xf32, #tpu.memory_space<vmem>>, vector<1x1024xf32>
    %add3A_78 = vector.broadcast %get3A_77 : vector<1x1024xf32> to vector<1000x1024xf32>
    %add3A_79 = arith.addf %dot_general3A_74, %add3A_78 : vector<1000x1024xf32>
    %gt3A_80 = arith.constant 0.000000e+00 : f32
    %gt3A_81 = vector.broadcast %gt3A_80 : f32 to vector<1000x1024xf32>
    %gt3A_82 = arith.cmpf ogt, %add3A_79, %gt3A_81 : vector<1000x1024xf32>
    %mul3A_83 = arith.constant 3.000000e-01 : f32
    %mul3A_84 = vector.broadcast %mul3A_83 : f32 to vector<1000x1024xf32>
    %mul3A_85 = arith.mulf %mul3A_84, %add3A_79 : vector<1000x1024xf32>
    %select_n3A_86 = arith.select %gt3A_82, %add3A_79, %mul3A_85 : vector<1000x1024xi1>, vector<1000x1024xf32>
    %get3A_87 = arith.constant 0 : index
    %get3A_88 = arith.constant 0 : index
    %get3A_89 = vector.load %arg13[%get3A_87, %get3A_88] : memref<1024x128xf32, #tpu.memory_space<vmem>>, vector<1024x128xf32>
    %dot_general3A_90 = arith.constant dense<0.000000e+00> : vector<1000x128xf32>
    %dot_general3A_91 = tpu.matmul %select_n3A_86, %get3A_89, %dot_general3A_90 {dimension_numbers = #tpu.dot_dimension_numbers<[1], [0], [0], [1], [0, 0, 1, 1], [], []>, transpose_lhs_hint = false} : vector<1000x1024xf32>, vector<1024x128xf32>, vector<1000x128xf32> -> vector<1000x128xf32>
    %get3A_92 = arith.constant 0 : index
    %get3A_93 = arith.constant 0 : index
    %get3A_94 = vector.load %arg14[%get3A_92, %get3A_93] : memref<1x128xf32, #tpu.memory_space<vmem>>, vector<1x128xf32>
    %add3A_95 = vector.broadcast %get3A_94 : vector<1x128xf32> to vector<1000x128xf32>
    %add3A_96 = arith.addf %dot_general3A_91, %add3A_95 : vector<1000x128xf32>
    %get3A_97 = arith.constant 0 : index
    %get3A_98 = arith.constant 0 : index
    %get3A_99 = vector.load %arg15[%get3A_97, %get3A_98] : memref<128x256xf32, #tpu.memory_space<vmem>>, vector<128x256xf32>
    %dot_general3A_100 = arith.constant dense<0.000000e+00> : vector<1000x256xf32>
    %dot_general3A_101 = tpu.matmul %add3A_96, %get3A_99, %dot_general3A_100 {dimension_numbers = #tpu.dot_dimension_numbers<[1], [0], [0], [1], [0, 0, 1, 1], [], []>, transpose_lhs_hint = false} : vector<1000x128xf32>, vector<128x256xf32>, vector<1000x256xf32> -> vector<1000x256xf32>
    %get3A_102 = arith.constant 0 : index
    %get3A_103 = arith.constant 0 : index
    %get3A_104 = vector.load %arg16[%get3A_102, %get3A_103] : memref<1x256xf32, #tpu.memory_space<vmem>>, vector<1x256xf32>
    %add3A_105 = vector.broadcast %get3A_104 : vector<1x256xf32> to vector<1000x256xf32>
    %add3A_106 = arith.addf %dot_general3A_101, %add3A_105 : vector<1000x256xf32>
    %gt3A_107 = arith.constant 0.000000e+00 : f32
    %gt3A_108 = vector.broadcast %gt3A_107 : f32 to vector<1000x256xf32>
    %gt3A_109 = arith.cmpf ogt, %add3A_106, %gt3A_108 : vector<1000x256xf32>
    %mul3A_110 = arith.constant 3.000000e-01 : f32
    %mul3A_111 = vector.broadcast %mul3A_110 : f32 to vector<1000x256xf32>
    %mul3A_112 = arith.mulf %mul3A_111, %add3A_106 : vector<1000x256xf32>
    %select_n3A_113 = arith.select %gt3A_109, %add3A_106, %mul3A_112 : vector<1000x256xi1>, vector<1000x256xf32>
    %get3A_114 = arith.constant 0 : index
    %get3A_115 = arith.constant 0 : index
    %get3A_116 = vector.load %arg17[%get3A_114, %get3A_115] : memref<256x16xf32, #tpu.memory_space<vmem>>, vector<256x16xf32>
    %dot_general3A_117 = arith.constant dense<0.000000e+00> : vector<1000x16xf32>
    %dot_general3A_118 = tpu.matmul %select_n3A_113, %get3A_116, %dot_general3A_117 {dimension_numbers = #tpu.dot_dimension_numbers<[1], [0], [0], [1], [0, 0, 1, 1], [], []>, transpose_lhs_hint = false} : vector<1000x256xf32>, vector<256x16xf32>, vector<1000x16xf32> -> vector<1000x16xf32>
    %get3A_119 = arith.constant 0 : index
    %get3A_120 = arith.constant 0 : index
    %get3A_121 = vector.load %arg18[%get3A_119, %get3A_120] : memref<1x16xf32, #tpu.memory_space<vmem>>, vector<1x16xf32>
    %add3A_122 = vector.broadcast %get3A_121 : vector<1x16xf32> to vector<1000x16xf32>
    %add3A_123 = arith.addf %dot_general3A_118, %add3A_122 : vector<1000x16xf32>
    %get3A_124 = arith.constant 0 : index
    %get3A_125 = arith.constant 0 : index
    %get3A_126 = vector.load %arg11[%get3A_124, %get3A_125] : memref<16x1024xf32, #tpu.memory_space<vmem>>, vector<16x1024xf32>
    %dot_general3A_127 = arith.constant dense<0.000000e+00> : vector<1000x1024xf32>
    %dot_general3A_128 = tpu.matmul %add3A_69, %get3A_126, %dot_general3A_127 {dimension_numbers = #tpu.dot_dimension_numbers<[1], [0], [0], [1], [0, 0, 1, 1], [], []>, transpose_lhs_hint = false} : vector<1000x16xf32>, vector<16x1024xf32>, vector<1000x1024xf32> -> vector<1000x1024xf32>
    %get3A_129 = arith.constant 0 : index
    %get3A_130 = arith.constant 0 : index
    %get3A_131 = vector.load %arg12[%get3A_129, %get3A_130] : memref<1x1024xf32, #tpu.memory_space<vmem>>, vector<1x1024xf32>
    %add3A_132 = vector.broadcast %get3A_131 : vector<1x1024xf32> to vector<1000x1024xf32>
    %add3A_133 = arith.addf %dot_general3A_128, %add3A_132 : vector<1000x1024xf32>
    %gt3A_134 = arith.constant 0.000000e+00 : f32
    %gt3A_135 = vector.broadcast %gt3A_134 : f32 to vector<1000x1024xf32>
    %gt3A_136 = arith.cmpf ogt, %add3A_133, %gt3A_135 : vector<1000x1024xf32>
    %mul3A_137 = arith.constant 3.000000e-01 : f32
    %mul3A_138 = vector.broadcast %mul3A_137 : f32 to vector<1000x1024xf32>
    %mul3A_139 = arith.mulf %mul3A_138, %add3A_133 : vector<1000x1024xf32>
    %select_n3A_140 = arith.select %gt3A_136, %add3A_133, %mul3A_139 : vector<1000x1024xi1>, vector<1000x1024xf32>
    %get3A_141 = arith.constant 0 : index
    %get3A_142 = arith.constant 0 : index
    %get3A_143 = vector.load %arg13[%get3A_141, %get3A_142] : memref<1024x128xf32, #tpu.memory_space<vmem>>, vector<1024x128xf32>
    %dot_general3A_144 = arith.constant dense<0.000000e+00> : vector<1000x128xf32>
    %dot_general3A_145 = tpu.matmul %select_n3A_140, %get3A_143, %dot_general3A_144 {dimension_numbers = #tpu.dot_dimension_numbers<[1], [0], [0], [1], [0, 0, 1, 1], [], []>, transpose_lhs_hint = false} : vector<1000x1024xf32>, vector<1024x128xf32>, vector<1000x128xf32> -> vector<1000x128xf32>
    %get3A_146 = arith.constant 0 : index
    %get3A_147 = arith.constant 0 : index
    %get3A_148 = vector.load %arg14[%get3A_146, %get3A_147] : memref<1x128xf32, #tpu.memory_space<vmem>>, vector<1x128xf32>
    %add3A_149 = vector.broadcast %get3A_148 : vector<1x128xf32> to vector<1000x128xf32>
    %add3A_150 = arith.addf %dot_general3A_145, %add3A_149 : vector<1000x128xf32>
    %get3A_151 = arith.constant 0 : index
    %get3A_152 = arith.constant 0 : index
    %get3A_153 = vector.load %arg15[%get3A_151, %get3A_152] : memref<128x256xf32, #tpu.memory_space<vmem>>, vector<128x256xf32>
    %dot_general3A_154 = arith.constant dense<0.000000e+00> : vector<1000x256xf32>
    %dot_general3A_155 = tpu.matmul %add3A_150, %get3A_153, %dot_general3A_154 {dimension_numbers = #tpu.dot_dimension_numbers<[1], [0], [0], [1], [0, 0, 1, 1], [], []>, transpose_lhs_hint = false} : vector<1000x128xf32>, vector<128x256xf32>, vector<1000x256xf32> -> vector<1000x256xf32>
    %get3A_156 = arith.constant 0 : index
    %get3A_157 = arith.constant 0 : index
    %get3A_158 = vector.load %arg16[%get3A_156, %get3A_157] : memref<1x256xf32, #tpu.memory_space<vmem>>, vector<1x256xf32>
    %add3A_159 = vector.broadcast %get3A_158 : vector<1x256xf32> to vector<1000x256xf32>
    %add3A_160 = arith.addf %dot_general3A_155, %add3A_159 : vector<1000x256xf32>
    %gt3A_161 = arith.constant 0.000000e+00 : f32
    %gt3A_162 = vector.broadcast %gt3A_161 : f32 to vector<1000x256xf32>
    %gt3A_163 = arith.cmpf ogt, %add3A_160, %gt3A_162 : vector<1000x256xf32>
    %mul3A_164 = arith.constant 3.000000e-01 : f32
    %mul3A_165 = vector.broadcast %mul3A_164 : f32 to vector<1000x256xf32>
    %mul3A_166 = arith.mulf %mul3A_165, %add3A_160 : vector<1000x256xf32>
    %select_n3A_167 = arith.select %gt3A_163, %add3A_160, %mul3A_166 : vector<1000x256xi1>, vector<1000x256xf32>
    %get3A_168 = arith.constant 0 : index
    %get3A_169 = arith.constant 0 : index
    %get3A_170 = vector.load %arg17[%get3A_168, %get3A_169] : memref<256x16xf32, #tpu.memory_space<vmem>>, vector<256x16xf32>
    %dot_general3A_171 = arith.constant dense<0.000000e+00> : vector<1000x16xf32>
    %dot_general3A_172 = tpu.matmul %select_n3A_167, %get3A_170, %dot_general3A_171 {dimension_numbers = #tpu.dot_dimension_numbers<[1], [0], [0], [1], [0, 0, 1, 1], [], []>, transpose_lhs_hint = false} : vector<1000x256xf32>, vector<256x16xf32>, vector<1000x16xf32> -> vector<1000x16xf32>
    %get3A_173 = arith.constant 0 : index
    %get3A_174 = arith.constant 0 : index
    %get3A_175 = vector.load %arg18[%get3A_173, %get3A_174] : memref<1x16xf32, #tpu.memory_space<vmem>>, vector<1x16xf32>
    %add3A_176 = vector.broadcast %get3A_175 : vector<1x16xf32> to vector<1000x16xf32>
    %add3A_177 = arith.addf %dot_general3A_172, %add3A_176 : vector<1000x16xf32>
    %add3A_178 = arith.addf %add3A_123, %add3A_177 : vector<1000x16xf32>
    %mul3A_179 = arith.constant 5.000000e-01 : f32
    %mul3A_180 = vector.broadcast %mul3A_179 : f32 to vector<1000x16xf32>
    %mul3A_181 = arith.mulf %mul3A_180, %add3A_178 : vector<1000x16xf32>
    %swap3A = arith.constant 0 : index
    %swap3A_182 = arith.constant 0 : index
    %swap3A_183 = vector.load %arg19[%swap3A, %swap3A_182] : memref<1000x16xf32, #tpu.memory_space<vmem>>, vector<1000x16xf32>
    tpu.vector_store %arg19[%swap3A, %swap3A_182], %mul3A_181 {strides = array<i32>} : memref<1000x16xf32, #tpu.memory_space<vmem>>, vector<1000x16xf32>,
    %sub3A = arith.subf %add3A_123, %add3A_31 : vector<1000x16xf32>
    %integer_pow3A = arith.mulf %sub3A, %sub3A : vector<1000x16xf32>
    %reduce_sum3A = vector.shape_cast %integer_pow3A : vector<1000x16xf32> to vector<1x1000x16xf32>
    %reduce_sum3A_184 = arith.constant dense<0.000000e+00> : vector<1xf32>
    %reduce_sum3A_185 = vector.multi_reduction <add>, %reduce_sum3A, %reduce_sum3A_184 [1, 2] : vector<1x1000x16xf32> to vector<1xf32>
    %reduce_sum3A_186 = vector.shape_cast %reduce_sum3A_185 : vector<1xf32> to vector<1x1x1xf32>
    %reduce_sum3A_187 = vector.extract %reduce_sum3A_186[0, 0, 0] : f32 from vector<1x1x1xf32>
    %sub3A_188 = arith.subf %add3A_177, %add3A_69 : vector<1000x16xf32>
    %integer_pow3A_189 = arith.mulf %sub3A_188, %sub3A_188 : vector<1000x16xf32>
    %reduce_sum3A_190 = vector.shape_cast %integer_pow3A_189 : vector<1000x16xf32> to vector<1x1000x16xf32>
    %reduce_sum3A_191 = arith.constant dense<0.000000e+00> : vector<1xf32>
    %reduce_sum3A_192 = vector.multi_reduction <add>, %reduce_sum3A_190, %reduce_sum3A_191 [1, 2] : vector<1x1000x16xf32> to vector<1xf32>
    %reduce_sum3A_193 = vector.shape_cast %reduce_sum3A_192 : vector<1xf32> to vector<1x1x1xf32>
    %reduce_sum3A_194 = vector.extract %reduce_sum3A_193[0, 0, 0] : f32 from vector<1x1x1xf32>
    %add3A_195 = arith.addf %reduce_sum3A_187, %reduce_sum3A_194 : f32
    %eq3A = arith.constant 0 : i32
    %eq3A_196 = arith.cmpi eq, %arg0, %eq3A : i32
    %convert_element_type3A = arith.extui %eq3A_196 : i1 to i32
    %cond3A = arith.constant 0 : i32
    %cond3A_197 = arith.cmpi ne, %convert_element_type3A, %cond3A : i32
    scf.if %cond3A_197 {
      %broadcast_in_dim3A = arith.constant 0.000000e+00 : f32
      %broadcast_in_dim3A_210 = vector.broadcast %broadcast_in_dim3A : f32 to vector<1x1xf32>
      %swap3A_211 = arith.constant 0 : index
      %swap3A_212 = arith.constant 0 : index
      %swap3A_213 = vector.load %arg20[%swap3A_211, %swap3A_212] : memref<1x1xf32, #tpu.memory_space<vmem>>, vector<1x1xf32>
      tpu.vector_store %arg20[%swap3A_211, %swap3A_212], %broadcast_in_dim3A_210 {strides = array<i32>} : memref<1x1xf32, #tpu.memory_space<vmem>>, vector<1x1xf32>,
    } else {
    }
    %get3A_198 = arith.constant 0 : index
    %get3A_199 = arith.constant 0 : index
    %get3A_200 = vector.load %arg20[%get3A_198, %get3A_199] : memref<1x1xf32, #tpu.memory_space<vmem>>, vector<1x1xf32>
    %reshape3A = vector.broadcast %add3A_195 : f32 to vector<1x1xf32>
    %add3A_201 = arith.addf %get3A_200, %reshape3A : vector<1x1xf32>
    %swap3A_202 = arith.constant 0 : index
    %swap3A_203 = arith.constant 0 : index
    %swap3A_204 = vector.load %arg20[%swap3A_202, %swap3A_203] : memref<1x1xf32, #tpu.memory_space<vmem>>, vector<1x1xf32>
    tpu.vector_store %arg20[%swap3A_202, %swap3A_203], %add3A_201 {strides = array<i32>} : memref<1x1xf32, #tpu.memory_space<vmem>>, vector<1x1xf32>,
    %eq3A_205 = arith.constant 4 : i32
    %eq3A_206 = arith.cmpi eq, %arg0, %eq3A_205 : i32
    %convert_element_type3A_207 = arith.extui %eq3A_206 : i1 to i32
    %cond3A_208 = arith.constant 0 : i32
    %cond3A_209 = arith.cmpi ne, %convert_element_type3A_207, %cond3A_208 : i32
    scf.if %cond3A_209 {
      %get3A_210 = arith.constant 0 : index
      %get3A_211 = arith.constant 0 : index
      %get3A_212 = vector.load %arg20[%get3A_210, %get3A_211] : memref<1x1xf32, #tpu.memory_space<vmem>>, vector<1x1xf32>
      %div3A = arith.constant 1.600000e+05 : f32
      %div3A_213 = vector.broadcast %div3A : f32 to vector<1x1xf32>
      %div3A_214 = arith.divf %get3A_212, %div3A_213 : vector<1x1xf32>
      %swap3A_215 = arith.constant 0 : index
      %swap3A_216 = arith.constant 0 : index
      %swap3A_217 = vector.load %arg20[%swap3A_215, %swap3A_216] : memref<1x1xf32, #tpu.memory_space<vmem>>, vector<1x1xf32>
      tpu.vector_store %arg20[%swap3A_215, %swap3A_216], %div3A_214 {strides = array<i32>} : memref<1x1xf32, #tpu.memory_space<vmem>>, vector<1x1xf32>,
    } else {
    }
    return
  }
  func.func @transform_0(%arg0: i32) -> (i32, i32) {
    %c0_i32 = arith.constant 0 : i32
    %c0_i32_0 = arith.constant 0 : i32
    return %arg0, %c0_i32 : i32, i32
  }
  func.func @transform_1(%arg0: i32) -> (i32, i32) {
    %c0_i32 = arith.constant 0 : i32
    %c0_i32_0 = arith.constant 0 : i32
    return %arg0, %c0_i32 : i32, i32
  }
  func.func @transform_2(%arg0: i32) -> (i32, i32) {
    %c0_i32 = arith.constant 0 : i32
    %c0_i32_0 = arith.constant 0 : i32
    return %arg0, %c0_i32 : i32, i32
  }
  func.func @transform_3(%arg0: i32) -> (i32, i32) {
    %add3A = arith.constant 5 : i32
    %add3A_0 = arith.addi %arg0, %add3A : i32
    %c0_i32 = arith.constant 0 : i32
    %c0_i32_1 = arith.constant 0 : i32
    return %add3A_0, %c0_i32 : i32, i32
  }
  func.func @transform_4(%arg0: i32) -> (i32, i32) {
    %add3A = arith.constant 5 : i32
    %add3A_0 = arith.addi %arg0, %add3A : i32
    %c0_i32 = arith.constant 0 : i32
    %c0_i32_1 = arith.constant 0 : i32
    return %add3A_0, %c0_i32 : i32, i32
  }
  func.func @transform_5(%arg0: i32) -> (i32, i32) {
    %add3A = arith.constant 5 : i32
    %add3A_0 = arith.addi %arg0, %add3A : i32
    %c0_i32 = arith.constant 0 : i32
    %c0_i32_1 = arith.constant 0 : i32
    return %add3A_0, %c0_i32 : i32, i32
  }
  func.func @transform_6(%arg0: i32) -> (i32, i32) {
    %c0_i32 = arith.constant 0 : i32
    %c0_i32_0 = arith.constant 0 : i32
    %c0_i32_1 = arith.constant 0 : i32
    return %c0_i32, %c0_i32_0 : i32, i32
  }
  func.func @transform_7(%arg0: i32) -> (i32, i32) {
    %c0_i32 = arith.constant 0 : i32
    %c0_i32_0 = arith.constant 0 : i32
    %c0_i32_1 = arith.constant 0 : i32
    return %c0_i32, %c0_i32_0 : i32, i32
  }
  func.func @transform_8(%arg0: i32) -> (i32, i32) {
    %c0_i32 = arith.constant 0 : i32
    %c0_i32_0 = arith.constant 0 : i32
    %c0_i32_1 = arith.constant 0 : i32
    return %c0_i32, %c0_i32_0 : i32, i32
  }
  func.func @transform_9(%arg0: i32) -> (i32, i32) {
    %c0_i32 = arith.constant 0 : i32
    %c0_i32_0 = arith.constant 0 : i32
    %c0_i32_1 = arith.constant 0 : i32
    return %c0_i32, %c0_i32_0 : i32, i32
  }
  func.func @transform_10(%arg0: i32) -> (i32, i32) {
    %c0_i32 = arith.constant 0 : i32
    %c0_i32_0 = arith.constant 0 : i32
    %c0_i32_1 = arith.constant 0 : i32
    return %c0_i32, %c0_i32_0 : i32, i32
  }
  func.func @transform_11(%arg0: i32) -> (i32, i32) {
    %c0_i32 = arith.constant 0 : i32
    %c0_i32_0 = arith.constant 0 : i32
    %c0_i32_1 = arith.constant 0 : i32
    return %c0_i32, %c0_i32_0 : i32, i32
  }
  func.func @transform_12(%arg0: i32) -> (i32, i32) {
    %c0_i32 = arith.constant 0 : i32
    %c0_i32_0 = arith.constant 0 : i32
    %c0_i32_1 = arith.constant 0 : i32
    return %c0_i32, %c0_i32_0 : i32, i32
  }
  func.func @transform_13(%arg0: i32) -> (i32, i32) {
    %c0_i32 = arith.constant 0 : i32
    %c0_i32_0 = arith.constant 0 : i32
    %c0_i32_1 = arith.constant 0 : i32
    return %c0_i32, %c0_i32_0 : i32, i32
  }
  func.func @transform_14(%arg0: i32) -> (i32, i32) {
    %c0_i32 = arith.constant 0 : i32
    %c0_i32_0 = arith.constant 0 : i32
    %c0_i32_1 = arith.constant 0 : i32
    return %c0_i32, %c0_i32_0 : i32, i32
  }
  func.func @transform_15(%arg0: i32) -> (i32, i32) {
    %c0_i32 = arith.constant 0 : i32
    %c0_i32_0 = arith.constant 0 : i32
    %c0_i32_1 = arith.constant 0 : i32
    return %c0_i32, %c0_i32_0 : i32, i32
  }
  func.func @transform_16(%arg0: i32) -> (i32, i32) {
    %c0_i32 = arith.constant 0 : i32
    %c0_i32_0 = arith.constant 0 : i32
    %c0_i32_1 = arith.constant 0 : i32
    return %c0_i32, %c0_i32_0 : i32, i32
  }
  func.func @transform_17(%arg0: i32) -> (i32, i32) {
    %c0_i32 = arith.constant 0 : i32
    %c0_i32_0 = arith.constant 0 : i32
    %c0_i32_1 = arith.constant 0 : i32
    return %c0_i32, %c0_i32_0 : i32, i32
  }
  func.func @transform_18(%arg0: i32) -> (i32, i32) {
    %c0_i32 = arith.constant 0 : i32
    %c0_i32_0 = arith.constant 0 : i32
    return %arg0, %c0_i32 : i32, i32
  }
  func.func @transform_19(%arg0: i32) -> (i32, i32) {
    %c0_i32 = arith.constant 0 : i32
    %c0_i32_0 = arith.constant 0 : i32
    %c0_i32_1 = arith.constant 0 : i32
    return %c0_i32, %c0_i32_0 : i32, i32
  }
}

</mosaic_0001>

<sc_bundles>
// kernel: kernel.12.cloned.1.call-start
scs
__scs_entry_jumppad:
0x0: {  	(pc) =	sbr.rel $0x88, $3  }
0x1: {  	(tag) =	ssettag $0x0;
	lr =	simm.s32 $0x1  }
0x2: {  	[smem:$0x3F86] =	sst lr;
	_ =	strace $0xD0000000  }
0x3: {  	_ = 	snop  }
0x4: {  	_ = 	snop  }
0x5: {  	_ = 	snop  }
0x6: {  	_ = 	snop  }
0x7: {  	_ = 	snop  }
__scs_overlays_trampoline_lowered:
0x8: {  	[smem:$0x3F95] =	sst s0  }
0x9: {  	[smem:$0x3F96] =	sst s1  }
0xa: {  	[smem:$0x3F97] =	sst s2  }
0xb: {  	[smem:$0x3F98] =	sst s3  }
0xc: {  	[smem:$0x3F99] =	sst s4  }
0xd: {  	[smem:$0x3F9A] =	sst s5  }
0xe: {  	[smem:$0x3F9B] =	sst s6  }
0xf: {  	[smem:$0x3F9C] =	sst s7  }
0x10: {  	[smem:$0x3F9D] =	sst s8  }
0x11: {  	[smem:$0x3F9E] =	sst s9;
	s0 =	simm.s32 @!p0 $0x0  }
0x12: {  	s1 =	sld [smem:$0x3F84];
	s0 =	simm.s32 @p0 $0x1  }
0x13: {  	[smem:$0x3F9F] =	sst s0;
	s0 =	simm.s32 @!p1 $0x0  }
0x14: {  	s2 =	sld [smem:$0x3F83];
	s0 =	simm.s32 @p1 $0x1  }
0x15: {  	[smem:$0x3FA0] =	sst s0;
	s0 =	simm.s32 @!p2 $0x0  }
0x16: {  	s3 =	sld [smem:$0x3FDB];
	s0 =	simm.s32 @p2 $0x1  }
0x17: {  	s4 =	simm.s32 $0x1BF5;
	[smem:$0x3FA2] =	sst s0  }
0x18: {  	s0 =	sld [smem:$0x3F85];
	_ =	swait.ge [sflag:s4], $0x0  }
0x19: {  	s7 =	sld [smem:$0x3F86]  }
0x1a: {  	s8 =	sadd.s32 $0xFFFFE003, lr  }
0x1b: {  	s9 =	sadd.s32 $0xFFFFFEF7, lr;
	s5 =	simm.s32 $0xFFFFFFFF;
	p2 =	slt.u32 s8, $0xFFFFF086  }
0x1c: {  	p1 =	slt.u32 s9, $0xF7A;
	s5 =	simm.s32 @!p2 $0x0  }
0x1d: {  	s5 =	simm.s32 @p1 $0x1;
	p0 =	seq.s32 s7, s2  }
0x1e: {  	s7 =	smul.u32 @!p0 $0xF7A, s2;
	p2 =	seq.s32 @!p0 s5, $0x0  }
0x1f: {  	s9 =	smul.u32 $0xF7A, s1;
	s8 =	simm.s32 @!p0 $0x1BF5;
	p2 =	por !p2, p0  }
0x20: {  	[sflag:s8] =	ssyncset.s32 @!p0 $0xFFFFF086;
	s6 =	sadd.s32 @!p0 s3, s7;
	s7 =	simm.s32 @!p0 $0x108  }
0x21: {  	s3 =	sadd.s32 s3, s9;
	s6 =	sadd.s32 @!p0 $0x88, s6;
	s7 =	simm.s32 @p2 $0x1082  }
0x22: {  	[simem:s7], [sflag:s8] =	dma.local @!p0 [hbm:s6], $0xF7A  }
0x23: {  	s9 =	sor.u32 $0xD0000000, s2;
	s6 =	simm.s32 $0x108;
	_ =	swait.ge @!p0 [sflag:s8], $0x0  }
0x24: {  	s3 =	sadd.s32 $0x88, s3;
	s6 =	simm.s32 @!p1 $0x1082;
	[sflag:s4] =	ssyncset.s32 $0xFFFFF086  }
0x25: {  	[simem:s6], [sflag:s4] =	dma.local [hbm:s3], $0xF7A  }
0x26: {  	[smem:$0x3F86] =	sst s1;
	(tag) =	ssettag s2;
	_ =	strace s9  }
0x27: {  	s1 =	sld [smem:$0x3F96]  }
0x28: {  	s2 =	sld [smem:$0x3F97]  }
0x29: {  	s4 =	sld [smem:$0x3F99]  }
0x2a: {  	p0 =	seq.s32 s5, $0x0;
	s5 =	sld [smem:$0x3F9A]  }
0x2b: {  	s6 =	sld [smem:$0x3F9B]  }
0x2c: {  	s7 =	sld [smem:$0x3F9C]  }
0x2d: {  	s3 =	simm.s32 $0x108;
	s8 =	sld [smem:$0x3F9D]  }
0x2e: {  	s3 =	simm.s32 @!p0 $0x1082;
	s9 =	sld [smem:$0x3F9E]  }
0x2f: {  	lr =	sadd.s32 s0, s3;
	s0 =	sld [smem:$0x3F95]  }
0x30: {  	s3 =	sld [smem:$0x3F98]  }
0x31: {  	[smem:$0x3FA1] =	sst s10  }
0x32: {  	s10 =	sld [smem:$0x3F9F];
	_ =	sdelay $0x3  }
0x33: {  	p0 =	seq.s32 s10, $0x1;
	s10 =	sld [smem:$0x3FA1];
	_ =	sdelay $0x3  }
0x34: {  	[smem:$0x3FA1] =	sst s10  }
0x35: {  	s10 =	sld [smem:$0x3FA0];
	_ =	sdelay $0x3  }
0x36: {  	p1 =	seq.s32 s10, $0x1;
	s10 =	sld [smem:$0x3FA1];
	_ =	sdelay $0x3  }
0x37: {  	[smem:$0x3FA1] =	sst s10  }
0x38: {  	s10 =	sld [smem:$0x3FA2]  }
0x39: {  	_ = 	snop;
	(pc) =	sbr.ind lr, $3  }
0x3a: {  	_ = 	snop  }
0x3b: {  	_ = 	snop  }
0x3c: {  	p2 =	seq.s32 s10, $0x1;
	s10 =	sld [smem:$0x3FA1]  }
0x3d: {  	_ =	shalt  }
0x3e: {  	_ =	shalt  }
0x3f: {  	_ =	shalt  }
0x40: {  	_ =	shalt  }
0x41: {  	_ =	shalt  }
0x42: {  	_ =	shalt  }
0x43: {  	_ =	shalt  }
0x44: {  	_ =	shalt  }
0x45: {  	_ =	shalt  }
0x46: {  	_ =	shalt  }
0x47: {  	_ =	shalt  }
0x48: {  	_ =	shalt  }
0x49: {  	_ =	shalt  }
0x4a: {  	_ =	shalt  }
0x4b: {  	_ =	shalt  }
0x4c: {  	_ =	shalt  }
0x4d: {  	_ =	shalt  }
0x4e: {  	_ =	shalt  }
0x4f: {  	_ =	shalt  }
0x50: {  	_ =	shalt  }
0x51: {  	_ =	shalt  }
0x52: {  	_ =	shalt  }
0x53: {  	_ =	shalt  }
0x54: {  	_ =	shalt  }
0x55: {  	_ =	shalt  }
0x56: {  	_ =	shalt  }
0x57: {  	_ =	shalt  }
0x58: {  	_ =	shalt  }
0x59: {  	_ =	shalt  }
0x5a: {  	_ =	shalt  }
0x5b: {  	_ =	shalt  }
0x5c: {  	_ =	shalt  }
0x5d: {  	_ =	shalt  }
0x5e: {  	_ =	shalt  }
0x5f: {  	_ =	shalt  }
0x60: {  	_ =	shalt  }
0x61: {  	_ =	shalt  }
0x62: {  	_ =	shalt  }
0x63: {  	_ =	shalt  }
0x64: {  	_ =	shalt  }
0x65: {  	_ =	shalt  }
0x66: {  	_ =	shalt  }
0x67: {  	_ =	shalt  }
0x68: {  	_ =	shalt  }
0x69: {  	_ =	shalt  }
0x6a: {  	_ =	shalt  }
0x6b: {  	_ =	shalt  }
0x6c: {  	_ =	shalt  }
0x6d: {  	_ =	shalt  }
0x6e: {  	_ =	shalt  }
0x6f: {  	_ =	shalt  }
0x70: {  	_ =	shalt  }
0x71: {  	_ =	shalt  }
0x72: {  	_ =	shalt  }
0x73: {  	_ =	shalt  }
0x74: {  	_ =	shalt  }
0x75: {  	_ =	shalt  }
0x76: {  	_ =	shalt  }
0x77: {  	_ =	shalt  }
0x78: {  	_ =	shalt  }
0x79: {  	_ =	shalt  }
0x7a: {  	_ =	shalt  }
0x7b: {  	_ =	shalt  }
0x7c: {  	_ =	shalt  }
0x7d: {  	_ =	shalt  }
0x7e: {  	_ =	shalt  }
0x7f: {  	_ =	shalt  }
0x80: {  	_ =	shalt  }
0x81: {  	_ =	shalt  }
0x82: {  	_ =	shalt  }
0x83: {  	_ =	shalt  }
0x84: {  	_ =	shalt  }
0x85: {  	_ =	shalt  }
0x86: {  	_ =	shalt  }
0x87: {  	_ =	shalt  }
.Lfunc_end0:
.L_simem_size_0:
called_computation_lowered:
.L_overlay_start_0:
0x88: {  	s2 =	sld [smem:$0x3FD9]  }
0x89: {  	s3 =	sld [smem:$0x3FFE];
	_ =	sdelay $0x1  }
0x8a: {  	s1 =	srdreg.scid  }
0x8b: {  	s0 =	sand.u32 $0x1, s1  }
0x8c: {  	s14 =	sshll.u32 s0, $0xA;
	s2 =	sadd.s32 s3, s2  }
0x8d: {  	s2 =	sadd.s32 s2, s14  }
0x8e: {  	[smem:$0x3FAD] =	sst s2  }
0x8f: {  	_ = 	snop  }
0x90: {  	s2 =	sld [smem:$0x3FD0];
	_ =	sdelay $0x2  }
0x91: {  	s15 =	simm.s32 $0xA;
	s4 =	simm.s32 $0x10  }
0x92: {  	[smem:s4], [sflag:s15] =	dma.local [hbm:s2], $0x1  }
0x93: {  	_ =	swait.eq [sflag:s15], $0x1  }
0x94: {  	[sflag:s15] =	ssyncset.done $0x0  }
0x95: {  	[sflag:s15] =	ssyncadd.s32 $0xFFFFFFFF  }
0x96: {  	s16 =	sld [smem:$0x10];
	(tm) =	ssettm $0x1  }
0x97: {  	s17 =	sld [smem:$0x3FFB];
	_ =	sdelay $0x3  }
0x98: {  	_ =	strace s17  }
0x99: {  	s3 =	sld [smem:$0x3FFC];
	_ =	sdelay $0x3  }
0x9a: {  	_ =	strace s3  }
0x9b: {  	s3 =	sld [smem:$0x3FFD];
	_ =	sdelay $0x3  }
0x9c: {  	_ =	strace s3  }
0x9d: {  	_ =	strace $0x8FFFFFFF  }
0x9e: {  	s18 =	sld [smem:$0x3FDB];
	_ =	sdelay $0x1  }
0x9f: {  	s19 =	simm.s32 $_scs_section_size  }
0xa0: {  	s5 =	simm.s32 $_size__tile_overlayer_lowered;
	s6 =	simm.s32 $_tile_overlayer_lowered  }
0xa1: {  	s22 =	simm.s32 $0x1BFF;
	s21 =	sshll.u32 s6, $0x1;
	s3 =	sadd.s32 s19, s18  }
0xa2: {  	s7 =	simm.s32 $0x0;
	s20 =	sshll.u32 s5, $0x1;
	s5 =	sadd.s32 s21, s3  }
0xa3: {  	[timem:s7], [sflag:s22] =	dma.local [hbm:s5], s20  }
0xa4: {  	_ =	swait.ge [sflag:s22], s20  }
0xa5: {  	s4 =	ssub.s32 $0x0, s20;
	[sflag:s22] =	ssyncset.done $0x0  }
0xa6: {  	[sflag:s22] =	ssyncadd.s32 s4;
	_ =	sdelay $0x1  }
0xa7: {  	s23 =	simm.s32 $0x1B8B  }
0xa8: {  	_ =	swait.ge [sflag:s23], $0x1  }
0xa9: {  	[sflag:s23] =	ssyncset.done $0x0  }
0xaa: {  	s25 =	simm.s32 $0x1B8E;
	s24 =	sld [smem:$0x3FFE];
	[sflag:s23] =	ssyncadd.s32 $0xFFFFFFFF  }
0xab: {  	s26 =	simm.s32 $execute0_lowered;
	[smem:$0x3FD2] =	sst s25  }
0xac: {  	s5 =	sshll.u32 s26, $0x1;
	_ =	strace $0x80000046;
	[dreg:$0x1] =	wrdreg $0xFFFFFFFF  }
0xad: {  	s28 =	simm.s32 $_size_execute0_lowered;
	s3 =	sadd.s32 s3, s5;
	[dreg:$0x0] =	wrdreg $0x0  }
0xae: {  	s5 =	sshll.u32 s28, $0x1;
	[dreg:$0x2] =	wrdreg s3  }
0xaf: {  	[dreg:$0x3] =	wrdreg s5  }
0xb0: {  	[dreg:$0x4] =	wrdreg $0xC0  }
0xb1: {  	_ =	task [dreg:s7], $0x5FFFF  }
0xb2: {  	[dreg:$0x1] =	wrdreg $0xFFFFFFFF  }
0xb3: {  	[dreg:$0x0] =	wrdreg $0x60  }
0xb4: {  	[dreg:$0x2] =	wrdreg s24  }
0xb5: {  	[dreg:$0x3] =	wrdreg s16  }
0xb6: {  	[dreg:$0x4] =	wrdreg $0xA2800  }
0xb7: {  	[dreg:$0x5] =	wrdreg $0x9  }
0xb8: {  	_ =	task.clear_ibuf [dreg:s7], $0x6FFFF;
	_ =	strace $0x90000046  }
0xb9: {  	s29 =	simm.s32 $0x9;
	_ =	strace $0x80000048  }
0xba: {  	_ =	swait.ge [sflag:s29], $0x1  }
0xbb: {  	[sflag:s29] =	ssyncadd.s32 $0xFFFFFFFF  }
0xbc: {  	_ =	strace $0x90000048  }
0xbd: {  	_ =	sfence  }
0xbe: {  	s30 =	sld [smem:$0x0];
	_ =	sdelay $0x2  }
0xbf: {  	s31 =	sshll.u32 s1, $0xD;
	s1 =	sshrl.u32 s1, $0x2  }
0xc0: {  	s3 =	sand.u32 $0x4000, s31;
	s1 =	sadd.s32 s1, s30  }
0xc1: {  	s0 =	sor.u32 s3, s0;
	s1 =	sshll.u32 s1, $0x11  }
0xc2: {  	s0 =	sor.u32 s1, s0  }
0xc3: {  	s0 =	sadd.s32 $0x8F2B, s0  }
0xc4: {  	[sflag:s0] =	ssyncadd.remote.s32 $0x1  }
0xc5: {  	_ =	sfence.sel $0xFFFF  }
0xc6: {  	[dreg:$0x0] =	wrdreg $0xFFFFFFFF;
	(pc) =	sbr.abs _section_cstart, $3  }
0xc7: {  	[dreg:$0x1] =	wrdreg $0xFFFFFFFF  }
0xc8: {  	_ =	task.clear_ibuf [dreg:s7], $0x2FFFF;
	_ =	strace $0x9FFFFFFF  }
0xc9: {  	(tm) =	ssettm $0x7FFFFFFF  }
tec
execute0_lowered:
.L_overlay_start_1:
0x0: {  	(tag) =	ssettag $0x1  }
0x1: {  	s0 =	rddreg [dreg:$0x0]  }
0x2: {  	s3 =	rddreg [dreg:$0x2]  }
0x3: {  	s1 =	srdreg.scid;
	s22 =	stileid.u32  }
0x4: {  	s4 =	simm.s32 $0x0;
	s28 =	simm.s32 $0x5;
	s30 =	simm.s32 $0x50  }
0x5: {  	s31 =	simm.s32 $0x2780;
	s1 =	sand.u32 $0x1, s1;
	s2 =	sshll.u32 s22, $0x1  }
0x6: {  	[smem:$0x7FF] =	sst s4;
	s5 =	sadd.s32 $0xA0800, s0;
	s7 =	smul.u32 $0x4E000, s22  }
0x7: {  	s15 =	smul.u32 $0x13800, s22;
	p0 =	sne.s32 s22, $0xF;
	s2 =	sor.u32 s1, s2  }
0x8: {  	_ =	strace $0x80000047;
	s6 =	ssub.s32 $0x2, s1;
	s1 =	smul.u32 $0x138800, s1  }
0x9: {  	s2 =	smul.u32 $0x4EC, s2;
	s8 =	sshrl.u32 s6, $0x1;
	s7 =	sshrl.u32 s7, $0x2  }
0xa: {  	s29 =	sadd.s32 $0x2800, s15;
	s16 =	sadd.s32 $0x5000, s15;
	s17 =	sadd.s32 $0x7800, s15  }
0xb: {  	s18 =	sadd.s32 $0xA000, s15;
	s19 =	sadd.s32 $0xC800, s15;
	s20 =	sadd.s32 $0xF000, s15  }
0xc: {  	s21 =	sadd.s32 $0x11800, s15;
	s6 =	ssub.s32 s6, s8;
	s7 =	sadd.s32 s7, s3  }
0xd: {  	s8 =	sadd.s32 s29, s3;
	s9 =	sadd.s32 s16, s3;
	s10 =	sadd.s32 s17, s3  }
0xe: {  	s11 =	sadd.s32 s18, s3;
	s12 =	sadd.s32 s19, s3;
	s13 =	sadd.s32 s20, s3  }
0xf: {  	s14 =	sadd.s32 s21, s3;
	s15 =	sadd.s32 s15, s1;
	s16 =	sadd.s32 s1, s16  }
0x10: {  	s25 =	sadd.s32 s1, s17;
	s26 =	sadd.s32 s1, s18;
	s2 =	sadd.s32 s2, s0  }
0x11: {  	s0 =	sadd.s32 $0xE200, s0;
	s15 =	sshrl.u32 s15, $0x3;
	s23 =	sshrl.u32 s16, $0x3  }
0x12: {  	s17 =	sshrl.u32 s26, $0x3;
	s16 =	simm.s32 $0x2900;
	s2 =	sadd.s32 $0x4400, s2  }
0x13: {  	s15 =	sadd.s32 s0, s15;
	s24 =	sadd.s32 s0, s23;
	[dreg:$0x4] =	wrdreg s2  }
0x14: {  	s23 =	sadd.s32 s1, s20;
	s20 =	simm.s32 $0x2A00;
	[dreg:$0x5] =	wrdreg s15  }
0x15: {  	s2 =	sadd.s32 s1, s29;
	[dreg:$0x7] =	wrdreg s24;
	s29 =	sadd.s32 s1, s19  }
0x16: {  	s24 =	sadd.s32 s1, s21;
	s1 =	sshrl.u32 s1, $0x3;
	s15 =	simm.s32 $0x2  }
0x17: {  	s21 =	simm.s32 $0x0;
	s2 =	sshrl.u32 s2, $0x3;
	s18 =	sshrl.u32 s29, $0x3  }
0x18: {  	s1 =	sadd.s32 s0, s1;
	s29 =	smax.u32 s6, $0x1;
	s6 =	simm.s32 $0x7A80  }
0x19: {  	s2 =	sadd.s32 s0, s2;
	s19 =	sadd.s32 s0, s18;
	[dreg:$0xe] =	wrdreg s29  }
0x1a: {  	s26 =	sadd.s32 $0x27000, s1;
	s1 =	simm.s32 $0x5280;
	[dreg:$0x6] =	wrdreg s2  }
0x1b: {  	s18 =	simm.s32 $0x2980;
	s2 =	sshrl.u32 s25, $0x3;
	[dreg:$0xa] =	wrdreg s19  }
0x1c: {  	s25 =	sshrl.u32 s24, $0x3;
	[dreg:$0xd] =	wrdreg s26;
	s2 =	sadd.s32 s0, s2  }
.Ltmp0:
0x1d: {  	[dreg:$0x8] =	wrdreg s2;
	s2 =	sadd.s32 s0, s17;
	(pc) =	sbr.rel .LBB2_1-.Ltmp0, $4  }
0x1e: {  	s26 =	simm.s32 $0x2A80;
	[dreg:$0x9] =	wrdreg s2;
	s2 =	sshrl.u32 s23, $0x3  }
0x1f: {  	s19 =	simm.s32 $0x4;
	s17 =	simm.s32 $0x3;
	s2 =	sadd.s32 s0, s2  }
0x20: {  	s23 =	sadd.s32 $0x138000, s3;
	s0 =	sadd.s32 s0, s25;
	[dreg:$0xb] =	wrdreg s2  }
0x21: {  	[dreg:$0xc] =	wrdreg s0;
	s0 =	simm.s32 $0x2800;
	s2 =	simm.s32 $0x2880  }
.LBB2_6:
0x22: {  	[bflag:$0x0] =	sbarrier.arrive $0xFFFF  }
0x23: {  	[tilespmem:s26], [sflag:$0x5] =	stream.linear.gather [spmem:s7], $0x2800, $0x38;
	[tilespmem:$0x1DB80] =	vst v63  }
0x24: {  	_ =	swait.ge [sflag:s28], $0x2800  }
0x25: {  	[sflag:s28] =	ssyncset.done $0x0  }
0x26: {  	s22 =	rddreg [dreg:$0x5];
	[sflag:s28] =	ssyncadd.s32 $0xFFFFD800  }
0x27: {  	[hbm4b:s22+s4] =	stream.linear.scatter [tilespmem:s26], [sflag:$0x2], $0x2800, $0x38;
	[tilespmem:$0x1DB80] =	vst v63  }
0x28: {  	_ = 	snop  }
0x29: {  	[tilespmem:s1], [sflag:$0x5] =	stream.linear.gather [spmem:s8], $0x2800, $0x38;
	[tilespmem:$0x1DB80] =	vst v63  }
0x2a: {  	_ =	swait.ge [sflag:s28], $0x2800  }
0x2b: {  	[sflag:s28] =	ssyncset.done $0x0  }
0x2c: {  	s25 =	rddreg [dreg:$0x6];
	[sflag:s28] =	ssyncadd.s32 $0xFFFFD800  }
0x2d: {  	[hbm4b:s25+s4] =	stream.linear.scatter [tilespmem:s1], [sflag:$0x3], $0x2800, $0x38;
	[tilespmem:$0x1DB80] =	vst v63  }
0x2e: {  	_ =	swait.ge [sflag:s15], $0x2800  }
0x2f: {  	[sflag:s15] =	ssyncset.done $0x0  }
0x30: {  	[sflag:s15] =	ssyncadd.s32 $0xFFFFD800  }
0x31: {  	[tilespmem:s26], [sflag:$0x5] =	stream.linear.gather [spmem:s9], $0x2800, $0x38;
	[tilespmem:$0x1DB80] =	vst v63  }
0x32: {  	_ =	swait.ge [sflag:s28], $0x2800  }
0x33: {  	[sflag:s28] =	ssyncset.done $0x0  }
0x34: {  	s29 =	rddreg [dreg:$0x7];
	[sflag:s28] =	ssyncadd.s32 $0xFFFFD800  }
0x35: {  	[hbm4b:s29+s4] =	stream.linear.scatter [tilespmem:s26], [sflag:$0x2], $0x2800, $0x38;
	[tilespmem:$0x1DB80] =	vst v63  }
0x36: {  	_ =	swait.ge [sflag:s17], $0x2800  }
0x37: {  	[sflag:s17] =	ssyncset.done $0x0  }
0x38: {  	[sflag:s17] =	ssyncadd.s32 $0xFFFFD800  }
0x39: {  	[tilespmem:s1], [sflag:$0x5] =	stream.linear.gather [spmem:s10], $0x2800, $0x38;
	[tilespmem:$0x1DB80] =	vst v63  }
0x3a: {  	_ =	swait.ge [sflag:s28], $0x2800  }
0x3b: {  	[sflag:s28] =	ssyncset.done $0x0  }
0x3c: {  	s24 =	rddreg [dreg:$0x8];
	[sflag:s28] =	ssyncadd.s32 $0xFFFFD800  }
0x3d: {  	[hbm4b:s24+s4] =	stream.linear.scatter [tilespmem:s1], [sflag:$0x3], $0x2800, $0x38;
	[tilespmem:$0x1DB80] =	vst v63  }
0x3e: {  	_ =	swait.ge [sflag:s15], $0x2800  }
0x3f: {  	[sflag:s15] =	ssyncset.done $0x0  }
0x40: {  	[sflag:s15] =	ssyncadd.s32 $0xFFFFD800  }
0x41: {  	[tilespmem:s26], [sflag:$0x5] =	stream.linear.gather [spmem:s11], $0x2800, $0x38;
	[tilespmem:$0x1DB80] =	vst v63  }
0x42: {  	_ =	swait.ge [sflag:s28], $0x2800  }
0x43: {  	[sflag:s28] =	ssyncset.done $0x0  }
0x44: {  	s25 =	rddreg [dreg:$0x9];
	[sflag:s28] =	ssyncadd.s32 $0xFFFFD800  }
0x45: {  	[hbm4b:s25+s4] =	stream.linear.scatter [tilespmem:s26], [sflag:$0x2], $0x2800, $0x38;
	[tilespmem:$0x1DB80] =	vst v63  }
0x46: {  	_ =	swait.ge [sflag:s17], $0x2800  }
0x47: {  	[sflag:s17] =	ssyncset.done $0x0  }
0x48: {  	[sflag:s17] =	ssyncadd.s32 $0xFFFFD800  }
0x49: {  	[tilespmem:s1], [sflag:$0x5] =	stream.linear.gather [spmem:s12], $0x2800, $0x38;
	[tilespmem:$0x1DB80] =	vst v63  }
0x4a: {  	_ =	swait.ge [sflag:s28], $0x2800  }
0x4b: {  	[sflag:s28] =	ssyncset.done $0x0  }
0x4c: {  	s29 =	rddreg [dreg:$0xa];
	[sflag:s28] =	ssyncadd.s32 $0xFFFFD800  }
0x4d: {  	[hbm4b:s29+s4] =	stream.linear.scatter [tilespmem:s1], [sflag:$0x3], $0x2800, $0x38;
	[tilespmem:$0x1DB80] =	vst v63  }
0x4e: {  	_ =	swait.ge [sflag:s15], $0x2800  }
0x4f: {  	[sflag:s15] =	ssyncset.done $0x0  }
0x50: {  	[sflag:s15] =	ssyncadd.s32 $0xFFFFD800  }
0x51: {  	[tilespmem:s26], [sflag:$0x5] =	stream.linear.gather [spmem:s13], $0x2800, $0x38;
	[tilespmem:$0x1DB80] =	vst v63  }
0x52: {  	_ =	swait.ge [sflag:s28], $0x2800  }
0x53: {  	[sflag:s28] =	ssyncset.done $0x0  }
0x54: {  	s24 =	rddreg [dreg:$0xb];
	[sflag:s28] =	ssyncadd.s32 $0xFFFFD800  }
0x55: {  	[hbm4b:s24+s4] =	stream.linear.scatter [tilespmem:s26], [sflag:$0x2], $0x2800, $0x38;
	[tilespmem:$0x1DB80] =	vst v63  }
0x56: {  	_ =	swait.ge [sflag:s17], $0x2800  }
0x57: {  	[sflag:s17] =	ssyncset.done $0x0  }
0x58: {  	[sflag:s17] =	ssyncadd.s32 $0xFFFFD800  }
0x59: {  	[tilespmem:s1], [sflag:$0x5] =	stream.linear.gather [spmem:s14], $0x2000, $0x38;
	[tilespmem:$0x1DB80] =	vst v63  }
0x5a: {  	_ =	swait.ge [sflag:s28], $0x2000  }
0x5b: {  	[sflag:s28] =	ssyncset.done $0x0  }
0x5c: {  	s25 =	rddreg [dreg:$0xc];
	[sflag:s28] =	ssyncadd.s32 $0xFFFFE000  }
0x5d: {  	[hbm4b:s25+s4] =	stream.linear.scatter [tilespmem:s1], [sflag:$0x3], $0x2000, $0x38;
	[tilespmem:$0x1DB80] =	vst v63  }
0x5e: {  	_ =	swait.ge [sflag:s15], $0x2800  }
0x5f: {  	[sflag:s15] =	ssyncset.done $0x0  }
0x60: {  	[sflag:s15] =	ssyncadd.s32 $0xFFFFD800  }
0x61: {  	_ =	swait.ge [sflag:s17], $0x2000  }
0x62: {  	[sflag:s17] =	ssyncset.done $0x0  }
0x63: {  	s22 =	simm.s32 @!p0 $0x2A80;
	s24 =	simm.s32 @!p0 $0x5;
	[sflag:s17] =	ssyncadd.s32 $0xFFFFE000  }
0x64: {  	[tilespmem:s22], [sflag:$0x5] =	stream.linear.gather @!p0 [spmem:s23], $0x800, $0x38;
	[tilespmem:$0x1DB80] =	vst v63  }
0x65: {  	_ =	swait.ge @!p0 [sflag:s24], $0x800  }
0x66: {  	[sflag:s24] =	ssyncset.done @!p0 $0x0  }
0x67: {  	s25 =	simm.s32 @!p0 $0x0;
	s29 =	rddreg [dreg:$0xd];
	[sflag:s24] =	ssyncadd.s32 @!p0 $0xFFFFF800  }
0x68: {  	[hbm4b:s29+s25] =	stream.linear.scatter @!p0 [tilespmem:s22], [sflag:$0x5], $0x800, $0x38;
	[tilespmem:$0x1DB80] =	vst v63  }
0x69: {  	_ =	swait.ge @!p0 [sflag:s24], $0x800  }
0x6a: {  	s21 =	sadd.s32 $0x1, s21;
	s29 =	rddreg [dreg:$0xe]  }
0x6b: {  	p1 =	sne.s32 s21, s29  }
.Ltmp1:
0x6c: {  	_ = 	snop;
	(pc) =	sbr.rel @!p1 .LBB2_7-.Ltmp1, $3  }
0x6d: {  	_ =	sdelay $0x1  }
0x6e: {  	[sflag:s24] =	ssyncset.done @!p0 $0x0  }
0x6f: {  	[sflag:s24] =	ssyncadd.s32 @!p0 $0xFFFFF800  }
.LBB2_1:
0x70: {  	s22 =	rddreg [dreg:$0x4]  }
0x71: {  	[tilespmem:s4], [sflag:$0x1] =	stream.linear.gather [hbm4b:s22+s4], $0x2760, $0x38;
	[tilespmem:$0x1DB80] =	vst v63  }
0x72: {  	s25 =	rddreg [dreg:$0x1]  }
0x73: {  	[tilespmem:s26], [sflag:$0x5] =	stream.linear.gather [hbm4b:s25+s4], $0x2800, $0x38;
	[tilespmem:$0x1DB80] =	vst v63  }
0x74: {  	_ =	swait.ge [sflag:s28], $0x2800  }
0x75: {  	[sflag:s28] =	ssyncset.done $0x0  }
0x76: {  	[sflag:s28] =	ssyncadd.s32 $0xFFFFD800  }
0x77: {  	[spmem:s7] =	stream.linear.scatter [tilespmem:s26], [sflag:$0x5], $0x2800, $0x38;
	[tilespmem:$0x1DB80] =	vst v63  }
0x78: {  	_ =	swait.ge [sflag:s28], $0x2800  }
0x79: {  	[sflag:s28] =	ssyncset.done $0x0  }
0x7a: {  	[sflag:s28] =	ssyncadd.s32 $0xFFFFD800  }
0x7b: {  	[spmem:s8] =	stream.linear.scatter [tilespmem:s26], [sflag:$0x5], $0x2800, $0x38;
	[tilespmem:$0x1DB80] =	vst v63  }
0x7c: {  	_ =	swait.ge [sflag:s28], $0x2800  }
0x7d: {  	[sflag:s28] =	ssyncset.done $0x0  }
0x7e: {  	[sflag:s28] =	ssyncadd.s32 $0xFFFFD800  }
0x7f: {  	[spmem:s9] =	stream.linear.scatter [tilespmem:s26], [sflag:$0x5], $0x2800, $0x38;
	[tilespmem:$0x1DB80] =	vst v63  }
0x80: {  	_ =	swait.ge [sflag:s28], $0x2800  }
0x81: {  	[sflag:s28] =	ssyncset.done $0x0  }
0x82: {  	[sflag:s28] =	ssyncadd.s32 $0xFFFFD800  }
0x83: {  	[spmem:s10] =	stream.linear.scatter [tilespmem:s26], [sflag:$0x5], $0x2800, $0x38;
	[tilespmem:$0x1DB80] =	vst v63  }
0x84: {  	_ =	swait.ge [sflag:s28], $0x2800  }
0x85: {  	[sflag:s28] =	ssyncset.done $0x0  }
0x86: {  	[sflag:s28] =	ssyncadd.s32 $0xFFFFD800  }
0x87: {  	[spmem:s11] =	stream.linear.scatter [tilespmem:s26], [sflag:$0x5], $0x2800, $0x38;
	[tilespmem:$0x1DB80] =	vst v63  }
0x88: {  	_ =	swait.ge [sflag:s28], $0x2800  }
0x89: {  	[sflag:s28] =	ssyncset.done $0x0  }
0x8a: {  	[sflag:s28] =	ssyncadd.s32 $0xFFFFD800  }
0x8b: {  	[spmem:s12] =	stream.linear.scatter [tilespmem:s26], [sflag:$0x5], $0x2800, $0x38;
	[tilespmem:$0x1DB80] =	vst v63  }
0x8c: {  	_ =	swait.ge [sflag:s28], $0x2800  }
0x8d: {  	[sflag:s28] =	ssyncset.done $0x0  }
0x8e: {  	[sflag:s28] =	ssyncadd.s32 $0xFFFFD800  }
0x8f: {  	[spmem:s13] =	stream.linear.scatter [tilespmem:s26], [sflag:$0x5], $0x2800, $0x38;
	[tilespmem:$0x1DB80] =	vst v63  }
0x90: {  	_ =	swait.ge [sflag:s28], $0x2800  }
0x91: {  	[sflag:s28] =	ssyncset.done $0x0  }
0x92: {  	[sflag:s28] =	ssyncadd.s32 $0xFFFFD800  }
0x93: {  	[spmem:s14] =	stream.linear.scatter [tilespmem:s26], [sflag:$0x5], $0x2000, $0x38;
	[tilespmem:$0x1DB80] =	vst v63  }
0x94: {  	_ =	swait.ge [sflag:s28], $0x2000  }
0x95: {  	[sflag:s28] =	ssyncset.done $0x0  }
0x96: {  	s22 =	simm.s32 @!p0 $0x2A80;
	[sflag:s28] =	ssyncadd.s32 $0xFFFFE000  }
0x97: {  	[spmem:s23] =	stream.linear.scatter @!p0 [tilespmem:s22], [sflag:$0x5], $0x1000, $0x38;
	[tilespmem:$0x1DB80] =	vst v63  }
0x98: {  	s22 =	simm.s32 @!p0 $0x5  }
0x99: {  	_ =	swait.ge @!p0 [sflag:s22], $0x1000  }
0x9a: {  	[sflag:s22] =	ssyncset.done @!p0 $0x0  }
0x9b: {  	[sflag:s22] =	ssyncadd.s32 @!p0 $0xFFFFF000  }
0x9c: {  	s29 =	simm.s32 $0x1;
	[bflag:$0x0] =	sbarrier.arrive $0xFFFF  }
0x9d: {  	_ =	swait.ge [sflag:s29], $0x2760  }
0x9e: {  	[sflag:s29] =	ssyncset.done $0x0  }
0x9f: {  	[sflag:s29] =	ssyncadd.s32 $0xFFFFD8A0  }
0xa0: {  	v0 =	vld [tilespmem:$0x0];
	_ =	sdelay $0x1  }
0xa1: {  	v1 =	vld [tilespmem:$0x10];
	_ =	sdelay $0x1  }
0xa2: {  	v2 =	vld [tilespmem:$0x20]  }
0xa3: {  	v3 =	vshrl.u32 v0, $0xE  }
0xa4: {  	v40 =	vld [tilespmem:$0x30];
	v0 =	vand.u32 $0x3FFF, v0;
	[tilespmem:$0x2780] =	vst v3  }
0xa5: {  	v41 =	vshrl.u32 v1, $0xE;
	[tilespmem:$0x2900] =	vst v0  }
0xa6: {  	v43 =	vld [tilespmem:$0x40];
	v42 =	vand.u32 $0x3FFF, v1;
	[tilespmem:$0x2790] =	vst v41  }
0xa7: {  	v44 =	vshrl.u32 v2, $0xE;
	[tilespmem:$0x2910] =	vst v42  }
0xa8: {  	v45 =	vand.u32 $0x3FFF, v2;
	[tilespmem:$0x27A0] =	vst v44  }
0xa9: {  	v46 =	vshrl.u32 v40, $0xE;
	[tilespmem:$0x2920] =	vst v45  }
0xaa: {  	v47 =	vand.u32 $0x3FFF, v40;
	[tilespmem:$0x27B0] =	vst v46  }
0xab: {  	v48 =	vshrl.u32 v43, $0xE;
	[tilespmem:$0x2930] =	vst v47  }
0xac: {  	v49 =	vand.u32 $0x3FFF, v43;
	[tilespmem:$0x27C0] =	vst v48  }
0xad: {  	[tilespmem:$0x2940] =	vst v49  }
0xae: {  	[tilespmem:s26], [sflag:$0x2] =	stream.indirect.gather [hbm4b:s5+s30], $0x80, s31, s30, $0xb8;
	[tilespmem:$0x1DB80] =	vst v63  }
0xaf: {  	v50 =	vld [tilespmem:$0x50];
	_ =	sdelay $0x1  }
0xb0: {  	v51 =	vld [tilespmem:$0x60];
	_ =	sdelay $0x1  }
0xb1: {  	v52 =	vld [tilespmem:$0x70]  }
0xb2: {  	v53 =	vshrl.u32 v50, $0xE  }
0xb3: {  	v54 =	vld [tilespmem:$0x80];
	v0 =	vand.u32 $0x3FFF, v50;
	[tilespmem:$0x2800] =	vst v53  }
0xb4: {  	v55 =	vshrl.u32 v51, $0xE;
	[tilespmem:$0x2980] =	vst v0  }
0xb5: {  	v57 =	vld [tilespmem:$0x90];
	v56 =	vand.u32 $0x3FFF, v51;
	[tilespmem:$0x2810] =	vst v55  }
0xb6: {  	v58 =	vshrl.u32 v52, $0xE;
	[tilespmem:$0x2990] =	vst v56  }
0xb7: {  	v59 =	vand.u32 $0x3FFF, v52;
	[tilespmem:$0x2820] =	vst v58  }
0xb8: {  	v60 =	vshrl.u32 v54, $0xE;
	[tilespmem:$0x29A0] =	vst v59  }
.Ltmp2:
0xb9: {  	v61 =	vand.u32 $0x3FFF, v54;
	[tilespmem:$0x2830] =	vst v60;
	(pc) =	sbr.rel .LBB2_2-.Ltmp2, $4  }
0xba: {  	v62 =	vshrl.u32 v57, $0xE;
	[tilespmem:$0x29B0] =	vst v61  }
0xbb: {  	v63 =	vand.u32 $0x3FFF, v57;
	[tilespmem:$0x2840] =	vst v62  }
0xbc: {  	s22 =	simm.s32 $0x0;
	[tilespmem:$0x29C0] =	vst v63  }
0xbd: {  	[tilespmem:s1], [sflag:$0x3] =	stream.indirect.gather [hbm4b:s5+s30], $0x80, s0, s30, $0xb8;
	[tilespmem:$0x1DB80] =	vst v63  }
.LBB2_4:
0xbe: {  	_ =	swait.ge [sflag:s17], $0x2800  }
0xbf: {  	[sflag:s17] =	ssyncset.done $0x0  }
0xc0: {  	[sflag:s17] =	ssyncadd.s32 $0xFFFFD800  }
0xc1: {  	[spmem:s3] =	stream.indirect.scatter.add.f32 [tilespmem:s1], [sflag:$0x5], $0x80, s18, s30, $0xb8;
	[tilespmem:$0x1DB80] =	vst v63  }
0xc2: {  	_ =	swait.ge [sflag:s28], $0x2800  }
0xc3: {  	[sflag:s28] =	ssyncset.done $0x0  }
0xc4: {  	[sflag:s28] =	ssyncadd.s32 $0xFFFFD800  }
.LBB2_5:
0xc5: {  	_ =	swait.ge [sflag:s19], $0x2800;
	s22 =	sadd.s32 $0x3C0, s22  }
0xc6: {  	[sflag:s19] =	ssyncset.done $0x0;
	p1 =	sne.s32 s22, $0x9D80  }
.Ltmp3:
0xc7: {  	[sflag:s19] =	ssyncadd.s32 $0xFFFFD800;
	(pc) =	sbr.rel @!p1 .LBB2_6-.Ltmp3, $4  }
0xc8: {  	[spmem:s3] =	stream.indirect.scatter.add.f32 [tilespmem:s6], [sflag:$0x5], $0x80, s20, s30, $0xb8;
	[tilespmem:$0x1DB80] =	vst v63  }
0xc9: {  	_ =	swait.ge [sflag:s28], $0x2800  }
0xca: {  	[sflag:s28] =	ssyncset.done $0x0  }
0xcb: {  	[sflag:s28] =	ssyncadd.s32 $0xFFFFD800  }
.LBB2_2:
0xcc: {  	s24 =	sshra.s32 s22, $0x2  }
0xcd: {  	v0 =	vld [tilespmem:s24+$0xA0];
	_ =	sdelay $0x4  }
0xce: {  	v1 =	vshrl.u32 v0, $0xE  }
0xcf: {  	v0 =	vand.u32 $0x3FFF, v0;
	[tilespmem:$0x2880] =	vst v1  }
0xd0: {  	[tilespmem:$0x2A00] =	vst v0  }
0xd1: {  	v0 =	vld [tilespmem:s24+$0xB0];
	_ =	sdelay $0x4  }
0xd2: {  	v60 =	vshrl.u32 v0, $0xE  }
0xd3: {  	v0 =	vand.u32 $0x3FFF, v0;
	[tilespmem:$0x2890] =	vst v60  }
0xd4: {  	[tilespmem:$0x2A10] =	vst v0  }
0xd5: {  	v0 =	vld [tilespmem:s24+$0xC0];
	_ =	sdelay $0x4  }
0xd6: {  	v61 =	vshrl.u32 v0, $0xE  }
0xd7: {  	v0 =	vand.u32 $0x3FFF, v0;
	[tilespmem:$0x28A0] =	vst v61  }
0xd8: {  	[tilespmem:$0x2A20] =	vst v0  }
0xd9: {  	v0 =	vld [tilespmem:s24+$0xD0];
	_ =	sdelay $0x4  }
0xda: {  	v62 =	vshrl.u32 v0, $0xE  }
0xdb: {  	v0 =	vand.u32 $0x3FFF, v0;
	[tilespmem:$0x28B0] =	vst v62  }
0xdc: {  	[tilespmem:$0x2A30] =	vst v0  }
0xdd: {  	v0 =	vld [tilespmem:s24+$0xE0];
	_ =	sdelay $0x4  }
0xde: {  	v63 =	vshrl.u32 v0, $0xE  }
0xdf: {  	v0 =	vand.u32 $0x3FFF, v0;
	[tilespmem:$0x28C0] =	vst v63  }
0xe0: {  	[tilespmem:$0x2A40] =	vst v0  }
0xe1: {  	[tilespmem:s6], [sflag:$0x4] =	stream.indirect.gather [hbm4b:s5+s30], $0x80, s2, s30, $0xb8;
	[tilespmem:$0x1DB80] =	vst v63  }
0xe2: {  	_ =	swait.ge [sflag:s15], $0x2800  }
0xe3: {  	p1 =	seq.s32 s22, $0x99C0;
	[sflag:s15] =	ssyncset.done $0x0  }
.Ltmp4:
0xe4: {  	[sflag:s15] =	ssyncadd.s32 $0xFFFFD800;
	(pc) =	sbr.rel @p1 .LBB2_4-.Ltmp4, $4  }
0xe5: {  	[spmem:s3] =	stream.indirect.scatter.add.f32 [tilespmem:s26], [sflag:$0x5], $0x80, s16, s30, $0xb8;
	[tilespmem:$0x1DB80] =	vst v63  }
0xe6: {  	_ =	swait.ge [sflag:s28], $0x2800  }
0xe7: {  	[sflag:s28] =	ssyncset.done $0x0  }
0xe8: {  	[sflag:s28] =	ssyncadd.s32 $0xFFFFD800  }
0xe9: {  	v0 =	vld [tilespmem:s24+$0xF0];
	_ =	sdelay $0x4  }
0xea: {  	v1 =	vshrl.u32 v0, $0xE  }
0xeb: {  	v0 =	vand.u32 $0x3FFF, v0;
	[tilespmem:$0x2780] =	vst v1  }
0xec: {  	[tilespmem:$0x2900] =	vst v0  }
0xed: {  	v0 =	vld [tilespmem:s24+$0x100];
	_ =	sdelay $0x4  }
0xee: {  	v54 =	vshrl.u32 v0, $0xE  }
0xef: {  	v0 =	vand.u32 $0x3FFF, v0;
	[tilespmem:$0x2790] =	vst v54  }
0xf0: {  	[tilespmem:$0x2910] =	vst v0  }
0xf1: {  	v0 =	vld [tilespmem:s24+$0x110];
	_ =	sdelay $0x4  }
0xf2: {  	v55 =	vshrl.u32 v0, $0xE  }
0xf3: {  	v0 =	vand.u32 $0x3FFF, v0;
	[tilespmem:$0x27A0] =	vst v55  }
0xf4: {  	[tilespmem:$0x2920] =	vst v0  }
0xf5: {  	v0 =	vld [tilespmem:s24+$0x120];
	_ =	sdelay $0x4  }
0xf6: {  	v56 =	vshrl.u32 v0, $0xE  }
0xf7: {  	v0 =	vand.u32 $0x3FFF, v0;
	[tilespmem:$0x27B0] =	vst v56  }
0xf8: {  	[tilespmem:$0x2930] =	vst v0  }
0xf9: {  	v0 =	vld [tilespmem:s24+$0x130];
	_ =	sdelay $0x4  }
0xfa: {  	v57 =	vshrl.u32 v0, $0xE  }
0xfb: {  	v0 =	vand.u32 $0x3FFF, v0;
	[tilespmem:$0x27C0] =	vst v57  }
0xfc: {  	[tilespmem:$0x2940] =	vst v0  }
0xfd: {  	[tilespmem:s26], [sflag:$0x2] =	stream.indirect.gather [hbm4b:s5+s30], $0x80, s31, s30, $0xb8;
	[tilespmem:$0x1DB80] =	vst v63  }
0xfe: {  	_ =	swait.ge [sflag:s17], $0x2800  }
0xff: {  	[sflag:s17] =	ssyncset.done $0x0  }
0x100: {  	[sflag:s17] =	ssyncadd.s32 $0xFFFFD800  }
0x101: {  	[spmem:s3] =	stream.indirect.scatter.add.f32 [tilespmem:s1], [sflag:$0x5], $0x80, s18, s30, $0xb8;
	[tilespmem:$0x1DB80] =	vst v63  }
0x102: {  	_ =	swait.ge [sflag:s28], $0x2800  }
0x103: {  	[sflag:s28] =	ssyncset.done $0x0  }
0x104: {  	[sflag:s28] =	ssyncadd.s32 $0xFFFFD800  }
0x105: {  	v58 =	vld [tilespmem:s24+$0x140];
	_ =	sdelay $0x4  }
0x106: {  	v59 =	vshrl.u32 v58, $0xE  }
0x107: {  	v0 =	vand.u32 $0x3FFF, v58;
	[tilespmem:$0x2800] =	vst v59  }
0x108: {  	[tilespmem:$0x2980] =	vst v0  }
0x109: {  	v0 =	vld [tilespmem:s24+$0x150];
	_ =	sdelay $0x4  }
0x10a: {  	v60 =	vshrl.u32 v0, $0xE  }
0x10b: {  	v0 =	vand.u32 $0x3FFF, v0;
	[tilespmem:$0x2810] =	vst v60  }
0x10c: {  	[tilespmem:$0x2990] =	vst v0  }
0x10d: {  	v0 =	vld [tilespmem:s24+$0x160];
	_ =	sdelay $0x4  }
0x10e: {  	v61 =	vshrl.u32 v0, $0xE  }
0x10f: {  	v0 =	vand.u32 $0x3FFF, v0;
	[tilespmem:$0x2820] =	vst v61  }
0x110: {  	[tilespmem:$0x29A0] =	vst v0  }
0x111: {  	v0 =	vld [tilespmem:s24+$0x170];
	_ =	sdelay $0x4  }
0x112: {  	v62 =	vshrl.u32 v0, $0xE  }
0x113: {  	v0 =	vand.u32 $0x3FFF, v0;
	[tilespmem:$0x2830] =	vst v62  }
0x114: {  	[tilespmem:$0x29B0] =	vst v0  }
0x115: {  	v0 =	vld [tilespmem:s24+$0x180];
	_ =	sdelay $0x3  }
.Ltmp5:
0x116: {  	_ = 	snop;
	(pc) =	sbr.rel .LBB2_5-.Ltmp5, $4  }
0x117: {  	v63 =	vshrl.u32 v0, $0xE  }
0x118: {  	v0 =	vand.u32 $0x3FFF, v0;
	[tilespmem:$0x2840] =	vst v63  }
0x119: {  	[tilespmem:$0x29C0] =	vst v0  }
0x11a: {  	[tilespmem:s1], [sflag:$0x3] =	stream.indirect.gather [hbm4b:s5+s30], $0x80, s0, s30, $0xb8;
	[tilespmem:$0x1DB80] =	vst v63  }
.LBB2_7:
0x11b: {  	_ =	sfence.sel $0x180000  }
0x11c: {  	[bflag:$0x0] =	sbarrier.arrive $0xFFFF  }
0x11d: {  	_ =	strace $0x90000047  }
0x11e: {  	s0 =	stileid.u32;
	[bflag:$0x2] =	sbarrier.arrive $0xFFFF  }
0x11f: {  	p0 =	sne.s32 s0, $0x0;
	s0 =	rddreg [dreg:$0x3]  }
0x120: {  	s0 =	sadd.s32 @!p0 $0x100000, s0  }
0x121: {  	[sflag:s0] =	ssyncadd.tile.s32 @!p0 $0x1;
	_ =	shalt  }
.Lfunc_end2:
_tile_overlayer_lowered:
.L_overlay_start_2:
0x122: {  	(tag) =	ssettag $0x2  }
0x123: {  	s0 =	rddreg [dreg:$0x0];
	s2 =	stileid.u32  }
0x124: {  	s1 =	rddreg [dreg:$0x1];
	p0 =	sne.s32 s2, $0x0  }
0x125: {  	s3 =	rddreg [dreg:$0x2];
	[bflag:$0x3] =	sbarrier.arrive $0xFFFF;
	s2 =	simm.s32 @!p0 $0x1C05  }
0x126: {  	[timem:s3], [sflag:s2] =	dma.local @!p0 [hbm:s0], s1  }
0x127: {  	s0 =	simm.s32 @!p0 $0x5  }
0x128: {  	_ =	swait.ge @!p0 [sflag:s0], s1  }
0x129: {  	s1 =	ssub.s32 @!p0 $0x0, s1;
	[sflag:s0] =	ssyncset.done @!p0 $0x0  }
0x12a: {  	[sflag:s0] =	ssyncadd.s32 @!p0 s1  }
0x12b: {  	[bflag:$0x3] =	sbarrier.arrive $0xFFFF  }
0x12c: {  	_ =	shalt  }

// kernel: kernel.15.cloned.1.call-start
scs
__scs_entry_jumppad:
0x0: {  	(pc) =	sbr.rel $0x88, $3  }
0x1: {  	(tag) =	ssettag $0x0;
	lr =	simm.s32 $0x1  }
0x2: {  	[smem:$0x3F86] =	sst lr;
	_ =	strace $0xD0000000  }
0x3: {  	_ = 	snop  }
0x4: {  	_ = 	snop  }
0x5: {  	_ = 	snop  }
0x6: {  	_ = 	snop  }
0x7: {  	_ = 	snop  }
__scs_overlays_trampoline_lowered:
0x8: {  	[smem:$0x3F95] =	sst s0  }
0x9: {  	[smem:$0x3F96] =	sst s1  }
0xa: {  	[smem:$0x3F97] =	sst s2  }
0xb: {  	[smem:$0x3F98] =	sst s3  }
0xc: {  	[smem:$0x3F99] =	sst s4  }
0xd: {  	[smem:$0x3F9A] =	sst s5  }
0xe: {  	[smem:$0x3F9B] =	sst s6  }
0xf: {  	[smem:$0x3F9C] =	sst s7  }
0x10: {  	[smem:$0x3F9D] =	sst s8  }
0x11: {  	[smem:$0x3F9E] =	sst s9;
	s0 =	simm.s32 @!p0 $0x0  }
0x12: {  	s1 =	sld [smem:$0x3F84];
	s0 =	simm.s32 @p0 $0x1  }
0x13: {  	[smem:$0x3F9F] =	sst s0;
	s0 =	simm.s32 @!p1 $0x0  }
0x14: {  	s2 =	sld [smem:$0x3F83];
	s0 =	simm.s32 @p1 $0x1  }
0x15: {  	[smem:$0x3FA0] =	sst s0;
	s0 =	simm.s32 @!p2 $0x0  }
0x16: {  	s3 =	sld [smem:$0x3FDB];
	s0 =	simm.s32 @p2 $0x1  }
0x17: {  	s4 =	simm.s32 $0x1BF5;
	[smem:$0x3FA2] =	sst s0  }
0x18: {  	s0 =	sld [smem:$0x3F85];
	_ =	swait.ge [sflag:s4], $0x0  }
0x19: {  	s7 =	sld [smem:$0x3F86]  }
0x1a: {  	s8 =	sadd.s32 $0xFFFFE003, lr  }
0x1b: {  	s9 =	sadd.s32 $0xFFFFFEF7, lr;
	s5 =	simm.s32 $0xFFFFFFFF;
	p2 =	slt.u32 s8, $0xFFFFF086  }
0x1c: {  	p1 =	slt.u32 s9, $0xF7A;
	s5 =	simm.s32 @!p2 $0x0  }
0x1d: {  	s5 =	simm.s32 @p1 $0x1;
	p0 =	seq.s32 s7, s2  }
0x1e: {  	s7 =	smul.u32 @!p0 $0xF7A, s2;
	p2 =	seq.s32 @!p0 s5, $0x0  }
0x1f: {  	s9 =	smul.u32 $0xF7A, s1;
	s8 =	simm.s32 @!p0 $0x1BF5;
	p2 =	por !p2, p0  }
0x20: {  	[sflag:s8] =	ssyncset.s32 @!p0 $0xFFFFF086;
	s6 =	sadd.s32 @!p0 s3, s7;
	s7 =	simm.s32 @!p0 $0x108  }
0x21: {  	s3 =	sadd.s32 s3, s9;
	s6 =	sadd.s32 @!p0 $0x88, s6;
	s7 =	simm.s32 @p2 $0x1082  }
0x22: {  	[simem:s7], [sflag:s8] =	dma.local @!p0 [hbm:s6], $0xF7A  }
0x23: {  	s9 =	sor.u32 $0xD0000000, s2;
	s6 =	simm.s32 $0x108;
	_ =	swait.ge @!p0 [sflag:s8], $0x0  }
0x24: {  	s3 =	sadd.s32 $0x88, s3;
	s6 =	simm.s32 @!p1 $0x1082;
	[sflag:s4] =	ssyncset.s32 $0xFFFFF086  }
0x25: {  	[simem:s6], [sflag:s4] =	dma.local [hbm:s3], $0xF7A  }
0x26: {  	[smem:$0x3F86] =	sst s1;
	(tag) =	ssettag s2;
	_ =	strace s9  }
0x27: {  	s1 =	sld [smem:$0x3F96]  }
0x28: {  	s2 =	sld [smem:$0x3F97]  }
0x29: {  	s4 =	sld [smem:$0x3F99]  }
0x2a: {  	p0 =	seq.s32 s5, $0x0;
	s5 =	sld [smem:$0x3F9A]  }
0x2b: {  	s6 =	sld [smem:$0x3F9B]  }
0x2c: {  	s7 =	sld [smem:$0x3F9C]  }
0x2d: {  	s3 =	simm.s32 $0x108;
	s8 =	sld [smem:$0x3F9D]  }
0x2e: {  	s3 =	simm.s32 @!p0 $0x1082;
	s9 =	sld [smem:$0x3F9E]  }
0x2f: {  	lr =	sadd.s32 s0, s3;
	s0 =	sld [smem:$0x3F95]  }
0x30: {  	s3 =	sld [smem:$0x3F98]  }
0x31: {  	[smem:$0x3FA1] =	sst s10  }
0x32: {  	s10 =	sld [smem:$0x3F9F];
	_ =	sdelay $0x3  }
0x33: {  	p0 =	seq.s32 s10, $0x1;
	s10 =	sld [smem:$0x3FA1];
	_ =	sdelay $0x3  }
0x34: {  	[smem:$0x3FA1] =	sst s10  }
0x35: {  	s10 =	sld [smem:$0x3FA0];
	_ =	sdelay $0x3  }
0x36: {  	p1 =	seq.s32 s10, $0x1;
	s10 =	sld [smem:$0x3FA1];
	_ =	sdelay $0x3  }
0x37: {  	[smem:$0x3FA1] =	sst s10  }
0x38: {  	s10 =	sld [smem:$0x3FA2]  }
0x39: {  	_ = 	snop;
	(pc) =	sbr.ind lr, $3  }
0x3a: {  	_ = 	snop  }
0x3b: {  	_ = 	snop  }
0x3c: {  	p2 =	seq.s32 s10, $0x1;
	s10 =	sld [smem:$0x3FA1]  }
0x3d: {  	_ =	shalt  }
0x3e: {  	_ =	shalt  }
0x3f: {  	_ =	shalt  }
0x40: {  	_ =	shalt  }
0x41: {  	_ =	shalt  }
0x42: {  	_ =	shalt  }
0x43: {  	_ =	shalt  }
0x44: {  	_ =	shalt  }
0x45: {  	_ =	shalt  }
0x46: {  	_ =	shalt  }
0x47: {  	_ =	shalt  }
0x48: {  	_ =	shalt  }
0x49: {  	_ =	shalt  }
0x4a: {  	_ =	shalt  }
0x4b: {  	_ =	shalt  }
0x4c: {  	_ =	shalt  }
0x4d: {  	_ =	shalt  }
0x4e: {  	_ =	shalt  }
0x4f: {  	_ =	shalt  }
0x50: {  	_ =	shalt  }
0x51: {  	_ =	shalt  }
0x52: {  	_ =	shalt  }
0x53: {  	_ =	shalt  }
0x54: {  	_ =	shalt  }
0x55: {  	_ =	shalt  }
0x56: {  	_ =	shalt  }
0x57: {  	_ =	shalt  }
0x58: {  	_ =	shalt  }
0x59: {  	_ =	shalt  }
0x5a: {  	_ =	shalt  }
0x5b: {  	_ =	shalt  }
0x5c: {  	_ =	shalt  }
0x5d: {  	_ =	shalt  }
0x5e: {  	_ =	shalt  }
0x5f: {  	_ =	shalt  }
0x60: {  	_ =	shalt  }
0x61: {  	_ =	shalt  }
0x62: {  	_ =	shalt  }
0x63: {  	_ =	shalt  }
0x64: {  	_ =	shalt  }
0x65: {  	_ =	shalt  }
0x66: {  	_ =	shalt  }
0x67: {  	_ =	shalt  }
0x68: {  	_ =	shalt  }
0x69: {  	_ =	shalt  }
0x6a: {  	_ =	shalt  }
0x6b: {  	_ =	shalt  }
0x6c: {  	_ =	shalt  }
0x6d: {  	_ =	shalt  }
0x6e: {  	_ =	shalt  }
0x6f: {  	_ =	shalt  }
0x70: {  	_ =	shalt  }
0x71: {  	_ =	shalt  }
0x72: {  	_ =	shalt  }
0x73: {  	_ =	shalt  }
0x74: {  	_ =	shalt  }
0x75: {  	_ =	shalt  }
0x76: {  	_ =	shalt  }
0x77: {  	_ =	shalt  }
0x78: {  	_ =	shalt  }
0x79: {  	_ =	shalt  }
0x7a: {  	_ =	shalt  }
0x7b: {  	_ =	shalt  }
0x7c: {  	_ =	shalt  }
0x7d: {  	_ =	shalt  }
0x7e: {  	_ =	shalt  }
0x7f: {  	_ =	shalt  }
0x80: {  	_ =	shalt  }
0x81: {  	_ =	shalt  }
0x82: {  	_ =	shalt  }
0x83: {  	_ =	shalt  }
0x84: {  	_ =	shalt  }
0x85: {  	_ =	shalt  }
0x86: {  	_ =	shalt  }
0x87: {  	_ =	shalt  }
.Lfunc_end0:
.L_simem_size_0:
called_computation.1_lowered:
.L_overlay_start_0:
0x88: {  	s2 =	sld [smem:$0x3FD9]  }
0x89: {  	s3 =	sld [smem:$0x3FFE];
	_ =	sdelay $0x1  }
0x8a: {  	s1 =	srdreg.scid  }
0x8b: {  	s0 =	sand.u32 $0x1, s1  }
0x8c: {  	s14 =	sshll.u32 s0, $0xA;
	s2 =	sadd.s32 s3, s2  }
0x8d: {  	s2 =	sadd.s32 s2, s14  }
0x8e: {  	[smem:$0x3FAD] =	sst s2  }
0x8f: {  	_ = 	snop  }
0x90: {  	s2 =	sld [smem:$0x3FD0];
	_ =	sdelay $0x2  }
0x91: {  	s15 =	simm.s32 $0xA;
	s4 =	simm.s32 $0x10  }
0x92: {  	[smem:s4], [sflag:s15] =	dma.local [hbm:s2], $0x1  }
0x93: {  	_ =	swait.eq [sflag:s15], $0x1  }
0x94: {  	[sflag:s15] =	ssyncset.done $0x0  }
0x95: {  	[sflag:s15] =	ssyncadd.s32 $0xFFFFFFFF  }
0x96: {  	s16 =	sld [smem:$0x10];
	(tm) =	ssettm $0x1  }
0x97: {  	s17 =	sld [smem:$0x3FFB];
	_ =	sdelay $0x3  }
0x98: {  	_ =	strace s17  }
0x99: {  	s3 =	sld [smem:$0x3FFC];
	_ =	sdelay $0x3  }
0x9a: {  	_ =	strace s3  }
0x9b: {  	s3 =	sld [smem:$0x3FFD];
	_ =	sdelay $0x3  }
0x9c: {  	_ =	strace s3  }
0x9d: {  	_ =	strace $0x8FFFFFFF  }
0x9e: {  	s18 =	sld [smem:$0x3FDB];
	_ =	sdelay $0x1  }
0x9f: {  	s19 =	simm.s32 $_scs_section_size  }
0xa0: {  	s5 =	simm.s32 $_size__tile_overlayer_lowered;
	s6 =	simm.s32 $_tile_overlayer_lowered  }
0xa1: {  	s22 =	simm.s32 $0x1BFF;
	s21 =	sshll.u32 s6, $0x1;
	s3 =	sadd.s32 s19, s18  }
0xa2: {  	s7 =	simm.s32 $0x0;
	s20 =	sshll.u32 s5, $0x1;
	s5 =	sadd.s32 s21, s3  }
0xa3: {  	[timem:s7], [sflag:s22] =	dma.local [hbm:s5], s20  }
0xa4: {  	_ =	swait.ge [sflag:s22], s20  }
0xa5: {  	s4 =	ssub.s32 $0x0, s20;
	[sflag:s22] =	ssyncset.done $0x0  }
0xa6: {  	[sflag:s22] =	ssyncadd.s32 s4;
	_ =	sdelay $0x1  }
0xa7: {  	s23 =	simm.s32 $0x1B8B  }
0xa8: {  	_ =	swait.ge [sflag:s23], $0x1  }
0xa9: {  	[sflag:s23] =	ssyncset.done $0x0  }
0xaa: {  	s25 =	simm.s32 $0x1B8E;
	s24 =	sld [smem:$0x3FFE];
	[sflag:s23] =	ssyncadd.s32 $0xFFFFFFFF  }
0xab: {  	s26 =	simm.s32 $execute0_lowered;
	[smem:$0x3FD2] =	sst s25  }
0xac: {  	s5 =	sshll.u32 s26, $0x1;
	_ =	strace $0x80000049;
	[dreg:$0x1] =	wrdreg $0xFFFFFFFF  }
0xad: {  	s28 =	simm.s32 $_size_execute0_lowered;
	s3 =	sadd.s32 s3, s5;
	[dreg:$0x0] =	wrdreg $0x0  }
0xae: {  	s5 =	sshll.u32 s28, $0x1;
	[dreg:$0x2] =	wrdreg s3  }
0xaf: {  	[dreg:$0x3] =	wrdreg s5  }
0xb0: {  	[dreg:$0x4] =	wrdreg $0xC0  }
0xb1: {  	_ =	task [dreg:s7], $0x5FFFF  }
0xb2: {  	[dreg:$0x1] =	wrdreg $0xFFFFFFFF  }
0xb3: {  	[dreg:$0x0] =	wrdreg $0x60  }
0xb4: {  	[dreg:$0x2] =	wrdreg s24  }
0xb5: {  	[dreg:$0x3] =	wrdreg s16  }
0xb6: {  	[dreg:$0x4] =	wrdreg $0xA2800  }
0xb7: {  	[dreg:$0x5] =	wrdreg $0x9  }
0xb8: {  	_ =	task.clear_ibuf [dreg:s7], $0x6FFFF;
	_ =	strace $0x90000049  }
0xb9: {  	s29 =	simm.s32 $0x9;
	_ =	strace $0x8000004B  }
0xba: {  	_ =	swait.ge [sflag:s29], $0x1  }
0xbb: {  	[sflag:s29] =	ssyncadd.s32 $0xFFFFFFFF  }
0xbc: {  	_ =	strace $0x9000004B  }
0xbd: {  	_ =	sfence  }
0xbe: {  	s30 =	sld [smem:$0x0];
	_ =	sdelay $0x2  }
0xbf: {  	s31 =	sshll.u32 s1, $0xD;
	s1 =	sshrl.u32 s1, $0x2  }
0xc0: {  	s3 =	sand.u32 $0x4000, s31;
	s1 =	sadd.s32 s1, s30  }
0xc1: {  	s0 =	sor.u32 s3, s0;
	s1 =	sshll.u32 s1, $0x11  }
0xc2: {  	s0 =	sor.u32 s1, s0  }
0xc3: {  	s0 =	sadd.s32 $0x8F2B, s0  }
0xc4: {  	[sflag:s0] =	ssyncadd.remote.s32 $0x1  }
0xc5: {  	_ =	sfence.sel $0xFFFF  }
0xc6: {  	[dreg:$0x0] =	wrdreg $0xFFFFFFFF;
	(pc) =	sbr.abs _section_cstart, $3  }
0xc7: {  	[dreg:$0x1] =	wrdreg $0xFFFFFFFF  }
0xc8: {  	_ =	task.clear_ibuf [dreg:s7], $0x2FFFF;
	_ =	strace $0x9FFFFFFF  }
0xc9: {  	(tm) =	ssettm $0x7FFFFFFF  }
tec
execute0_lowered:
.L_overlay_start_1:
0x0: {  	(tag) =	ssettag $0x1  }
0x1: {  	s0 =	rddreg [dreg:$0x0]  }
0x2: {  	s3 =	rddreg [dreg:$0x2]  }
0x3: {  	s1 =	srdreg.scid;
	s22 =	stileid.u32  }
0x4: {  	s4 =	simm.s32 $0x0;
	s28 =	simm.s32 $0x5;
	s30 =	simm.s32 $0x50  }
0x5: {  	s31 =	simm.s32 $0x2780;
	s1 =	sand.u32 $0x1, s1;
	s2 =	sshll.u32 s22, $0x1  }
0x6: {  	[smem:$0x7FF] =	sst s4;
	s5 =	sadd.s32 $0xAA600, s0;
	s7 =	smul.u32 $0x4E000, s22  }
0x7: {  	s15 =	smul.u32 $0x13800, s22;
	p0 =	sne.s32 s22, $0xF;
	s2 =	sor.u32 s1, s2  }
0x8: {  	_ =	strace $0x8000004A;
	s6 =	ssub.s32 $0x2, s1;
	s1 =	smul.u32 $0x138800, s1  }
0x9: {  	s2 =	smul.u32 $0x4EC, s2;
	s8 =	sshrl.u32 s6, $0x1;
	s7 =	sshrl.u32 s7, $0x2  }
0xa: {  	s29 =	sadd.s32 $0x2800, s15;
	s16 =	sadd.s32 $0x5000, s15;
	s17 =	sadd.s32 $0x7800, s15  }
0xb: {  	s18 =	sadd.s32 $0xA000, s15;
	s19 =	sadd.s32 $0xC800, s15;
	s20 =	sadd.s32 $0xF000, s15  }
0xc: {  	s21 =	sadd.s32 $0x11800, s15;
	s6 =	ssub.s32 s6, s8;
	s7 =	sadd.s32 s7, s3  }
0xd: {  	s8 =	sadd.s32 s29, s3;
	s9 =	sadd.s32 s16, s3;
	s10 =	sadd.s32 s17, s3  }
0xe: {  	s11 =	sadd.s32 s18, s3;
	s12 =	sadd.s32 s19, s3;
	s13 =	sadd.s32 s20, s3  }
0xf: {  	s14 =	sadd.s32 s21, s3;
	s15 =	sadd.s32 s15, s1;
	s16 =	sadd.s32 s1, s16  }
0x10: {  	s25 =	sadd.s32 s1, s17;
	s26 =	sadd.s32 s1, s18;
	s2 =	sadd.s32 s2, s0  }
0x11: {  	s0 =	sadd.s32 $0xE200, s0;
	s15 =	sshrl.u32 s15, $0x3;
	s23 =	sshrl.u32 s16, $0x3  }
0x12: {  	s17 =	sshrl.u32 s26, $0x3;
	s16 =	simm.s32 $0x2900;
	s2 =	sadd.s32 $0x4400, s2  }
0x13: {  	s15 =	sadd.s32 s0, s15;
	s24 =	sadd.s32 s0, s23;
	[dreg:$0x4] =	wrdreg s2  }
0x14: {  	s23 =	sadd.s32 s1, s20;
	s20 =	simm.s32 $0x2A00;
	[dreg:$0x5] =	wrdreg s15  }
0x15: {  	s2 =	sadd.s32 s1, s29;
	[dreg:$0x7] =	wrdreg s24;
	s29 =	sadd.s32 s1, s19  }
0x16: {  	s24 =	sadd.s32 s1, s21;
	s1 =	sshrl.u32 s1, $0x3;
	s15 =	simm.s32 $0x2  }
0x17: {  	s21 =	simm.s32 $0x0;
	s2 =	sshrl.u32 s2, $0x3;
	s18 =	sshrl.u32 s29, $0x3  }
0x18: {  	s1 =	sadd.s32 s0, s1;
	s29 =	smax.u32 s6, $0x1;
	s6 =	simm.s32 $0x7A80  }
0x19: {  	s2 =	sadd.s32 s0, s2;
	s19 =	sadd.s32 s0, s18;
	[dreg:$0xe] =	wrdreg s29  }
0x1a: {  	s26 =	sadd.s32 $0x27000, s1;
	s1 =	simm.s32 $0x5280;
	[dreg:$0x6] =	wrdreg s2  }
0x1b: {  	s18 =	simm.s32 $0x2980;
	s2 =	sshrl.u32 s25, $0x3;
	[dreg:$0xa] =	wrdreg s19  }
0x1c: {  	s25 =	sshrl.u32 s24, $0x3;
	[dreg:$0xd] =	wrdreg s26;
	s2 =	sadd.s32 s0, s2  }
.Ltmp0:
0x1d: {  	[dreg:$0x8] =	wrdreg s2;
	s2 =	sadd.s32 s0, s17;
	(pc) =	sbr.rel .LBB2_1-.Ltmp0, $4  }
0x1e: {  	s26 =	simm.s32 $0x2A80;
	[dreg:$0x9] =	wrdreg s2;
	s2 =	sshrl.u32 s23, $0x3  }
0x1f: {  	s19 =	simm.s32 $0x4;
	s17 =	simm.s32 $0x3;
	s2 =	sadd.s32 s0, s2  }
0x20: {  	s23 =	sadd.s32 $0x138000, s3;
	s0 =	sadd.s32 s0, s25;
	[dreg:$0xb] =	wrdreg s2  }
0x21: {  	[dreg:$0xc] =	wrdreg s0;
	s0 =	simm.s32 $0x2800;
	s2 =	simm.s32 $0x2880  }
.LBB2_6:
0x22: {  	[bflag:$0x0] =	sbarrier.arrive $0xFFFF  }
0x23: {  	[tilespmem:s26], [sflag:$0x5] =	stream.linear.gather [spmem:s7], $0x2800, $0x38;
	[tilespmem:$0x1DB80] =	vst v63  }
0x24: {  	_ =	swait.ge [sflag:s28], $0x2800  }
0x25: {  	[sflag:s28] =	ssyncset.done $0x0  }
0x26: {  	s22 =	rddreg [dreg:$0x5];
	[sflag:s28] =	ssyncadd.s32 $0xFFFFD800  }
0x27: {  	[hbm4b:s22+s4] =	stream.linear.scatter [tilespmem:s26], [sflag:$0x2], $0x2800, $0x38;
	[tilespmem:$0x1DB80] =	vst v63  }
0x28: {  	_ = 	snop  }
0x29: {  	[tilespmem:s1], [sflag:$0x5] =	stream.linear.gather [spmem:s8], $0x2800, $0x38;
	[tilespmem:$0x1DB80] =	vst v63  }
0x2a: {  	_ =	swait.ge [sflag:s28], $0x2800  }
0x2b: {  	[sflag:s28] =	ssyncset.done $0x0  }
0x2c: {  	s25 =	rddreg [dreg:$0x6];
	[sflag:s28] =	ssyncadd.s32 $0xFFFFD800  }
0x2d: {  	[hbm4b:s25+s4] =	stream.linear.scatter [tilespmem:s1], [sflag:$0x3], $0x2800, $0x38;
	[tilespmem:$0x1DB80] =	vst v63  }
0x2e: {  	_ =	swait.ge [sflag:s15], $0x2800  }
0x2f: {  	[sflag:s15] =	ssyncset.done $0x0  }
0x30: {  	[sflag:s15] =	ssyncadd.s32 $0xFFFFD800  }
0x31: {  	[tilespmem:s26], [sflag:$0x5] =	stream.linear.gather [spmem:s9], $0x2800, $0x38;
	[tilespmem:$0x1DB80] =	vst v63  }
0x32: {  	_ =	swait.ge [sflag:s28], $0x2800  }
0x33: {  	[sflag:s28] =	ssyncset.done $0x0  }
0x34: {  	s29 =	rddreg [dreg:$0x7];
	[sflag:s28] =	ssyncadd.s32 $0xFFFFD800  }
0x35: {  	[hbm4b:s29+s4] =	stream.linear.scatter [tilespmem:s26], [sflag:$0x2], $0x2800, $0x38;
	[tilespmem:$0x1DB80] =	vst v63  }
0x36: {  	_ =	swait.ge [sflag:s17], $0x2800  }
0x37: {  	[sflag:s17] =	ssyncset.done $0x0  }
0x38: {  	[sflag:s17] =	ssyncadd.s32 $0xFFFFD800  }
0x39: {  	[tilespmem:s1], [sflag:$0x5] =	stream.linear.gather [spmem:s10], $0x2800, $0x38;
	[tilespmem:$0x1DB80] =	vst v63  }
0x3a: {  	_ =	swait.ge [sflag:s28], $0x2800  }
0x3b: {  	[sflag:s28] =	ssyncset.done $0x0  }
0x3c: {  	s24 =	rddreg [dreg:$0x8];
	[sflag:s28] =	ssyncadd.s32 $0xFFFFD800  }
0x3d: {  	[hbm4b:s24+s4] =	stream.linear.scatter [tilespmem:s1], [sflag:$0x3], $0x2800, $0x38;
	[tilespmem:$0x1DB80] =	vst v63  }
0x3e: {  	_ =	swait.ge [sflag:s15], $0x2800  }
0x3f: {  	[sflag:s15] =	ssyncset.done $0x0  }
0x40: {  	[sflag:s15] =	ssyncadd.s32 $0xFFFFD800  }
0x41: {  	[tilespmem:s26], [sflag:$0x5] =	stream.linear.gather [spmem:s11], $0x2800, $0x38;
	[tilespmem:$0x1DB80] =	vst v63  }
0x42: {  	_ =	swait.ge [sflag:s28], $0x2800  }
0x43: {  	[sflag:s28] =	ssyncset.done $0x0  }
0x44: {  	s25 =	rddreg [dreg:$0x9];
	[sflag:s28] =	ssyncadd.s32 $0xFFFFD800  }
0x45: {  	[hbm4b:s25+s4] =	stream.linear.scatter [tilespmem:s26], [sflag:$0x2], $0x2800, $0x38;
	[tilespmem:$0x1DB80] =	vst v63  }
0x46: {  	_ =	swait.ge [sflag:s17], $0x2800  }
0x47: {  	[sflag:s17] =	ssyncset.done $0x0  }
0x48: {  	[sflag:s17] =	ssyncadd.s32 $0xFFFFD800  }
0x49: {  	[tilespmem:s1], [sflag:$0x5] =	stream.linear.gather [spmem:s12], $0x2800, $0x38;
	[tilespmem:$0x1DB80] =	vst v63  }
0x4a: {  	_ =	swait.ge [sflag:s28], $0x2800  }
0x4b: {  	[sflag:s28] =	ssyncset.done $0x0  }
0x4c: {  	s29 =	rddreg [dreg:$0xa];
	[sflag:s28] =	ssyncadd.s32 $0xFFFFD800  }
0x4d: {  	[hbm4b:s29+s4] =	stream.linear.scatter [tilespmem:s1], [sflag:$0x3], $0x2800, $0x38;
	[tilespmem:$0x1DB80] =	vst v63  }
0x4e: {  	_ =	swait.ge [sflag:s15], $0x2800  }
0x4f: {  	[sflag:s15] =	ssyncset.done $0x0  }
0x50: {  	[sflag:s15] =	ssyncadd.s32 $0xFFFFD800  }
0x51: {  	[tilespmem:s26], [sflag:$0x5] =	stream.linear.gather [spmem:s13], $0x2800, $0x38;
	[tilespmem:$0x1DB80] =	vst v63  }
0x52: {  	_ =	swait.ge [sflag:s28], $0x2800  }
0x53: {  	[sflag:s28] =	ssyncset.done $0x0  }
0x54: {  	s24 =	rddreg [dreg:$0xb];
	[sflag:s28] =	ssyncadd.s32 $0xFFFFD800  }
0x55: {  	[hbm4b:s24+s4] =	stream.linear.scatter [tilespmem:s26], [sflag:$0x2], $0x2800, $0x38;
	[tilespmem:$0x1DB80] =	vst v63  }
0x56: {  	_ =	swait.ge [sflag:s17], $0x2800  }
0x57: {  	[sflag:s17] =	ssyncset.done $0x0  }
0x58: {  	[sflag:s17] =	ssyncadd.s32 $0xFFFFD800  }
0x59: {  	[tilespmem:s1], [sflag:$0x5] =	stream.linear.gather [spmem:s14], $0x2000, $0x38;
	[tilespmem:$0x1DB80] =	vst v63  }
0x5a: {  	_ =	swait.ge [sflag:s28], $0x2000  }
0x5b: {  	[sflag:s28] =	ssyncset.done $0x0  }
0x5c: {  	s25 =	rddreg [dreg:$0xc];
	[sflag:s28] =	ssyncadd.s32 $0xFFFFE000  }
0x5d: {  	[hbm4b:s25+s4] =	stream.linear.scatter [tilespmem:s1], [sflag:$0x3], $0x2000, $0x38;
	[tilespmem:$0x1DB80] =	vst v63  }
0x5e: {  	_ =	swait.ge [sflag:s15], $0x2800  }
0x5f: {  	[sflag:s15] =	ssyncset.done $0x0  }
0x60: {  	[sflag:s15] =	ssyncadd.s32 $0xFFFFD800  }
0x61: {  	_ =	swait.ge [sflag:s17], $0x2000  }
0x62: {  	[sflag:s17] =	ssyncset.done $0x0  }
0x63: {  	s22 =	simm.s32 @!p0 $0x2A80;
	s24 =	simm.s32 @!p0 $0x5;
	[sflag:s17] =	ssyncadd.s32 $0xFFFFE000  }
0x64: {  	[tilespmem:s22], [sflag:$0x5] =	stream.linear.gather @!p0 [spmem:s23], $0x800, $0x38;
	[tilespmem:$0x1DB80] =	vst v63  }
0x65: {  	_ =	swait.ge @!p0 [sflag:s24], $0x800  }
0x66: {  	[sflag:s24] =	ssyncset.done @!p0 $0x0  }
0x67: {  	s25 =	simm.s32 @!p0 $0x0;
	s29 =	rddreg [dreg:$0xd];
	[sflag:s24] =	ssyncadd.s32 @!p0 $0xFFFFF800  }
0x68: {  	[hbm4b:s29+s25] =	stream.linear.scatter @!p0 [tilespmem:s22], [sflag:$0x5], $0x800, $0x38;
	[tilespmem:$0x1DB80] =	vst v63  }
0x69: {  	_ =	swait.ge @!p0 [sflag:s24], $0x800  }
0x6a: {  	s21 =	sadd.s32 $0x1, s21;
	s29 =	rddreg [dreg:$0xe]  }
0x6b: {  	p1 =	sne.s32 s21, s29  }
.Ltmp1:
0x6c: {  	_ = 	snop;
	(pc) =	sbr.rel @!p1 .LBB2_7-.Ltmp1, $3  }
0x6d: {  	_ =	sdelay $0x1  }
0x6e: {  	[sflag:s24] =	ssyncset.done @!p0 $0x0  }
0x6f: {  	[sflag:s24] =	ssyncadd.s32 @!p0 $0xFFFFF800  }
.LBB2_1:
0x70: {  	s22 =	rddreg [dreg:$0x4]  }
0x71: {  	[tilespmem:s4], [sflag:$0x1] =	stream.linear.gather [hbm4b:s22+s4], $0x2760, $0x38;
	[tilespmem:$0x1DB80] =	vst v63  }
0x72: {  	s25 =	rddreg [dreg:$0x1]  }
0x73: {  	[tilespmem:s26], [sflag:$0x5] =	stream.linear.gather [hbm4b:s25+s4], $0x2800, $0x38;
	[tilespmem:$0x1DB80] =	vst v63  }
0x74: {  	_ =	swait.ge [sflag:s28], $0x2800  }
0x75: {  	[sflag:s28] =	ssyncset.done $0x0  }
0x76: {  	[sflag:s28] =	ssyncadd.s32 $0xFFFFD800  }
0x77: {  	[spmem:s7] =	stream.linear.scatter [tilespmem:s26], [sflag:$0x5], $0x2800, $0x38;
	[tilespmem:$0x1DB80] =	vst v63  }
0x78: {  	_ =	swait.ge [sflag:s28], $0x2800  }
0x79: {  	[sflag:s28] =	ssyncset.done $0x0  }
0x7a: {  	[sflag:s28] =	ssyncadd.s32 $0xFFFFD800  }
0x7b: {  	[spmem:s8] =	stream.linear.scatter [tilespmem:s26], [sflag:$0x5], $0x2800, $0x38;
	[tilespmem:$0x1DB80] =	vst v63  }
0x7c: {  	_ =	swait.ge [sflag:s28], $0x2800  }
0x7d: {  	[sflag:s28] =	ssyncset.done $0x0  }
0x7e: {  	[sflag:s28] =	ssyncadd.s32 $0xFFFFD800  }
0x7f: {  	[spmem:s9] =	stream.linear.scatter [tilespmem:s26], [sflag:$0x5], $0x2800, $0x38;
	[tilespmem:$0x1DB80] =	vst v63  }
0x80: {  	_ =	swait.ge [sflag:s28], $0x2800  }
0x81: {  	[sflag:s28] =	ssyncset.done $0x0  }
0x82: {  	[sflag:s28] =	ssyncadd.s32 $0xFFFFD800  }
0x83: {  	[spmem:s10] =	stream.linear.scatter [tilespmem:s26], [sflag:$0x5], $0x2800, $0x38;
	[tilespmem:$0x1DB80] =	vst v63  }
0x84: {  	_ =	swait.ge [sflag:s28], $0x2800  }
0x85: {  	[sflag:s28] =	ssyncset.done $0x0  }
0x86: {  	[sflag:s28] =	ssyncadd.s32 $0xFFFFD800  }
0x87: {  	[spmem:s11] =	stream.linear.scatter [tilespmem:s26], [sflag:$0x5], $0x2800, $0x38;
	[tilespmem:$0x1DB80] =	vst v63  }
0x88: {  	_ =	swait.ge [sflag:s28], $0x2800  }
0x89: {  	[sflag:s28] =	ssyncset.done $0x0  }
0x8a: {  	[sflag:s28] =	ssyncadd.s32 $0xFFFFD800  }
0x8b: {  	[spmem:s12] =	stream.linear.scatter [tilespmem:s26], [sflag:$0x5], $0x2800, $0x38;
	[tilespmem:$0x1DB80] =	vst v63  }
0x8c: {  	_ =	swait.ge [sflag:s28], $0x2800  }
0x8d: {  	[sflag:s28] =	ssyncset.done $0x0  }
0x8e: {  	[sflag:s28] =	ssyncadd.s32 $0xFFFFD800  }
0x8f: {  	[spmem:s13] =	stream.linear.scatter [tilespmem:s26], [sflag:$0x5], $0x2800, $0x38;
	[tilespmem:$0x1DB80] =	vst v63  }
0x90: {  	_ =	swait.ge [sflag:s28], $0x2800  }
0x91: {  	[sflag:s28] =	ssyncset.done $0x0  }
0x92: {  	[sflag:s28] =	ssyncadd.s32 $0xFFFFD800  }
0x93: {  	[spmem:s14] =	stream.linear.scatter [tilespmem:s26], [sflag:$0x5], $0x2000, $0x38;
	[tilespmem:$0x1DB80] =	vst v63  }
0x94: {  	_ =	swait.ge [sflag:s28], $0x2000  }
0x95: {  	[sflag:s28] =	ssyncset.done $0x0  }
0x96: {  	s22 =	simm.s32 @!p0 $0x2A80;
	[sflag:s28] =	ssyncadd.s32 $0xFFFFE000  }
0x97: {  	[spmem:s23] =	stream.linear.scatter @!p0 [tilespmem:s22], [sflag:$0x5], $0x1000, $0x38;
	[tilespmem:$0x1DB80] =	vst v63  }
0x98: {  	s22 =	simm.s32 @!p0 $0x5  }
0x99: {  	_ =	swait.ge @!p0 [sflag:s22], $0x1000  }
0x9a: {  	[sflag:s22] =	ssyncset.done @!p0 $0x0  }
0x9b: {  	[sflag:s22] =	ssyncadd.s32 @!p0 $0xFFFFF000  }
0x9c: {  	s29 =	simm.s32 $0x1;
	[bflag:$0x0] =	sbarrier.arrive $0xFFFF  }
0x9d: {  	_ =	swait.ge [sflag:s29], $0x2760  }
0x9e: {  	[sflag:s29] =	ssyncset.done $0x0  }
0x9f: {  	[sflag:s29] =	ssyncadd.s32 $0xFFFFD8A0  }
0xa0: {  	v0 =	vld [tilespmem:$0x0];
	_ =	sdelay $0x1  }
0xa1: {  	v1 =	vld [tilespmem:$0x10];
	_ =	sdelay $0x1  }
0xa2: {  	v2 =	vld [tilespmem:$0x20]  }
0xa3: {  	v3 =	vshrl.u32 v0, $0xE  }
0xa4: {  	v40 =	vld [tilespmem:$0x30];
	v0 =	vand.u32 $0x3FFF, v0;
	[tilespmem:$0x2780] =	vst v3  }
0xa5: {  	v41 =	vshrl.u32 v1, $0xE;
	[tilespmem:$0x2900] =	vst v0  }
0xa6: {  	v43 =	vld [tilespmem:$0x40];
	v42 =	vand.u32 $0x3FFF, v1;
	[tilespmem:$0x2790] =	vst v41  }
0xa7: {  	v44 =	vshrl.u32 v2, $0xE;
	[tilespmem:$0x2910] =	vst v42  }
0xa8: {  	v45 =	vand.u32 $0x3FFF, v2;
	[tilespmem:$0x27A0] =	vst v44  }
0xa9: {  	v46 =	vshrl.u32 v40, $0xE;
	[tilespmem:$0x2920] =	vst v45  }
0xaa: {  	v47 =	vand.u32 $0x3FFF, v40;
	[tilespmem:$0x27B0] =	vst v46  }
0xab: {  	v48 =	vshrl.u32 v43, $0xE;
	[tilespmem:$0x2930] =	vst v47  }
0xac: {  	v49 =	vand.u32 $0x3FFF, v43;
	[tilespmem:$0x27C0] =	vst v48  }
0xad: {  	[tilespmem:$0x2940] =	vst v49  }
0xae: {  	[tilespmem:s26], [sflag:$0x2] =	stream.indirect.gather [hbm4b:s5+s30], $0x80, s31, s30, $0xb8;
	[tilespmem:$0x1DB80] =	vst v63  }
0xaf: {  	v50 =	vld [tilespmem:$0x50];
	_ =	sdelay $0x1  }
0xb0: {  	v51 =	vld [tilespmem:$0x60];
	_ =	sdelay $0x1  }
0xb1: {  	v52 =	vld [tilespmem:$0x70]  }
0xb2: {  	v53 =	vshrl.u32 v50, $0xE  }
0xb3: {  	v54 =	vld [tilespmem:$0x80];
	v0 =	vand.u32 $0x3FFF, v50;
	[tilespmem:$0x2800] =	vst v53  }
0xb4: {  	v55 =	vshrl.u32 v51, $0xE;
	[tilespmem:$0x2980] =	vst v0  }
0xb5: {  	v57 =	vld [tilespmem:$0x90];
	v56 =	vand.u32 $0x3FFF, v51;
	[tilespmem:$0x2810] =	vst v55  }
0xb6: {  	v58 =	vshrl.u32 v52, $0xE;
	[tilespmem:$0x2990] =	vst v56  }
0xb7: {  	v59 =	vand.u32 $0x3FFF, v52;
	[tilespmem:$0x2820] =	vst v58  }
0xb8: {  	v60 =	vshrl.u32 v54, $0xE;
	[tilespmem:$0x29A0] =	vst v59  }
.Ltmp2:
0xb9: {  	v61 =	vand.u32 $0x3FFF, v54;
	[tilespmem:$0x2830] =	vst v60;
	(pc) =	sbr.rel .LBB2_2-.Ltmp2, $4  }
0xba: {  	v62 =	vshrl.u32 v57, $0xE;
	[tilespmem:$0x29B0] =	vst v61  }
0xbb: {  	v63 =	vand.u32 $0x3FFF, v57;
	[tilespmem:$0x2840] =	vst v62  }
0xbc: {  	s22 =	simm.s32 $0x0;
	[tilespmem:$0x29C0] =	vst v63  }
0xbd: {  	[tilespmem:s1], [sflag:$0x3] =	stream.indirect.gather [hbm4b:s5+s30], $0x80, s0, s30, $0xb8;
	[tilespmem:$0x1DB80] =	vst v63  }
.LBB2_4:
0xbe: {  	_ =	swait.ge [sflag:s17], $0x2800  }
0xbf: {  	[sflag:s17] =	ssyncset.done $0x0  }
0xc0: {  	[sflag:s17] =	ssyncadd.s32 $0xFFFFD800  }
0xc1: {  	[spmem:s3] =	stream.indirect.scatter.add.f32 [tilespmem:s1], [sflag:$0x5], $0x80, s18, s30, $0xb8;
	[tilespmem:$0x1DB80] =	vst v63  }
0xc2: {  	_ =	swait.ge [sflag:s28], $0x2800  }
0xc3: {  	[sflag:s28] =	ssyncset.done $0x0  }
0xc4: {  	[sflag:s28] =	ssyncadd.s32 $0xFFFFD800  }
.LBB2_5:
0xc5: {  	_ =	swait.ge [sflag:s19], $0x2800;
	s22 =	sadd.s32 $0x3C0, s22  }
0xc6: {  	[sflag:s19] =	ssyncset.done $0x0;
	p1 =	sne.s32 s22, $0x9D80  }
.Ltmp3:
0xc7: {  	[sflag:s19] =	ssyncadd.s32 $0xFFFFD800;
	(pc) =	sbr.rel @!p1 .LBB2_6-.Ltmp3, $4  }
0xc8: {  	[spmem:s3] =	stream.indirect.scatter.add.f32 [tilespmem:s6], [sflag:$0x5], $0x80, s20, s30, $0xb8;
	[tilespmem:$0x1DB80] =	vst v63  }
0xc9: {  	_ =	swait.ge [sflag:s28], $0x2800  }
0xca: {  	[sflag:s28] =	ssyncset.done $0x0  }
0xcb: {  	[sflag:s28] =	ssyncadd.s32 $0xFFFFD800  }
.LBB2_2:
0xcc: {  	s24 =	sshra.s32 s22, $0x2  }
0xcd: {  	v0 =	vld [tilespmem:s24+$0xA0];
	_ =	sdelay $0x4  }
0xce: {  	v1 =	vshrl.u32 v0, $0xE  }
0xcf: {  	v0 =	vand.u32 $0x3FFF, v0;
	[tilespmem:$0x2880] =	vst v1  }
0xd0: {  	[tilespmem:$0x2A00] =	vst v0  }
0xd1: {  	v0 =	vld [tilespmem:s24+$0xB0];
	_ =	sdelay $0x4  }
0xd2: {  	v60 =	vshrl.u32 v0, $0xE  }
0xd3: {  	v0 =	vand.u32 $0x3FFF, v0;
	[tilespmem:$0x2890] =	vst v60  }
0xd4: {  	[tilespmem:$0x2A10] =	vst v0  }
0xd5: {  	v0 =	vld [tilespmem:s24+$0xC0];
	_ =	sdelay $0x4  }
0xd6: {  	v61 =	vshrl.u32 v0, $0xE  }
0xd7: {  	v0 =	vand.u32 $0x3FFF, v0;
	[tilespmem:$0x28A0] =	vst v61  }
0xd8: {  	[tilespmem:$0x2A20] =	vst v0  }
0xd9: {  	v0 =	vld [tilespmem:s24+$0xD0];
	_ =	sdelay $0x4  }
0xda: {  	v62 =	vshrl.u32 v0, $0xE  }
0xdb: {  	v0 =	vand.u32 $0x3FFF, v0;
	[tilespmem:$0x28B0] =	vst v62  }
0xdc: {  	[tilespmem:$0x2A30] =	vst v0  }
0xdd: {  	v0 =	vld [tilespmem:s24+$0xE0];
	_ =	sdelay $0x4  }
0xde: {  	v63 =	vshrl.u32 v0, $0xE  }
0xdf: {  	v0 =	vand.u32 $0x3FFF, v0;
	[tilespmem:$0x28C0] =	vst v63  }
0xe0: {  	[tilespmem:$0x2A40] =	vst v0  }
0xe1: {  	[tilespmem:s6], [sflag:$0x4] =	stream.indirect.gather [hbm4b:s5+s30], $0x80, s2, s30, $0xb8;
	[tilespmem:$0x1DB80] =	vst v63  }
0xe2: {  	_ =	swait.ge [sflag:s15], $0x2800  }
0xe3: {  	p1 =	seq.s32 s22, $0x99C0;
	[sflag:s15] =	ssyncset.done $0x0  }
.Ltmp4:
0xe4: {  	[sflag:s15] =	ssyncadd.s32 $0xFFFFD800;
	(pc) =	sbr.rel @p1 .LBB2_4-.Ltmp4, $4  }
0xe5: {  	[spmem:s3] =	stream.indirect.scatter.add.f32 [tilespmem:s26], [sflag:$0x5], $0x80, s16, s30, $0xb8;
	[tilespmem:$0x1DB80] =	vst v63  }
0xe6: {  	_ =	swait.ge [sflag:s28], $0x2800  }
0xe7: {  	[sflag:s28] =	ssyncset.done $0x0  }
0xe8: {  	[sflag:s28] =	ssyncadd.s32 $0xFFFFD800  }
0xe9: {  	v0 =	vld [tilespmem:s24+$0xF0];
	_ =	sdelay $0x4  }
0xea: {  	v1 =	vshrl.u32 v0, $0xE  }
0xeb: {  	v0 =	vand.u32 $0x3FFF, v0;
	[tilespmem:$0x2780] =	vst v1  }
0xec: {  	[tilespmem:$0x2900] =	vst v0  }
0xed: {  	v0 =	vld [tilespmem:s24+$0x100];
	_ =	sdelay $0x4  }
0xee: {  	v54 =	vshrl.u32 v0, $0xE  }
0xef: {  	v0 =	vand.u32 $0x3FFF, v0;
	[tilespmem:$0x2790] =	vst v54  }
0xf0: {  	[tilespmem:$0x2910] =	vst v0  }
0xf1: {  	v0 =	vld [tilespmem:s24+$0x110];
	_ =	sdelay $0x4  }
0xf2: {  	v55 =	vshrl.u32 v0, $0xE  }
0xf3: {  	v0 =	vand.u32 $0x3FFF, v0;
	[tilespmem:$0x27A0] =	vst v55  }
0xf4: {  	[tilespmem:$0x2920] =	vst v0  }
0xf5: {  	v0 =	vld [tilespmem:s24+$0x120];
	_ =	sdelay $0x4  }
0xf6: {  	v56 =	vshrl.u32 v0, $0xE  }
0xf7: {  	v0 =	vand.u32 $0x3FFF, v0;
	[tilespmem:$0x27B0] =	vst v56  }
0xf8: {  	[tilespmem:$0x2930] =	vst v0  }
0xf9: {  	v0 =	vld [tilespmem:s24+$0x130];
	_ =	sdelay $0x4  }
0xfa: {  	v57 =	vshrl.u32 v0, $0xE  }
0xfb: {  	v0 =	vand.u32 $0x3FFF, v0;
	[tilespmem:$0x27C0] =	vst v57  }
0xfc: {  	[tilespmem:$0x2940] =	vst v0  }
0xfd: {  	[tilespmem:s26], [sflag:$0x2] =	stream.indirect.gather [hbm4b:s5+s30], $0x80, s31, s30, $0xb8;
	[tilespmem:$0x1DB80] =	vst v63  }
0xfe: {  	_ =	swait.ge [sflag:s17], $0x2800  }
0xff: {  	[sflag:s17] =	ssyncset.done $0x0  }
0x100: {  	[sflag:s17] =	ssyncadd.s32 $0xFFFFD800  }
0x101: {  	[spmem:s3] =	stream.indirect.scatter.add.f32 [tilespmem:s1], [sflag:$0x5], $0x80, s18, s30, $0xb8;
	[tilespmem:$0x1DB80] =	vst v63  }
0x102: {  	_ =	swait.ge [sflag:s28], $0x2800  }
0x103: {  	[sflag:s28] =	ssyncset.done $0x0  }
0x104: {  	[sflag:s28] =	ssyncadd.s32 $0xFFFFD800  }
0x105: {  	v58 =	vld [tilespmem:s24+$0x140];
	_ =	sdelay $0x4  }
0x106: {  	v59 =	vshrl.u32 v58, $0xE  }
0x107: {  	v0 =	vand.u32 $0x3FFF, v58;
	[tilespmem:$0x2800] =	vst v59  }
0x108: {  	[tilespmem:$0x2980] =	vst v0  }
0x109: {  	v0 =	vld [tilespmem:s24+$0x150];
	_ =	sdelay $0x4  }
0x10a: {  	v60 =	vshrl.u32 v0, $0xE  }
0x10b: {  	v0 =	vand.u32 $0x3FFF, v0;
	[tilespmem:$0x2810] =	vst v60  }
0x10c: {  	[tilespmem:$0x2990] =	vst v0  }
0x10d: {  	v0 =	vld [tilespmem:s24+$0x160];
	_ =	sdelay $0x4  }
0x10e: {  	v61 =	vshrl.u32 v0, $0xE  }
0x10f: {  	v0 =	vand.u32 $0x3FFF, v0;
	[tilespmem:$0x2820] =	vst v61  }
0x110: {  	[tilespmem:$0x29A0] =	vst v0  }
0x111: {  	v0 =	vld [tilespmem:s24+$0x170];
	_ =	sdelay $0x4  }
0x112: {  	v62 =	vshrl.u32 v0, $0xE  }
0x113: {  	v0 =	vand.u32 $0x3FFF, v0;
	[tilespmem:$0x2830] =	vst v62  }
0x114: {  	[tilespmem:$0x29B0] =	vst v0  }
0x115: {  	v0 =	vld [tilespmem:s24+$0x180];
	_ =	sdelay $0x3  }
.Ltmp5:
0x116: {  	_ = 	snop;
	(pc) =	sbr.rel .LBB2_5-.Ltmp5, $4  }
0x117: {  	v63 =	vshrl.u32 v0, $0xE  }
0x118: {  	v0 =	vand.u32 $0x3FFF, v0;
	[tilespmem:$0x2840] =	vst v63  }
0x119: {  	[tilespmem:$0x29C0] =	vst v0  }
0x11a: {  	[tilespmem:s1], [sflag:$0x3] =	stream.indirect.gather [hbm4b:s5+s30], $0x80, s0, s30, $0xb8;
	[tilespmem:$0x1DB80] =	vst v63  }
.LBB2_7:
0x11b: {  	_ =	sfence.sel $0x180000  }
0x11c: {  	[bflag:$0x0] =	sbarrier.arrive $0xFFFF  }
0x11d: {  	_ =	strace $0x9000004A  }
0x11e: {  	s0 =	stileid.u32;
	[bflag:$0x2] =	sbarrier.arrive $0xFFFF  }
0x11f: {  	p0 =	sne.s32 s0, $0x0;
	s0 =	rddreg [dreg:$0x3]  }
0x120: {  	s0 =	sadd.s32 @!p0 $0x100000, s0  }
0x121: {  	[sflag:s0] =	ssyncadd.tile.s32 @!p0 $0x1;
	_ =	shalt  }
.Lfunc_end2:
_tile_overlayer_lowered:
.L_overlay_start_2:
0x122: {  	(tag) =	ssettag $0x2  }
0x123: {  	s0 =	rddreg [dreg:$0x0];
	s2 =	stileid.u32  }
0x124: {  	s1 =	rddreg [dreg:$0x1];
	p0 =	sne.s32 s2, $0x0  }
0x125: {  	s3 =	rddreg [dreg:$0x2];
	[bflag:$0x3] =	sbarrier.arrive $0xFFFF;
	s2 =	simm.s32 @!p0 $0x1C05  }
0x126: {  	[timem:s3], [sflag:s2] =	dma.local @!p0 [hbm:s0], s1  }
0x127: {  	s0 =	simm.s32 @!p0 $0x5  }
0x128: {  	_ =	swait.ge @!p0 [sflag:s0], s1  }
0x129: {  	s1 =	ssub.s32 @!p0 $0x0, s1;
	[sflag:s0] =	ssyncset.done @!p0 $0x0  }
0x12a: {  	[sflag:s0] =	ssyncadd.s32 @!p0 s1  }
0x12b: {  	[bflag:$0x3] =	sbarrier.arrive $0xFFFF  }
0x12c: {  	_ =	shalt  }

</sc_bundles>
